<compile_context>
chip_gen: v7x
topology: tpu7x:2x2x1
jax: 0.10.2.dev20260603
libtpu: 0.0.44.dev20260713+nightly
codegen_flags: <defaults>
</compile_context>

<pallas_src>
import dataclasses
import functools

import jax
import jax.numpy as jnp
from jax import lax
from jax.experimental import pallas as pl
from jax.experimental.pallas import tpu as pltpu
from jax.experimental.pallas import tpu_sc as plsc

_N = 10000
_E = 160000
_D = 256
_H = 128
_NPAD = 10240
_EPAD = 163840
_NC = 2
_NS = 16
_NW = _NC * _NS
_CHUNK = 128
_VEC = 16
_BLK = 1024
_EROWS = _EPAD // _CHUNK
_CPS = _EPAD // _NS // _CHUNK
_CPW = _EPAD // _NW // _CHUNK


def _mesh():
    return plsc.VectorSubcoreMesh(core_axis_name="c", subcore_axis_name="s")


def _sc_params():
    cp = pltpu.CompilerParams()
    if "needs_layout_passes" in pltpu.CompilerParams.__dataclass_fields__:
        cp = dataclasses.replace(cp, needs_layout_passes=False)
    return cp


@functools.cache
def _deg_kernel():
    @functools.partial(
        pl.kernel,
        out_type=(jax.ShapeDtypeStruct((_NW, _NPAD), jnp.float32),
                  jax.ShapeDtypeStruct((_NW, _NPAD), jnp.float32)),
        mesh=_mesh(),
        compiler_params=_sc_params(),
        scratch_types=[
            pltpu.VMEM((_NPAD,), jnp.float32),
            pltpu.VMEM((_NPAD,), jnp.float32),
            pltpu.VMEM((_CPW, _CHUNK), jnp.int32),
            pltpu.VMEM((_CPW, _CHUNK), jnp.int32),
        ],
    )
    def deg(src_hbm, dst_hbm, osrc_hbm, odst_hbm, hs, hd, bs, bd):
        wid = lax.axis_index("s") * _NC + lax.axis_index("c")
        zeros = jnp.zeros((_VEC,), jnp.float32)
        ones = jnp.ones((_VEC,), jnp.float32)

        @pl.loop(0, _NPAD, step=_VEC)
        def _(i):
            hs[pl.ds(i, _VEC)] = zeros
            hd[pl.ds(i, _VEC)] = zeros

        row0 = wid * _CPW
        pltpu.sync_copy(src_hbm.at[pl.ds(row0, _CPW)], bs)
        pltpu.sync_copy(dst_hbm.at[pl.ds(row0, _CPW)], bd)

        @pl.loop(0, _CPW)
        def _(j):
            @pl.loop(0, _CHUNK, step=_VEC)
            def _(k):
                plsc.addupdate_scatter(hs, [bs[j, pl.ds(k, _VEC)]], ones)
                plsc.addupdate_scatter(hd, [bd[j, pl.ds(k, _VEC)]], ones)

        pltpu.sync_copy(hs, osrc_hbm.at[wid])
        pltpu.sync_copy(hd, odst_hbm.at[wid])

    return deg


@functools.cache
def _conv_kernel():
    rows_per_sub = _NPAD // _NS

    @functools.partial(
        pl.kernel,
        out_type=(jax.ShapeDtypeStruct((_NPAD, _H), jnp.float32),
                  jax.ShapeDtypeStruct((_NPAD, _H), jnp.float32)),
        mesh=_mesh(),
        compiler_params=_sc_params(),
        scratch_types=[
            pltpu.VMEM_SHARED((_NPAD, _H), jnp.float32),
            pltpu.VMEM((_CPS // 2, _CHUNK), jnp.int32),
            pltpu.VMEM((_CPS // 2, _CHUNK), jnp.int32),
            pltpu.VMEM((_CHUNK, _H), jnp.float32),
            pltpu.VMEM((_CHUNK, _H), jnp.float32),
            pltpu.SemaphoreType.DMA,
            pltpu.SemaphoreType.DMA,
            pltpu.SemaphoreType.DMA,
            pltpu.SemaphoreType.DMA,
        ],
    )
    def conv(tlo_hbm, thi_hbm, src_hbm, dst_hbm, olo_hbm, ohi_hbm,
             acc, sidx, didx, rows_a, rows_b, sem_a, sem_b, sem_sa, sem_sb):
        c = lax.axis_index("c")
        s = lax.axis_index("s")
        zeros = jnp.zeros((_VEC,), jnp.float32)

        @pl.loop(0, _CHUNK)
        def _(i):
            @pl.loop(0, _H, step=_VEC)
            def _(k):
                rows_a[i, pl.ds(k, _VEC)] = zeros

        @pl.loop(0, rows_per_sub, step=_CHUNK)
        def _(r):
            pltpu.sync_copy(rows_a, acc.at[pl.ds(s * rows_per_sub + r, _CHUNK)])

        plsc.subcore_barrier()

        half = _CPS // 2

        def run(tbl):
            def run_pass(p):
                row0 = s * _CPS + p * half
                pltpu.sync_copy(src_hbm.at[pl.ds(row0, half)], sidx)
                pltpu.sync_copy(dst_hbm.at[pl.ds(row0, half)], didx)

                def wait_gather(rows, sem):
                    pltpu.make_async_copy(tbl.at[pl.ds(0, _CHUNK)], rows,
                                          sem).wait()

                pltpu.async_copy(tbl.at[sidx.at[0]], rows_a, sem_a)
                pltpu.async_copy(tbl.at[sidx.at[1]], rows_b, sem_b)

                @pl.loop(0, half - 2, step=2)
                def _(j):
                    wait_gather(rows_a, sem_a)
                    sca = pltpu.async_copy(rows_a, acc.at[didx.at[j]], sem_sa,
                                           add=True)
                    wait_gather(rows_b, sem_b)
                    scb = pltpu.async_copy(rows_b, acc.at[didx.at[j + 1]],
                                           sem_sb, add=True)
                    sca.wait()
                    pltpu.async_copy(tbl.at[sidx.at[j + 2]], rows_a, sem_a)
                    scb.wait()
                    pltpu.async_copy(tbl.at[sidx.at[j + 3]], rows_b, sem_b)

                wait_gather(rows_a, sem_a)
                pltpu.sync_copy(rows_a, acc.at[didx.at[half - 2]], add=True)
                wait_gather(rows_b, sem_b)
                pltpu.sync_copy(rows_b, acc.at[didx.at[half - 1]], add=True)

            run_pass(0)
            run_pass(1)

        @pl.when(c == 0)
        def _():
            run(tlo_hbm)

        @pl.when(c == 1)
        def _():
            run(thi_hbm)

        plsc.subcore_barrier()

        out_slice = pl.ds(s * rows_per_sub, rows_per_sub)

        @pl.when(c == 0)
        def _():
            pltpu.sync_copy(acc.at[out_slice], olo_hbm.at[out_slice])

        @pl.when(c == 1)
        def _():
            pltpu.sync_copy(acc.at[out_slice], ohi_hbm.at[out_slice])

    return conv


@functools.cache
def _edge_kernel():
    @functools.partial(
        pl.kernel,
        out_type=jax.ShapeDtypeStruct((_EROWS, _CHUNK), jnp.float32),
        mesh=_mesh(),
        compiler_params=_sc_params(),
        scratch_types=[
            pltpu.VMEM((_NPAD,), jnp.float32),
            pltpu.VMEM((_NPAD,), jnp.float32),
            pltpu.VMEM((_CPW, _CHUNK), jnp.int32),
            pltpu.VMEM((_CPW, _CHUNK), jnp.int32),
            pltpu.VMEM((_CPW, _CHUNK), jnp.float32),
        ],
    )
    def edge(p_hbm, q_hbm, src_hbm, dst_hbm, o_hbm, pv, qv, bs, bd, ov):
        wid = lax.axis_index("s") * _NC + lax.axis_index("c")
        pltpu.sync_copy(p_hbm, pv)
        pltpu.sync_copy(q_hbm, qv)
        row0 = wid * _CPW
        pltpu.sync_copy(src_hbm.at[pl.ds(row0, _CPW)], bs)
        pltpu.sync_copy(dst_hbm.at[pl.ds(row0, _CPW)], bd)

        @pl.loop(0, _CPW)
        def _(j):
            @pl.loop(0, _CHUNK, step=_VEC)
            def _(k):
                z = (plsc.load_gather(pv, [bs[j, pl.ds(k, _VEC)]])
                     + plsc.load_gather(qv, [bd[j, pl.ds(k, _VEC)]]))
                ov[j, pl.ds(k, _VEC)] = 20.0 / (1.0 + jnp.exp(-z)) - 1.0

        pltpu.sync_copy(ov, o_hbm.at[pl.ds(row0, _CPW)])

    return edge


def _stage_norms(fpad, hsrc, hdst):
    def body(f_ref, hs_ref, hd_ref, tlo_ref, thi_ref, ns_ref, nd_ref):
        od = jnp.sum(hs_ref[...], axis=0)
        idg = jnp.sum(hd_ref[...], axis=0)
        ns = jnp.where(od > 0, od, 1.0) ** -0.5
        nd = jnp.where(idg > 0, idg, 1.0) ** -0.5
        t = f_ref[...] * ns[:, None]
        tlo_ref[...] = t[:, :_H]
        thi_ref[...] = t[:, _H:]
        ns_ref[...] = ns[:, None]
        nd_ref[...] = nd[:, None]

    grid = _NPAD // _BLK
    return pl.pallas_call(
        body,
        grid=(grid,),
        in_specs=[
            pl.BlockSpec((_BLK, _D), lambda i: (i, 0)),
            pl.BlockSpec((_NW, _BLK), lambda i: (0, i)),
            pl.BlockSpec((_NW, _BLK), lambda i: (0, i)),
        ],
        out_specs=[
            pl.BlockSpec((_BLK, _H), lambda i: (i, 0)),
            pl.BlockSpec((_BLK, _H), lambda i: (i, 0)),
            pl.BlockSpec((_BLK, 1), lambda i: (i, 0)),
            pl.BlockSpec((_BLK, 1), lambda i: (i, 0)),
        ],
        out_shape=[
            jax.ShapeDtypeStruct((_NPAD, _H), jnp.float32),
            jax.ShapeDtypeStruct((_NPAD, _H), jnp.float32),
            jax.ShapeDtypeStruct((_NPAD, 1), jnp.float32),
            jax.ShapeDtypeStruct((_NPAD, 1), jnp.float32),
        ],
    )(fpad, hsrc, hdst)


def _stage_mid(alo, ahi, ns, nd, W, b8):
    def body(alo_ref, ahi_ref, ns_ref, nd_ref, w_ref, b_ref, olo_ref, ohi_ref):
        ndv = nd_ref[...]
        xlo = alo_ref[...] * ndv
        xhi = ahi_ref[...] * ndv
        y = (jnp.dot(xlo, w_ref[:_H, :], preferred_element_type=jnp.float32,
                     precision=lax.Precision.HIGHEST)
             + jnp.dot(xhi, w_ref[_H:, :], preferred_element_type=jnp.float32,
                       precision=lax.Precision.HIGHEST))
        h = jnp.maximum(y + b_ref[0:1, :], 0.0)
        t = h * ns_ref[...]
        olo_ref[...] = t[:, :_H]
        ohi_ref[...] = t[:, _H:]

    grid = _NPAD // _BLK
    return pl.pallas_call(
        body,
        grid=(grid,),
        in_specs=[
            pl.BlockSpec((_BLK, _H), lambda i: (i, 0)),
            pl.BlockSpec((_BLK, _H), lambda i: (i, 0)),
            pl.BlockSpec((_BLK, 1), lambda i: (i, 0)),
            pl.BlockSpec((_BLK, 1), lambda i: (i, 0)),
            pl.BlockSpec((_D, _D), lambda i: (0, 0)),
            pl.BlockSpec((8, _D), lambda i: (0, 0)),
        ],
        out_specs=[
            pl.BlockSpec((_BLK, _H), lambda i: (i, 0)),
            pl.BlockSpec((_BLK, _H), lambda i: (i, 0)),
        ],
        out_shape=[
            jax.ShapeDtypeStruct((_NPAD, _H), jnp.float32),
            jax.ShapeDtypeStruct((_NPAD, _H), jnp.float32),
        ],
    )(alo, ahi, ns, nd, W, b8)


def _stage_out(alo, ahi, nd, W, b8, wpq, bout8):
    def body(alo_ref, ahi_ref, nd_ref, w_ref, b_ref, wpq_ref, bo_ref,
             op_ref, oq_ref):
        ndv = nd_ref[...]
        xlo = alo_ref[...] * ndv
        xhi = ahi_ref[...] * ndv
        y = (jnp.dot(xlo, w_ref[:_H, :], preferred_element_type=jnp.float32,
                     precision=lax.Precision.HIGHEST)
             + jnp.dot(xhi, w_ref[_H:, :], preferred_element_type=jnp.float32,
                       precision=lax.Precision.HIGHEST))
        h = jnp.maximum(y + b_ref[0:1, :], 0.0)
        pq = jnp.dot(h, wpq_ref[...], preferred_element_type=jnp.float32,
                     precision=lax.Precision.HIGHEST)
        op_ref[...] = pq[:, 0:1] + bo_ref[0:1, 0:1]
        oq_ref[...] = pq[:, 1:2]

    grid = _NPAD // _BLK
    return pl.pallas_call(
        body,
        grid=(grid,),
        in_specs=[
            pl.BlockSpec((_BLK, _H), lambda i: (i, 0)),
            pl.BlockSpec((_BLK, _H), lambda i: (i, 0)),
            pl.BlockSpec((_BLK, 1), lambda i: (i, 0)),
            pl.BlockSpec((_D, _D), lambda i: (0, 0)),
            pl.BlockSpec((8, _D), lambda i: (0, 0)),
            pl.BlockSpec((_D, 2), lambda i: (0, 0)),
            pl.BlockSpec((8, 128), lambda i: (0, 0)),
        ],
        out_specs=[
            pl.BlockSpec((_BLK, 1), lambda i: (i, 0)),
            pl.BlockSpec((_BLK, 1), lambda i: (i, 0)),
        ],
        out_shape=[
            jax.ShapeDtypeStruct((_NPAD, 1), jnp.float32),
            jax.ShapeDtypeStruct((_NPAD, 1), jnp.float32),
        ],
    )(alo, ahi, nd, W, b8, wpq, bout8)


def kernel(features, edge_index, W1, b1, W2, b2, W_out, b_out):
    src = edge_index[0]
    dst = edge_index[1]
    pad = jnp.full((_EPAD - _E,), _N, dtype=jnp.int32)
    srcp = jnp.concatenate([src, pad]).reshape(_EROWS, _CHUNK)
    dstp = jnp.concatenate([dst, pad]).reshape(_EROWS, _CHUNK)
    fpad = jnp.pad(features, ((0, _NPAD - _N), (0, 0)))

    b1_8 = jnp.broadcast_to(b1[None, :], (8, _D))
    b2_8 = jnp.broadcast_to(b2[None, :], (8, _D))
    wpq = jnp.concatenate([W_out[:_D], W_out[_D:]], axis=1)
    bout8 = jnp.broadcast_to(b_out.reshape(1, 1), (8, 128))

    hsrc, hdst = _deg_kernel()(srcp, dstp)
    t1lo, t1hi, ns, nd = _stage_norms(fpad, hsrc, hdst)
    a1lo, a1hi = _conv_kernel()(t1lo, t1hi, srcp, dstp)
    t2lo, t2hi = _stage_mid(a1lo, a1hi, ns, nd, W1, b1_8)
    a2lo, a2hi = _conv_kernel()(t2lo, t2hi, srcp, dstp)
    p, q = _stage_out(a2lo, a2hi, nd, W2, b2_8, wpq, bout8)

    out = _edge_kernel()(p.reshape(_NPAD), q.reshape(_NPAD), srcp, dstp)
    return out.reshape(_EPAD)[:_E, None]

# --- scband reference (transcript-rebuilt; emitter-appended) ---
"""Pipeline reference for scband-gcn-23819888624316 (READ-ONLY COPY).

The authoritative reference and input builder live on the scoring server;
editing this copy changes nothing except your own understanding.
"""

import jax, jax.numpy as jnp
import numpy as np

N = 10000
E = 160000
D_IN = 256
D_HID = 256


def setup_inputs(seed: int = 0) -> dict:
    key = jax.random.key(seed)
    ks = jax.random.split(key, 10)
    features = jax.random.normal(ks[0], (N, D_IN), dtype=jnp.float32)
    edge_index = jax.random.randint(ks[1], (2, E), 0, N, dtype=jnp.int32)
    s1 = 1.0 / np.sqrt(D_IN)
    s2 = 1.0 / np.sqrt(D_HID)
    s3 = 1.0 / np.sqrt(2 * D_HID)
    W1 = jax.random.normal(ks[2], (D_IN, D_HID), dtype=jnp.float32) * s1
    b1 = jnp.zeros((D_HID,), dtype=jnp.float32)
    W2 = jax.random.normal(ks[3], (D_HID, D_HID), dtype=jnp.float32) * s2
    b2 = jnp.zeros((D_HID,), dtype=jnp.float32)
    W_out = jax.random.normal(ks[4], (2 * D_HID, 1), dtype=jnp.float32) * s3
    b_out = jnp.zeros((1,), dtype=jnp.float32)
    return {"features": features, "edge_index": edge_index, "W1": W1, "b1": b1,
            "W2": W2, "b2": b2, "W_out": W_out, "b_out": b_out}


def _graph_conv(h, src, dst, W, b):
    # DGL GraphConv with norm='both': D^{-1/2} A D^{-1/2} X W + b, then activation
    ones = jnp.ones((src.shape[0],), dtype=h.dtype)
    out_deg = jax.ops.segment_sum(ones, src, num_segments=N)
    in_deg = jax.ops.segment_sum(ones, dst, num_segments=N)
    norm_src = jnp.where(out_deg > 0, out_deg, 1.0) ** -0.5
    norm_dst = jnp.where(in_deg > 0, in_deg, 1.0) ** -0.5
    m = (h * norm_src[:, None])[src]              # gather per-edge messages
    agg = jax.ops.segment_sum(m, dst, num_segments=N)  # scatter-add to dst nodes
    agg = agg * norm_dst[:, None]
    return jax.nn.relu(agg @ W + b)


def reference(features, edge_index, W1, b1, W2, b2, W_out, b_out):
    src = edge_index[0]
    dst = edge_index[1]
    h = _graph_conv(features, src, dst, W1, b1)
    # dropout is identity in eval mode
    h = _graph_conv(h, src, dst, W2, b2)
    srcfeatures = h[src]
    destfeatures = h[dst]
    edgefeatures = jnp.concatenate((srcfeatures, destfeatures), axis=1)
    outputs = edgefeatures @ W_out + b_out
    outputs = 20.0 * jax.nn.sigmoid(outputs) - 1.0
    return outputs

if __name__ == "__main__":
    import jax
    _d = setup_inputs()
    print(jax.jit(kernel)(*tuple(_d.values())))

</pallas_src>

<mosaic_0001>
#map = affine_map<(d0, d1) -> (0, 0)>
module attributes {stable_mosaic.version = 14 : i64} {
  func.func @conv(%arg0: i32, %arg1: i32, %arg2: memref<10240x128xf32, #tpu.memory_space<hbm>>, %arg3: memref<10240x128xf32, #tpu.memory_space<hbm>>, %arg4: memref<1280x128xi32, #tpu.memory_space<hbm>>, %arg5: memref<1280x128xi32, #tpu.memory_space<hbm>>, %arg6: memref<10240x128xf32, #tpu.memory_space<hbm>>, %arg7: memref<10240x128xf32, #tpu.memory_space<hbm>>, %arg8: memref<10240x128xf32, #tpu.memory_space<vmem_shared>>, %arg9: memref<40x128xi32, #tpu.memory_space<vmem>>, %arg10: memref<40x128xi32, #tpu.memory_space<vmem>>, %arg11: memref<128x128xf32, #tpu.memory_space<vmem>>, %arg12: memref<128x128xf32, #tpu.memory_space<vmem>>, %arg13: memref<!tpu.dma_semaphore, #tpu.memory_space<semaphore_mem>>, %arg14: memref<!tpu.dma_semaphore, #tpu.memory_space<semaphore_mem>>, %arg15: memref<!tpu.dma_semaphore, #tpu.memory_space<semaphore_mem>>, %arg16: memref<!tpu.dma_semaphore, #tpu.memory_space<semaphore_mem>>) attributes {dimension_semantics = [#tpu.dimension_semantics<core_parallel>, #tpu.dimension_semantics<subcore_parallel>], iteration_bounds = array<i64: 2, 16>, scalar_prefetch = 0 : i64, scratch_operands = 9 : i64, tpu.core_type = #tpu.core_type<sc_vector_subcore>, window_params = [{transform_indices = #map}, {transform_indices = #map}, {transform_indices = #map}, {transform_indices = #map}, {transform_indices = #map}, {transform_indices = #map}]} {
    %broadcast_in_dim3A = arith.constant 0.000000e+00 : f32
    %broadcast_in_dim3A_0 = vector.broadcast %broadcast_in_dim3A : f32 to vector<16xf32>
    %scan3A = arith.constant 0 : i32
    %scan3A_1 = arith.constant 128 : i32
    %scan3A_2 = arith.addi %scan3A, %scan3A_1 : i32
    %scan3A_3 = arith.constant 1 : i32
    scf.for %scan3A_29 = %scan3A to %scan3A_2 step %scan3A_3  : i32 {
      %mul3A_30 = arith.constant 1 : i32
      %mul3A_31 = arith.muli %scan3A_29, %mul3A_30 : i32
      %add3A = arith.constant 0 : i32
      %add3A_32 = arith.addi %add3A, %mul3A_31 : i32
      %scan3A_33 = arith.constant 0 : i32
      %scan3A_34 = arith.constant 8 : i32
      %scan3A_35 = arith.addi %scan3A_33, %scan3A_34 : i32
      %scan3A_36 = arith.constant 1 : i32
      scf.for %scan3A_38 = %scan3A_33 to %scan3A_35 step %scan3A_36  : i32 {
        %mul3A_39 = arith.constant 16 : i32
        %mul3A_40 = arith.muli %scan3A_38, %mul3A_39 : i32
        %add3A_41 = arith.constant 0 : i32
        %add3A_42 = arith.addi %add3A_41, %mul3A_40 : i32
        %swap3A = arith.index_cast %add3A_32 : i32 to index
        %swap3A_43 = arith.index_cast %add3A_42 : i32 to index
        %swap3A_44 = tpu.vector_load %arg11[%swap3A, %swap3A_43] {strides = array<i32>} : memref<128x128xf32, #tpu.memory_space<vmem>>, vector<16xf32>,
        tpu.vector_store %arg11[%swap3A, %swap3A_43], %broadcast_in_dim3A_0 {strides = array<i32>} : memref<128x128xf32, #tpu.memory_space<vmem>>, vector<16xf32>,
      }
      %scan3A_37 = arith.constant 8 : i32
    }
    %scan3A_4 = arith.constant 128 : i32
    %scan3A_5 = arith.constant 0 : i32
    %scan3A_6 = arith.constant 5 : i32
    %scan3A_7 = arith.addi %scan3A_5, %scan3A_6 : i32
    %scan3A_8 = arith.constant 1 : i32
    scf.for %scan3A_29 = %scan3A_5 to %scan3A_7 step %scan3A_8  : i32 {
      %mul3A_30 = arith.constant 128 : i32
      %mul3A_31 = arith.muli %scan3A_29, %mul3A_30 : i32
      %add3A = arith.constant 0 : i32
      %add3A_32 = arith.addi %add3A, %mul3A_31 : i32
      %mul3A_33 = arith.constant 640 : i32
      %mul3A_34 = arith.muli %arg1, %mul3A_33 : i32
      %add3A_35 = arith.addi %mul3A_34, %add3A_32 : i32
      "tpu.region"() ({
        %run_scoped3A = tpu.sem_alloc : memref<!tpu.dma_semaphore, #tpu.memory_space<semaphore_mem>>
        %dma_start3A = arith.constant 0 : i32
        %dma_start3A_36 = tpu.memref_slice %arg8[%add3A_35, %dma_start3A] : memref<10240x128xf32, #tpu.memory_space<vmem_shared>> -> memref<128x128xf32, #tpu.memory_space<vmem_shared>>
        %dma_start3A_37 = arith.constant 0 : i32
        %dma_start3A_38 = tpu.memref_slice %arg8[%add3A_35, %dma_start3A_37] : memref<10240x128xf32, #tpu.memory_space<vmem_shared>> -> memref<128x128xf32, #tpu.memory_space<vmem_shared>>
        tpu.enqueue_dma source(%arg11 : memref<128x128xf32, #tpu.memory_space<vmem>>) target(%dma_start3A_38 : memref<128x128xf32, #tpu.memory_space<vmem_shared>>) target_semaphore(%run_scoped3A : memref<!tpu.dma_semaphore, #tpu.memory_space<semaphore_mem>>)
        %dma_wait3A = arith.constant 0 : i32
        %dma_wait3A_39 = tpu.memref_slice %arg8[%add3A_35, %dma_wait3A] : memref<10240x128xf32, #tpu.memory_space<vmem_shared>> -> memref<128x128xf32, #tpu.memory_space<vmem_shared>>
        %dma_wait3A_40 = arith.constant 0 : i32
        %dma_wait3A_41 = tpu.memref_slice %arg8[%add3A_35, %dma_wait3A_40] : memref<10240x128xf32, #tpu.memory_space<vmem_shared>> -> memref<128x128xf32, #tpu.memory_space<vmem_shared>>
        tpu.wait_dma2 semaphore(%run_scoped3A : memref<!tpu.dma_semaphore, #tpu.memory_space<semaphore_mem>>) src(%arg11 : memref<128x128xf32, #tpu.memory_space<vmem>>) dst(%dma_wait3A_41 : memref<128x128xf32, #tpu.memory_space<vmem_shared>>)
        tpu.yield
      }) : () -> ()
    }
    %scan3A_9 = arith.constant 5 : i32
    %barrier3A = arith.constant 0 : index
    tpu.barrier barrier_id(%barrier3A)
    %eq3A = arith.constant 0 : i32
    %eq3A_10 = arith.cmpi eq, %arg0, %eq3A : i32
    %convert_element_type3A = arith.extui %eq3A_10 : i1 to i32
    %cond3A = arith.constant 0 : i32
    %cond3A_11 = arith.cmpi ne, %convert_element_type3A, %cond3A : i32
    scf.if %cond3A_11 {
      %mul3A_29 = arith.constant 80 : i32
      %mul3A_30 = arith.muli %arg1, %mul3A_29 : i32
      %add3A = arith.constant 0 : i32
      %add3A_31 = arith.addi %mul3A_30, %add3A : i32
      "tpu.region"() ({
        %run_scoped3A_99 = tpu.sem_alloc : memref<!tpu.dma_semaphore, #tpu.memory_space<semaphore_mem>>
        %dma_start3A_100 = arith.constant 0 : i32
        %dma_start3A_101 = tpu.memref_slice %arg4[%add3A_31, %dma_start3A_100] : memref<1280x128xi32, #tpu.memory_space<hbm>> -> memref<40x128xi32, #tpu.memory_space<hbm>>
        %dma_start3A_102 = arith.constant 0 : i32
        %dma_start3A_103 = tpu.memref_slice %arg4[%add3A_31, %dma_start3A_102] : memref<1280x128xi32, #tpu.memory_space<hbm>> -> memref<40x128xi32, #tpu.memory_space<hbm>>
        tpu.enqueue_dma source(%dma_start3A_103 : memref<40x128xi32, #tpu.memory_space<hbm>>) target(%arg9 : memref<40x128xi32, #tpu.memory_space<vmem>>) target_semaphore(%run_scoped3A_99 : memref<!tpu.dma_semaphore, #tpu.memory_space<semaphore_mem>>)
        %dma_wait3A_104 = arith.constant 0 : i32
        %dma_wait3A_105 = tpu.memref_slice %arg4[%add3A_31, %dma_wait3A_104] : memref<1280x128xi32, #tpu.memory_space<hbm>> -> memref<40x128xi32, #tpu.memory_space<hbm>>
        %dma_wait3A_106 = arith.constant 0 : i32
        %dma_wait3A_107 = tpu.memref_slice %arg4[%add3A_31, %dma_wait3A_106] : memref<1280x128xi32, #tpu.memory_space<hbm>> -> memref<40x128xi32, #tpu.memory_space<hbm>>
        tpu.wait_dma2 semaphore(%run_scoped3A_99 : memref<!tpu.dma_semaphore, #tpu.memory_space<semaphore_mem>>) src(%dma_wait3A_107 : memref<40x128xi32, #tpu.memory_space<hbm>>) dst(%arg9 : memref<40x128xi32, #tpu.memory_space<vmem>>)
        tpu.yield
      }) : () -> ()
      "tpu.region"() ({
        %run_scoped3A_99 = tpu.sem_alloc : memref<!tpu.dma_semaphore, #tpu.memory_space<semaphore_mem>>
        %dma_start3A_100 = arith.constant 0 : i32
        %dma_start3A_101 = tpu.memref_slice %arg5[%add3A_31, %dma_start3A_100] : memref<1280x128xi32, #tpu.memory_space<hbm>> -> memref<40x128xi32, #tpu.memory_space<hbm>>
        %dma_start3A_102 = arith.constant 0 : i32
        %dma_start3A_103 = tpu.memref_slice %arg5[%add3A_31, %dma_start3A_102] : memref<1280x128xi32, #tpu.memory_space<hbm>> -> memref<40x128xi32, #tpu.memory_space<hbm>>
        tpu.enqueue_dma source(%dma_start3A_103 : memref<40x128xi32, #tpu.memory_space<hbm>>) target(%arg10 : memref<40x128xi32, #tpu.memory_space<vmem>>) target_semaphore(%run_scoped3A_99 : memref<!tpu.dma_semaphore, #tpu.memory_space<semaphore_mem>>)
        %dma_wait3A_104 = arith.constant 0 : i32
        %dma_wait3A_105 = tpu.memref_slice %arg5[%add3A_31, %dma_wait3A_104] : memref<1280x128xi32, #tpu.memory_space<hbm>> -> memref<40x128xi32, #tpu.memory_space<hbm>>
        %dma_wait3A_106 = arith.constant 0 : i32
        %dma_wait3A_107 = tpu.memref_slice %arg5[%add3A_31, %dma_wait3A_106] : memref<1280x128xi32, #tpu.memory_space<hbm>> -> memref<40x128xi32, #tpu.memory_space<hbm>>
        tpu.wait_dma2 semaphore(%run_scoped3A_99 : memref<!tpu.dma_semaphore, #tpu.memory_space<semaphore_mem>>) src(%dma_wait3A_107 : memref<40x128xi32, #tpu.memory_space<hbm>>) dst(%arg10 : memref<40x128xi32, #tpu.memory_space<vmem>>)
        tpu.yield
      }) : () -> ()
      %dma_start3A = arith.constant 0 : i32
      %dma_start3A_32 = arith.constant 0 : i32
      %dma_start3A_33 = tpu.memref_slice %arg9[%dma_start3A, %dma_start3A_32] : memref<40x128xi32, #tpu.memory_space<vmem>> -> memref<1x128xi32, #tpu.memory_space<vmem>>
      %dma_start3A_34 = tpu.memref_squeeze %dma_start3A_33 : memref<1x128xi32, #tpu.memory_space<vmem>> -> memref<128xi32, #tpu.memory_space<vmem>>
      %dma_start3A_35 = arith.constant 0 : i32
      %dma_start3A_36 = arith.constant 0 : i32
      %dma_start3A_37 = tpu.memref_slice %arg2[%dma_start3A_35, %dma_start3A_36] : memref<10240x128xf32, #tpu.memory_space<hbm>> -> memref<10240x128xf32, #tpu.memory_space<hbm>>
      tpu.enqueue_indirect_dma source(%dma_start3A_37 : memref<10240x128xf32, #tpu.memory_space<hbm>>) target(%arg11 : memref<128x128xf32, #tpu.memory_space<vmem>>) offsets(%dma_start3A_34 : memref<128xi32, #tpu.memory_space<vmem>>) semaphore(%arg13 : memref<!tpu.dma_semaphore, #tpu.memory_space<semaphore_mem>>)
      %dma_start3A_38 = arith.constant 1 : i32
      %dma_start3A_39 = arith.constant 0 : i32
      %dma_start3A_40 = tpu.memref_slice %arg9[%dma_start3A_38, %dma_start3A_39] : memref<40x128xi32, #tpu.memory_space<vmem>> -> memref<1x128xi32, #tpu.memory_space<vmem>>
      %dma_start3A_41 = tpu.memref_squeeze %dma_start3A_40 : memref<1x128xi32, #tpu.memory_space<vmem>> -> memref<128xi32, #tpu.memory_space<vmem>>
      %dma_start3A_42 = arith.constant 0 : i32
      %dma_start3A_43 = arith.constant 0 : i32
      %dma_start3A_44 = tpu.memref_slice %arg2[%dma_start3A_42, %dma_start3A_43] : memref<10240x128xf32, #tpu.memory_space<hbm>> -> memref<10240x128xf32, #tpu.memory_space<hbm>>
      tpu.enqueue_indirect_dma source(%dma_start3A_44 : memref<10240x128xf32, #tpu.memory_space<hbm>>) target(%arg12 : memref<128x128xf32, #tpu.memory_space<vmem>>) offsets(%dma_start3A_41 : memref<128xi32, #tpu.memory_space<vmem>>) semaphore(%arg14 : memref<!tpu.dma_semaphore, #tpu.memory_space<semaphore_mem>>)
      %scan3A_45 = arith.constant 0 : i32
      %scan3A_46 = arith.constant 19 : i32
      %scan3A_47 = arith.addi %scan3A_45, %scan3A_46 : i32
      %scan3A_48 = arith.constant 1 : i32
      scf.for %scan3A_99 = %scan3A_45 to %scan3A_47 step %scan3A_48  : i32 {
        %mul3A_100 = arith.constant 2 : i32
        %mul3A_101 = arith.muli %scan3A_99, %mul3A_100 : i32
        %add3A_102 = arith.constant 0 : i32
        %add3A_103 = arith.addi %add3A_102, %mul3A_101 : i32
        %dma_wait3A_104 = arith.constant 0 : i32
        %dma_wait3A_105 = arith.constant 0 : i32
        %dma_wait3A_106 = tpu.memref_slice %arg2[%dma_wait3A_104, %dma_wait3A_105] : memref<10240x128xf32, #tpu.memory_space<hbm>> -> memref<128x128xf32, #tpu.memory_space<hbm>>
        %dma_wait3A_107 = arith.constant 0 : i32
        %dma_wait3A_108 = arith.constant 0 : i32
        %dma_wait3A_109 = tpu.memref_slice %arg2[%dma_wait3A_107, %dma_wait3A_108] : memref<10240x128xf32, #tpu.memory_space<hbm>> -> memref<128x128xf32, #tpu.memory_space<hbm>>
        tpu.wait_dma2 semaphore(%arg13 : memref<!tpu.dma_semaphore, #tpu.memory_space<semaphore_mem>>) src(%dma_wait3A_109 : memref<128x128xf32, #tpu.memory_space<hbm>>) dst(%arg11 : memref<128x128xf32, #tpu.memory_space<vmem>>)
        %dma_start3A_110 = arith.constant 0 : i32
        %dma_start3A_111 = tpu.memref_slice %arg10[%add3A_103, %dma_start3A_110] : memref<40x128xi32, #tpu.memory_space<vmem>> -> memref<1x128xi32, #tpu.memory_space<vmem>>
        %dma_start3A_112 = tpu.memref_squeeze %dma_start3A_111 : memref<1x128xi32, #tpu.memory_space<vmem>> -> memref<128xi32, #tpu.memory_space<vmem>>
        %dma_start3A_113 = arith.constant 0 : i32
        %dma_start3A_114 = arith.constant 0 : i32
        %dma_start3A_115 = tpu.memref_slice %arg8[%dma_start3A_113, %dma_start3A_114] : memref<10240x128xf32, #tpu.memory_space<vmem_shared>> -> memref<10240x128xf32, #tpu.memory_space<vmem_shared>>
        tpu.enqueue_indirect_dma source(%arg11 : memref<128x128xf32, #tpu.memory_space<vmem>>) target(%dma_start3A_115 : memref<10240x128xf32, #tpu.memory_space<vmem_shared>>) offsets(%dma_start3A_112 : memref<128xi32, #tpu.memory_space<vmem>>) semaphore(%arg15 : memref<!tpu.dma_semaphore, #tpu.memory_space<semaphore_mem>>) {add = true}
        %dma_wait3A_116 = arith.constant 0 : i32
        %dma_wait3A_117 = arith.constant 0 : i32
        %dma_wait3A_118 = tpu.memref_slice %arg2[%dma_wait3A_116, %dma_wait3A_117] : memref<10240x128xf32, #tpu.memory_space<hbm>> -> memref<128x128xf32, #tpu.memory_space<hbm>>
        %dma_wait3A_119 = arith.constant 0 : i32
        %dma_wait3A_120 = arith.constant 0 : i32
        %dma_wait3A_121 = tpu.memref_slice %arg2[%dma_wait3A_119, %dma_wait3A_120] : memref<10240x128xf32, #tpu.memory_space<hbm>> -> memref<128x128xf32, #tpu.memory_space<hbm>>
        tpu.wait_dma2 semaphore(%arg14 : memref<!tpu.dma_semaphore, #tpu.memory_space<semaphore_mem>>) src(%dma_wait3A_121 : memref<128x128xf32, #tpu.memory_space<hbm>>) dst(%arg12 : memref<128x128xf32, #tpu.memory_space<vmem>>)
        %add3A_122 = arith.constant 1 : i32
        %add3A_123 = arith.addi %add3A_103, %add3A_122 : i32
        %dma_start3A_124 = arith.constant 0 : i32
        %dma_start3A_125 = tpu.memref_slice %arg10[%add3A_123, %dma_start3A_124] : memref<40x128xi32, #tpu.memory_space<vmem>> -> memref<1x128xi32, #tpu.memory_space<vmem>>
        %dma_start3A_126 = tpu.memref_squeeze %dma_start3A_125 : memref<1x128xi32, #tpu.memory_space<vmem>> -> memref<128xi32, #tpu.memory_space<vmem>>
        %dma_start3A_127 = arith.constant 0 : i32
        %dma_start3A_128 = arith.constant 0 : i32
        %dma_start3A_129 = tpu.memref_slice %arg8[%dma_start3A_127, %dma_start3A_128] : memref<10240x128xf32, #tpu.memory_space<vmem_shared>> -> memref<10240x128xf32, #tpu.memory_space<vmem_shared>>
        tpu.enqueue_indirect_dma source(%arg12 : memref<128x128xf32, #tpu.memory_space<vmem>>) target(%dma_start3A_129 : memref<10240x128xf32, #tpu.memory_space<vmem_shared>>) offsets(%dma_start3A_126 : memref<128xi32, #tpu.memory_space<vmem>>) semaphore(%arg16 : memref<!tpu.dma_semaphore, #tpu.memory_space<semaphore_mem>>) {add = true}
        %dma_wait3A_130 = arith.constant 0 : i32
        %dma_wait3A_131 = tpu.memref_slice %arg10[%add3A_103, %dma_wait3A_130] : memref<40x128xi32, #tpu.memory_space<vmem>> -> memref<1x128xi32, #tpu.memory_space<vmem>>
        %dma_wait3A_132 = tpu.memref_squeeze %dma_wait3A_131 : memref<1x128xi32, #tpu.memory_space<vmem>> -> memref<128xi32, #tpu.memory_space<vmem>>
        %dma_wait3A_133 = arith.constant 0 : i32
        %dma_wait3A_134 = arith.constant 0 : i32
        %dma_wait3A_135 = tpu.memref_slice %arg8[%dma_wait3A_133, %dma_wait3A_134] : memref<10240x128xf32, #tpu.memory_space<vmem_shared>> -> memref<10240x128xf32, #tpu.memory_space<vmem_shared>>
        tpu.wait_indirect_dma semaphore(%arg15 : memref<!tpu.dma_semaphore, #tpu.memory_space<semaphore_mem>>) src(%arg11 : memref<128x128xf32, #tpu.memory_space<vmem>>) dst(%dma_wait3A_135 : memref<10240x128xf32, #tpu.memory_space<vmem_shared>>)
        %add3A_136 = arith.constant 2 : i32
        %add3A_137 = arith.addi %add3A_103, %add3A_136 : i32
        %dma_start3A_138 = arith.constant 0 : i32
        %dma_start3A_139 = tpu.memref_slice %arg9[%add3A_137, %dma_start3A_138] : memref<40x128xi32, #tpu.memory_space<vmem>> -> memref<1x128xi32, #tpu.memory_space<vmem>>
        %dma_start3A_140 = tpu.memref_squeeze %dma_start3A_139 : memref<1x128xi32, #tpu.memory_space<vmem>> -> memref<128xi32, #tpu.memory_space<vmem>>
        %dma_start3A_141 = arith.constant 0 : i32
        %dma_start3A_142 = arith.constant 0 : i32
        %dma_start3A_143 = tpu.memref_slice %arg2[%dma_start3A_141, %dma_start3A_142] : memref<10240x128xf32, #tpu.memory_space<hbm>> -> memref<10240x128xf32, #tpu.memory_space<hbm>>
        tpu.enqueue_indirect_dma source(%dma_start3A_143 : memref<10240x128xf32, #tpu.memory_space<hbm>>) target(%arg11 : memref<128x128xf32, #tpu.memory_space<vmem>>) offsets(%dma_start3A_140 : memref<128xi32, #tpu.memory_space<vmem>>) semaphore(%arg13 : memref<!tpu.dma_semaphore, #tpu.memory_space<semaphore_mem>>)
        %dma_wait3A_144 = arith.constant 0 : i32
        %dma_wait3A_145 = tpu.memref_slice %arg10[%add3A_123, %dma_wait3A_144] : memref<40x128xi32, #tpu.memory_space<vmem>> -> memref<1x128xi32, #tpu.memory_space<vmem>>
        %dma_wait3A_146 = tpu.memref_squeeze %dma_wait3A_145 : memref<1x128xi32, #tpu.memory_space<vmem>> -> memref<128xi32, #tpu.memory_space<vmem>>
        %dma_wait3A_147 = arith.constant 0 : i32
        %dma_wait3A_148 = arith.constant 0 : i32
        %dma_wait3A_149 = tpu.memref_slice %arg8[%dma_wait3A_147, %dma_wait3A_148] : memref<10240x128xf32, #tpu.memory_space<vmem_shared>> -> memref<10240x128xf32, #tpu.memory_space<vmem_shared>>
        tpu.wait_indirect_dma semaphore(%arg16 : memref<!tpu.dma_semaphore, #tpu.memory_space<semaphore_mem>>) src(%arg12 : memref<128x128xf32, #tpu.memory_space<vmem>>) dst(%dma_wait3A_149 : memref<10240x128xf32, #tpu.memory_space<vmem_shared>>)
        %add3A_150 = arith.constant 3 : i32
        %add3A_151 = arith.addi %add3A_103, %add3A_150 : i32
        %dma_start3A_152 = arith.constant 0 : i32
        %dma_start3A_153 = tpu.memref_slice %arg9[%add3A_151, %dma_start3A_152] : memref<40x128xi32, #tpu.memory_space<vmem>> -> memref<1x128xi32, #tpu.memory_space<vmem>>
        %dma_start3A_154 = tpu.memref_squeeze %dma_start3A_153 : memref<1x128xi32, #tpu.memory_space<vmem>> -> memref<128xi32, #tpu.memory_space<vmem>>
        %dma_start3A_155 = arith.constant 0 : i32
        %dma_start3A_156 = arith.constant 0 : i32
        %dma_start3A_157 = tpu.memref_slice %arg2[%dma_start3A_155, %dma_start3A_156] : memref<10240x128xf32, #tpu.memory_space<hbm>> -> memref<10240x128xf32, #tpu.memory_space<hbm>>
        tpu.enqueue_indirect_dma source(%dma_start3A_157 : memref<10240x128xf32, #tpu.memory_space<hbm>>) target(%arg12 : memref<128x128xf32, #tpu.memory_space<vmem>>) offsets(%dma_start3A_154 : memref<128xi32, #tpu.memory_space<vmem>>) semaphore(%arg14 : memref<!tpu.dma_semaphore, #tpu.memory_space<semaphore_mem>>)
      }
      %scan3A_49 = arith.constant 19 : i32
      %dma_wait3A = arith.constant 0 : i32
      %dma_wait3A_50 = arith.constant 0 : i32
      %dma_wait3A_51 = tpu.memref_slice %arg2[%dma_wait3A, %dma_wait3A_50] : memref<10240x128xf32, #tpu.memory_space<hbm>> -> memref<128x128xf32, #tpu.memory_space<hbm>>
      %dma_wait3A_52 = arith.constant 0 : i32
      %dma_wait3A_53 = arith.constant 0 : i32
      %dma_wait3A_54 = tpu.memref_slice %arg2[%dma_wait3A_52, %dma_wait3A_53] : memref<10240x128xf32, #tpu.memory_space<hbm>> -> memref<128x128xf32, #tpu.memory_space<hbm>>
      tpu.wait_dma2 semaphore(%arg13 : memref<!tpu.dma_semaphore, #tpu.memory_space<semaphore_mem>>) src(%dma_wait3A_54 : memref<128x128xf32, #tpu.memory_space<hbm>>) dst(%arg11 : memref<128x128xf32, #tpu.memory_space<vmem>>)
      %run_scoped3A = arith.constant 38 : i32
      "tpu.region"() ({
        %run_scoped3A_99 = tpu.sem_alloc : memref<!tpu.dma_semaphore, #tpu.memory_space<semaphore_mem>>
        %dma_start3A_100 = arith.constant 0 : i32
        %dma_start3A_101 = tpu.memref_slice %arg10[%run_scoped3A, %dma_start3A_100] : memref<40x128xi32, #tpu.memory_space<vmem>> -> memref<1x128xi32, #tpu.memory_space<vmem>>
        %dma_start3A_102 = tpu.memref_squeeze %dma_start3A_101 : memref<1x128xi32, #tpu.memory_space<vmem>> -> memref<128xi32, #tpu.memory_space<vmem>>
        %dma_start3A_103 = arith.constant 0 : i32
        %dma_start3A_104 = arith.constant 0 : i32
        %dma_start3A_105 = tpu.memref_slice %arg8[%dma_start3A_103, %dma_start3A_104] : memref<10240x128xf32, #tpu.memory_space<vmem_shared>> -> memref<10240x128xf32, #tpu.memory_space<vmem_shared>>
        tpu.enqueue_indirect_dma source(%arg11 : memref<128x128xf32, #tpu.memory_space<vmem>>) target(%dma_start3A_105 : memref<10240x128xf32, #tpu.memory_space<vmem_shared>>) offsets(%dma_start3A_102 : memref<128xi32, #tpu.memory_space<vmem>>) semaphore(%run_scoped3A_99 : memref<!tpu.dma_semaphore, #tpu.memory_space<semaphore_mem>>) {add = true}
        %dma_wait3A_106 = arith.constant 0 : i32
        %dma_wait3A_107 = tpu.memref_slice %arg10[%run_scoped3A, %dma_wait3A_106] : memref<40x128xi32, #tpu.memory_space<vmem>> -> memref<1x128xi32, #tpu.memory_space<vmem>>
        %dma_wait3A_108 = tpu.memref_squeeze %dma_wait3A_107 : memref<1x128xi32, #tpu.memory_space<vmem>> -> memref<128xi32, #tpu.memory_space<vmem>>
        %dma_wait3A_109 = arith.constant 0 : i32
        %dma_wait3A_110 = arith.constant 0 : i32
        %dma_wait3A_111 = tpu.memref_slice %arg8[%dma_wait3A_109, %dma_wait3A_110] : memref<10240x128xf32, #tpu.memory_space<vmem_shared>> -> memref<10240x128xf32, #tpu.memory_space<vmem_shared>>
        tpu.wait_indirect_dma semaphore(%run_scoped3A_99 : memref<!tpu.dma_semaphore, #tpu.memory_space<semaphore_mem>>) src(%arg11 : memref<128x128xf32, #tpu.memory_space<vmem>>) dst(%dma_wait3A_111 : memref<10240x128xf32, #tpu.memory_space<vmem_shared>>)
        tpu.yield
      }) : () -> ()
      %dma_wait3A_55 = arith.constant 0 : i32
      %dma_wait3A_56 = arith.constant 0 : i32
      %dma_wait3A_57 = tpu.memref_slice %arg2[%dma_wait3A_55, %dma_wait3A_56] : memref<10240x128xf32, #tpu.memory_space<hbm>> -> memref<128x128xf32, #tpu.memory_space<hbm>>
      %dma_wait3A_58 = arith.constant 0 : i32
      %dma_wait3A_59 = arith.constant 0 : i32
      %dma_wait3A_60 = tpu.memref_slice %arg2[%dma_wait3A_58, %dma_wait3A_59] : memref<10240x128xf32, #tpu.memory_space<hbm>> -> memref<128x128xf32, #tpu.memory_space<hbm>>
      tpu.wait_dma2 semaphore(%arg14 : memref<!tpu.dma_semaphore, #tpu.memory_space<semaphore_mem>>) src(%dma_wait3A_60 : memref<128x128xf32, #tpu.memory_space<hbm>>) dst(%arg12 : memref<128x128xf32, #tpu.memory_space<vmem>>)
      %run_scoped3A_61 = arith.constant 39 : i32
      "tpu.region"() ({
        %run_scoped3A_99 = tpu.sem_alloc : memref<!tpu.dma_semaphore, #tpu.memory_space<semaphore_mem>>
        %dma_start3A_100 = arith.constant 0 : i32
        %dma_start3A_101 = tpu.memref_slice %arg10[%run_scoped3A_61, %dma_start3A_100] : memref<40x128xi32, #tpu.memory_space<vmem>> -> memref<1x128xi32, #tpu.memory_space<vmem>>
        %dma_start3A_102 = tpu.memref_squeeze %dma_start3A_101 : memref<1x128xi32, #tpu.memory_space<vmem>> -> memref<128xi32, #tpu.memory_space<vmem>>
        %dma_start3A_103 = arith.constant 0 : i32
        %dma_start3A_104 = arith.constant 0 : i32
        %dma_start3A_105 = tpu.memref_slice %arg8[%dma_start3A_103, %dma_start3A_104] : memref<10240x128xf32, #tpu.memory_space<vmem_shared>> -> memref<10240x128xf32, #tpu.memory_space<vmem_shared>>
        tpu.enqueue_indirect_dma source(%arg12 : memref<128x128xf32, #tpu.memory_space<vmem>>) target(%dma_start3A_105 : memref<10240x128xf32, #tpu.memory_space<vmem_shared>>) offsets(%dma_start3A_102 : memref<128xi32, #tpu.memory_space<vmem>>) semaphore(%run_scoped3A_99 : memref<!tpu.dma_semaphore, #tpu.memory_space<semaphore_mem>>) {add = true}
        %dma_wait3A_106 = arith.constant 0 : i32
        %dma_wait3A_107 = tpu.memref_slice %arg10[%run_scoped3A_61, %dma_wait3A_106] : memref<40x128xi32, #tpu.memory_space<vmem>> -> memref<1x128xi32, #tpu.memory_space<vmem>>
        %dma_wait3A_108 = tpu.memref_squeeze %dma_wait3A_107 : memref<1x128xi32, #tpu.memory_space<vmem>> -> memref<128xi32, #tpu.memory_space<vmem>>
        %dma_wait3A_109 = arith.constant 0 : i32
        %dma_wait3A_110 = arith.constant 0 : i32
        %dma_wait3A_111 = tpu.memref_slice %arg8[%dma_wait3A_109, %dma_wait3A_110] : memref<10240x128xf32, #tpu.memory_space<vmem_shared>> -> memref<10240x128xf32, #tpu.memory_space<vmem_shared>>
        tpu.wait_indirect_dma semaphore(%run_scoped3A_99 : memref<!tpu.dma_semaphore, #tpu.memory_space<semaphore_mem>>) src(%arg12 : memref<128x128xf32, #tpu.memory_space<vmem>>) dst(%dma_wait3A_111 : memref<10240x128xf32, #tpu.memory_space<vmem_shared>>)
        tpu.yield
      }) : () -> ()
      %mul3A_62 = arith.constant 80 : i32
      %mul3A_63 = arith.muli %arg1, %mul3A_62 : i32
      %add3A_64 = arith.constant 40 : i32
      %add3A_65 = arith.addi %mul3A_63, %add3A_64 : i32
      "tpu.region"() ({
        %run_scoped3A_99 = tpu.sem_alloc : memref<!tpu.dma_semaphore, #tpu.memory_space<semaphore_mem>>
        %dma_start3A_100 = arith.constant 0 : i32
        %dma_start3A_101 = tpu.memref_slice %arg4[%add3A_65, %dma_start3A_100] : memref<1280x128xi32, #tpu.memory_space<hbm>> -> memref<40x128xi32, #tpu.memory_space<hbm>>
        %dma_start3A_102 = arith.constant 0 : i32
        %dma_start3A_103 = tpu.memref_slice %arg4[%add3A_65, %dma_start3A_102] : memref<1280x128xi32, #tpu.memory_space<hbm>> -> memref<40x128xi32, #tpu.memory_space<hbm>>
        tpu.enqueue_dma source(%dma_start3A_103 : memref<40x128xi32, #tpu.memory_space<hbm>>) target(%arg9 : memref<40x128xi32, #tpu.memory_space<vmem>>) target_semaphore(%run_scoped3A_99 : memref<!tpu.dma_semaphore, #tpu.memory_space<semaphore_mem>>)
        %dma_wait3A_104 = arith.constant 0 : i32
        %dma_wait3A_105 = tpu.memref_slice %arg4[%add3A_65, %dma_wait3A_104] : memref<1280x128xi32, #tpu.memory_space<hbm>> -> memref<40x128xi32, #tpu.memory_space<hbm>>
        %dma_wait3A_106 = arith.constant 0 : i32
        %dma_wait3A_107 = tpu.memref_slice %arg4[%add3A_65, %dma_wait3A_106] : memref<1280x128xi32, #tpu.memory_space<hbm>> -> memref<40x128xi32, #tpu.memory_space<hbm>>
        tpu.wait_dma2 semaphore(%run_scoped3A_99 : memref<!tpu.dma_semaphore, #tpu.memory_space<semaphore_mem>>) src(%dma_wait3A_107 : memref<40x128xi32, #tpu.memory_space<hbm>>) dst(%arg9 : memref<40x128xi32, #tpu.memory_space<vmem>>)
        tpu.yield
      }) : () -> ()
      "tpu.region"() ({
        %run_scoped3A_99 = tpu.sem_alloc : memref<!tpu.dma_semaphore, #tpu.memory_space<semaphore_mem>>
        %dma_start3A_100 = arith.constant 0 : i32
        %dma_start3A_101 = tpu.memref_slice %arg5[%add3A_65, %dma_start3A_100] : memref<1280x128xi32, #tpu.memory_space<hbm>> -> memref<40x128xi32, #tpu.memory_space<hbm>>
        %dma_start3A_102 = arith.constant 0 : i32
        %dma_start3A_103 = tpu.memref_slice %arg5[%add3A_65, %dma_start3A_102] : memref<1280x128xi32, #tpu.memory_space<hbm>> -> memref<40x128xi32, #tpu.memory_space<hbm>>
        tpu.enqueue_dma source(%dma_start3A_103 : memref<40x128xi32, #tpu.memory_space<hbm>>) target(%arg10 : memref<40x128xi32, #tpu.memory_space<vmem>>) target_semaphore(%run_scoped3A_99 : memref<!tpu.dma_semaphore, #tpu.memory_space<semaphore_mem>>)
        %dma_wait3A_104 = arith.constant 0 : i32
        %dma_wait3A_105 = tpu.memref_slice %arg5[%add3A_65, %dma_wait3A_104] : memref<1280x128xi32, #tpu.memory_space<hbm>> -> memref<40x128xi32, #tpu.memory_space<hbm>>
        %dma_wait3A_106 = arith.constant 0 : i32
        %dma_wait3A_107 = tpu.memref_slice %arg5[%add3A_65, %dma_wait3A_106] : memref<1280x128xi32, #tpu.memory_space<hbm>> -> memref<40x128xi32, #tpu.memory_space<hbm>>
        tpu.wait_dma2 semaphore(%run_scoped3A_99 : memref<!tpu.dma_semaphore, #tpu.memory_space<semaphore_mem>>) src(%dma_wait3A_107 : memref<40x128xi32, #tpu.memory_space<hbm>>) dst(%arg10 : memref<40x128xi32, #tpu.memory_space<vmem>>)
        tpu.yield
      }) : () -> ()
      %dma_start3A_66 = arith.constant 0 : i32
      %dma_start3A_67 = arith.constant 0 : i32
      %dma_start3A_68 = tpu.memref_slice %arg9[%dma_start3A_66, %dma_start3A_67] : memref<40x128xi32, #tpu.memory_space<vmem>> -> memref<1x128xi32, #tpu.memory_space<vmem>>
      %dma_start3A_69 = tpu.memref_squeeze %dma_start3A_68 : memref<1x128xi32, #tpu.memory_space<vmem>> -> memref<128xi32, #tpu.memory_space<vmem>>
      %dma_start3A_70 = arith.constant 0 : i32
      %dma_start3A_71 = arith.constant 0 : i32
      %dma_start3A_72 = tpu.memref_slice %arg2[%dma_start3A_70, %dma_start3A_71] : memref<10240x128xf32, #tpu.memory_space<hbm>> -> memref<10240x128xf32, #tpu.memory_space<hbm>>
      tpu.enqueue_indirect_dma source(%dma_start3A_72 : memref<10240x128xf32, #tpu.memory_space<hbm>>) target(%arg11 : memref<128x128xf32, #tpu.memory_space<vmem>>) offsets(%dma_start3A_69 : memref<128xi32, #tpu.memory_space<vmem>>) semaphore(%arg13 : memref<!tpu.dma_semaphore, #tpu.memory_space<semaphore_mem>>)
      %dma_start3A_73 = arith.constant 1 : i32
      %dma_start3A_74 = arith.constant 0 : i32
      %dma_start3A_75 = tpu.memref_slice %arg9[%dma_start3A_73, %dma_start3A_74] : memref<40x128xi32, #tpu.memory_space<vmem>> -> memref<1x128xi32, #tpu.memory_space<vmem>>
      %dma_start3A_76 = tpu.memref_squeeze %dma_start3A_75 : memref<1x128xi32, #tpu.memory_space<vmem>> -> memref<128xi32, #tpu.memory_space<vmem>>
      %dma_start3A_77 = arith.constant 0 : i32
      %dma_start3A_78 = arith.constant 0 : i32
      %dma_start3A_79 = tpu.memref_slice %arg2[%dma_start3A_77, %dma_start3A_78] : memref<10240x128xf32, #tpu.memory_space<hbm>> -> memref<10240x128xf32, #tpu.memory_space<hbm>>
      tpu.enqueue_indirect_dma source(%dma_start3A_79 : memref<10240x128xf32, #tpu.memory_space<hbm>>) target(%arg12 : memref<128x128xf32, #tpu.memory_space<vmem>>) offsets(%dma_start3A_76 : memref<128xi32, #tpu.memory_space<vmem>>) semaphore(%arg14 : memref<!tpu.dma_semaphore, #tpu.memory_space<semaphore_mem>>)
      %scan3A_80 = arith.constant 0 : i32
      %scan3A_81 = arith.constant 19 : i32
      %scan3A_82 = arith.addi %scan3A_80, %scan3A_81 : i32
      %scan3A_83 = arith.constant 1 : i32
      scf.for %scan3A_99 = %scan3A_80 to %scan3A_82 step %scan3A_83  : i32 {
        %mul3A_100 = arith.constant 2 : i32
        %mul3A_101 = arith.muli %scan3A_99, %mul3A_100 : i32
        %add3A_102 = arith.constant 0 : i32
        %add3A_103 = arith.addi %add3A_102, %mul3A_101 : i32
        %dma_wait3A_104 = arith.constant 0 : i32
        %dma_wait3A_105 = arith.constant 0 : i32
        %dma_wait3A_106 = tpu.memref_slice %arg2[%dma_wait3A_104, %dma_wait3A_105] : memref<10240x128xf32, #tpu.memory_space<hbm>> -> memref<128x128xf32, #tpu.memory_space<hbm>>
        %dma_wait3A_107 = arith.constant 0 : i32
        %dma_wait3A_108 = arith.constant 0 : i32
        %dma_wait3A_109 = tpu.memref_slice %arg2[%dma_wait3A_107, %dma_wait3A_108] : memref<10240x128xf32, #tpu.memory_space<hbm>> -> memref<128x128xf32, #tpu.memory_space<hbm>>
        tpu.wait_dma2 semaphore(%arg13 : memref<!tpu.dma_semaphore, #tpu.memory_space<semaphore_mem>>) src(%dma_wait3A_109 : memref<128x128xf32, #tpu.memory_space<hbm>>) dst(%arg11 : memref<128x128xf32, #tpu.memory_space<vmem>>)
        %dma_start3A_110 = arith.constant 0 : i32
        %dma_start3A_111 = tpu.memref_slice %arg10[%add3A_103, %dma_start3A_110] : memref<40x128xi32, #tpu.memory_space<vmem>> -> memref<1x128xi32, #tpu.memory_space<vmem>>
        %dma_start3A_112 = tpu.memref_squeeze %dma_start3A_111 : memref<1x128xi32, #tpu.memory_space<vmem>> -> memref<128xi32, #tpu.memory_space<vmem>>
        %dma_start3A_113 = arith.constant 0 : i32
        %dma_start3A_114 = arith.constant 0 : i32
        %dma_start3A_115 = tpu.memref_slice %arg8[%dma_start3A_113, %dma_start3A_114] : memref<10240x128xf32, #tpu.memory_space<vmem_shared>> -> memref<10240x128xf32, #tpu.memory_space<vmem_shared>>
        tpu.enqueue_indirect_dma source(%arg11 : memref<128x128xf32, #tpu.memory_space<vmem>>) target(%dma_start3A_115 : memref<10240x128xf32, #tpu.memory_space<vmem_shared>>) offsets(%dma_start3A_112 : memref<128xi32, #tpu.memory_space<vmem>>) semaphore(%arg15 : memref<!tpu.dma_semaphore, #tpu.memory_space<semaphore_mem>>) {add = true}
        %dma_wait3A_116 = arith.constant 0 : i32
        %dma_wait3A_117 = arith.constant 0 : i32
        %dma_wait3A_118 = tpu.memref_slice %arg2[%dma_wait3A_116, %dma_wait3A_117] : memref<10240x128xf32, #tpu.memory_space<hbm>> -> memref<128x128xf32, #tpu.memory_space<hbm>>
        %dma_wait3A_119 = arith.constant 0 : i32
        %dma_wait3A_120 = arith.constant 0 : i32
        %dma_wait3A_121 = tpu.memref_slice %arg2[%dma_wait3A_119, %dma_wait3A_120] : memref<10240x128xf32, #tpu.memory_space<hbm>> -> memref<128x128xf32, #tpu.memory_space<hbm>>
        tpu.wait_dma2 semaphore(%arg14 : memref<!tpu.dma_semaphore, #tpu.memory_space<semaphore_mem>>) src(%dma_wait3A_121 : memref<128x128xf32, #tpu.memory_space<hbm>>) dst(%arg12 : memref<128x128xf32, #tpu.memory_space<vmem>>)
        %add3A_122 = arith.constant 1 : i32
        %add3A_123 = arith.addi %add3A_103, %add3A_122 : i32
        %dma_start3A_124 = arith.constant 0 : i32
        %dma_start3A_125 = tpu.memref_slice %arg10[%add3A_123, %dma_start3A_124] : memref<40x128xi32, #tpu.memory_space<vmem>> -> memref<1x128xi32, #tpu.memory_space<vmem>>
        %dma_start3A_126 = tpu.memref_squeeze %dma_start3A_125 : memref<1x128xi32, #tpu.memory_space<vmem>> -> memref<128xi32, #tpu.memory_space<vmem>>
        %dma_start3A_127 = arith.constant 0 : i32
        %dma_start3A_128 = arith.constant 0 : i32
        %dma_start3A_129 = tpu.memref_slice %arg8[%dma_start3A_127, %dma_start3A_128] : memref<10240x128xf32, #tpu.memory_space<vmem_shared>> -> memref<10240x128xf32, #tpu.memory_space<vmem_shared>>
        tpu.enqueue_indirect_dma source(%arg12 : memref<128x128xf32, #tpu.memory_space<vmem>>) target(%dma_start3A_129 : memref<10240x128xf32, #tpu.memory_space<vmem_shared>>) offsets(%dma_start3A_126 : memref<128xi32, #tpu.memory_space<vmem>>) semaphore(%arg16 : memref<!tpu.dma_semaphore, #tpu.memory_space<semaphore_mem>>) {add = true}
        %dma_wait3A_130 = arith.constant 0 : i32
        %dma_wait3A_131 = tpu.memref_slice %arg10[%add3A_103, %dma_wait3A_130] : memref<40x128xi32, #tpu.memory_space<vmem>> -> memref<1x128xi32, #tpu.memory_space<vmem>>
        %dma_wait3A_132 = tpu.memref_squeeze %dma_wait3A_131 : memref<1x128xi32, #tpu.memory_space<vmem>> -> memref<128xi32, #tpu.memory_space<vmem>>
        %dma_wait3A_133 = arith.constant 0 : i32
        %dma_wait3A_134 = arith.constant 0 : i32
        %dma_wait3A_135 = tpu.memref_slice %arg8[%dma_wait3A_133, %dma_wait3A_134] : memref<10240x128xf32, #tpu.memory_space<vmem_shared>> -> memref<10240x128xf32, #tpu.memory_space<vmem_shared>>
        tpu.wait_indirect_dma semaphore(%arg15 : memref<!tpu.dma_semaphore, #tpu.memory_space<semaphore_mem>>) src(%arg11 : memref<128x128xf32, #tpu.memory_space<vmem>>) dst(%dma_wait3A_135 : memref<10240x128xf32, #tpu.memory_space<vmem_shared>>)
        %add3A_136 = arith.constant 2 : i32
        %add3A_137 = arith.addi %add3A_103, %add3A_136 : i32
        %dma_start3A_138 = arith.constant 0 : i32
        %dma_start3A_139 = tpu.memref_slice %arg9[%add3A_137, %dma_start3A_138] : memref<40x128xi32, #tpu.memory_space<vmem>> -> memref<1x128xi32, #tpu.memory_space<vmem>>
        %dma_start3A_140 = tpu.memref_squeeze %dma_start3A_139 : memref<1x128xi32, #tpu.memory_space<vmem>> -> memref<128xi32, #tpu.memory_space<vmem>>
        %dma_start3A_141 = arith.constant 0 : i32
        %dma_start3A_142 = arith.constant 0 : i32
        %dma_start3A_143 = tpu.memref_slice %arg2[%dma_start3A_141, %dma_start3A_142] : memref<10240x128xf32, #tpu.memory_space<hbm>> -> memref<10240x128xf32, #tpu.memory_space<hbm>>
        tpu.enqueue_indirect_dma source(%dma_start3A_143 : memref<10240x128xf32, #tpu.memory_space<hbm>>) target(%arg11 : memref<128x128xf32, #tpu.memory_space<vmem>>) offsets(%dma_start3A_140 : memref<128xi32, #tpu.memory_space<vmem>>) semaphore(%arg13 : memref<!tpu.dma_semaphore, #tpu.memory_space<semaphore_mem>>)
        %dma_wait3A_144 = arith.constant 0 : i32
        %dma_wait3A_145 = tpu.memref_slice %arg10[%add3A_123, %dma_wait3A_144] : memref<40x128xi32, #tpu.memory_space<vmem>> -> memref<1x128xi32, #tpu.memory_space<vmem>>
        %dma_wait3A_146 = tpu.memref_squeeze %dma_wait3A_145 : memref<1x128xi32, #tpu.memory_space<vmem>> -> memref<128xi32, #tpu.memory_space<vmem>>
        %dma_wait3A_147 = arith.constant 0 : i32
        %dma_wait3A_148 = arith.constant 0 : i32
        %dma_wait3A_149 = tpu.memref_slice %arg8[%dma_wait3A_147, %dma_wait3A_148] : memref<10240x128xf32, #tpu.memory_space<vmem_shared>> -> memref<10240x128xf32, #tpu.memory_space<vmem_shared>>
        tpu.wait_indirect_dma semaphore(%arg16 : memref<!tpu.dma_semaphore, #tpu.memory_space<semaphore_mem>>) src(%arg12 : memref<128x128xf32, #tpu.memory_space<vmem>>) dst(%dma_wait3A_149 : memref<10240x128xf32, #tpu.memory_space<vmem_shared>>)
        %add3A_150 = arith.constant 3 : i32
        %add3A_151 = arith.addi %add3A_103, %add3A_150 : i32
        %dma_start3A_152 = arith.constant 0 : i32
        %dma_start3A_153 = tpu.memref_slice %arg9[%add3A_151, %dma_start3A_152] : memref<40x128xi32, #tpu.memory_space<vmem>> -> memref<1x128xi32, #tpu.memory_space<vmem>>
        %dma_start3A_154 = tpu.memref_squeeze %dma_start3A_153 : memref<1x128xi32, #tpu.memory_space<vmem>> -> memref<128xi32, #tpu.memory_space<vmem>>
        %dma_start3A_155 = arith.constant 0 : i32
        %dma_start3A_156 = arith.constant 0 : i32
        %dma_start3A_157 = tpu.memref_slice %arg2[%dma_start3A_155, %dma_start3A_156] : memref<10240x128xf32, #tpu.memory_space<hbm>> -> memref<10240x128xf32, #tpu.memory_space<hbm>>
        tpu.enqueue_indirect_dma source(%dma_start3A_157 : memref<10240x128xf32, #tpu.memory_space<hbm>>) target(%arg12 : memref<128x128xf32, #tpu.memory_space<vmem>>) offsets(%dma_start3A_154 : memref<128xi32, #tpu.memory_space<vmem>>) semaphore(%arg14 : memref<!tpu.dma_semaphore, #tpu.memory_space<semaphore_mem>>)
      }
      %scan3A_84 = arith.constant 19 : i32
      %dma_wait3A_85 = arith.constant 0 : i32
      %dma_wait3A_86 = arith.constant 0 : i32
      %dma_wait3A_87 = tpu.memref_slice %arg2[%dma_wait3A_85, %dma_wait3A_86] : memref<10240x128xf32, #tpu.memory_space<hbm>> -> memref<128x128xf32, #tpu.memory_space<hbm>>
      %dma_wait3A_88 = arith.constant 0 : i32
      %dma_wait3A_89 = arith.constant 0 : i32
      %dma_wait3A_90 = tpu.memref_slice %arg2[%dma_wait3A_88, %dma_wait3A_89] : memref<10240x128xf32, #tpu.memory_space<hbm>> -> memref<128x128xf32, #tpu.memory_space<hbm>>
      tpu.wait_dma2 semaphore(%arg13 : memref<!tpu.dma_semaphore, #tpu.memory_space<semaphore_mem>>) src(%dma_wait3A_90 : memref<128x128xf32, #tpu.memory_space<hbm>>) dst(%arg11 : memref<128x128xf32, #tpu.memory_space<vmem>>)
      %run_scoped3A_91 = arith.constant 38 : i32
      "tpu.region"() ({
        %run_scoped3A_99 = tpu.sem_alloc : memref<!tpu.dma_semaphore, #tpu.memory_space<semaphore_mem>>
        %dma_start3A_100 = arith.constant 0 : i32
        %dma_start3A_101 = tpu.memref_slice %arg10[%run_scoped3A_91, %dma_start3A_100] : memref<40x128xi32, #tpu.memory_space<vmem>> -> memref<1x128xi32, #tpu.memory_space<vmem>>
        %dma_start3A_102 = tpu.memref_squeeze %dma_start3A_101 : memref<1x128xi32, #tpu.memory_space<vmem>> -> memref<128xi32, #tpu.memory_space<vmem>>
        %dma_start3A_103 = arith.constant 0 : i32
        %dma_start3A_104 = arith.constant 0 : i32
        %dma_start3A_105 = tpu.memref_slice %arg8[%dma_start3A_103, %dma_start3A_104] : memref<10240x128xf32, #tpu.memory_space<vmem_shared>> -> memref<10240x128xf32, #tpu.memory_space<vmem_shared>>
        tpu.enqueue_indirect_dma source(%arg11 : memref<128x128xf32, #tpu.memory_space<vmem>>) target(%dma_start3A_105 : memref<10240x128xf32, #tpu.memory_space<vmem_shared>>) offsets(%dma_start3A_102 : memref<128xi32, #tpu.memory_space<vmem>>) semaphore(%run_scoped3A_99 : memref<!tpu.dma_semaphore, #tpu.memory_space<semaphore_mem>>) {add = true}
        %dma_wait3A_106 = arith.constant 0 : i32
        %dma_wait3A_107 = tpu.memref_slice %arg10[%run_scoped3A_91, %dma_wait3A_106] : memref<40x128xi32, #tpu.memory_space<vmem>> -> memref<1x128xi32, #tpu.memory_space<vmem>>
        %dma_wait3A_108 = tpu.memref_squeeze %dma_wait3A_107 : memref<1x128xi32, #tpu.memory_space<vmem>> -> memref<128xi32, #tpu.memory_space<vmem>>
        %dma_wait3A_109 = arith.constant 0 : i32
        %dma_wait3A_110 = arith.constant 0 : i32
        %dma_wait3A_111 = tpu.memref_slice %arg8[%dma_wait3A_109, %dma_wait3A_110] : memref<10240x128xf32, #tpu.memory_space<vmem_shared>> -> memref<10240x128xf32, #tpu.memory_space<vmem_shared>>
        tpu.wait_indirect_dma semaphore(%run_scoped3A_99 : memref<!tpu.dma_semaphore, #tpu.memory_space<semaphore_mem>>) src(%arg11 : memref<128x128xf32, #tpu.memory_space<vmem>>) dst(%dma_wait3A_111 : memref<10240x128xf32, #tpu.memory_space<vmem_shared>>)
        tpu.yield
      }) : () -> ()
      %dma_wait3A_92 = arith.constant 0 : i32
      %dma_wait3A_93 = arith.constant 0 : i32
      %dma_wait3A_94 = tpu.memref_slice %arg2[%dma_wait3A_92, %dma_wait3A_93] : memref<10240x128xf32, #tpu.memory_space<hbm>> -> memref<128x128xf32, #tpu.memory_space<hbm>>
      %dma_wait3A_95 = arith.constant 0 : i32
      %dma_wait3A_96 = arith.constant 0 : i32
      %dma_wait3A_97 = tpu.memref_slice %arg2[%dma_wait3A_95, %dma_wait3A_96] : memref<10240x128xf32, #tpu.memory_space<hbm>> -> memref<128x128xf32, #tpu.memory_space<hbm>>
      tpu.wait_dma2 semaphore(%arg14 : memref<!tpu.dma_semaphore, #tpu.memory_space<semaphore_mem>>) src(%dma_wait3A_97 : memref<128x128xf32, #tpu.memory_space<hbm>>) dst(%arg12 : memref<128x128xf32, #tpu.memory_space<vmem>>)
      %run_scoped3A_98 = arith.constant 39 : i32
      "tpu.region"() ({
        %run_scoped3A_99 = tpu.sem_alloc : memref<!tpu.dma_semaphore, #tpu.memory_space<semaphore_mem>>
        %dma_start3A_100 = arith.constant 0 : i32
        %dma_start3A_101 = tpu.memref_slice %arg10[%run_scoped3A_98, %dma_start3A_100] : memref<40x128xi32, #tpu.memory_space<vmem>> -> memref<1x128xi32, #tpu.memory_space<vmem>>
        %dma_start3A_102 = tpu.memref_squeeze %dma_start3A_101 : memref<1x128xi32, #tpu.memory_space<vmem>> -> memref<128xi32, #tpu.memory_space<vmem>>
        %dma_start3A_103 = arith.constant 0 : i32
        %dma_start3A_104 = arith.constant 0 : i32
        %dma_start3A_105 = tpu.memref_slice %arg8[%dma_start3A_103, %dma_start3A_104] : memref<10240x128xf32, #tpu.memory_space<vmem_shared>> -> memref<10240x128xf32, #tpu.memory_space<vmem_shared>>
        tpu.enqueue_indirect_dma source(%arg12 : memref<128x128xf32, #tpu.memory_space<vmem>>) target(%dma_start3A_105 : memref<10240x128xf32, #tpu.memory_space<vmem_shared>>) offsets(%dma_start3A_102 : memref<128xi32, #tpu.memory_space<vmem>>) semaphore(%run_scoped3A_99 : memref<!tpu.dma_semaphore, #tpu.memory_space<semaphore_mem>>) {add = true}
        %dma_wait3A_106 = arith.constant 0 : i32
        %dma_wait3A_107 = tpu.memref_slice %arg10[%run_scoped3A_98, %dma_wait3A_106] : memref<40x128xi32, #tpu.memory_space<vmem>> -> memref<1x128xi32, #tpu.memory_space<vmem>>
        %dma_wait3A_108 = tpu.memref_squeeze %dma_wait3A_107 : memref<1x128xi32, #tpu.memory_space<vmem>> -> memref<128xi32, #tpu.memory_space<vmem>>
        %dma_wait3A_109 = arith.constant 0 : i32
        %dma_wait3A_110 = arith.constant 0 : i32
        %dma_wait3A_111 = tpu.memref_slice %arg8[%dma_wait3A_109, %dma_wait3A_110] : memref<10240x128xf32, #tpu.memory_space<vmem_shared>> -> memref<10240x128xf32, #tpu.memory_space<vmem_shared>>
        tpu.wait_indirect_dma semaphore(%run_scoped3A_99 : memref<!tpu.dma_semaphore, #tpu.memory_space<semaphore_mem>>) src(%arg12 : memref<128x128xf32, #tpu.memory_space<vmem>>) dst(%dma_wait3A_111 : memref<10240x128xf32, #tpu.memory_space<vmem_shared>>)
        tpu.yield
      }) : () -> ()
    } else {
    }
    %eq3A_12 = arith.constant 1 : i32
    %eq3A_13 = arith.cmpi eq, %arg0, %eq3A_12 : i32
    %convert_element_type3A_14 = arith.extui %eq3A_13 : i1 to i32
    %cond3A_15 = arith.constant 0 : i32
    %cond3A_16 = arith.cmpi ne, %convert_element_type3A_14, %cond3A_15 : i32
    scf.if %cond3A_16 {
      %mul3A_29 = arith.constant 80 : i32
      %mul3A_30 = arith.muli %arg1, %mul3A_29 : i32
      %add3A = arith.constant 0 : i32
      %add3A_31 = arith.addi %mul3A_30, %add3A : i32
      "tpu.region"() ({
        %run_scoped3A_99 = tpu.sem_alloc : memref<!tpu.dma_semaphore, #tpu.memory_space<semaphore_mem>>
        %dma_start3A_100 = arith.constant 0 : i32
        %dma_start3A_101 = tpu.memref_slice %arg4[%add3A_31, %dma_start3A_100] : memref<1280x128xi32, #tpu.memory_space<hbm>> -> memref<40x128xi32, #tpu.memory_space<hbm>>
        %dma_start3A_102 = arith.constant 0 : i32
        %dma_start3A_103 = tpu.memref_slice %arg4[%add3A_31, %dma_start3A_102] : memref<1280x128xi32, #tpu.memory_space<hbm>> -> memref<40x128xi32, #tpu.memory_space<hbm>>
        tpu.enqueue_dma source(%dma_start3A_103 : memref<40x128xi32, #tpu.memory_space<hbm>>) target(%arg9 : memref<40x128xi32, #tpu.memory_space<vmem>>) target_semaphore(%run_scoped3A_99 : memref<!tpu.dma_semaphore, #tpu.memory_space<semaphore_mem>>)
        %dma_wait3A_104 = arith.constant 0 : i32
        %dma_wait3A_105 = tpu.memref_slice %arg4[%add3A_31, %dma_wait3A_104] : memref<1280x128xi32, #tpu.memory_space<hbm>> -> memref<40x128xi32, #tpu.memory_space<hbm>>
        %dma_wait3A_106 = arith.constant 0 : i32
        %dma_wait3A_107 = tpu.memref_slice %arg4[%add3A_31, %dma_wait3A_106] : memref<1280x128xi32, #tpu.memory_space<hbm>> -> memref<40x128xi32, #tpu.memory_space<hbm>>
        tpu.wait_dma2 semaphore(%run_scoped3A_99 : memref<!tpu.dma_semaphore, #tpu.memory_space<semaphore_mem>>) src(%dma_wait3A_107 : memref<40x128xi32, #tpu.memory_space<hbm>>) dst(%arg9 : memref<40x128xi32, #tpu.memory_space<vmem>>)
        tpu.yield
      }) : () -> ()
      "tpu.region"() ({
        %run_scoped3A_99 = tpu.sem_alloc : memref<!tpu.dma_semaphore, #tpu.memory_space<semaphore_mem>>
        %dma_start3A_100 = arith.constant 0 : i32
        %dma_start3A_101 = tpu.memref_slice %arg5[%add3A_31, %dma_start3A_100] : memref<1280x128xi32, #tpu.memory_space<hbm>> -> memref<40x128xi32, #tpu.memory_space<hbm>>
        %dma_start3A_102 = arith.constant 0 : i32
        %dma_start3A_103 = tpu.memref_slice %arg5[%add3A_31, %dma_start3A_102] : memref<1280x128xi32, #tpu.memory_space<hbm>> -> memref<40x128xi32, #tpu.memory_space<hbm>>
        tpu.enqueue_dma source(%dma_start3A_103 : memref<40x128xi32, #tpu.memory_space<hbm>>) target(%arg10 : memref<40x128xi32, #tpu.memory_space<vmem>>) target_semaphore(%run_scoped3A_99 : memref<!tpu.dma_semaphore, #tpu.memory_space<semaphore_mem>>)
        %dma_wait3A_104 = arith.constant 0 : i32
        %dma_wait3A_105 = tpu.memref_slice %arg5[%add3A_31, %dma_wait3A_104] : memref<1280x128xi32, #tpu.memory_space<hbm>> -> memref<40x128xi32, #tpu.memory_space<hbm>>
        %dma_wait3A_106 = arith.constant 0 : i32
        %dma_wait3A_107 = tpu.memref_slice %arg5[%add3A_31, %dma_wait3A_106] : memref<1280x128xi32, #tpu.memory_space<hbm>> -> memref<40x128xi32, #tpu.memory_space<hbm>>
        tpu.wait_dma2 semaphore(%run_scoped3A_99 : memref<!tpu.dma_semaphore, #tpu.memory_space<semaphore_mem>>) src(%dma_wait3A_107 : memref<40x128xi32, #tpu.memory_space<hbm>>) dst(%arg10 : memref<40x128xi32, #tpu.memory_space<vmem>>)
        tpu.yield
      }) : () -> ()
      %dma_start3A = arith.constant 0 : i32
      %dma_start3A_32 = arith.constant 0 : i32
      %dma_start3A_33 = tpu.memref_slice %arg9[%dma_start3A, %dma_start3A_32] : memref<40x128xi32, #tpu.memory_space<vmem>> -> memref<1x128xi32, #tpu.memory_space<vmem>>
      %dma_start3A_34 = tpu.memref_squeeze %dma_start3A_33 : memref<1x128xi32, #tpu.memory_space<vmem>> -> memref<128xi32, #tpu.memory_space<vmem>>
      %dma_start3A_35 = arith.constant 0 : i32
      %dma_start3A_36 = arith.constant 0 : i32
      %dma_start3A_37 = tpu.memref_slice %arg3[%dma_start3A_35, %dma_start3A_36] : memref<10240x128xf32, #tpu.memory_space<hbm>> -> memref<10240x128xf32, #tpu.memory_space<hbm>>
      tpu.enqueue_indirect_dma source(%dma_start3A_37 : memref<10240x128xf32, #tpu.memory_space<hbm>>) target(%arg11 : memref<128x128xf32, #tpu.memory_space<vmem>>) offsets(%dma_start3A_34 : memref<128xi32, #tpu.memory_space<vmem>>) semaphore(%arg13 : memref<!tpu.dma_semaphore, #tpu.memory_space<semaphore_mem>>)
      %dma_start3A_38 = arith.constant 1 : i32
      %dma_start3A_39 = arith.constant 0 : i32
      %dma_start3A_40 = tpu.memref_slice %arg9[%dma_start3A_38, %dma_start3A_39] : memref<40x128xi32, #tpu.memory_space<vmem>> -> memref<1x128xi32, #tpu.memory_space<vmem>>
      %dma_start3A_41 = tpu.memref_squeeze %dma_start3A_40 : memref<1x128xi32, #tpu.memory_space<vmem>> -> memref<128xi32, #tpu.memory_space<vmem>>
      %dma_start3A_42 = arith.constant 0 : i32
      %dma_start3A_43 = arith.constant 0 : i32
      %dma_start3A_44 = tpu.memref_slice %arg3[%dma_start3A_42, %dma_start3A_43] : memref<10240x128xf32, #tpu.memory_space<hbm>> -> memref<10240x128xf32, #tpu.memory_space<hbm>>
      tpu.enqueue_indirect_dma source(%dma_start3A_44 : memref<10240x128xf32, #tpu.memory_space<hbm>>) target(%arg12 : memref<128x128xf32, #tpu.memory_space<vmem>>) offsets(%dma_start3A_41 : memref<128xi32, #tpu.memory_space<vmem>>) semaphore(%arg14 : memref<!tpu.dma_semaphore, #tpu.memory_space<semaphore_mem>>)
      %scan3A_45 = arith.constant 0 : i32
      %scan3A_46 = arith.constant 19 : i32
      %scan3A_47 = arith.addi %scan3A_45, %scan3A_46 : i32
      %scan3A_48 = arith.constant 1 : i32
      scf.for %scan3A_99 = %scan3A_45 to %scan3A_47 step %scan3A_48  : i32 {
        %mul3A_100 = arith.constant 2 : i32
        %mul3A_101 = arith.muli %scan3A_99, %mul3A_100 : i32
        %add3A_102 = arith.constant 0 : i32
        %add3A_103 = arith.addi %add3A_102, %mul3A_101 : i32
        %dma_wait3A_104 = arith.constant 0 : i32
        %dma_wait3A_105 = arith.constant 0 : i32
        %dma_wait3A_106 = tpu.memref_slice %arg3[%dma_wait3A_104, %dma_wait3A_105] : memref<10240x128xf32, #tpu.memory_space<hbm>> -> memref<128x128xf32, #tpu.memory_space<hbm>>
        %dma_wait3A_107 = arith.constant 0 : i32
        %dma_wait3A_108 = arith.constant 0 : i32
        %dma_wait3A_109 = tpu.memref_slice %arg3[%dma_wait3A_107, %dma_wait3A_108] : memref<10240x128xf32, #tpu.memory_space<hbm>> -> memref<128x128xf32, #tpu.memory_space<hbm>>
        tpu.wait_dma2 semaphore(%arg13 : memref<!tpu.dma_semaphore, #tpu.memory_space<semaphore_mem>>) src(%dma_wait3A_109 : memref<128x128xf32, #tpu.memory_space<hbm>>) dst(%arg11 : memref<128x128xf32, #tpu.memory_space<vmem>>)
        %dma_start3A_110 = arith.constant 0 : i32
        %dma_start3A_111 = tpu.memref_slice %arg10[%add3A_103, %dma_start3A_110] : memref<40x128xi32, #tpu.memory_space<vmem>> -> memref<1x128xi32, #tpu.memory_space<vmem>>
        %dma_start3A_112 = tpu.memref_squeeze %dma_start3A_111 : memref<1x128xi32, #tpu.memory_space<vmem>> -> memref<128xi32, #tpu.memory_space<vmem>>
        %dma_start3A_113 = arith.constant 0 : i32
        %dma_start3A_114 = arith.constant 0 : i32
        %dma_start3A_115 = tpu.memref_slice %arg8[%dma_start3A_113, %dma_start3A_114] : memref<10240x128xf32, #tpu.memory_space<vmem_shared>> -> memref<10240x128xf32, #tpu.memory_space<vmem_shared>>
        tpu.enqueue_indirect_dma source(%arg11 : memref<128x128xf32, #tpu.memory_space<vmem>>) target(%dma_start3A_115 : memref<10240x128xf32, #tpu.memory_space<vmem_shared>>) offsets(%dma_start3A_112 : memref<128xi32, #tpu.memory_space<vmem>>) semaphore(%arg15 : memref<!tpu.dma_semaphore, #tpu.memory_space<semaphore_mem>>) {add = true}
        %dma_wait3A_116 = arith.constant 0 : i32
        %dma_wait3A_117 = arith.constant 0 : i32
        %dma_wait3A_118 = tpu.memref_slice %arg3[%dma_wait3A_116, %dma_wait3A_117] : memref<10240x128xf32, #tpu.memory_space<hbm>> -> memref<128x128xf32, #tpu.memory_space<hbm>>
        %dma_wait3A_119 = arith.constant 0 : i32
        %dma_wait3A_120 = arith.constant 0 : i32
        %dma_wait3A_121 = tpu.memref_slice %arg3[%dma_wait3A_119, %dma_wait3A_120] : memref<10240x128xf32, #tpu.memory_space<hbm>> -> memref<128x128xf32, #tpu.memory_space<hbm>>
        tpu.wait_dma2 semaphore(%arg14 : memref<!tpu.dma_semaphore, #tpu.memory_space<semaphore_mem>>) src(%dma_wait3A_121 : memref<128x128xf32, #tpu.memory_space<hbm>>) dst(%arg12 : memref<128x128xf32, #tpu.memory_space<vmem>>)
        %add3A_122 = arith.constant 1 : i32
        %add3A_123 = arith.addi %add3A_103, %add3A_122 : i32
        %dma_start3A_124 = arith.constant 0 : i32
        %dma_start3A_125 = tpu.memref_slice %arg10[%add3A_123, %dma_start3A_124] : memref<40x128xi32, #tpu.memory_space<vmem>> -> memref<1x128xi32, #tpu.memory_space<vmem>>
        %dma_start3A_126 = tpu.memref_squeeze %dma_start3A_125 : memref<1x128xi32, #tpu.memory_space<vmem>> -> memref<128xi32, #tpu.memory_space<vmem>>
        %dma_start3A_127 = arith.constant 0 : i32
        %dma_start3A_128 = arith.constant 0 : i32
        %dma_start3A_129 = tpu.memref_slice %arg8[%dma_start3A_127, %dma_start3A_128] : memref<10240x128xf32, #tpu.memory_space<vmem_shared>> -> memref<10240x128xf32, #tpu.memory_space<vmem_shared>>
        tpu.enqueue_indirect_dma source(%arg12 : memref<128x128xf32, #tpu.memory_space<vmem>>) target(%dma_start3A_129 : memref<10240x128xf32, #tpu.memory_space<vmem_shared>>) offsets(%dma_start3A_126 : memref<128xi32, #tpu.memory_space<vmem>>) semaphore(%arg16 : memref<!tpu.dma_semaphore, #tpu.memory_space<semaphore_mem>>) {add = true}
        %dma_wait3A_130 = arith.constant 0 : i32
        %dma_wait3A_131 = tpu.memref_slice %arg10[%add3A_103, %dma_wait3A_130] : memref<40x128xi32, #tpu.memory_space<vmem>> -> memref<1x128xi32, #tpu.memory_space<vmem>>
        %dma_wait3A_132 = tpu.memref_squeeze %dma_wait3A_131 : memref<1x128xi32, #tpu.memory_space<vmem>> -> memref<128xi32, #tpu.memory_space<vmem>>
        %dma_wait3A_133 = arith.constant 0 : i32
        %dma_wait3A_134 = arith.constant 0 : i32
        %dma_wait3A_135 = tpu.memref_slice %arg8[%dma_wait3A_133, %dma_wait3A_134] : memref<10240x128xf32, #tpu.memory_space<vmem_shared>> -> memref<10240x128xf32, #tpu.memory_space<vmem_shared>>
        tpu.wait_indirect_dma semaphore(%arg15 : memref<!tpu.dma_semaphore, #tpu.memory_space<semaphore_mem>>) src(%arg11 : memref<128x128xf32, #tpu.memory_space<vmem>>) dst(%dma_wait3A_135 : memref<10240x128xf32, #tpu.memory_space<vmem_shared>>)
        %add3A_136 = arith.constant 2 : i32
        %add3A_137 = arith.addi %add3A_103, %add3A_136 : i32
        %dma_start3A_138 = arith.constant 0 : i32
        %dma_start3A_139 = tpu.memref_slice %arg9[%add3A_137, %dma_start3A_138] : memref<40x128xi32, #tpu.memory_space<vmem>> -> memref<1x128xi32, #tpu.memory_space<vmem>>
        %dma_start3A_140 = tpu.memref_squeeze %dma_start3A_139 : memref<1x128xi32, #tpu.memory_space<vmem>> -> memref<128xi32, #tpu.memory_space<vmem>>
        %dma_start3A_141 = arith.constant 0 : i32
        %dma_start3A_142 = arith.constant 0 : i32
        %dma_start3A_143 = tpu.memref_slice %arg3[%dma_start3A_141, %dma_start3A_142] : memref<10240x128xf32, #tpu.memory_space<hbm>> -> memref<10240x128xf32, #tpu.memory_space<hbm>>
        tpu.enqueue_indirect_dma source(%dma_start3A_143 : memref<10240x128xf32, #tpu.memory_space<hbm>>) target(%arg11 : memref<128x128xf32, #tpu.memory_space<vmem>>) offsets(%dma_start3A_140 : memref<128xi32, #tpu.memory_space<vmem>>) semaphore(%arg13 : memref<!tpu.dma_semaphore, #tpu.memory_space<semaphore_mem>>)
        %dma_wait3A_144 = arith.constant 0 : i32
        %dma_wait3A_145 = tpu.memref_slice %arg10[%add3A_123, %dma_wait3A_144] : memref<40x128xi32, #tpu.memory_space<vmem>> -> memref<1x128xi32, #tpu.memory_space<vmem>>
        %dma_wait3A_146 = tpu.memref_squeeze %dma_wait3A_145 : memref<1x128xi32, #tpu.memory_space<vmem>> -> memref<128xi32, #tpu.memory_space<vmem>>
        %dma_wait3A_147 = arith.constant 0 : i32
        %dma_wait3A_148 = arith.constant 0 : i32
        %dma_wait3A_149 = tpu.memref_slice %arg8[%dma_wait3A_147, %dma_wait3A_148] : memref<10240x128xf32, #tpu.memory_space<vmem_shared>> -> memref<10240x128xf32, #tpu.memory_space<vmem_shared>>
        tpu.wait_indirect_dma semaphore(%arg16 : memref<!tpu.dma_semaphore, #tpu.memory_space<semaphore_mem>>) src(%arg12 : memref<128x128xf32, #tpu.memory_space<vmem>>) dst(%dma_wait3A_149 : memref<10240x128xf32, #tpu.memory_space<vmem_shared>>)
        %add3A_150 = arith.constant 3 : i32
        %add3A_151 = arith.addi %add3A_103, %add3A_150 : i32
        %dma_start3A_152 = arith.constant 0 : i32
        %dma_start3A_153 = tpu.memref_slice %arg9[%add3A_151, %dma_start3A_152] : memref<40x128xi32, #tpu.memory_space<vmem>> -> memref<1x128xi32, #tpu.memory_space<vmem>>
        %dma_start3A_154 = tpu.memref_squeeze %dma_start3A_153 : memref<1x128xi32, #tpu.memory_space<vmem>> -> memref<128xi32, #tpu.memory_space<vmem>>
        %dma_start3A_155 = arith.constant 0 : i32
        %dma_start3A_156 = arith.constant 0 : i32
        %dma_start3A_157 = tpu.memref_slice %arg3[%dma_start3A_155, %dma_start3A_156] : memref<10240x128xf32, #tpu.memory_space<hbm>> -> memref<10240x128xf32, #tpu.memory_space<hbm>>
        tpu.enqueue_indirect_dma source(%dma_start3A_157 : memref<10240x128xf32, #tpu.memory_space<hbm>>) target(%arg12 : memref<128x128xf32, #tpu.memory_space<vmem>>) offsets(%dma_start3A_154 : memref<128xi32, #tpu.memory_space<vmem>>) semaphore(%arg14 : memref<!tpu.dma_semaphore, #tpu.memory_space<semaphore_mem>>)
      }
      %scan3A_49 = arith.constant 19 : i32
      %dma_wait3A = arith.constant 0 : i32
      %dma_wait3A_50 = arith.constant 0 : i32
      %dma_wait3A_51 = tpu.memref_slice %arg3[%dma_wait3A, %dma_wait3A_50] : memref<10240x128xf32, #tpu.memory_space<hbm>> -> memref<128x128xf32, #tpu.memory_space<hbm>>
      %dma_wait3A_52 = arith.constant 0 : i32
      %dma_wait3A_53 = arith.constant 0 : i32
      %dma_wait3A_54 = tpu.memref_slice %arg3[%dma_wait3A_52, %dma_wait3A_53] : memref<10240x128xf32, #tpu.memory_space<hbm>> -> memref<128x128xf32, #tpu.memory_space<hbm>>
      tpu.wait_dma2 semaphore(%arg13 : memref<!tpu.dma_semaphore, #tpu.memory_space<semaphore_mem>>) src(%dma_wait3A_54 : memref<128x128xf32, #tpu.memory_space<hbm>>) dst(%arg11 : memref<128x128xf32, #tpu.memory_space<vmem>>)
      %run_scoped3A = arith.constant 38 : i32
      "tpu.region"() ({
        %run_scoped3A_99 = tpu.sem_alloc : memref<!tpu.dma_semaphore, #tpu.memory_space<semaphore_mem>>
        %dma_start3A_100 = arith.constant 0 : i32
        %dma_start3A_101 = tpu.memref_slice %arg10[%run_scoped3A, %dma_start3A_100] : memref<40x128xi32, #tpu.memory_space<vmem>> -> memref<1x128xi32, #tpu.memory_space<vmem>>
        %dma_start3A_102 = tpu.memref_squeeze %dma_start3A_101 : memref<1x128xi32, #tpu.memory_space<vmem>> -> memref<128xi32, #tpu.memory_space<vmem>>
        %dma_start3A_103 = arith.constant 0 : i32
        %dma_start3A_104 = arith.constant 0 : i32
        %dma_start3A_105 = tpu.memref_slice %arg8[%dma_start3A_103, %dma_start3A_104] : memref<10240x128xf32, #tpu.memory_space<vmem_shared>> -> memref<10240x128xf32, #tpu.memory_space<vmem_shared>>
        tpu.enqueue_indirect_dma source(%arg11 : memref<128x128xf32, #tpu.memory_space<vmem>>) target(%dma_start3A_105 : memref<10240x128xf32, #tpu.memory_space<vmem_shared>>) offsets(%dma_start3A_102 : memref<128xi32, #tpu.memory_space<vmem>>) semaphore(%run_scoped3A_99 : memref<!tpu.dma_semaphore, #tpu.memory_space<semaphore_mem>>) {add = true}
        %dma_wait3A_106 = arith.constant 0 : i32
        %dma_wait3A_107 = tpu.memref_slice %arg10[%run_scoped3A, %dma_wait3A_106] : memref<40x128xi32, #tpu.memory_space<vmem>> -> memref<1x128xi32, #tpu.memory_space<vmem>>
        %dma_wait3A_108 = tpu.memref_squeeze %dma_wait3A_107 : memref<1x128xi32, #tpu.memory_space<vmem>> -> memref<128xi32, #tpu.memory_space<vmem>>
        %dma_wait3A_109 = arith.constant 0 : i32
        %dma_wait3A_110 = arith.constant 0 : i32
        %dma_wait3A_111 = tpu.memref_slice %arg8[%dma_wait3A_109, %dma_wait3A_110] : memref<10240x128xf32, #tpu.memory_space<vmem_shared>> -> memref<10240x128xf32, #tpu.memory_space<vmem_shared>>
        tpu.wait_indirect_dma semaphore(%run_scoped3A_99 : memref<!tpu.dma_semaphore, #tpu.memory_space<semaphore_mem>>) src(%arg11 : memref<128x128xf32, #tpu.memory_space<vmem>>) dst(%dma_wait3A_111 : memref<10240x128xf32, #tpu.memory_space<vmem_shared>>)
        tpu.yield
      }) : () -> ()
      %dma_wait3A_55 = arith.constant 0 : i32
      %dma_wait3A_56 = arith.constant 0 : i32
      %dma_wait3A_57 = tpu.memref_slice %arg3[%dma_wait3A_55, %dma_wait3A_56] : memref<10240x128xf32, #tpu.memory_space<hbm>> -> memref<128x128xf32, #tpu.memory_space<hbm>>
      %dma_wait3A_58 = arith.constant 0 : i32
      %dma_wait3A_59 = arith.constant 0 : i32
      %dma_wait3A_60 = tpu.memref_slice %arg3[%dma_wait3A_58, %dma_wait3A_59] : memref<10240x128xf32, #tpu.memory_space<hbm>> -> memref<128x128xf32, #tpu.memory_space<hbm>>
      tpu.wait_dma2 semaphore(%arg14 : memref<!tpu.dma_semaphore, #tpu.memory_space<semaphore_mem>>) src(%dma_wait3A_60 : memref<128x128xf32, #tpu.memory_space<hbm>>) dst(%arg12 : memref<128x128xf32, #tpu.memory_space<vmem>>)
      %run_scoped3A_61 = arith.constant 39 : i32
      "tpu.region"() ({
        %run_scoped3A_99 = tpu.sem_alloc : memref<!tpu.dma_semaphore, #tpu.memory_space<semaphore_mem>>
        %dma_start3A_100 = arith.constant 0 : i32
        %dma_start3A_101 = tpu.memref_slice %arg10[%run_scoped3A_61, %dma_start3A_100] : memref<40x128xi32, #tpu.memory_space<vmem>> -> memref<1x128xi32, #tpu.memory_space<vmem>>
        %dma_start3A_102 = tpu.memref_squeeze %dma_start3A_101 : memref<1x128xi32, #tpu.memory_space<vmem>> -> memref<128xi32, #tpu.memory_space<vmem>>
        %dma_start3A_103 = arith.constant 0 : i32
        %dma_start3A_104 = arith.constant 0 : i32
        %dma_start3A_105 = tpu.memref_slice %arg8[%dma_start3A_103, %dma_start3A_104] : memref<10240x128xf32, #tpu.memory_space<vmem_shared>> -> memref<10240x128xf32, #tpu.memory_space<vmem_shared>>
        tpu.enqueue_indirect_dma source(%arg12 : memref<128x128xf32, #tpu.memory_space<vmem>>) target(%dma_start3A_105 : memref<10240x128xf32, #tpu.memory_space<vmem_shared>>) offsets(%dma_start3A_102 : memref<128xi32, #tpu.memory_space<vmem>>) semaphore(%run_scoped3A_99 : memref<!tpu.dma_semaphore, #tpu.memory_space<semaphore_mem>>) {add = true}
        %dma_wait3A_106 = arith.constant 0 : i32
        %dma_wait3A_107 = tpu.memref_slice %arg10[%run_scoped3A_61, %dma_wait3A_106] : memref<40x128xi32, #tpu.memory_space<vmem>> -> memref<1x128xi32, #tpu.memory_space<vmem>>
        %dma_wait3A_108 = tpu.memref_squeeze %dma_wait3A_107 : memref<1x128xi32, #tpu.memory_space<vmem>> -> memref<128xi32, #tpu.memory_space<vmem>>
        %dma_wait3A_109 = arith.constant 0 : i32
        %dma_wait3A_110 = arith.constant 0 : i32
        %dma_wait3A_111 = tpu.memref_slice %arg8[%dma_wait3A_109, %dma_wait3A_110] : memref<10240x128xf32, #tpu.memory_space<vmem_shared>> -> memref<10240x128xf32, #tpu.memory_space<vmem_shared>>
        tpu.wait_indirect_dma semaphore(%run_scoped3A_99 : memref<!tpu.dma_semaphore, #tpu.memory_space<semaphore_mem>>) src(%arg12 : memref<128x128xf32, #tpu.memory_space<vmem>>) dst(%dma_wait3A_111 : memref<10240x128xf32, #tpu.memory_space<vmem_shared>>)
        tpu.yield
      }) : () -> ()
      %mul3A_62 = arith.constant 80 : i32
      %mul3A_63 = arith.muli %arg1, %mul3A_62 : i32
      %add3A_64 = arith.constant 40 : i32
      %add3A_65 = arith.addi %mul3A_63, %add3A_64 : i32
      "tpu.region"() ({
        %run_scoped3A_99 = tpu.sem_alloc : memref<!tpu.dma_semaphore, #tpu.memory_space<semaphore_mem>>
        %dma_start3A_100 = arith.constant 0 : i32
        %dma_start3A_101 = tpu.memref_slice %arg4[%add3A_65, %dma_start3A_100] : memref<1280x128xi32, #tpu.memory_space<hbm>> -> memref<40x128xi32, #tpu.memory_space<hbm>>
        %dma_start3A_102 = arith.constant 0 : i32
        %dma_start3A_103 = tpu.memref_slice %arg4[%add3A_65, %dma_start3A_102] : memref<1280x128xi32, #tpu.memory_space<hbm>> -> memref<40x128xi32, #tpu.memory_space<hbm>>
        tpu.enqueue_dma source(%dma_start3A_103 : memref<40x128xi32, #tpu.memory_space<hbm>>) target(%arg9 : memref<40x128xi32, #tpu.memory_space<vmem>>) target_semaphore(%run_scoped3A_99 : memref<!tpu.dma_semaphore, #tpu.memory_space<semaphore_mem>>)
        %dma_wait3A_104 = arith.constant 0 : i32
        %dma_wait3A_105 = tpu.memref_slice %arg4[%add3A_65, %dma_wait3A_104] : memref<1280x128xi32, #tpu.memory_space<hbm>> -> memref<40x128xi32, #tpu.memory_space<hbm>>
        %dma_wait3A_106 = arith.constant 0 : i32
        %dma_wait3A_107 = tpu.memref_slice %arg4[%add3A_65, %dma_wait3A_106] : memref<1280x128xi32, #tpu.memory_space<hbm>> -> memref<40x128xi32, #tpu.memory_space<hbm>>
        tpu.wait_dma2 semaphore(%run_scoped3A_99 : memref<!tpu.dma_semaphore, #tpu.memory_space<semaphore_mem>>) src(%dma_wait3A_107 : memref<40x128xi32, #tpu.memory_space<hbm>>) dst(%arg9 : memref<40x128xi32, #tpu.memory_space<vmem>>)
        tpu.yield
      }) : () -> ()
      "tpu.region"() ({
        %run_scoped3A_99 = tpu.sem_alloc : memref<!tpu.dma_semaphore, #tpu.memory_space<semaphore_mem>>
        %dma_start3A_100 = arith.constant 0 : i32
        %dma_start3A_101 = tpu.memref_slice %arg5[%add3A_65, %dma_start3A_100] : memref<1280x128xi32, #tpu.memory_space<hbm>> -> memref<40x128xi32, #tpu.memory_space<hbm>>
        %dma_start3A_102 = arith.constant 0 : i32
        %dma_start3A_103 = tpu.memref_slice %arg5[%add3A_65, %dma_start3A_102] : memref<1280x128xi32, #tpu.memory_space<hbm>> -> memref<40x128xi32, #tpu.memory_space<hbm>>
        tpu.enqueue_dma source(%dma_start3A_103 : memref<40x128xi32, #tpu.memory_space<hbm>>) target(%arg10 : memref<40x128xi32, #tpu.memory_space<vmem>>) target_semaphore(%run_scoped3A_99 : memref<!tpu.dma_semaphore, #tpu.memory_space<semaphore_mem>>)
        %dma_wait3A_104 = arith.constant 0 : i32
        %dma_wait3A_105 = tpu.memref_slice %arg5[%add3A_65, %dma_wait3A_104] : memref<1280x128xi32, #tpu.memory_space<hbm>> -> memref<40x128xi32, #tpu.memory_space<hbm>>
        %dma_wait3A_106 = arith.constant 0 : i32
        %dma_wait3A_107 = tpu.memref_slice %arg5[%add3A_65, %dma_wait3A_106] : memref<1280x128xi32, #tpu.memory_space<hbm>> -> memref<40x128xi32, #tpu.memory_space<hbm>>
        tpu.wait_dma2 semaphore(%run_scoped3A_99 : memref<!tpu.dma_semaphore, #tpu.memory_space<semaphore_mem>>) src(%dma_wait3A_107 : memref<40x128xi32, #tpu.memory_space<hbm>>) dst(%arg10 : memref<40x128xi32, #tpu.memory_space<vmem>>)
        tpu.yield
      }) : () -> ()
      %dma_start3A_66 = arith.constant 0 : i32
      %dma_start3A_67 = arith.constant 0 : i32
      %dma_start3A_68 = tpu.memref_slice %arg9[%dma_start3A_66, %dma_start3A_67] : memref<40x128xi32, #tpu.memory_space<vmem>> -> memref<1x128xi32, #tpu.memory_space<vmem>>
      %dma_start3A_69 = tpu.memref_squeeze %dma_start3A_68 : memref<1x128xi32, #tpu.memory_space<vmem>> -> memref<128xi32, #tpu.memory_space<vmem>>
      %dma_start3A_70 = arith.constant 0 : i32
      %dma_start3A_71 = arith.constant 0 : i32
      %dma_start3A_72 = tpu.memref_slice %arg3[%dma_start3A_70, %dma_start3A_71] : memref<10240x128xf32, #tpu.memory_space<hbm>> -> memref<10240x128xf32, #tpu.memory_space<hbm>>
      tpu.enqueue_indirect_dma source(%dma_start3A_72 : memref<10240x128xf32, #tpu.memory_space<hbm>>) target(%arg11 : memref<128x128xf32, #tpu.memory_space<vmem>>) offsets(%dma_start3A_69 : memref<128xi32, #tpu.memory_space<vmem>>) semaphore(%arg13 : memref<!tpu.dma_semaphore, #tpu.memory_space<semaphore_mem>>)
      %dma_start3A_73 = arith.constant 1 : i32
      %dma_start3A_74 = arith.constant 0 : i32
      %dma_start3A_75 = tpu.memref_slice %arg9[%dma_start3A_73, %dma_start3A_74] : memref<40x128xi32, #tpu.memory_space<vmem>> -> memref<1x128xi32, #tpu.memory_space<vmem>>
      %dma_start3A_76 = tpu.memref_squeeze %dma_start3A_75 : memref<1x128xi32, #tpu.memory_space<vmem>> -> memref<128xi32, #tpu.memory_space<vmem>>
      %dma_start3A_77 = arith.constant 0 : i32
      %dma_start3A_78 = arith.constant 0 : i32
      %dma_start3A_79 = tpu.memref_slice %arg3[%dma_start3A_77, %dma_start3A_78] : memref<10240x128xf32, #tpu.memory_space<hbm>> -> memref<10240x128xf32, #tpu.memory_space<hbm>>
      tpu.enqueue_indirect_dma source(%dma_start3A_79 : memref<10240x128xf32, #tpu.memory_space<hbm>>) target(%arg12 : memref<128x128xf32, #tpu.memory_space<vmem>>) offsets(%dma_start3A_76 : memref<128xi32, #tpu.memory_space<vmem>>) semaphore(%arg14 : memref<!tpu.dma_semaphore, #tpu.memory_space<semaphore_mem>>)
      %scan3A_80 = arith.constant 0 : i32
      %scan3A_81 = arith.constant 19 : i32
      %scan3A_82 = arith.addi %scan3A_80, %scan3A_81 : i32
      %scan3A_83 = arith.constant 1 : i32
      scf.for %scan3A_99 = %scan3A_80 to %scan3A_82 step %scan3A_83  : i32 {
        %mul3A_100 = arith.constant 2 : i32
        %mul3A_101 = arith.muli %scan3A_99, %mul3A_100 : i32
        %add3A_102 = arith.constant 0 : i32
        %add3A_103 = arith.addi %add3A_102, %mul3A_101 : i32
        %dma_wait3A_104 = arith.constant 0 : i32
        %dma_wait3A_105 = arith.constant 0 : i32
        %dma_wait3A_106 = tpu.memref_slice %arg3[%dma_wait3A_104, %dma_wait3A_105] : memref<10240x128xf32, #tpu.memory_space<hbm>> -> memref<128x128xf32, #tpu.memory_space<hbm>>
        %dma_wait3A_107 = arith.constant 0 : i32
        %dma_wait3A_108 = arith.constant 0 : i32
        %dma_wait3A_109 = tpu.memref_slice %arg3[%dma_wait3A_107, %dma_wait3A_108] : memref<10240x128xf32, #tpu.memory_space<hbm>> -> memref<128x128xf32, #tpu.memory_space<hbm>>
        tpu.wait_dma2 semaphore(%arg13 : memref<!tpu.dma_semaphore, #tpu.memory_space<semaphore_mem>>) src(%dma_wait3A_109 : memref<128x128xf32, #tpu.memory_space<hbm>>) dst(%arg11 : memref<128x128xf32, #tpu.memory_space<vmem>>)
        %dma_start3A_110 = arith.constant 0 : i32
        %dma_start3A_111 = tpu.memref_slice %arg10[%add3A_103, %dma_start3A_110] : memref<40x128xi32, #tpu.memory_space<vmem>> -> memref<1x128xi32, #tpu.memory_space<vmem>>
        %dma_start3A_112 = tpu.memref_squeeze %dma_start3A_111 : memref<1x128xi32, #tpu.memory_space<vmem>> -> memref<128xi32, #tpu.memory_space<vmem>>
        %dma_start3A_113 = arith.constant 0 : i32
        %dma_start3A_114 = arith.constant 0 : i32
        %dma_start3A_115 = tpu.memref_slice %arg8[%dma_start3A_113, %dma_start3A_114] : memref<10240x128xf32, #tpu.memory_space<vmem_shared>> -> memref<10240x128xf32, #tpu.memory_space<vmem_shared>>
        tpu.enqueue_indirect_dma source(%arg11 : memref<128x128xf32, #tpu.memory_space<vmem>>) target(%dma_start3A_115 : memref<10240x128xf32, #tpu.memory_space<vmem_shared>>) offsets(%dma_start3A_112 : memref<128xi32, #tpu.memory_space<vmem>>) semaphore(%arg15 : memref<!tpu.dma_semaphore, #tpu.memory_space<semaphore_mem>>) {add = true}
        %dma_wait3A_116 = arith.constant 0 : i32
        %dma_wait3A_117 = arith.constant 0 : i32
        %dma_wait3A_118 = tpu.memref_slice %arg3[%dma_wait3A_116, %dma_wait3A_117] : memref<10240x128xf32, #tpu.memory_space<hbm>> -> memref<128x128xf32, #tpu.memory_space<hbm>>
        %dma_wait3A_119 = arith.constant 0 : i32
        %dma_wait3A_120 = arith.constant 0 : i32
        %dma_wait3A_121 = tpu.memref_slice %arg3[%dma_wait3A_119, %dma_wait3A_120] : memref<10240x128xf32, #tpu.memory_space<hbm>> -> memref<128x128xf32, #tpu.memory_space<hbm>>
        tpu.wait_dma2 semaphore(%arg14 : memref<!tpu.dma_semaphore, #tpu.memory_space<semaphore_mem>>) src(%dma_wait3A_121 : memref<128x128xf32, #tpu.memory_space<hbm>>) dst(%arg12 : memref<128x128xf32, #tpu.memory_space<vmem>>)
        %add3A_122 = arith.constant 1 : i32
        %add3A_123 = arith.addi %add3A_103, %add3A_122 : i32
        %dma_start3A_124 = arith.constant 0 : i32
        %dma_start3A_125 = tpu.memref_slice %arg10[%add3A_123, %dma_start3A_124] : memref<40x128xi32, #tpu.memory_space<vmem>> -> memref<1x128xi32, #tpu.memory_space<vmem>>
        %dma_start3A_126 = tpu.memref_squeeze %dma_start3A_125 : memref<1x128xi32, #tpu.memory_space<vmem>> -> memref<128xi32, #tpu.memory_space<vmem>>
        %dma_start3A_127 = arith.constant 0 : i32
        %dma_start3A_128 = arith.constant 0 : i32
        %dma_start3A_129 = tpu.memref_slice %arg8[%dma_start3A_127, %dma_start3A_128] : memref<10240x128xf32, #tpu.memory_space<vmem_shared>> -> memref<10240x128xf32, #tpu.memory_space<vmem_shared>>
        tpu.enqueue_indirect_dma source(%arg12 : memref<128x128xf32, #tpu.memory_space<vmem>>) target(%dma_start3A_129 : memref<10240x128xf32, #tpu.memory_space<vmem_shared>>) offsets(%dma_start3A_126 : memref<128xi32, #tpu.memory_space<vmem>>) semaphore(%arg16 : memref<!tpu.dma_semaphore, #tpu.memory_space<semaphore_mem>>) {add = true}
        %dma_wait3A_130 = arith.constant 0 : i32
        %dma_wait3A_131 = tpu.memref_slice %arg10[%add3A_103, %dma_wait3A_130] : memref<40x128xi32, #tpu.memory_space<vmem>> -> memref<1x128xi32, #tpu.memory_space<vmem>>
        %dma_wait3A_132 = tpu.memref_squeeze %dma_wait3A_131 : memref<1x128xi32, #tpu.memory_space<vmem>> -> memref<128xi32, #tpu.memory_space<vmem>>
        %dma_wait3A_133 = arith.constant 0 : i32
        %dma_wait3A_134 = arith.constant 0 : i32
        %dma_wait3A_135 = tpu.memref_slice %arg8[%dma_wait3A_133, %dma_wait3A_134] : memref<10240x128xf32, #tpu.memory_space<vmem_shared>> -> memref<10240x128xf32, #tpu.memory_space<vmem_shared>>
        tpu.wait_indirect_dma semaphore(%arg15 : memref<!tpu.dma_semaphore, #tpu.memory_space<semaphore_mem>>) src(%arg11 : memref<128x128xf32, #tpu.memory_space<vmem>>) dst(%dma_wait3A_135 : memref<10240x128xf32, #tpu.memory_space<vmem_shared>>)
        %add3A_136 = arith.constant 2 : i32
        %add3A_137 = arith.addi %add3A_103, %add3A_136 : i32
        %dma_start3A_138 = arith.constant 0 : i32
        %dma_start3A_139 = tpu.memref_slice %arg9[%add3A_137, %dma_start3A_138] : memref<40x128xi32, #tpu.memory_space<vmem>> -> memref<1x128xi32, #tpu.memory_space<vmem>>
        %dma_start3A_140 = tpu.memref_squeeze %dma_start3A_139 : memref<1x128xi32, #tpu.memory_space<vmem>> -> memref<128xi32, #tpu.memory_space<vmem>>
        %dma_start3A_141 = arith.constant 0 : i32
        %dma_start3A_142 = arith.constant 0 : i32
        %dma_start3A_143 = tpu.memref_slice %arg3[%dma_start3A_141, %dma_start3A_142] : memref<10240x128xf32, #tpu.memory_space<hbm>> -> memref<10240x128xf32, #tpu.memory_space<hbm>>
        tpu.enqueue_indirect_dma source(%dma_start3A_143 : memref<10240x128xf32, #tpu.memory_space<hbm>>) target(%arg11 : memref<128x128xf32, #tpu.memory_space<vmem>>) offsets(%dma_start3A_140 : memref<128xi32, #tpu.memory_space<vmem>>) semaphore(%arg13 : memref<!tpu.dma_semaphore, #tpu.memory_space<semaphore_mem>>)
        %dma_wait3A_144 = arith.constant 0 : i32
        %dma_wait3A_145 = tpu.memref_slice %arg10[%add3A_123, %dma_wait3A_144] : memref<40x128xi32, #tpu.memory_space<vmem>> -> memref<1x128xi32, #tpu.memory_space<vmem>>
        %dma_wait3A_146 = tpu.memref_squeeze %dma_wait3A_145 : memref<1x128xi32, #tpu.memory_space<vmem>> -> memref<128xi32, #tpu.memory_space<vmem>>
        %dma_wait3A_147 = arith.constant 0 : i32
        %dma_wait3A_148 = arith.constant 0 : i32
        %dma_wait3A_149 = tpu.memref_slice %arg8[%dma_wait3A_147, %dma_wait3A_148] : memref<10240x128xf32, #tpu.memory_space<vmem_shared>> -> memref<10240x128xf32, #tpu.memory_space<vmem_shared>>
        tpu.wait_indirect_dma semaphore(%arg16 : memref<!tpu.dma_semaphore, #tpu.memory_space<semaphore_mem>>) src(%arg12 : memref<128x128xf32, #tpu.memory_space<vmem>>) dst(%dma_wait3A_149 : memref<10240x128xf32, #tpu.memory_space<vmem_shared>>)
        %add3A_150 = arith.constant 3 : i32
        %add3A_151 = arith.addi %add3A_103, %add3A_150 : i32
        %dma_start3A_152 = arith.constant 0 : i32
        %dma_start3A_153 = tpu.memref_slice %arg9[%add3A_151, %dma_start3A_152] : memref<40x128xi32, #tpu.memory_space<vmem>> -> memref<1x128xi32, #tpu.memory_space<vmem>>
        %dma_start3A_154 = tpu.memref_squeeze %dma_start3A_153 : memref<1x128xi32, #tpu.memory_space<vmem>> -> memref<128xi32, #tpu.memory_space<vmem>>
        %dma_start3A_155 = arith.constant 0 : i32
        %dma_start3A_156 = arith.constant 0 : i32
        %dma_start3A_157 = tpu.memref_slice %arg3[%dma_start3A_155, %dma_start3A_156] : memref<10240x128xf32, #tpu.memory_space<hbm>> -> memref<10240x128xf32, #tpu.memory_space<hbm>>
        tpu.enqueue_indirect_dma source(%dma_start3A_157 : memref<10240x128xf32, #tpu.memory_space<hbm>>) target(%arg12 : memref<128x128xf32, #tpu.memory_space<vmem>>) offsets(%dma_start3A_154 : memref<128xi32, #tpu.memory_space<vmem>>) semaphore(%arg14 : memref<!tpu.dma_semaphore, #tpu.memory_space<semaphore_mem>>)
      }
      %scan3A_84 = arith.constant 19 : i32
      %dma_wait3A_85 = arith.constant 0 : i32
      %dma_wait3A_86 = arith.constant 0 : i32
      %dma_wait3A_87 = tpu.memref_slice %arg3[%dma_wait3A_85, %dma_wait3A_86] : memref<10240x128xf32, #tpu.memory_space<hbm>> -> memref<128x128xf32, #tpu.memory_space<hbm>>
      %dma_wait3A_88 = arith.constant 0 : i32
      %dma_wait3A_89 = arith.constant 0 : i32
      %dma_wait3A_90 = tpu.memref_slice %arg3[%dma_wait3A_88, %dma_wait3A_89] : memref<10240x128xf32, #tpu.memory_space<hbm>> -> memref<128x128xf32, #tpu.memory_space<hbm>>
      tpu.wait_dma2 semaphore(%arg13 : memref<!tpu.dma_semaphore, #tpu.memory_space<semaphore_mem>>) src(%dma_wait3A_90 : memref<128x128xf32, #tpu.memory_space<hbm>>) dst(%arg11 : memref<128x128xf32, #tpu.memory_space<vmem>>)
      %run_scoped3A_91 = arith.constant 38 : i32
      "tpu.region"() ({
        %run_scoped3A_99 = tpu.sem_alloc : memref<!tpu.dma_semaphore, #tpu.memory_space<semaphore_mem>>
        %dma_start3A_100 = arith.constant 0 : i32
        %dma_start3A_101 = tpu.memref_slice %arg10[%run_scoped3A_91, %dma_start3A_100] : memref<40x128xi32, #tpu.memory_space<vmem>> -> memref<1x128xi32, #tpu.memory_space<vmem>>
        %dma_start3A_102 = tpu.memref_squeeze %dma_start3A_101 : memref<1x128xi32, #tpu.memory_space<vmem>> -> memref<128xi32, #tpu.memory_space<vmem>>
        %dma_start3A_103 = arith.constant 0 : i32
        %dma_start3A_104 = arith.constant 0 : i32
        %dma_start3A_105 = tpu.memref_slice %arg8[%dma_start3A_103, %dma_start3A_104] : memref<10240x128xf32, #tpu.memory_space<vmem_shared>> -> memref<10240x128xf32, #tpu.memory_space<vmem_shared>>
        tpu.enqueue_indirect_dma source(%arg11 : memref<128x128xf32, #tpu.memory_space<vmem>>) target(%dma_start3A_105 : memref<10240x128xf32, #tpu.memory_space<vmem_shared>>) offsets(%dma_start3A_102 : memref<128xi32, #tpu.memory_space<vmem>>) semaphore(%run_scoped3A_99 : memref<!tpu.dma_semaphore, #tpu.memory_space<semaphore_mem>>) {add = true}
        %dma_wait3A_106 = arith.constant 0 : i32
        %dma_wait3A_107 = tpu.memref_slice %arg10[%run_scoped3A_91, %dma_wait3A_106] : memref<40x128xi32, #tpu.memory_space<vmem>> -> memref<1x128xi32, #tpu.memory_space<vmem>>
        %dma_wait3A_108 = tpu.memref_squeeze %dma_wait3A_107 : memref<1x128xi32, #tpu.memory_space<vmem>> -> memref<128xi32, #tpu.memory_space<vmem>>
        %dma_wait3A_109 = arith.constant 0 : i32
        %dma_wait3A_110 = arith.constant 0 : i32
        %dma_wait3A_111 = tpu.memref_slice %arg8[%dma_wait3A_109, %dma_wait3A_110] : memref<10240x128xf32, #tpu.memory_space<vmem_shared>> -> memref<10240x128xf32, #tpu.memory_space<vmem_shared>>
        tpu.wait_indirect_dma semaphore(%run_scoped3A_99 : memref<!tpu.dma_semaphore, #tpu.memory_space<semaphore_mem>>) src(%arg11 : memref<128x128xf32, #tpu.memory_space<vmem>>) dst(%dma_wait3A_111 : memref<10240x128xf32, #tpu.memory_space<vmem_shared>>)
        tpu.yield
      }) : () -> ()
      %dma_wait3A_92 = arith.constant 0 : i32
      %dma_wait3A_93 = arith.constant 0 : i32
      %dma_wait3A_94 = tpu.memref_slice %arg3[%dma_wait3A_92, %dma_wait3A_93] : memref<10240x128xf32, #tpu.memory_space<hbm>> -> memref<128x128xf32, #tpu.memory_space<hbm>>
      %dma_wait3A_95 = arith.constant 0 : i32
      %dma_wait3A_96 = arith.constant 0 : i32
      %dma_wait3A_97 = tpu.memref_slice %arg3[%dma_wait3A_95, %dma_wait3A_96] : memref<10240x128xf32, #tpu.memory_space<hbm>> -> memref<128x128xf32, #tpu.memory_space<hbm>>
      tpu.wait_dma2 semaphore(%arg14 : memref<!tpu.dma_semaphore, #tpu.memory_space<semaphore_mem>>) src(%dma_wait3A_97 : memref<128x128xf32, #tpu.memory_space<hbm>>) dst(%arg12 : memref<128x128xf32, #tpu.memory_space<vmem>>)
      %run_scoped3A_98 = arith.constant 39 : i32
      "tpu.region"() ({
        %run_scoped3A_99 = tpu.sem_alloc : memref<!tpu.dma_semaphore, #tpu.memory_space<semaphore_mem>>
        %dma_start3A_100 = arith.constant 0 : i32
        %dma_start3A_101 = tpu.memref_slice %arg10[%run_scoped3A_98, %dma_start3A_100] : memref<40x128xi32, #tpu.memory_space<vmem>> -> memref<1x128xi32, #tpu.memory_space<vmem>>
        %dma_start3A_102 = tpu.memref_squeeze %dma_start3A_101 : memref<1x128xi32, #tpu.memory_space<vmem>> -> memref<128xi32, #tpu.memory_space<vmem>>
        %dma_start3A_103 = arith.constant 0 : i32
        %dma_start3A_104 = arith.constant 0 : i32
        %dma_start3A_105 = tpu.memref_slice %arg8[%dma_start3A_103, %dma_start3A_104] : memref<10240x128xf32, #tpu.memory_space<vmem_shared>> -> memref<10240x128xf32, #tpu.memory_space<vmem_shared>>
        tpu.enqueue_indirect_dma source(%arg12 : memref<128x128xf32, #tpu.memory_space<vmem>>) target(%dma_start3A_105 : memref<10240x128xf32, #tpu.memory_space<vmem_shared>>) offsets(%dma_start3A_102 : memref<128xi32, #tpu.memory_space<vmem>>) semaphore(%run_scoped3A_99 : memref<!tpu.dma_semaphore, #tpu.memory_space<semaphore_mem>>) {add = true}
        %dma_wait3A_106 = arith.constant 0 : i32
        %dma_wait3A_107 = tpu.memref_slice %arg10[%run_scoped3A_98, %dma_wait3A_106] : memref<40x128xi32, #tpu.memory_space<vmem>> -> memref<1x128xi32, #tpu.memory_space<vmem>>
        %dma_wait3A_108 = tpu.memref_squeeze %dma_wait3A_107 : memref<1x128xi32, #tpu.memory_space<vmem>> -> memref<128xi32, #tpu.memory_space<vmem>>
        %dma_wait3A_109 = arith.constant 0 : i32
        %dma_wait3A_110 = arith.constant 0 : i32
        %dma_wait3A_111 = tpu.memref_slice %arg8[%dma_wait3A_109, %dma_wait3A_110] : memref<10240x128xf32, #tpu.memory_space<vmem_shared>> -> memref<10240x128xf32, #tpu.memory_space<vmem_shared>>
        tpu.wait_indirect_dma semaphore(%run_scoped3A_99 : memref<!tpu.dma_semaphore, #tpu.memory_space<semaphore_mem>>) src(%arg12 : memref<128x128xf32, #tpu.memory_space<vmem>>) dst(%dma_wait3A_111 : memref<10240x128xf32, #tpu.memory_space<vmem_shared>>)
        tpu.yield
      }) : () -> ()
    } else {
    }
    %barrier3A_17 = arith.constant 0 : index
    tpu.barrier barrier_id(%barrier3A_17)
    %mul3A = arith.constant 640 : i32
    %mul3A_18 = arith.muli %arg1, %mul3A : i32
    %eq3A_19 = arith.constant 0 : i32
    %eq3A_20 = arith.cmpi eq, %arg0, %eq3A_19 : i32
    %convert_element_type3A_21 = arith.extui %eq3A_20 : i1 to i32
    %cond3A_22 = arith.constant 0 : i32
    %cond3A_23 = arith.cmpi ne, %convert_element_type3A_21, %cond3A_22 : i32
    scf.if %cond3A_23 {
      "tpu.region"() ({
        %run_scoped3A = tpu.sem_alloc : memref<!tpu.dma_semaphore, #tpu.memory_space<semaphore_mem>>
        %dma_start3A = arith.constant 0 : i32
        %dma_start3A_29 = tpu.memref_slice %arg6[%mul3A_18, %dma_start3A] : memref<10240x128xf32, #tpu.memory_space<hbm>> -> memref<640x128xf32, #tpu.memory_space<hbm>>
        %dma_start3A_30 = arith.constant 0 : i32
        %dma_start3A_31 = tpu.memref_slice %arg8[%mul3A_18, %dma_start3A_30] : memref<10240x128xf32, #tpu.memory_space<vmem_shared>> -> memref<640x128xf32, #tpu.memory_space<vmem_shared>>
        tpu.enqueue_dma source(%dma_start3A_31 : memref<640x128xf32, #tpu.memory_space<vmem_shared>>) target(%dma_start3A_29 : memref<640x128xf32, #tpu.memory_space<hbm>>) target_semaphore(%run_scoped3A : memref<!tpu.dma_semaphore, #tpu.memory_space<semaphore_mem>>)
        %dma_wait3A = arith.constant 0 : i32
        %dma_wait3A_32 = tpu.memref_slice %arg6[%mul3A_18, %dma_wait3A] : memref<10240x128xf32, #tpu.memory_space<hbm>> -> memref<640x128xf32, #tpu.memory_space<hbm>>
        %dma_wait3A_33 = arith.constant 0 : i32
        %dma_wait3A_34 = tpu.memref_slice %arg8[%mul3A_18, %dma_wait3A_33] : memref<10240x128xf32, #tpu.memory_space<vmem_shared>> -> memref<640x128xf32, #tpu.memory_space<vmem_shared>>
        tpu.wait_dma2 semaphore(%run_scoped3A : memref<!tpu.dma_semaphore, #tpu.memory_space<semaphore_mem>>) src(%dma_wait3A_34 : memref<640x128xf32, #tpu.memory_space<vmem_shared>>) dst(%dma_wait3A_32 : memref<640x128xf32, #tpu.memory_space<hbm>>)
        tpu.yield
      }) : () -> ()
    } else {
    }
    %eq3A_24 = arith.constant 1 : i32
    %eq3A_25 = arith.cmpi eq, %arg0, %eq3A_24 : i32
    %convert_element_type3A_26 = arith.extui %eq3A_25 : i1 to i32
    %cond3A_27 = arith.constant 0 : i32
    %cond3A_28 = arith.cmpi ne, %convert_element_type3A_26, %cond3A_27 : i32
    scf.if %cond3A_28 {
      "tpu.region"() ({
        %run_scoped3A = tpu.sem_alloc : memref<!tpu.dma_semaphore, #tpu.memory_space<semaphore_mem>>
        %dma_start3A = arith.constant 0 : i32
        %dma_start3A_29 = tpu.memref_slice %arg7[%mul3A_18, %dma_start3A] : memref<10240x128xf32, #tpu.memory_space<hbm>> -> memref<640x128xf32, #tpu.memory_space<hbm>>
        %dma_start3A_30 = arith.constant 0 : i32
        %dma_start3A_31 = tpu.memref_slice %arg8[%mul3A_18, %dma_start3A_30] : memref<10240x128xf32, #tpu.memory_space<vmem_shared>> -> memref<640x128xf32, #tpu.memory_space<vmem_shared>>
        tpu.enqueue_dma source(%dma_start3A_31 : memref<640x128xf32, #tpu.memory_space<vmem_shared>>) target(%dma_start3A_29 : memref<640x128xf32, #tpu.memory_space<hbm>>) target_semaphore(%run_scoped3A : memref<!tpu.dma_semaphore, #tpu.memory_space<semaphore_mem>>)
        %dma_wait3A = arith.constant 0 : i32
        %dma_wait3A_32 = tpu.memref_slice %arg7[%mul3A_18, %dma_wait3A] : memref<10240x128xf32, #tpu.memory_space<hbm>> -> memref<640x128xf32, #tpu.memory_space<hbm>>
        %dma_wait3A_33 = arith.constant 0 : i32
        %dma_wait3A_34 = tpu.memref_slice %arg8[%mul3A_18, %dma_wait3A_33] : memref<10240x128xf32, #tpu.memory_space<vmem_shared>> -> memref<640x128xf32, #tpu.memory_space<vmem_shared>>
        tpu.wait_dma2 semaphore(%run_scoped3A : memref<!tpu.dma_semaphore, #tpu.memory_space<semaphore_mem>>) src(%dma_wait3A_34 : memref<640x128xf32, #tpu.memory_space<vmem_shared>>) dst(%dma_wait3A_32 : memref<640x128xf32, #tpu.memory_space<hbm>>)
        tpu.yield
      }) : () -> ()
    } else {
    }
    return
  }
}

#map = affine_map<(d0, d1) -> (0, 0)>
module attributes {stable_mosaic.version = 14 : i64} {
  func.func @deg(%arg0: i32, %arg1: i32, %arg2: memref<1280x128xi32, #tpu.memory_space<hbm>>, %arg3: memref<1280x128xi32, #tpu.memory_space<hbm>>, %arg4: memref<32x10240xf32, #tpu.memory_space<hbm>>, %arg5: memref<32x10240xf32, #tpu.memory_space<hbm>>, %arg6: memref<10240xf32, #tpu.memory_space<vmem>>, %arg7: memref<10240xf32, #tpu.memory_space<vmem>>, %arg8: memref<40x128xi32, #tpu.memory_space<vmem>>, %arg9: memref<40x128xi32, #tpu.memory_space<vmem>>) attributes {dimension_semantics = [#tpu.dimension_semantics<core_parallel>, #tpu.dimension_semantics<subcore_parallel>], iteration_bounds = array<i64: 2, 16>, scalar_prefetch = 0 : i64, scratch_operands = 4 : i64, tpu.core_type = #tpu.core_type<sc_vector_subcore>, window_params = [{transform_indices = #map}, {transform_indices = #map}, {transform_indices = #map}, {transform_indices = #map}]} {
    %mul3A = arith.constant 2 : i32
    %mul3A_0 = arith.muli %arg1, %mul3A : i32
    %add3A = arith.addi %mul3A_0, %arg0 : i32
    %broadcast_in_dim3A = arith.constant 0.000000e+00 : f32
    %broadcast_in_dim3A_1 = vector.broadcast %broadcast_in_dim3A : f32 to vector<16xf32>
    %broadcast_in_dim3A_2 = arith.constant 1.000000e+00 : f32
    %broadcast_in_dim3A_3 = vector.broadcast %broadcast_in_dim3A_2 : f32 to vector<16xf32>
    %scan3A = arith.constant 0 : i32
    %scan3A_4 = arith.constant 640 : i32
    %scan3A_5 = arith.addi %scan3A, %scan3A_4 : i32
    %scan3A_6 = arith.constant 1 : i32
    scf.for %scan3A_15 = %scan3A to %scan3A_5 step %scan3A_6  : i32 {
      %mul3A_16 = arith.constant 16 : i32
      %mul3A_17 = arith.muli %scan3A_15, %mul3A_16 : i32
      %add3A_18 = arith.constant 0 : i32
      %add3A_19 = arith.addi %add3A_18, %mul3A_17 : i32
      %swap3A = arith.index_cast %add3A_19 : i32 to index
      %swap3A_20 = tpu.vector_load %arg6[%swap3A] {strides = array<i32>} : memref<10240xf32, #tpu.memory_space<vmem>>, vector<16xf32>,
      tpu.vector_store %arg6[%swap3A], %broadcast_in_dim3A_1 {strides = array<i32>} : memref<10240xf32, #tpu.memory_space<vmem>>, vector<16xf32>,
      %swap3A_21 = arith.index_cast %add3A_19 : i32 to index
      %swap3A_22 = tpu.vector_load %arg7[%swap3A_21] {strides = array<i32>} : memref<10240xf32, #tpu.memory_space<vmem>>, vector<16xf32>,
      tpu.vector_store %arg7[%swap3A_21], %broadcast_in_dim3A_1 {strides = array<i32>} : memref<10240xf32, #tpu.memory_space<vmem>>, vector<16xf32>,
    }
    %scan3A_7 = arith.constant 640 : i32
    %mul3A_8 = arith.constant 40 : i32
    %mul3A_9 = arith.muli %add3A, %mul3A_8 : i32
    "tpu.region"() ({
      %run_scoped3A = tpu.sem_alloc : memref<!tpu.dma_semaphore, #tpu.memory_space<semaphore_mem>>
      %dma_start3A = arith.constant 0 : i32
      %dma_start3A_15 = tpu.memref_slice %arg2[%mul3A_9, %dma_start3A] : memref<1280x128xi32, #tpu.memory_space<hbm>> -> memref<40x128xi32, #tpu.memory_space<hbm>>
      %dma_start3A_16 = arith.constant 0 : i32
      %dma_start3A_17 = tpu.memref_slice %arg2[%mul3A_9, %dma_start3A_16] : memref<1280x128xi32, #tpu.memory_space<hbm>> -> memref<40x128xi32, #tpu.memory_space<hbm>>
      tpu.enqueue_dma source(%dma_start3A_17 : memref<40x128xi32, #tpu.memory_space<hbm>>) target(%arg8 : memref<40x128xi32, #tpu.memory_space<vmem>>) target_semaphore(%run_scoped3A : memref<!tpu.dma_semaphore, #tpu.memory_space<semaphore_mem>>)
      %dma_wait3A = arith.constant 0 : i32
      %dma_wait3A_18 = tpu.memref_slice %arg2[%mul3A_9, %dma_wait3A] : memref<1280x128xi32, #tpu.memory_space<hbm>> -> memref<40x128xi32, #tpu.memory_space<hbm>>
      %dma_wait3A_19 = arith.constant 0 : i32
      %dma_wait3A_20 = tpu.memref_slice %arg2[%mul3A_9, %dma_wait3A_19] : memref<1280x128xi32, #tpu.memory_space<hbm>> -> memref<40x128xi32, #tpu.memory_space<hbm>>
      tpu.wait_dma2 semaphore(%run_scoped3A : memref<!tpu.dma_semaphore, #tpu.memory_space<semaphore_mem>>) src(%dma_wait3A_20 : memref<40x128xi32, #tpu.memory_space<hbm>>) dst(%arg8 : memref<40x128xi32, #tpu.memory_space<vmem>>)
      tpu.yield
    }) : () -> ()
    "tpu.region"() ({
      %run_scoped3A = tpu.sem_alloc : memref<!tpu.dma_semaphore, #tpu.memory_space<semaphore_mem>>
      %dma_start3A = arith.constant 0 : i32
      %dma_start3A_15 = tpu.memref_slice %arg3[%mul3A_9, %dma_start3A] : memref<1280x128xi32, #tpu.memory_space<hbm>> -> memref<40x128xi32, #tpu.memory_space<hbm>>
      %dma_start3A_16 = arith.constant 0 : i32
      %dma_start3A_17 = tpu.memref_slice %arg3[%mul3A_9, %dma_start3A_16] : memref<1280x128xi32, #tpu.memory_space<hbm>> -> memref<40x128xi32, #tpu.memory_space<hbm>>
      tpu.enqueue_dma source(%dma_start3A_17 : memref<40x128xi32, #tpu.memory_space<hbm>>) target(%arg9 : memref<40x128xi32, #tpu.memory_space<vmem>>) target_semaphore(%run_scoped3A : memref<!tpu.dma_semaphore, #tpu.memory_space<semaphore_mem>>)
      %dma_wait3A = arith.constant 0 : i32
      %dma_wait3A_18 = tpu.memref_slice %arg3[%mul3A_9, %dma_wait3A] : memref<1280x128xi32, #tpu.memory_space<hbm>> -> memref<40x128xi32, #tpu.memory_space<hbm>>
      %dma_wait3A_19 = arith.constant 0 : i32
      %dma_wait3A_20 = tpu.memref_slice %arg3[%mul3A_9, %dma_wait3A_19] : memref<1280x128xi32, #tpu.memory_space<hbm>> -> memref<40x128xi32, #tpu.memory_space<hbm>>
      tpu.wait_dma2 semaphore(%run_scoped3A : memref<!tpu.dma_semaphore, #tpu.memory_space<semaphore_mem>>) src(%dma_wait3A_20 : memref<40x128xi32, #tpu.memory_space<hbm>>) dst(%arg9 : memref<40x128xi32, #tpu.memory_space<vmem>>)
      tpu.yield
    }) : () -> ()
    %scan3A_10 = arith.constant 0 : i32
    %scan3A_11 = arith.constant 40 : i32
    %scan3A_12 = arith.addi %scan3A_10, %scan3A_11 : i32
    %scan3A_13 = arith.constant 1 : i32
    scf.for %scan3A_15 = %scan3A_10 to %scan3A_12 step %scan3A_13  : i32 {
      %mul3A_16 = arith.constant 1 : i32
      %mul3A_17 = arith.muli %scan3A_15, %mul3A_16 : i32
      %add3A_18 = arith.constant 0 : i32
      %add3A_19 = arith.addi %add3A_18, %mul3A_17 : i32
      %scan3A_20 = arith.constant 0 : i32
      %scan3A_21 = arith.constant 8 : i32
      %scan3A_22 = arith.addi %scan3A_20, %scan3A_21 : i32
      %scan3A_23 = arith.constant 1 : i32
      scf.for %scan3A_25 = %scan3A_20 to %scan3A_22 step %scan3A_23  : i32 {
        %mul3A_26 = arith.constant 16 : i32
        %mul3A_27 = arith.muli %scan3A_25, %mul3A_26 : i32
        %add3A_28 = arith.constant 0 : i32
        %add3A_29 = arith.addi %add3A_28, %mul3A_27 : i32
        %get3A = arith.index_cast %add3A_19 : i32 to index
        %get3A_30 = arith.index_cast %add3A_29 : i32 to index
        %get3A_31 = tpu.vector_load %arg8[%get3A, %get3A_30] {strides = array<i32>} : memref<40x128xi32, #tpu.memory_space<vmem>>, vector<16xi32>,
        tpu.vector_store_idx %arg6[%get3A_31], %broadcast_in_dim3A_3 {add = true} : memref<10240xf32, #tpu.memory_space<vmem>>[vector<16xi32>], vector<16xf32>,
        %get3A_32 = arith.index_cast %add3A_19 : i32 to index
        %get3A_33 = arith.index_cast %add3A_29 : i32 to index
        %get3A_34 = tpu.vector_load %arg9[%get3A_32, %get3A_33] {strides = array<i32>} : memref<40x128xi32, #tpu.memory_space<vmem>>, vector<16xi32>,
        tpu.vector_store_idx %arg7[%get3A_34], %broadcast_in_dim3A_3 {add = true} : memref<10240xf32, #tpu.memory_space<vmem>>[vector<16xi32>], vector<16xf32>,
      }
      %scan3A_24 = arith.constant 8 : i32
    }
    %scan3A_14 = arith.constant 40 : i32
    "tpu.region"() ({
      %run_scoped3A = tpu.sem_alloc : memref<!tpu.dma_semaphore, #tpu.memory_space<semaphore_mem>>
      %dma_start3A = arith.constant 0 : i32
      %dma_start3A_15 = tpu.memref_slice %arg4[%add3A, %dma_start3A] : memref<32x10240xf32, #tpu.memory_space<hbm>> -> memref<1x10240xf32, #tpu.memory_space<hbm>>
      %dma_start3A_16 = tpu.memref_squeeze %dma_start3A_15 : memref<1x10240xf32, #tpu.memory_space<hbm>> -> memref<10240xf32, #tpu.memory_space<hbm>>
      %dma_start3A_17 = arith.constant 0 : i32
      %dma_start3A_18 = tpu.memref_slice %arg4[%add3A, %dma_start3A_17] : memref<32x10240xf32, #tpu.memory_space<hbm>> -> memref<1x10240xf32, #tpu.memory_space<hbm>>
      %dma_start3A_19 = tpu.memref_squeeze %dma_start3A_18 : memref<1x10240xf32, #tpu.memory_space<hbm>> -> memref<10240xf32, #tpu.memory_space<hbm>>
      tpu.enqueue_dma source(%arg6 : memref<10240xf32, #tpu.memory_space<vmem>>) target(%dma_start3A_19 : memref<10240xf32, #tpu.memory_space<hbm>>) target_semaphore(%run_scoped3A : memref<!tpu.dma_semaphore, #tpu.memory_space<semaphore_mem>>)
      %dma_wait3A = arith.constant 0 : i32
      %dma_wait3A_20 = tpu.memref_slice %arg4[%add3A, %dma_wait3A] : memref<32x10240xf32, #tpu.memory_space<hbm>> -> memref<1x10240xf32, #tpu.memory_space<hbm>>
      %dma_wait3A_21 = tpu.memref_squeeze %dma_wait3A_20 : memref<1x10240xf32, #tpu.memory_space<hbm>> -> memref<10240xf32, #tpu.memory_space<hbm>>
      %dma_wait3A_22 = arith.constant 0 : i32
      %dma_wait3A_23 = tpu.memref_slice %arg4[%add3A, %dma_wait3A_22] : memref<32x10240xf32, #tpu.memory_space<hbm>> -> memref<1x10240xf32, #tpu.memory_space<hbm>>
      %dma_wait3A_24 = tpu.memref_squeeze %dma_wait3A_23 : memref<1x10240xf32, #tpu.memory_space<hbm>> -> memref<10240xf32, #tpu.memory_space<hbm>>
      tpu.wait_dma2 semaphore(%run_scoped3A : memref<!tpu.dma_semaphore, #tpu.memory_space<semaphore_mem>>) src(%arg6 : memref<10240xf32, #tpu.memory_space<vmem>>) dst(%dma_wait3A_24 : memref<10240xf32, #tpu.memory_space<hbm>>)
      tpu.yield
    }) : () -> ()
    "tpu.region"() ({
      %run_scoped3A = tpu.sem_alloc : memref<!tpu.dma_semaphore, #tpu.memory_space<semaphore_mem>>
      %dma_start3A = arith.constant 0 : i32
      %dma_start3A_15 = tpu.memref_slice %arg5[%add3A, %dma_start3A] : memref<32x10240xf32, #tpu.memory_space<hbm>> -> memref<1x10240xf32, #tpu.memory_space<hbm>>
      %dma_start3A_16 = tpu.memref_squeeze %dma_start3A_15 : memref<1x10240xf32, #tpu.memory_space<hbm>> -> memref<10240xf32, #tpu.memory_space<hbm>>
      %dma_start3A_17 = arith.constant 0 : i32
      %dma_start3A_18 = tpu.memref_slice %arg5[%add3A, %dma_start3A_17] : memref<32x10240xf32, #tpu.memory_space<hbm>> -> memref<1x10240xf32, #tpu.memory_space<hbm>>
      %dma_start3A_19 = tpu.memref_squeeze %dma_start3A_18 : memref<1x10240xf32, #tpu.memory_space<hbm>> -> memref<10240xf32, #tpu.memory_space<hbm>>
      tpu.enqueue_dma source(%arg7 : memref<10240xf32, #tpu.memory_space<vmem>>) target(%dma_start3A_19 : memref<10240xf32, #tpu.memory_space<hbm>>) target_semaphore(%run_scoped3A : memref<!tpu.dma_semaphore, #tpu.memory_space<semaphore_mem>>)
      %dma_wait3A = arith.constant 0 : i32
      %dma_wait3A_20 = tpu.memref_slice %arg5[%add3A, %dma_wait3A] : memref<32x10240xf32, #tpu.memory_space<hbm>> -> memref<1x10240xf32, #tpu.memory_space<hbm>>
      %dma_wait3A_21 = tpu.memref_squeeze %dma_wait3A_20 : memref<1x10240xf32, #tpu.memory_space<hbm>> -> memref<10240xf32, #tpu.memory_space<hbm>>
      %dma_wait3A_22 = arith.constant 0 : i32
      %dma_wait3A_23 = tpu.memref_slice %arg5[%add3A, %dma_wait3A_22] : memref<32x10240xf32, #tpu.memory_space<hbm>> -> memref<1x10240xf32, #tpu.memory_space<hbm>>
      %dma_wait3A_24 = tpu.memref_squeeze %dma_wait3A_23 : memref<1x10240xf32, #tpu.memory_space<hbm>> -> memref<10240xf32, #tpu.memory_space<hbm>>
      tpu.wait_dma2 semaphore(%run_scoped3A : memref<!tpu.dma_semaphore, #tpu.memory_space<semaphore_mem>>) src(%arg7 : memref<10240xf32, #tpu.memory_space<vmem>>) dst(%dma_wait3A_24 : memref<10240xf32, #tpu.memory_space<hbm>>)
      tpu.yield
    }) : () -> ()
    return
  }
}

#map = affine_map<(d0, d1) -> (0)>
#map1 = affine_map<(d0, d1) -> (0, 0)>
module attributes {stable_mosaic.version = 14 : i64} {
  func.func @edge(%arg0: i32, %arg1: i32, %arg2: memref<10240xf32, #tpu.memory_space<hbm>>, %arg3: memref<10240xf32, #tpu.memory_space<hbm>>, %arg4: memref<1280x128xi32, #tpu.memory_space<hbm>>, %arg5: memref<1280x128xi32, #tpu.memory_space<hbm>>, %arg6: memref<1280x128xf32, #tpu.memory_space<hbm>>, %arg7: memref<10240xf32, #tpu.memory_space<vmem>>, %arg8: memref<10240xf32, #tpu.memory_space<vmem>>, %arg9: memref<40x128xi32, #tpu.memory_space<vmem>>, %arg10: memref<40x128xi32, #tpu.memory_space<vmem>>, %arg11: memref<40x128xf32, #tpu.memory_space<vmem>>) attributes {dimension_semantics = [#tpu.dimension_semantics<core_parallel>, #tpu.dimension_semantics<subcore_parallel>], iteration_bounds = array<i64: 2, 16>, scalar_prefetch = 0 : i64, scratch_operands = 5 : i64, tpu.core_type = #tpu.core_type<sc_vector_subcore>, window_params = [{transform_indices = #map}, {transform_indices = #map}, {transform_indices = #map1}, {transform_indices = #map1}, {transform_indices = #map1}]} {
    %mul3A = arith.constant 2 : i32
    %mul3A_0 = arith.muli %arg1, %mul3A : i32
    %add3A = arith.addi %mul3A_0, %arg0 : i32
    "tpu.region"() ({
      %run_scoped3A = tpu.sem_alloc : memref<!tpu.dma_semaphore, #tpu.memory_space<semaphore_mem>>
      tpu.enqueue_dma source(%arg2 : memref<10240xf32, #tpu.memory_space<hbm>>) target(%arg7 : memref<10240xf32, #tpu.memory_space<vmem>>) target_semaphore(%run_scoped3A : memref<!tpu.dma_semaphore, #tpu.memory_space<semaphore_mem>>)
      tpu.wait_dma2 semaphore(%run_scoped3A : memref<!tpu.dma_semaphore, #tpu.memory_space<semaphore_mem>>) src(%arg2 : memref<10240xf32, #tpu.memory_space<hbm>>) dst(%arg7 : memref<10240xf32, #tpu.memory_space<vmem>>)
      tpu.yield
    }) : () -> ()
    "tpu.region"() ({
      %run_scoped3A = tpu.sem_alloc : memref<!tpu.dma_semaphore, #tpu.memory_space<semaphore_mem>>
      tpu.enqueue_dma source(%arg3 : memref<10240xf32, #tpu.memory_space<hbm>>) target(%arg8 : memref<10240xf32, #tpu.memory_space<vmem>>) target_semaphore(%run_scoped3A : memref<!tpu.dma_semaphore, #tpu.memory_space<semaphore_mem>>)
      tpu.wait_dma2 semaphore(%run_scoped3A : memref<!tpu.dma_semaphore, #tpu.memory_space<semaphore_mem>>) src(%arg3 : memref<10240xf32, #tpu.memory_space<hbm>>) dst(%arg8 : memref<10240xf32, #tpu.memory_space<vmem>>)
      tpu.yield
    }) : () -> ()
    %mul3A_1 = arith.constant 40 : i32
    %mul3A_2 = arith.muli %add3A, %mul3A_1 : i32
    "tpu.region"() ({
      %run_scoped3A = tpu.sem_alloc : memref<!tpu.dma_semaphore, #tpu.memory_space<semaphore_mem>>
      %dma_start3A = arith.constant 0 : i32
      %dma_start3A_7 = tpu.memref_slice %arg4[%mul3A_2, %dma_start3A] : memref<1280x128xi32, #tpu.memory_space<hbm>> -> memref<40x128xi32, #tpu.memory_space<hbm>>
      %dma_start3A_8 = arith.constant 0 : i32
      %dma_start3A_9 = tpu.memref_slice %arg4[%mul3A_2, %dma_start3A_8] : memref<1280x128xi32, #tpu.memory_space<hbm>> -> memref<40x128xi32, #tpu.memory_space<hbm>>
      tpu.enqueue_dma source(%dma_start3A_9 : memref<40x128xi32, #tpu.memory_space<hbm>>) target(%arg9 : memref<40x128xi32, #tpu.memory_space<vmem>>) target_semaphore(%run_scoped3A : memref<!tpu.dma_semaphore, #tpu.memory_space<semaphore_mem>>)
      %dma_wait3A = arith.constant 0 : i32
      %dma_wait3A_10 = tpu.memref_slice %arg4[%mul3A_2, %dma_wait3A] : memref<1280x128xi32, #tpu.memory_space<hbm>> -> memref<40x128xi32, #tpu.memory_space<hbm>>
      %dma_wait3A_11 = arith.constant 0 : i32
      %dma_wait3A_12 = tpu.memref_slice %arg4[%mul3A_2, %dma_wait3A_11] : memref<1280x128xi32, #tpu.memory_space<hbm>> -> memref<40x128xi32, #tpu.memory_space<hbm>>
      tpu.wait_dma2 semaphore(%run_scoped3A : memref<!tpu.dma_semaphore, #tpu.memory_space<semaphore_mem>>) src(%dma_wait3A_12 : memref<40x128xi32, #tpu.memory_space<hbm>>) dst(%arg9 : memref<40x128xi32, #tpu.memory_space<vmem>>)
      tpu.yield
    }) : () -> ()
    "tpu.region"() ({
      %run_scoped3A = tpu.sem_alloc : memref<!tpu.dma_semaphore, #tpu.memory_space<semaphore_mem>>
      %dma_start3A = arith.constant 0 : i32
      %dma_start3A_7 = tpu.memref_slice %arg5[%mul3A_2, %dma_start3A] : memref<1280x128xi32, #tpu.memory_space<hbm>> -> memref<40x128xi32, #tpu.memory_space<hbm>>
      %dma_start3A_8 = arith.constant 0 : i32
      %dma_start3A_9 = tpu.memref_slice %arg5[%mul3A_2, %dma_start3A_8] : memref<1280x128xi32, #tpu.memory_space<hbm>> -> memref<40x128xi32, #tpu.memory_space<hbm>>
      tpu.enqueue_dma source(%dma_start3A_9 : memref<40x128xi32, #tpu.memory_space<hbm>>) target(%arg10 : memref<40x128xi32, #tpu.memory_space<vmem>>) target_semaphore(%run_scoped3A : memref<!tpu.dma_semaphore, #tpu.memory_space<semaphore_mem>>)
      %dma_wait3A = arith.constant 0 : i32
      %dma_wait3A_10 = tpu.memref_slice %arg5[%mul3A_2, %dma_wait3A] : memref<1280x128xi32, #tpu.memory_space<hbm>> -> memref<40x128xi32, #tpu.memory_space<hbm>>
      %dma_wait3A_11 = arith.constant 0 : i32
      %dma_wait3A_12 = tpu.memref_slice %arg5[%mul3A_2, %dma_wait3A_11] : memref<1280x128xi32, #tpu.memory_space<hbm>> -> memref<40x128xi32, #tpu.memory_space<hbm>>
      tpu.wait_dma2 semaphore(%run_scoped3A : memref<!tpu.dma_semaphore, #tpu.memory_space<semaphore_mem>>) src(%dma_wait3A_12 : memref<40x128xi32, #tpu.memory_space<hbm>>) dst(%arg10 : memref<40x128xi32, #tpu.memory_space<vmem>>)
      tpu.yield
    }) : () -> ()
    %scan3A = arith.constant 0 : i32
    %scan3A_3 = arith.constant 40 : i32
    %scan3A_4 = arith.addi %scan3A, %scan3A_3 : i32
    %scan3A_5 = arith.constant 1 : i32
    scf.for %scan3A_7 = %scan3A to %scan3A_4 step %scan3A_5  : i32 {
      %mul3A_8 = arith.constant 1 : i32
      %mul3A_9 = arith.muli %scan3A_7, %mul3A_8 : i32
      %add3A_10 = arith.constant 0 : i32
      %add3A_11 = arith.addi %add3A_10, %mul3A_9 : i32
      %scan3A_12 = arith.constant 0 : i32
      %scan3A_13 = arith.constant 8 : i32
      %scan3A_14 = arith.addi %scan3A_12, %scan3A_13 : i32
      %scan3A_15 = arith.constant 1 : i32
      scf.for %scan3A_17 = %scan3A_12 to %scan3A_14 step %scan3A_15  : i32 {
        %mul3A_18 = arith.constant 16 : i32
        %mul3A_19 = arith.muli %scan3A_17, %mul3A_18 : i32
        %add3A_20 = arith.constant 0 : i32
        %add3A_21 = arith.addi %add3A_20, %mul3A_19 : i32
        %get3A = arith.index_cast %add3A_11 : i32 to index
        %get3A_22 = arith.index_cast %add3A_21 : i32 to index
        %get3A_23 = tpu.vector_load %arg9[%get3A, %get3A_22] {strides = array<i32>} : memref<40x128xi32, #tpu.memory_space<vmem>>, vector<16xi32>,
        %gather3A = tpu.vector_load_idx %arg7[%get3A_23] : memref<10240xf32, #tpu.memory_space<vmem>>[vector<16xi32>], vector<16xf32>,
        %get3A_24 = arith.index_cast %add3A_11 : i32 to index
        %get3A_25 = arith.index_cast %add3A_21 : i32 to index
        %get3A_26 = tpu.vector_load %arg10[%get3A_24, %get3A_25] {strides = array<i32>} : memref<40x128xi32, #tpu.memory_space<vmem>>, vector<16xi32>,
        %gather3A_27 = tpu.vector_load_idx %arg8[%get3A_26] : memref<10240xf32, #tpu.memory_space<vmem>>[vector<16xi32>], vector<16xf32>,
        %add3A_28 = arith.addf %gather3A, %gather3A_27 : vector<16xf32>
        %neg3A = arith.constant 0.000000e+00 : f32
        %neg3A_29 = vector.broadcast %neg3A : f32 to vector<16xf32>
        %neg3A_30 = arith.subf %neg3A_29, %add3A_28 : vector<16xf32>
        %exp3A = math.exp %neg3A_30 : vector<16xf32>
        %add3A_31 = arith.constant 1.000000e+00 : f32
        %add3A_32 = vector.broadcast %add3A_31 : f32 to vector<16xf32>
        %add3A_33 = arith.addf %add3A_32, %exp3A : vector<16xf32>
        %div3A = arith.constant 2.000000e+01 : f32
        %div3A_34 = vector.broadcast %div3A : f32 to vector<16xf32>
        %div3A_35 = arith.divf %div3A_34, %add3A_33 : vector<16xf32>
        %sub3A = arith.constant 1.000000e+00 : f32
        %sub3A_36 = vector.broadcast %sub3A : f32 to vector<16xf32>
        %sub3A_37 = arith.subf %div3A_35, %sub3A_36 : vector<16xf32>
        %swap3A = arith.index_cast %add3A_11 : i32 to index
        %swap3A_38 = arith.index_cast %add3A_21 : i32 to index
        %swap3A_39 = tpu.vector_load %arg11[%swap3A, %swap3A_38] {strides = array<i32>} : memref<40x128xf32, #tpu.memory_space<vmem>>, vector<16xf32>,
        tpu.vector_store %arg11[%swap3A, %swap3A_38], %sub3A_37 {strides = array<i32>} : memref<40x128xf32, #tpu.memory_space<vmem>>, vector<16xf32>,
      }
      %scan3A_16 = arith.constant 8 : i32
    }
    %scan3A_6 = arith.constant 40 : i32
    "tpu.region"() ({
      %run_scoped3A = tpu.sem_alloc : memref<!tpu.dma_semaphore, #tpu.memory_space<semaphore_mem>>
      %dma_start3A = arith.constant 0 : i32
      %dma_start3A_7 = tpu.memref_slice %arg6[%mul3A_2, %dma_start3A] : memref<1280x128xf32, #tpu.memory_space<hbm>> -> memref<40x128xf32, #tpu.memory_space<hbm>>
      %dma_start3A_8 = arith.constant 0 : i32
      %dma_start3A_9 = tpu.memref_slice %arg6[%mul3A_2, %dma_start3A_8] : memref<1280x128xf32, #tpu.memory_space<hbm>> -> memref<40x128xf32, #tpu.memory_space<hbm>>
      tpu.enqueue_dma source(%arg11 : memref<40x128xf32, #tpu.memory_space<vmem>>) target(%dma_start3A_9 : memref<40x128xf32, #tpu.memory_space<hbm>>) target_semaphore(%run_scoped3A : memref<!tpu.dma_semaphore, #tpu.memory_space<semaphore_mem>>)
      %dma_wait3A = arith.constant 0 : i32
      %dma_wait3A_10 = tpu.memref_slice %arg6[%mul3A_2, %dma_wait3A] : memref<1280x128xf32, #tpu.memory_space<hbm>> -> memref<40x128xf32, #tpu.memory_space<hbm>>
      %dma_wait3A_11 = arith.constant 0 : i32
      %dma_wait3A_12 = tpu.memref_slice %arg6[%mul3A_2, %dma_wait3A_11] : memref<1280x128xf32, #tpu.memory_space<hbm>> -> memref<40x128xf32, #tpu.memory_space<hbm>>
      tpu.wait_dma2 semaphore(%run_scoped3A : memref<!tpu.dma_semaphore, #tpu.memory_space<semaphore_mem>>) src(%arg11 : memref<40x128xf32, #tpu.memory_space<vmem>>) dst(%dma_wait3A_12 : memref<40x128xf32, #tpu.memory_space<hbm>>)
      tpu.yield
    }) : () -> ()
    return
  }
}

#map = affine_map<(d0, d1) -> (0, 0)>
module attributes {stable_mosaic.version = 14 : i64} {
  func.func @conv(%arg0: i32, %arg1: i32, %arg2: memref<10240x128xf32, #tpu.memory_space<hbm>>, %arg3: memref<10240x128xf32, #tpu.memory_space<hbm>>, %arg4: memref<1280x128xi32, #tpu.memory_space<hbm>>, %arg5: memref<1280x128xi32, #tpu.memory_space<hbm>>, %arg6: memref<10240x128xf32, #tpu.memory_space<hbm>>, %arg7: memref<10240x128xf32, #tpu.memory_space<hbm>>, %arg8: memref<10240x128xf32, #tpu.memory_space<vmem_shared>>, %arg9: memref<40x128xi32, #tpu.memory_space<vmem>>, %arg10: memref<40x128xi32, #tpu.memory_space<vmem>>, %arg11: memref<128x128xf32, #tpu.memory_space<vmem>>, %arg12: memref<128x128xf32, #tpu.memory_space<vmem>>, %arg13: memref<!tpu.dma_semaphore, #tpu.memory_space<semaphore_mem>>, %arg14: memref<!tpu.dma_semaphore, #tpu.memory_space<semaphore_mem>>, %arg15: memref<!tpu.dma_semaphore, #tpu.memory_space<semaphore_mem>>, %arg16: memref<!tpu.dma_semaphore, #tpu.memory_space<semaphore_mem>>) attributes {dimension_semantics = [#tpu.dimension_semantics<core_parallel>, #tpu.dimension_semantics<subcore_parallel>], iteration_bounds = array<i64: 2, 16>, scalar_prefetch = 0 : i64, scratch_operands = 9 : i64, tpu.core_type = #tpu.core_type<sc_vector_subcore>, window_params = [{transform_indices = #map}, {transform_indices = #map}, {transform_indices = #map}, {transform_indices = #map}, {transform_indices = #map}, {transform_indices = #map}]} {
    %broadcast_in_dim3A = arith.constant 0.000000e+00 : f32
    %broadcast_in_dim3A_0 = vector.broadcast %broadcast_in_dim3A : f32 to vector<16xf32>
    %scan3A = arith.constant 0 : i32
    %scan3A_1 = arith.constant 128 : i32
    %scan3A_2 = arith.addi %scan3A, %scan3A_1 : i32
    %scan3A_3 = arith.constant 1 : i32
    scf.for %scan3A_29 = %scan3A to %scan3A_2 step %scan3A_3  : i32 {
      %mul3A_30 = arith.constant 1 : i32
      %mul3A_31 = arith.muli %scan3A_29, %mul3A_30 : i32
      %add3A = arith.constant 0 : i32
      %add3A_32 = arith.addi %add3A, %mul3A_31 : i32
      %scan3A_33 = arith.constant 0 : i32
      %scan3A_34 = arith.constant 8 : i32
      %scan3A_35 = arith.addi %scan3A_33, %scan3A_34 : i32
      %scan3A_36 = arith.constant 1 : i32
      scf.for %scan3A_38 = %scan3A_33 to %scan3A_35 step %scan3A_36  : i32 {
        %mul3A_39 = arith.constant 16 : i32
        %mul3A_40 = arith.muli %scan3A_38, %mul3A_39 : i32
        %add3A_41 = arith.constant 0 : i32
        %add3A_42 = arith.addi %add3A_41, %mul3A_40 : i32
        %swap3A = arith.index_cast %add3A_32 : i32 to index
        %swap3A_43 = arith.index_cast %add3A_42 : i32 to index
        %swap3A_44 = tpu.vector_load %arg11[%swap3A, %swap3A_43] {strides = array<i32>} : memref<128x128xf32, #tpu.memory_space<vmem>>, vector<16xf32>,
        tpu.vector_store %arg11[%swap3A, %swap3A_43], %broadcast_in_dim3A_0 {strides = array<i32>} : memref<128x128xf32, #tpu.memory_space<vmem>>, vector<16xf32>,
      }
      %scan3A_37 = arith.constant 8 : i32
    }
    %scan3A_4 = arith.constant 128 : i32
    %scan3A_5 = arith.constant 0 : i32
    %scan3A_6 = arith.constant 5 : i32
    %scan3A_7 = arith.addi %scan3A_5, %scan3A_6 : i32
    %scan3A_8 = arith.constant 1 : i32
    scf.for %scan3A_29 = %scan3A_5 to %scan3A_7 step %scan3A_8  : i32 {
      %mul3A_30 = arith.constant 128 : i32
      %mul3A_31 = arith.muli %scan3A_29, %mul3A_30 : i32
      %add3A = arith.constant 0 : i32
      %add3A_32 = arith.addi %add3A, %mul3A_31 : i32
      %mul3A_33 = arith.constant 640 : i32
      %mul3A_34 = arith.muli %arg1, %mul3A_33 : i32
      %add3A_35 = arith.addi %mul3A_34, %add3A_32 : i32
      "tpu.region"() ({
        %run_scoped3A = tpu.sem_alloc : memref<!tpu.dma_semaphore, #tpu.memory_space<semaphore_mem>>
        %dma_start3A = arith.constant 0 : i32
        %dma_start3A_36 = tpu.memref_slice %arg8[%add3A_35, %dma_start3A] : memref<10240x128xf32, #tpu.memory_space<vmem_shared>> -> memref<128x128xf32, #tpu.memory_space<vmem_shared>>
        %dma_start3A_37 = arith.constant 0 : i32
        %dma_start3A_38 = tpu.memref_slice %arg8[%add3A_35, %dma_start3A_37] : memref<10240x128xf32, #tpu.memory_space<vmem_shared>> -> memref<128x128xf32, #tpu.memory_space<vmem_shared>>
        tpu.enqueue_dma source(%arg11 : memref<128x128xf32, #tpu.memory_space<vmem>>) target(%dma_start3A_38 : memref<128x128xf32, #tpu.memory_space<vmem_shared>>) target_semaphore(%run_scoped3A : memref<!tpu.dma_semaphore, #tpu.memory_space<semaphore_mem>>)
        %dma_wait3A = arith.constant 0 : i32
        %dma_wait3A_39 = tpu.memref_slice %arg8[%add3A_35, %dma_wait3A] : memref<10240x128xf32, #tpu.memory_space<vmem_shared>> -> memref<128x128xf32, #tpu.memory_space<vmem_shared>>
        %dma_wait3A_40 = arith.constant 0 : i32
        %dma_wait3A_41 = tpu.memref_slice %arg8[%add3A_35, %dma_wait3A_40] : memref<10240x128xf32, #tpu.memory_space<vmem_shared>> -> memref<128x128xf32, #tpu.memory_space<vmem_shared>>
        tpu.wait_dma2 semaphore(%run_scoped3A : memref<!tpu.dma_semaphore, #tpu.memory_space<semaphore_mem>>) src(%arg11 : memref<128x128xf32, #tpu.memory_space<vmem>>) dst(%dma_wait3A_41 : memref<128x128xf32, #tpu.memory_space<vmem_shared>>)
        tpu.yield
      }) : () -> ()
    }
    %scan3A_9 = arith.constant 5 : i32
    %barrier3A = arith.constant 0 : index
    tpu.barrier barrier_id(%barrier3A)
    %eq3A = arith.constant 0 : i32
    %eq3A_10 = arith.cmpi eq, %arg0, %eq3A : i32
    %convert_element_type3A = arith.extui %eq3A_10 : i1 to i32
    %cond3A = arith.constant 0 : i32
    %cond3A_11 = arith.cmpi ne, %convert_element_type3A, %cond3A : i32
    scf.if %cond3A_11 {
      %mul3A_29 = arith.constant 80 : i32
      %mul3A_30 = arith.muli %arg1, %mul3A_29 : i32
      %add3A = arith.constant 0 : i32
      %add3A_31 = arith.addi %mul3A_30, %add3A : i32
      "tpu.region"() ({
        %run_scoped3A_99 = tpu.sem_alloc : memref<!tpu.dma_semaphore, #tpu.memory_space<semaphore_mem>>
        %dma_start3A_100 = arith.constant 0 : i32
        %dma_start3A_101 = tpu.memref_slice %arg4[%add3A_31, %dma_start3A_100] : memref<1280x128xi32, #tpu.memory_space<hbm>> -> memref<40x128xi32, #tpu.memory_space<hbm>>
        %dma_start3A_102 = arith.constant 0 : i32
        %dma_start3A_103 = tpu.memref_slice %arg4[%add3A_31, %dma_start3A_102] : memref<1280x128xi32, #tpu.memory_space<hbm>> -> memref<40x128xi32, #tpu.memory_space<hbm>>
        tpu.enqueue_dma source(%dma_start3A_103 : memref<40x128xi32, #tpu.memory_space<hbm>>) target(%arg9 : memref<40x128xi32, #tpu.memory_space<vmem>>) target_semaphore(%run_scoped3A_99 : memref<!tpu.dma_semaphore, #tpu.memory_space<semaphore_mem>>)
        %dma_wait3A_104 = arith.constant 0 : i32
        %dma_wait3A_105 = tpu.memref_slice %arg4[%add3A_31, %dma_wait3A_104] : memref<1280x128xi32, #tpu.memory_space<hbm>> -> memref<40x128xi32, #tpu.memory_space<hbm>>
        %dma_wait3A_106 = arith.constant 0 : i32
        %dma_wait3A_107 = tpu.memref_slice %arg4[%add3A_31, %dma_wait3A_106] : memref<1280x128xi32, #tpu.memory_space<hbm>> -> memref<40x128xi32, #tpu.memory_space<hbm>>
        tpu.wait_dma2 semaphore(%run_scoped3A_99 : memref<!tpu.dma_semaphore, #tpu.memory_space<semaphore_mem>>) src(%dma_wait3A_107 : memref<40x128xi32, #tpu.memory_space<hbm>>) dst(%arg9 : memref<40x128xi32, #tpu.memory_space<vmem>>)
        tpu.yield
      }) : () -> ()
      "tpu.region"() ({
        %run_scoped3A_99 = tpu.sem_alloc : memref<!tpu.dma_semaphore, #tpu.memory_space<semaphore_mem>>
        %dma_start3A_100 = arith.constant 0 : i32
        %dma_start3A_101 = tpu.memref_slice %arg5[%add3A_31, %dma_start3A_100] : memref<1280x128xi32, #tpu.memory_space<hbm>> -> memref<40x128xi32, #tpu.memory_space<hbm>>
        %dma_start3A_102 = arith.constant 0 : i32
        %dma_start3A_103 = tpu.memref_slice %arg5[%add3A_31, %dma_start3A_102] : memref<1280x128xi32, #tpu.memory_space<hbm>> -> memref<40x128xi32, #tpu.memory_space<hbm>>
        tpu.enqueue_dma source(%dma_start3A_103 : memref<40x128xi32, #tpu.memory_space<hbm>>) target(%arg10 : memref<40x128xi32, #tpu.memory_space<vmem>>) target_semaphore(%run_scoped3A_99 : memref<!tpu.dma_semaphore, #tpu.memory_space<semaphore_mem>>)
        %dma_wait3A_104 = arith.constant 0 : i32
        %dma_wait3A_105 = tpu.memref_slice %arg5[%add3A_31, %dma_wait3A_104] : memref<1280x128xi32, #tpu.memory_space<hbm>> -> memref<40x128xi32, #tpu.memory_space<hbm>>
        %dma_wait3A_106 = arith.constant 0 : i32
        %dma_wait3A_107 = tpu.memref_slice %arg5[%add3A_31, %dma_wait3A_106] : memref<1280x128xi32, #tpu.memory_space<hbm>> -> memref<40x128xi32, #tpu.memory_space<hbm>>
        tpu.wait_dma2 semaphore(%run_scoped3A_99 : memref<!tpu.dma_semaphore, #tpu.memory_space<semaphore_mem>>) src(%dma_wait3A_107 : memref<40x128xi32, #tpu.memory_space<hbm>>) dst(%arg10 : memref<40x128xi32, #tpu.memory_space<vmem>>)
        tpu.yield
      }) : () -> ()
      %dma_start3A = arith.constant 0 : i32
      %dma_start3A_32 = arith.constant 0 : i32
      %dma_start3A_33 = tpu.memref_slice %arg9[%dma_start3A, %dma_start3A_32] : memref<40x128xi32, #tpu.memory_space<vmem>> -> memref<1x128xi32, #tpu.memory_space<vmem>>
      %dma_start3A_34 = tpu.memref_squeeze %dma_start3A_33 : memref<1x128xi32, #tpu.memory_space<vmem>> -> memref<128xi32, #tpu.memory_space<vmem>>
      %dma_start3A_35 = arith.constant 0 : i32
      %dma_start3A_36 = arith.constant 0 : i32
      %dma_start3A_37 = tpu.memref_slice %arg2[%dma_start3A_35, %dma_start3A_36] : memref<10240x128xf32, #tpu.memory_space<hbm>> -> memref<10240x128xf32, #tpu.memory_space<hbm>>
      tpu.enqueue_indirect_dma source(%dma_start3A_37 : memref<10240x128xf32, #tpu.memory_space<hbm>>) target(%arg11 : memref<128x128xf32, #tpu.memory_space<vmem>>) offsets(%dma_start3A_34 : memref<128xi32, #tpu.memory_space<vmem>>) semaphore(%arg13 : memref<!tpu.dma_semaphore, #tpu.memory_space<semaphore_mem>>)
      %dma_start3A_38 = arith.constant 1 : i32
      %dma_start3A_39 = arith.constant 0 : i32
      %dma_start3A_40 = tpu.memref_slice %arg9[%dma_start3A_38, %dma_start3A_39] : memref<40x128xi32, #tpu.memory_space<vmem>> -> memref<1x128xi32, #tpu.memory_space<vmem>>
      %dma_start3A_41 = tpu.memref_squeeze %dma_start3A_40 : memref<1x128xi32, #tpu.memory_space<vmem>> -> memref<128xi32, #tpu.memory_space<vmem>>
      %dma_start3A_42 = arith.constant 0 : i32
      %dma_start3A_43 = arith.constant 0 : i32
      %dma_start3A_44 = tpu.memref_slice %arg2[%dma_start3A_42, %dma_start3A_43] : memref<10240x128xf32, #tpu.memory_space<hbm>> -> memref<10240x128xf32, #tpu.memory_space<hbm>>
      tpu.enqueue_indirect_dma source(%dma_start3A_44 : memref<10240x128xf32, #tpu.memory_space<hbm>>) target(%arg12 : memref<128x128xf32, #tpu.memory_space<vmem>>) offsets(%dma_start3A_41 : memref<128xi32, #tpu.memory_space<vmem>>) semaphore(%arg14 : memref<!tpu.dma_semaphore, #tpu.memory_space<semaphore_mem>>)
      %scan3A_45 = arith.constant 0 : i32
      %scan3A_46 = arith.constant 19 : i32
      %scan3A_47 = arith.addi %scan3A_45, %scan3A_46 : i32
      %scan3A_48 = arith.constant 1 : i32
      scf.for %scan3A_99 = %scan3A_45 to %scan3A_47 step %scan3A_48  : i32 {
        %mul3A_100 = arith.constant 2 : i32
        %mul3A_101 = arith.muli %scan3A_99, %mul3A_100 : i32
        %add3A_102 = arith.constant 0 : i32
        %add3A_103 = arith.addi %add3A_102, %mul3A_101 : i32
        %dma_wait3A_104 = arith.constant 0 : i32
        %dma_wait3A_105 = arith.constant 0 : i32
        %dma_wait3A_106 = tpu.memref_slice %arg2[%dma_wait3A_104, %dma_wait3A_105] : memref<10240x128xf32, #tpu.memory_space<hbm>> -> memref<128x128xf32, #tpu.memory_space<hbm>>
        %dma_wait3A_107 = arith.constant 0 : i32
        %dma_wait3A_108 = arith.constant 0 : i32
        %dma_wait3A_109 = tpu.memref_slice %arg2[%dma_wait3A_107, %dma_wait3A_108] : memref<10240x128xf32, #tpu.memory_space<hbm>> -> memref<128x128xf32, #tpu.memory_space<hbm>>
        tpu.wait_dma2 semaphore(%arg13 : memref<!tpu.dma_semaphore, #tpu.memory_space<semaphore_mem>>) src(%dma_wait3A_109 : memref<128x128xf32, #tpu.memory_space<hbm>>) dst(%arg11 : memref<128x128xf32, #tpu.memory_space<vmem>>)
        %dma_start3A_110 = arith.constant 0 : i32
        %dma_start3A_111 = tpu.memref_slice %arg10[%add3A_103, %dma_start3A_110] : memref<40x128xi32, #tpu.memory_space<vmem>> -> memref<1x128xi32, #tpu.memory_space<vmem>>
        %dma_start3A_112 = tpu.memref_squeeze %dma_start3A_111 : memref<1x128xi32, #tpu.memory_space<vmem>> -> memref<128xi32, #tpu.memory_space<vmem>>
        %dma_start3A_113 = arith.constant 0 : i32
        %dma_start3A_114 = arith.constant 0 : i32
        %dma_start3A_115 = tpu.memref_slice %arg8[%dma_start3A_113, %dma_start3A_114] : memref<10240x128xf32, #tpu.memory_space<vmem_shared>> -> memref<10240x128xf32, #tpu.memory_space<vmem_shared>>
        tpu.enqueue_indirect_dma source(%arg11 : memref<128x128xf32, #tpu.memory_space<vmem>>) target(%dma_start3A_115 : memref<10240x128xf32, #tpu.memory_space<vmem_shared>>) offsets(%dma_start3A_112 : memref<128xi32, #tpu.memory_space<vmem>>) semaphore(%arg15 : memref<!tpu.dma_semaphore, #tpu.memory_space<semaphore_mem>>) {add = true}
        %dma_wait3A_116 = arith.constant 0 : i32
        %dma_wait3A_117 = arith.constant 0 : i32
        %dma_wait3A_118 = tpu.memref_slice %arg2[%dma_wait3A_116, %dma_wait3A_117] : memref<10240x128xf32, #tpu.memory_space<hbm>> -> memref<128x128xf32, #tpu.memory_space<hbm>>
        %dma_wait3A_119 = arith.constant 0 : i32
        %dma_wait3A_120 = arith.constant 0 : i32
        %dma_wait3A_121 = tpu.memref_slice %arg2[%dma_wait3A_119, %dma_wait3A_120] : memref<10240x128xf32, #tpu.memory_space<hbm>> -> memref<128x128xf32, #tpu.memory_space<hbm>>
        tpu.wait_dma2 semaphore(%arg14 : memref<!tpu.dma_semaphore, #tpu.memory_space<semaphore_mem>>) src(%dma_wait3A_121 : memref<128x128xf32, #tpu.memory_space<hbm>>) dst(%arg12 : memref<128x128xf32, #tpu.memory_space<vmem>>)
        %add3A_122 = arith.constant 1 : i32
        %add3A_123 = arith.addi %add3A_103, %add3A_122 : i32
        %dma_start3A_124 = arith.constant 0 : i32
        %dma_start3A_125 = tpu.memref_slice %arg10[%add3A_123, %dma_start3A_124] : memref<40x128xi32, #tpu.memory_space<vmem>> -> memref<1x128xi32, #tpu.memory_space<vmem>>
        %dma_start3A_126 = tpu.memref_squeeze %dma_start3A_125 : memref<1x128xi32, #tpu.memory_space<vmem>> -> memref<128xi32, #tpu.memory_space<vmem>>
        %dma_start3A_127 = arith.constant 0 : i32
        %dma_start3A_128 = arith.constant 0 : i32
        %dma_start3A_129 = tpu.memref_slice %arg8[%dma_start3A_127, %dma_start3A_128] : memref<10240x128xf32, #tpu.memory_space<vmem_shared>> -> memref<10240x128xf32, #tpu.memory_space<vmem_shared>>
        tpu.enqueue_indirect_dma source(%arg12 : memref<128x128xf32, #tpu.memory_space<vmem>>) target(%dma_start3A_129 : memref<10240x128xf32, #tpu.memory_space<vmem_shared>>) offsets(%dma_start3A_126 : memref<128xi32, #tpu.memory_space<vmem>>) semaphore(%arg16 : memref<!tpu.dma_semaphore, #tpu.memory_space<semaphore_mem>>) {add = true}
        %dma_wait3A_130 = arith.constant 0 : i32
        %dma_wait3A_131 = tpu.memref_slice %arg10[%add3A_103, %dma_wait3A_130] : memref<40x128xi32, #tpu.memory_space<vmem>> -> memref<1x128xi32, #tpu.memory_space<vmem>>
        %dma_wait3A_132 = tpu.memref_squeeze %dma_wait3A_131 : memref<1x128xi32, #tpu.memory_space<vmem>> -> memref<128xi32, #tpu.memory_space<vmem>>
        %dma_wait3A_133 = arith.constant 0 : i32
        %dma_wait3A_134 = arith.constant 0 : i32
        %dma_wait3A_135 = tpu.memref_slice %arg8[%dma_wait3A_133, %dma_wait3A_134] : memref<10240x128xf32, #tpu.memory_space<vmem_shared>> -> memref<10240x128xf32, #tpu.memory_space<vmem_shared>>
        tpu.wait_indirect_dma semaphore(%arg15 : memref<!tpu.dma_semaphore, #tpu.memory_space<semaphore_mem>>) src(%arg11 : memref<128x128xf32, #tpu.memory_space<vmem>>) dst(%dma_wait3A_135 : memref<10240x128xf32, #tpu.memory_space<vmem_shared>>)
        %add3A_136 = arith.constant 2 : i32
        %add3A_137 = arith.addi %add3A_103, %add3A_136 : i32
        %dma_start3A_138 = arith.constant 0 : i32
        %dma_start3A_139 = tpu.memref_slice %arg9[%add3A_137, %dma_start3A_138] : memref<40x128xi32, #tpu.memory_space<vmem>> -> memref<1x128xi32, #tpu.memory_space<vmem>>
        %dma_start3A_140 = tpu.memref_squeeze %dma_start3A_139 : memref<1x128xi32, #tpu.memory_space<vmem>> -> memref<128xi32, #tpu.memory_space<vmem>>
        %dma_start3A_141 = arith.constant 0 : i32
        %dma_start3A_142 = arith.constant 0 : i32
        %dma_start3A_143 = tpu.memref_slice %arg2[%dma_start3A_141, %dma_start3A_142] : memref<10240x128xf32, #tpu.memory_space<hbm>> -> memref<10240x128xf32, #tpu.memory_space<hbm>>
        tpu.enqueue_indirect_dma source(%dma_start3A_143 : memref<10240x128xf32, #tpu.memory_space<hbm>>) target(%arg11 : memref<128x128xf32, #tpu.memory_space<vmem>>) offsets(%dma_start3A_140 : memref<128xi32, #tpu.memory_space<vmem>>) semaphore(%arg13 : memref<!tpu.dma_semaphore, #tpu.memory_space<semaphore_mem>>)
        %dma_wait3A_144 = arith.constant 0 : i32
        %dma_wait3A_145 = tpu.memref_slice %arg10[%add3A_123, %dma_wait3A_144] : memref<40x128xi32, #tpu.memory_space<vmem>> -> memref<1x128xi32, #tpu.memory_space<vmem>>
        %dma_wait3A_146 = tpu.memref_squeeze %dma_wait3A_145 : memref<1x128xi32, #tpu.memory_space<vmem>> -> memref<128xi32, #tpu.memory_space<vmem>>
        %dma_wait3A_147 = arith.constant 0 : i32
        %dma_wait3A_148 = arith.constant 0 : i32
        %dma_wait3A_149 = tpu.memref_slice %arg8[%dma_wait3A_147, %dma_wait3A_148] : memref<10240x128xf32, #tpu.memory_space<vmem_shared>> -> memref<10240x128xf32, #tpu.memory_space<vmem_shared>>
        tpu.wait_indirect_dma semaphore(%arg16 : memref<!tpu.dma_semaphore, #tpu.memory_space<semaphore_mem>>) src(%arg12 : memref<128x128xf32, #tpu.memory_space<vmem>>) dst(%dma_wait3A_149 : memref<10240x128xf32, #tpu.memory_space<vmem_shared>>)
        %add3A_150 = arith.constant 3 : i32
        %add3A_151 = arith.addi %add3A_103, %add3A_150 : i32
        %dma_start3A_152 = arith.constant 0 : i32
        %dma_start3A_153 = tpu.memref_slice %arg9[%add3A_151, %dma_start3A_152] : memref<40x128xi32, #tpu.memory_space<vmem>> -> memref<1x128xi32, #tpu.memory_space<vmem>>
        %dma_start3A_154 = tpu.memref_squeeze %dma_start3A_153 : memref<1x128xi32, #tpu.memory_space<vmem>> -> memref<128xi32, #tpu.memory_space<vmem>>
        %dma_start3A_155 = arith.constant 0 : i32
        %dma_start3A_156 = arith.constant 0 : i32
        %dma_start3A_157 = tpu.memref_slice %arg2[%dma_start3A_155, %dma_start3A_156] : memref<10240x128xf32, #tpu.memory_space<hbm>> -> memref<10240x128xf32, #tpu.memory_space<hbm>>
        tpu.enqueue_indirect_dma source(%dma_start3A_157 : memref<10240x128xf32, #tpu.memory_space<hbm>>) target(%arg12 : memref<128x128xf32, #tpu.memory_space<vmem>>) offsets(%dma_start3A_154 : memref<128xi32, #tpu.memory_space<vmem>>) semaphore(%arg14 : memref<!tpu.dma_semaphore, #tpu.memory_space<semaphore_mem>>)
      }
      %scan3A_49 = arith.constant 19 : i32
      %dma_wait3A = arith.constant 0 : i32
      %dma_wait3A_50 = arith.constant 0 : i32
      %dma_wait3A_51 = tpu.memref_slice %arg2[%dma_wait3A, %dma_wait3A_50] : memref<10240x128xf32, #tpu.memory_space<hbm>> -> memref<128x128xf32, #tpu.memory_space<hbm>>
      %dma_wait3A_52 = arith.constant 0 : i32
      %dma_wait3A_53 = arith.constant 0 : i32
      %dma_wait3A_54 = tpu.memref_slice %arg2[%dma_wait3A_52, %dma_wait3A_53] : memref<10240x128xf32, #tpu.memory_space<hbm>> -> memref<128x128xf32, #tpu.memory_space<hbm>>
      tpu.wait_dma2 semaphore(%arg13 : memref<!tpu.dma_semaphore, #tpu.memory_space<semaphore_mem>>) src(%dma_wait3A_54 : memref<128x128xf32, #tpu.memory_space<hbm>>) dst(%arg11 : memref<128x128xf32, #tpu.memory_space<vmem>>)
      %run_scoped3A = arith.constant 38 : i32
      "tpu.region"() ({
        %run_scoped3A_99 = tpu.sem_alloc : memref<!tpu.dma_semaphore, #tpu.memory_space<semaphore_mem>>
        %dma_start3A_100 = arith.constant 0 : i32
        %dma_start3A_101 = tpu.memref_slice %arg10[%run_scoped3A, %dma_start3A_100] : memref<40x128xi32, #tpu.memory_space<vmem>> -> memref<1x128xi32, #tpu.memory_space<vmem>>
        %dma_start3A_102 = tpu.memref_squeeze %dma_start3A_101 : memref<1x128xi32, #tpu.memory_space<vmem>> -> memref<128xi32, #tpu.memory_space<vmem>>
        %dma_start3A_103 = arith.constant 0 : i32
        %dma_start3A_104 = arith.constant 0 : i32
        %dma_start3A_105 = tpu.memref_slice %arg8[%dma_start3A_103, %dma_start3A_104] : memref<10240x128xf32, #tpu.memory_space<vmem_shared>> -> memref<10240x128xf32, #tpu.memory_space<vmem_shared>>
        tpu.enqueue_indirect_dma source(%arg11 : memref<128x128xf32, #tpu.memory_space<vmem>>) target(%dma_start3A_105 : memref<10240x128xf32, #tpu.memory_space<vmem_shared>>) offsets(%dma_start3A_102 : memref<128xi32, #tpu.memory_space<vmem>>) semaphore(%run_scoped3A_99 : memref<!tpu.dma_semaphore, #tpu.memory_space<semaphore_mem>>) {add = true}
        %dma_wait3A_106 = arith.constant 0 : i32
        %dma_wait3A_107 = tpu.memref_slice %arg10[%run_scoped3A, %dma_wait3A_106] : memref<40x128xi32, #tpu.memory_space<vmem>> -> memref<1x128xi32, #tpu.memory_space<vmem>>
        %dma_wait3A_108 = tpu.memref_squeeze %dma_wait3A_107 : memref<1x128xi32, #tpu.memory_space<vmem>> -> memref<128xi32, #tpu.memory_space<vmem>>
        %dma_wait3A_109 = arith.constant 0 : i32
        %dma_wait3A_110 = arith.constant 0 : i32
        %dma_wait3A_111 = tpu.memref_slice %arg8[%dma_wait3A_109, %dma_wait3A_110] : memref<10240x128xf32, #tpu.memory_space<vmem_shared>> -> memref<10240x128xf32, #tpu.memory_space<vmem_shared>>
        tpu.wait_indirect_dma semaphore(%run_scoped3A_99 : memref<!tpu.dma_semaphore, #tpu.memory_space<semaphore_mem>>) src(%arg11 : memref<128x128xf32, #tpu.memory_space<vmem>>) dst(%dma_wait3A_111 : memref<10240x128xf32, #tpu.memory_space<vmem_shared>>)
        tpu.yield
      }) : () -> ()
      %dma_wait3A_55 = arith.constant 0 : i32
      %dma_wait3A_56 = arith.constant 0 : i32
      %dma_wait3A_57 = tpu.memref_slice %arg2[%dma_wait3A_55, %dma_wait3A_56] : memref<10240x128xf32, #tpu.memory_space<hbm>> -> memref<128x128xf32, #tpu.memory_space<hbm>>
      %dma_wait3A_58 = arith.constant 0 : i32
      %dma_wait3A_59 = arith.constant 0 : i32
      %dma_wait3A_60 = tpu.memref_slice %arg2[%dma_wait3A_58, %dma_wait3A_59] : memref<10240x128xf32, #tpu.memory_space<hbm>> -> memref<128x128xf32, #tpu.memory_space<hbm>>
      tpu.wait_dma2 semaphore(%arg14 : memref<!tpu.dma_semaphore, #tpu.memory_space<semaphore_mem>>) src(%dma_wait3A_60 : memref<128x128xf32, #tpu.memory_space<hbm>>) dst(%arg12 : memref<128x128xf32, #tpu.memory_space<vmem>>)
      %run_scoped3A_61 = arith.constant 39 : i32
      "tpu.region"() ({
        %run_scoped3A_99 = tpu.sem_alloc : memref<!tpu.dma_semaphore, #tpu.memory_space<semaphore_mem>>
        %dma_start3A_100 = arith.constant 0 : i32
        %dma_start3A_101 = tpu.memref_slice %arg10[%run_scoped3A_61, %dma_start3A_100] : memref<40x128xi32, #tpu.memory_space<vmem>> -> memref<1x128xi32, #tpu.memory_space<vmem>>
        %dma_start3A_102 = tpu.memref_squeeze %dma_start3A_101 : memref<1x128xi32, #tpu.memory_space<vmem>> -> memref<128xi32, #tpu.memory_space<vmem>>
        %dma_start3A_103 = arith.constant 0 : i32
        %dma_start3A_104 = arith.constant 0 : i32
        %dma_start3A_105 = tpu.memref_slice %arg8[%dma_start3A_103, %dma_start3A_104] : memref<10240x128xf32, #tpu.memory_space<vmem_shared>> -> memref<10240x128xf32, #tpu.memory_space<vmem_shared>>
        tpu.enqueue_indirect_dma source(%arg12 : memref<128x128xf32, #tpu.memory_space<vmem>>) target(%dma_start3A_105 : memref<10240x128xf32, #tpu.memory_space<vmem_shared>>) offsets(%dma_start3A_102 : memref<128xi32, #tpu.memory_space<vmem>>) semaphore(%run_scoped3A_99 : memref<!tpu.dma_semaphore, #tpu.memory_space<semaphore_mem>>) {add = true}
        %dma_wait3A_106 = arith.constant 0 : i32
        %dma_wait3A_107 = tpu.memref_slice %arg10[%run_scoped3A_61, %dma_wait3A_106] : memref<40x128xi32, #tpu.memory_space<vmem>> -> memref<1x128xi32, #tpu.memory_space<vmem>>
        %dma_wait3A_108 = tpu.memref_squeeze %dma_wait3A_107 : memref<1x128xi32, #tpu.memory_space<vmem>> -> memref<128xi32, #tpu.memory_space<vmem>>
        %dma_wait3A_109 = arith.constant 0 : i32
        %dma_wait3A_110 = arith.constant 0 : i32
        %dma_wait3A_111 = tpu.memref_slice %arg8[%dma_wait3A_109, %dma_wait3A_110] : memref<10240x128xf32, #tpu.memory_space<vmem_shared>> -> memref<10240x128xf32, #tpu.memory_space<vmem_shared>>
        tpu.wait_indirect_dma semaphore(%run_scoped3A_99 : memref<!tpu.dma_semaphore, #tpu.memory_space<semaphore_mem>>) src(%arg12 : memref<128x128xf32, #tpu.memory_space<vmem>>) dst(%dma_wait3A_111 : memref<10240x128xf32, #tpu.memory_space<vmem_shared>>)
        tpu.yield
      }) : () -> ()
      %mul3A_62 = arith.constant 80 : i32
      %mul3A_63 = arith.muli %arg1, %mul3A_62 : i32
      %add3A_64 = arith.constant 40 : i32
      %add3A_65 = arith.addi %mul3A_63, %add3A_64 : i32
      "tpu.region"() ({
        %run_scoped3A_99 = tpu.sem_alloc : memref<!tpu.dma_semaphore, #tpu.memory_space<semaphore_mem>>
        %dma_start3A_100 = arith.constant 0 : i32
        %dma_start3A_101 = tpu.memref_slice %arg4[%add3A_65, %dma_start3A_100] : memref<1280x128xi32, #tpu.memory_space<hbm>> -> memref<40x128xi32, #tpu.memory_space<hbm>>
        %dma_start3A_102 = arith.constant 0 : i32
        %dma_start3A_103 = tpu.memref_slice %arg4[%add3A_65, %dma_start3A_102] : memref<1280x128xi32, #tpu.memory_space<hbm>> -> memref<40x128xi32, #tpu.memory_space<hbm>>
        tpu.enqueue_dma source(%dma_start3A_103 : memref<40x128xi32, #tpu.memory_space<hbm>>) target(%arg9 : memref<40x128xi32, #tpu.memory_space<vmem>>) target_semaphore(%run_scoped3A_99 : memref<!tpu.dma_semaphore, #tpu.memory_space<semaphore_mem>>)
        %dma_wait3A_104 = arith.constant 0 : i32
        %dma_wait3A_105 = tpu.memref_slice %arg4[%add3A_65, %dma_wait3A_104] : memref<1280x128xi32, #tpu.memory_space<hbm>> -> memref<40x128xi32, #tpu.memory_space<hbm>>
        %dma_wait3A_106 = arith.constant 0 : i32
        %dma_wait3A_107 = tpu.memref_slice %arg4[%add3A_65, %dma_wait3A_106] : memref<1280x128xi32, #tpu.memory_space<hbm>> -> memref<40x128xi32, #tpu.memory_space<hbm>>
        tpu.wait_dma2 semaphore(%run_scoped3A_99 : memref<!tpu.dma_semaphore, #tpu.memory_space<semaphore_mem>>) src(%dma_wait3A_107 : memref<40x128xi32, #tpu.memory_space<hbm>>) dst(%arg9 : memref<40x128xi32, #tpu.memory_space<vmem>>)
        tpu.yield
      }) : () -> ()
      "tpu.region"() ({
        %run_scoped3A_99 = tpu.sem_alloc : memref<!tpu.dma_semaphore, #tpu.memory_space<semaphore_mem>>
        %dma_start3A_100 = arith.constant 0 : i32
        %dma_start3A_101 = tpu.memref_slice %arg5[%add3A_65, %dma_start3A_100] : memref<1280x128xi32, #tpu.memory_space<hbm>> -> memref<40x128xi32, #tpu.memory_space<hbm>>
        %dma_start3A_102 = arith.constant 0 : i32
        %dma_start3A_103 = tpu.memref_slice %arg5[%add3A_65, %dma_start3A_102] : memref<1280x128xi32, #tpu.memory_space<hbm>> -> memref<40x128xi32, #tpu.memory_space<hbm>>
        tpu.enqueue_dma source(%dma_start3A_103 : memref<40x128xi32, #tpu.memory_space<hbm>>) target(%arg10 : memref<40x128xi32, #tpu.memory_space<vmem>>) target_semaphore(%run_scoped3A_99 : memref<!tpu.dma_semaphore, #tpu.memory_space<semaphore_mem>>)
        %dma_wait3A_104 = arith.constant 0 : i32
        %dma_wait3A_105 = tpu.memref_slice %arg5[%add3A_65, %dma_wait3A_104] : memref<1280x128xi32, #tpu.memory_space<hbm>> -> memref<40x128xi32, #tpu.memory_space<hbm>>
        %dma_wait3A_106 = arith.constant 0 : i32
        %dma_wait3A_107 = tpu.memref_slice %arg5[%add3A_65, %dma_wait3A_106] : memref<1280x128xi32, #tpu.memory_space<hbm>> -> memref<40x128xi32, #tpu.memory_space<hbm>>
        tpu.wait_dma2 semaphore(%run_scoped3A_99 : memref<!tpu.dma_semaphore, #tpu.memory_space<semaphore_mem>>) src(%dma_wait3A_107 : memref<40x128xi32, #tpu.memory_space<hbm>>) dst(%arg10 : memref<40x128xi32, #tpu.memory_space<vmem>>)
        tpu.yield
      }) : () -> ()
      %dma_start3A_66 = arith.constant 0 : i32
      %dma_start3A_67 = arith.constant 0 : i32
      %dma_start3A_68 = tpu.memref_slice %arg9[%dma_start3A_66, %dma_start3A_67] : memref<40x128xi32, #tpu.memory_space<vmem>> -> memref<1x128xi32, #tpu.memory_space<vmem>>
      %dma_start3A_69 = tpu.memref_squeeze %dma_start3A_68 : memref<1x128xi32, #tpu.memory_space<vmem>> -> memref<128xi32, #tpu.memory_space<vmem>>
      %dma_start3A_70 = arith.constant 0 : i32
      %dma_start3A_71 = arith.constant 0 : i32
      %dma_start3A_72 = tpu.memref_slice %arg2[%dma_start3A_70, %dma_start3A_71] : memref<10240x128xf32, #tpu.memory_space<hbm>> -> memref<10240x128xf32, #tpu.memory_space<hbm>>
      tpu.enqueue_indirect_dma source(%dma_start3A_72 : memref<10240x128xf32, #tpu.memory_space<hbm>>) target(%arg11 : memref<128x128xf32, #tpu.memory_space<vmem>>) offsets(%dma_start3A_69 : memref<128xi32, #tpu.memory_space<vmem>>) semaphore(%arg13 : memref<!tpu.dma_semaphore, #tpu.memory_space<semaphore_mem>>)
      %dma_start3A_73 = arith.constant 1 : i32
      %dma_start3A_74 = arith.constant 0 : i32
      %dma_start3A_75 = tpu.memref_slice %arg9[%dma_start3A_73, %dma_start3A_74] : memref<40x128xi32, #tpu.memory_space<vmem>> -> memref<1x128xi32, #tpu.memory_space<vmem>>
      %dma_start3A_76 = tpu.memref_squeeze %dma_start3A_75 : memref<1x128xi32, #tpu.memory_space<vmem>> -> memref<128xi32, #tpu.memory_space<vmem>>
      %dma_start3A_77 = arith.constant 0 : i32
      %dma_start3A_78 = arith.constant 0 : i32
      %dma_start3A_79 = tpu.memref_slice %arg2[%dma_start3A_77, %dma_start3A_78] : memref<10240x128xf32, #tpu.memory_space<hbm>> -> memref<10240x128xf32, #tpu.memory_space<hbm>>
      tpu.enqueue_indirect_dma source(%dma_start3A_79 : memref<10240x128xf32, #tpu.memory_space<hbm>>) target(%arg12 : memref<128x128xf32, #tpu.memory_space<vmem>>) offsets(%dma_start3A_76 : memref<128xi32, #tpu.memory_space<vmem>>) semaphore(%arg14 : memref<!tpu.dma_semaphore, #tpu.memory_space<semaphore_mem>>)
      %scan3A_80 = arith.constant 0 : i32
      %scan3A_81 = arith.constant 19 : i32
      %scan3A_82 = arith.addi %scan3A_80, %scan3A_81 : i32
      %scan3A_83 = arith.constant 1 : i32
      scf.for %scan3A_99 = %scan3A_80 to %scan3A_82 step %scan3A_83  : i32 {
        %mul3A_100 = arith.constant 2 : i32
        %mul3A_101 = arith.muli %scan3A_99, %mul3A_100 : i32
        %add3A_102 = arith.constant 0 : i32
        %add3A_103 = arith.addi %add3A_102, %mul3A_101 : i32
        %dma_wait3A_104 = arith.constant 0 : i32
        %dma_wait3A_105 = arith.constant 0 : i32
        %dma_wait3A_106 = tpu.memref_slice %arg2[%dma_wait3A_104, %dma_wait3A_105] : memref<10240x128xf32, #tpu.memory_space<hbm>> -> memref<128x128xf32, #tpu.memory_space<hbm>>
        %dma_wait3A_107 = arith.constant 0 : i32
        %dma_wait3A_108 = arith.constant 0 : i32
        %dma_wait3A_109 = tpu.memref_slice %arg2[%dma_wait3A_107, %dma_wait3A_108] : memref<10240x128xf32, #tpu.memory_space<hbm>> -> memref<128x128xf32, #tpu.memory_space<hbm>>
        tpu.wait_dma2 semaphore(%arg13 : memref<!tpu.dma_semaphore, #tpu.memory_space<semaphore_mem>>) src(%dma_wait3A_109 : memref<128x128xf32, #tpu.memory_space<hbm>>) dst(%arg11 : memref<128x128xf32, #tpu.memory_space<vmem>>)
        %dma_start3A_110 = arith.constant 0 : i32
        %dma_start3A_111 = tpu.memref_slice %arg10[%add3A_103, %dma_start3A_110] : memref<40x128xi32, #tpu.memory_space<vmem>> -> memref<1x128xi32, #tpu.memory_space<vmem>>
        %dma_start3A_112 = tpu.memref_squeeze %dma_start3A_111 : memref<1x128xi32, #tpu.memory_space<vmem>> -> memref<128xi32, #tpu.memory_space<vmem>>
        %dma_start3A_113 = arith.constant 0 : i32
        %dma_start3A_114 = arith.constant 0 : i32
        %dma_start3A_115 = tpu.memref_slice %arg8[%dma_start3A_113, %dma_start3A_114] : memref<10240x128xf32, #tpu.memory_space<vmem_shared>> -> memref<10240x128xf32, #tpu.memory_space<vmem_shared>>
        tpu.enqueue_indirect_dma source(%arg11 : memref<128x128xf32, #tpu.memory_space<vmem>>) target(%dma_start3A_115 : memref<10240x128xf32, #tpu.memory_space<vmem_shared>>) offsets(%dma_start3A_112 : memref<128xi32, #tpu.memory_space<vmem>>) semaphore(%arg15 : memref<!tpu.dma_semaphore, #tpu.memory_space<semaphore_mem>>) {add = true}
        %dma_wait3A_116 = arith.constant 0 : i32
        %dma_wait3A_117 = arith.constant 0 : i32
        %dma_wait3A_118 = tpu.memref_slice %arg2[%dma_wait3A_116, %dma_wait3A_117] : memref<10240x128xf32, #tpu.memory_space<hbm>> -> memref<128x128xf32, #tpu.memory_space<hbm>>
        %dma_wait3A_119 = arith.constant 0 : i32
        %dma_wait3A_120 = arith.constant 0 : i32
        %dma_wait3A_121 = tpu.memref_slice %arg2[%dma_wait3A_119, %dma_wait3A_120] : memref<10240x128xf32, #tpu.memory_space<hbm>> -> memref<128x128xf32, #tpu.memory_space<hbm>>
        tpu.wait_dma2 semaphore(%arg14 : memref<!tpu.dma_semaphore, #tpu.memory_space<semaphore_mem>>) src(%dma_wait3A_121 : memref<128x128xf32, #tpu.memory_space<hbm>>) dst(%arg12 : memref<128x128xf32, #tpu.memory_space<vmem>>)
        %add3A_122 = arith.constant 1 : i32
        %add3A_123 = arith.addi %add3A_103, %add3A_122 : i32
        %dma_start3A_124 = arith.constant 0 : i32
        %dma_start3A_125 = tpu.memref_slice %arg10[%add3A_123, %dma_start3A_124] : memref<40x128xi32, #tpu.memory_space<vmem>> -> memref<1x128xi32, #tpu.memory_space<vmem>>
        %dma_start3A_126 = tpu.memref_squeeze %dma_start3A_125 : memref<1x128xi32, #tpu.memory_space<vmem>> -> memref<128xi32, #tpu.memory_space<vmem>>
        %dma_start3A_127 = arith.constant 0 : i32
        %dma_start3A_128 = arith.constant 0 : i32
        %dma_start3A_129 = tpu.memref_slice %arg8[%dma_start3A_127, %dma_start3A_128] : memref<10240x128xf32, #tpu.memory_space<vmem_shared>> -> memref<10240x128xf32, #tpu.memory_space<vmem_shared>>
        tpu.enqueue_indirect_dma source(%arg12 : memref<128x128xf32, #tpu.memory_space<vmem>>) target(%dma_start3A_129 : memref<10240x128xf32, #tpu.memory_space<vmem_shared>>) offsets(%dma_start3A_126 : memref<128xi32, #tpu.memory_space<vmem>>) semaphore(%arg16 : memref<!tpu.dma_semaphore, #tpu.memory_space<semaphore_mem>>) {add = true}
        %dma_wait3A_130 = arith.constant 0 : i32
        %dma_wait3A_131 = tpu.memref_slice %arg10[%add3A_103, %dma_wait3A_130] : memref<40x128xi32, #tpu.memory_space<vmem>> -> memref<1x128xi32, #tpu.memory_space<vmem>>
        %dma_wait3A_132 = tpu.memref_squeeze %dma_wait3A_131 : memref<1x128xi32, #tpu.memory_space<vmem>> -> memref<128xi32, #tpu.memory_space<vmem>>
        %dma_wait3A_133 = arith.constant 0 : i32
        %dma_wait3A_134 = arith.constant 0 : i32
        %dma_wait3A_135 = tpu.memref_slice %arg8[%dma_wait3A_133, %dma_wait3A_134] : memref<10240x128xf32, #tpu.memory_space<vmem_shared>> -> memref<10240x128xf32, #tpu.memory_space<vmem_shared>>
        tpu.wait_indirect_dma semaphore(%arg15 : memref<!tpu.dma_semaphore, #tpu.memory_space<semaphore_mem>>) src(%arg11 : memref<128x128xf32, #tpu.memory_space<vmem>>) dst(%dma_wait3A_135 : memref<10240x128xf32, #tpu.memory_space<vmem_shared>>)
        %add3A_136 = arith.constant 2 : i32
        %add3A_137 = arith.addi %add3A_103, %add3A_136 : i32
        %dma_start3A_138 = arith.constant 0 : i32
        %dma_start3A_139 = tpu.memref_slice %arg9[%add3A_137, %dma_start3A_138] : memref<40x128xi32, #tpu.memory_space<vmem>> -> memref<1x128xi32, #tpu.memory_space<vmem>>
        %dma_start3A_140 = tpu.memref_squeeze %dma_start3A_139 : memref<1x128xi32, #tpu.memory_space<vmem>> -> memref<128xi32, #tpu.memory_space<vmem>>
        %dma_start3A_141 = arith.constant 0 : i32
        %dma_start3A_142 = arith.constant 0 : i32
        %dma_start3A_143 = tpu.memref_slice %arg2[%dma_start3A_141, %dma_start3A_142] : memref<10240x128xf32, #tpu.memory_space<hbm>> -> memref<10240x128xf32, #tpu.memory_space<hbm>>
        tpu.enqueue_indirect_dma source(%dma_start3A_143 : memref<10240x128xf32, #tpu.memory_space<hbm>>) target(%arg11 : memref<128x128xf32, #tpu.memory_space<vmem>>) offsets(%dma_start3A_140 : memref<128xi32, #tpu.memory_space<vmem>>) semaphore(%arg13 : memref<!tpu.dma_semaphore, #tpu.memory_space<semaphore_mem>>)
        %dma_wait3A_144 = arith.constant 0 : i32
        %dma_wait3A_145 = tpu.memref_slice %arg10[%add3A_123, %dma_wait3A_144] : memref<40x128xi32, #tpu.memory_space<vmem>> -> memref<1x128xi32, #tpu.memory_space<vmem>>
        %dma_wait3A_146 = tpu.memref_squeeze %dma_wait3A_145 : memref<1x128xi32, #tpu.memory_space<vmem>> -> memref<128xi32, #tpu.memory_space<vmem>>
        %dma_wait3A_147 = arith.constant 0 : i32
        %dma_wait3A_148 = arith.constant 0 : i32
        %dma_wait3A_149 = tpu.memref_slice %arg8[%dma_wait3A_147, %dma_wait3A_148] : memref<10240x128xf32, #tpu.memory_space<vmem_shared>> -> memref<10240x128xf32, #tpu.memory_space<vmem_shared>>
        tpu.wait_indirect_dma semaphore(%arg16 : memref<!tpu.dma_semaphore, #tpu.memory_space<semaphore_mem>>) src(%arg12 : memref<128x128xf32, #tpu.memory_space<vmem>>) dst(%dma_wait3A_149 : memref<10240x128xf32, #tpu.memory_space<vmem_shared>>)
        %add3A_150 = arith.constant 3 : i32
        %add3A_151 = arith.addi %add3A_103, %add3A_150 : i32
        %dma_start3A_152 = arith.constant 0 : i32
        %dma_start3A_153 = tpu.memref_slice %arg9[%add3A_151, %dma_start3A_152] : memref<40x128xi32, #tpu.memory_space<vmem>> -> memref<1x128xi32, #tpu.memory_space<vmem>>
        %dma_start3A_154 = tpu.memref_squeeze %dma_start3A_153 : memref<1x128xi32, #tpu.memory_space<vmem>> -> memref<128xi32, #tpu.memory_space<vmem>>
        %dma_start3A_155 = arith.constant 0 : i32
        %dma_start3A_156 = arith.constant 0 : i32
        %dma_start3A_157 = tpu.memref_slice %arg2[%dma_start3A_155, %dma_start3A_156] : memref<10240x128xf32, #tpu.memory_space<hbm>> -> memref<10240x128xf32, #tpu.memory_space<hbm>>
        tpu.enqueue_indirect_dma source(%dma_start3A_157 : memref<10240x128xf32, #tpu.memory_space<hbm>>) target(%arg12 : memref<128x128xf32, #tpu.memory_space<vmem>>) offsets(%dma_start3A_154 : memref<128xi32, #tpu.memory_space<vmem>>) semaphore(%arg14 : memref<!tpu.dma_semaphore, #tpu.memory_space<semaphore_mem>>)
      }
      %scan3A_84 = arith.constant 19 : i32
      %dma_wait3A_85 = arith.constant 0 : i32
      %dma_wait3A_86 = arith.constant 0 : i32
      %dma_wait3A_87 = tpu.memref_slice %arg2[%dma_wait3A_85, %dma_wait3A_86] : memref<10240x128xf32, #tpu.memory_space<hbm>> -> memref<128x128xf32, #tpu.memory_space<hbm>>
      %dma_wait3A_88 = arith.constant 0 : i32
      %dma_wait3A_89 = arith.constant 0 : i32
      %dma_wait3A_90 = tpu.memref_slice %arg2[%dma_wait3A_88, %dma_wait3A_89] : memref<10240x128xf32, #tpu.memory_space<hbm>> -> memref<128x128xf32, #tpu.memory_space<hbm>>
      tpu.wait_dma2 semaphore(%arg13 : memref<!tpu.dma_semaphore, #tpu.memory_space<semaphore_mem>>) src(%dma_wait3A_90 : memref<128x128xf32, #tpu.memory_space<hbm>>) dst(%arg11 : memref<128x128xf32, #tpu.memory_space<vmem>>)
      %run_scoped3A_91 = arith.constant 38 : i32
      "tpu.region"() ({
        %run_scoped3A_99 = tpu.sem_alloc : memref<!tpu.dma_semaphore, #tpu.memory_space<semaphore_mem>>
        %dma_start3A_100 = arith.constant 0 : i32
        %dma_start3A_101 = tpu.memref_slice %arg10[%run_scoped3A_91, %dma_start3A_100] : memref<40x128xi32, #tpu.memory_space<vmem>> -> memref<1x128xi32, #tpu.memory_space<vmem>>
        %dma_start3A_102 = tpu.memref_squeeze %dma_start3A_101 : memref<1x128xi32, #tpu.memory_space<vmem>> -> memref<128xi32, #tpu.memory_space<vmem>>
        %dma_start3A_103 = arith.constant 0 : i32
        %dma_start3A_104 = arith.constant 0 : i32
        %dma_start3A_105 = tpu.memref_slice %arg8[%dma_start3A_103, %dma_start3A_104] : memref<10240x128xf32, #tpu.memory_space<vmem_shared>> -> memref<10240x128xf32, #tpu.memory_space<vmem_shared>>
        tpu.enqueue_indirect_dma source(%arg11 : memref<128x128xf32, #tpu.memory_space<vmem>>) target(%dma_start3A_105 : memref<10240x128xf32, #tpu.memory_space<vmem_shared>>) offsets(%dma_start3A_102 : memref<128xi32, #tpu.memory_space<vmem>>) semaphore(%run_scoped3A_99 : memref<!tpu.dma_semaphore, #tpu.memory_space<semaphore_mem>>) {add = true}
        %dma_wait3A_106 = arith.constant 0 : i32
        %dma_wait3A_107 = tpu.memref_slice %arg10[%run_scoped3A_91, %dma_wait3A_106] : memref<40x128xi32, #tpu.memory_space<vmem>> -> memref<1x128xi32, #tpu.memory_space<vmem>>
        %dma_wait3A_108 = tpu.memref_squeeze %dma_wait3A_107 : memref<1x128xi32, #tpu.memory_space<vmem>> -> memref<128xi32, #tpu.memory_space<vmem>>
        %dma_wait3A_109 = arith.constant 0 : i32
        %dma_wait3A_110 = arith.constant 0 : i32
        %dma_wait3A_111 = tpu.memref_slice %arg8[%dma_wait3A_109, %dma_wait3A_110] : memref<10240x128xf32, #tpu.memory_space<vmem_shared>> -> memref<10240x128xf32, #tpu.memory_space<vmem_shared>>
        tpu.wait_indirect_dma semaphore(%run_scoped3A_99 : memref<!tpu.dma_semaphore, #tpu.memory_space<semaphore_mem>>) src(%arg11 : memref<128x128xf32, #tpu.memory_space<vmem>>) dst(%dma_wait3A_111 : memref<10240x128xf32, #tpu.memory_space<vmem_shared>>)
        tpu.yield
      }) : () -> ()
      %dma_wait3A_92 = arith.constant 0 : i32
      %dma_wait3A_93 = arith.constant 0 : i32
      %dma_wait3A_94 = tpu.memref_slice %arg2[%dma_wait3A_92, %dma_wait3A_93] : memref<10240x128xf32, #tpu.memory_space<hbm>> -> memref<128x128xf32, #tpu.memory_space<hbm>>
      %dma_wait3A_95 = arith.constant 0 : i32
      %dma_wait3A_96 = arith.constant 0 : i32
      %dma_wait3A_97 = tpu.memref_slice %arg2[%dma_wait3A_95, %dma_wait3A_96] : memref<10240x128xf32, #tpu.memory_space<hbm>> -> memref<128x128xf32, #tpu.memory_space<hbm>>
      tpu.wait_dma2 semaphore(%arg14 : memref<!tpu.dma_semaphore, #tpu.memory_space<semaphore_mem>>) src(%dma_wait3A_97 : memref<128x128xf32, #tpu.memory_space<hbm>>) dst(%arg12 : memref<128x128xf32, #tpu.memory_space<vmem>>)
      %run_scoped3A_98 = arith.constant 39 : i32
      "tpu.region"() ({
        %run_scoped3A_99 = tpu.sem_alloc : memref<!tpu.dma_semaphore, #tpu.memory_space<semaphore_mem>>
        %dma_start3A_100 = arith.constant 0 : i32
        %dma_start3A_101 = tpu.memref_slice %arg10[%run_scoped3A_98, %dma_start3A_100] : memref<40x128xi32, #tpu.memory_space<vmem>> -> memref<1x128xi32, #tpu.memory_space<vmem>>
        %dma_start3A_102 = tpu.memref_squeeze %dma_start3A_101 : memref<1x128xi32, #tpu.memory_space<vmem>> -> memref<128xi32, #tpu.memory_space<vmem>>
        %dma_start3A_103 = arith.constant 0 : i32
        %dma_start3A_104 = arith.constant 0 : i32
        %dma_start3A_105 = tpu.memref_slice %arg8[%dma_start3A_103, %dma_start3A_104] : memref<10240x128xf32, #tpu.memory_space<vmem_shared>> -> memref<10240x128xf32, #tpu.memory_space<vmem_shared>>
        tpu.enqueue_indirect_dma source(%arg12 : memref<128x128xf32, #tpu.memory_space<vmem>>) target(%dma_start3A_105 : memref<10240x128xf32, #tpu.memory_space<vmem_shared>>) offsets(%dma_start3A_102 : memref<128xi32, #tpu.memory_space<vmem>>) semaphore(%run_scoped3A_99 : memref<!tpu.dma_semaphore, #tpu.memory_space<semaphore_mem>>) {add = true}
        %dma_wait3A_106 = arith.constant 0 : i32
        %dma_wait3A_107 = tpu.memref_slice %arg10[%run_scoped3A_98, %dma_wait3A_106] : memref<40x128xi32, #tpu.memory_space<vmem>> -> memref<1x128xi32, #tpu.memory_space<vmem>>
        %dma_wait3A_108 = tpu.memref_squeeze %dma_wait3A_107 : memref<1x128xi32, #tpu.memory_space<vmem>> -> memref<128xi32, #tpu.memory_space<vmem>>
        %dma_wait3A_109 = arith.constant 0 : i32
        %dma_wait3A_110 = arith.constant 0 : i32
        %dma_wait3A_111 = tpu.memref_slice %arg8[%dma_wait3A_109, %dma_wait3A_110] : memref<10240x128xf32, #tpu.memory_space<vmem_shared>> -> memref<10240x128xf32, #tpu.memory_space<vmem_shared>>
        tpu.wait_indirect_dma semaphore(%run_scoped3A_99 : memref<!tpu.dma_semaphore, #tpu.memory_space<semaphore_mem>>) src(%arg12 : memref<128x128xf32, #tpu.memory_space<vmem>>) dst(%dma_wait3A_111 : memref<10240x128xf32, #tpu.memory_space<vmem_shared>>)
        tpu.yield
      }) : () -> ()
    } else {
    }
    %eq3A_12 = arith.constant 1 : i32
    %eq3A_13 = arith.cmpi eq, %arg0, %eq3A_12 : i32
    %convert_element_type3A_14 = arith.extui %eq3A_13 : i1 to i32
    %cond3A_15 = arith.constant 0 : i32
    %cond3A_16 = arith.cmpi ne, %convert_element_type3A_14, %cond3A_15 : i32
    scf.if %cond3A_16 {
      %mul3A_29 = arith.constant 80 : i32
      %mul3A_30 = arith.muli %arg1, %mul3A_29 : i32
      %add3A = arith.constant 0 : i32
      %add3A_31 = arith.addi %mul3A_30, %add3A : i32
      "tpu.region"() ({
        %run_scoped3A_99 = tpu.sem_alloc : memref<!tpu.dma_semaphore, #tpu.memory_space<semaphore_mem>>
        %dma_start3A_100 = arith.constant 0 : i32
        %dma_start3A_101 = tpu.memref_slice %arg4[%add3A_31, %dma_start3A_100] : memref<1280x128xi32, #tpu.memory_space<hbm>> -> memref<40x128xi32, #tpu.memory_space<hbm>>
        %dma_start3A_102 = arith.constant 0 : i32
        %dma_start3A_103 = tpu.memref_slice %arg4[%add3A_31, %dma_start3A_102] : memref<1280x128xi32, #tpu.memory_space<hbm>> -> memref<40x128xi32, #tpu.memory_space<hbm>>
        tpu.enqueue_dma source(%dma_start3A_103 : memref<40x128xi32, #tpu.memory_space<hbm>>) target(%arg9 : memref<40x128xi32, #tpu.memory_space<vmem>>) target_semaphore(%run_scoped3A_99 : memref<!tpu.dma_semaphore, #tpu.memory_space<semaphore_mem>>)
        %dma_wait3A_104 = arith.constant 0 : i32
        %dma_wait3A_105 = tpu.memref_slice %arg4[%add3A_31, %dma_wait3A_104] : memref<1280x128xi32, #tpu.memory_space<hbm>> -> memref<40x128xi32, #tpu.memory_space<hbm>>
        %dma_wait3A_106 = arith.constant 0 : i32
        %dma_wait3A_107 = tpu.memref_slice %arg4[%add3A_31, %dma_wait3A_106] : memref<1280x128xi32, #tpu.memory_space<hbm>> -> memref<40x128xi32, #tpu.memory_space<hbm>>
        tpu.wait_dma2 semaphore(%run_scoped3A_99 : memref<!tpu.dma_semaphore, #tpu.memory_space<semaphore_mem>>) src(%dma_wait3A_107 : memref<40x128xi32, #tpu.memory_space<hbm>>) dst(%arg9 : memref<40x128xi32, #tpu.memory_space<vmem>>)
        tpu.yield
      }) : () -> ()
      "tpu.region"() ({
        %run_scoped3A_99 = tpu.sem_alloc : memref<!tpu.dma_semaphore, #tpu.memory_space<semaphore_mem>>
        %dma_start3A_100 = arith.constant 0 : i32
        %dma_start3A_101 = tpu.memref_slice %arg5[%add3A_31, %dma_start3A_100] : memref<1280x128xi32, #tpu.memory_space<hbm>> -> memref<40x128xi32, #tpu.memory_space<hbm>>
        %dma_start3A_102 = arith.constant 0 : i32
        %dma_start3A_103 = tpu.memref_slice %arg5[%add3A_31, %dma_start3A_102] : memref<1280x128xi32, #tpu.memory_space<hbm>> -> memref<40x128xi32, #tpu.memory_space<hbm>>
        tpu.enqueue_dma source(%dma_start3A_103 : memref<40x128xi32, #tpu.memory_space<hbm>>) target(%arg10 : memref<40x128xi32, #tpu.memory_space<vmem>>) target_semaphore(%run_scoped3A_99 : memref<!tpu.dma_semaphore, #tpu.memory_space<semaphore_mem>>)
        %dma_wait3A_104 = arith.constant 0 : i32
        %dma_wait3A_105 = tpu.memref_slice %arg5[%add3A_31, %dma_wait3A_104] : memref<1280x128xi32, #tpu.memory_space<hbm>> -> memref<40x128xi32, #tpu.memory_space<hbm>>
        %dma_wait3A_106 = arith.constant 0 : i32
        %dma_wait3A_107 = tpu.memref_slice %arg5[%add3A_31, %dma_wait3A_106] : memref<1280x128xi32, #tpu.memory_space<hbm>> -> memref<40x128xi32, #tpu.memory_space<hbm>>
        tpu.wait_dma2 semaphore(%run_scoped3A_99 : memref<!tpu.dma_semaphore, #tpu.memory_space<semaphore_mem>>) src(%dma_wait3A_107 : memref<40x128xi32, #tpu.memory_space<hbm>>) dst(%arg10 : memref<40x128xi32, #tpu.memory_space<vmem>>)
        tpu.yield
      }) : () -> ()
      %dma_start3A = arith.constant 0 : i32
      %dma_start3A_32 = arith.constant 0 : i32
      %dma_start3A_33 = tpu.memref_slice %arg9[%dma_start3A, %dma_start3A_32] : memref<40x128xi32, #tpu.memory_space<vmem>> -> memref<1x128xi32, #tpu.memory_space<vmem>>
      %dma_start3A_34 = tpu.memref_squeeze %dma_start3A_33 : memref<1x128xi32, #tpu.memory_space<vmem>> -> memref<128xi32, #tpu.memory_space<vmem>>
      %dma_start3A_35 = arith.constant 0 : i32
      %dma_start3A_36 = arith.constant 0 : i32
      %dma_start3A_37 = tpu.memref_slice %arg3[%dma_start3A_35, %dma_start3A_36] : memref<10240x128xf32, #tpu.memory_space<hbm>> -> memref<10240x128xf32, #tpu.memory_space<hbm>>
      tpu.enqueue_indirect_dma source(%dma_start3A_37 : memref<10240x128xf32, #tpu.memory_space<hbm>>) target(%arg11 : memref<128x128xf32, #tpu.memory_space<vmem>>) offsets(%dma_start3A_34 : memref<128xi32, #tpu.memory_space<vmem>>) semaphore(%arg13 : memref<!tpu.dma_semaphore, #tpu.memory_space<semaphore_mem>>)
      %dma_start3A_38 = arith.constant 1 : i32
      %dma_start3A_39 = arith.constant 0 : i32
      %dma_start3A_40 = tpu.memref_slice %arg9[%dma_start3A_38, %dma_start3A_39] : memref<40x128xi32, #tpu.memory_space<vmem>> -> memref<1x128xi32, #tpu.memory_space<vmem>>
      %dma_start3A_41 = tpu.memref_squeeze %dma_start3A_40 : memref<1x128xi32, #tpu.memory_space<vmem>> -> memref<128xi32, #tpu.memory_space<vmem>>
      %dma_start3A_42 = arith.constant 0 : i32
      %dma_start3A_43 = arith.constant 0 : i32
      %dma_start3A_44 = tpu.memref_slice %arg3[%dma_start3A_42, %dma_start3A_43] : memref<10240x128xf32, #tpu.memory_space<hbm>> -> memref<10240x128xf32, #tpu.memory_space<hbm>>
      tpu.enqueue_indirect_dma source(%dma_start3A_44 : memref<10240x128xf32, #tpu.memory_space<hbm>>) target(%arg12 : memref<128x128xf32, #tpu.memory_space<vmem>>) offsets(%dma_start3A_41 : memref<128xi32, #tpu.memory_space<vmem>>) semaphore(%arg14 : memref<!tpu.dma_semaphore, #tpu.memory_space<semaphore_mem>>)
      %scan3A_45 = arith.constant 0 : i32
      %scan3A_46 = arith.constant 19 : i32
      %scan3A_47 = arith.addi %scan3A_45, %scan3A_46 : i32
      %scan3A_48 = arith.constant 1 : i32
      scf.for %scan3A_99 = %scan3A_45 to %scan3A_47 step %scan3A_48  : i32 {
        %mul3A_100 = arith.constant 2 : i32
        %mul3A_101 = arith.muli %scan3A_99, %mul3A_100 : i32
        %add3A_102 = arith.constant 0 : i32
        %add3A_103 = arith.addi %add3A_102, %mul3A_101 : i32
        %dma_wait3A_104 = arith.constant 0 : i32
        %dma_wait3A_105 = arith.constant 0 : i32
        %dma_wait3A_106 = tpu.memref_slice %arg3[%dma_wait3A_104, %dma_wait3A_105] : memref<10240x128xf32, #tpu.memory_space<hbm>> -> memref<128x128xf32, #tpu.memory_space<hbm>>
        %dma_wait3A_107 = arith.constant 0 : i32
        %dma_wait3A_108 = arith.constant 0 : i32
        %dma_wait3A_109 = tpu.memref_slice %arg3[%dma_wait3A_107, %dma_wait3A_108] : memref<10240x128xf32, #tpu.memory_space<hbm>> -> memref<128x128xf32, #tpu.memory_space<hbm>>
        tpu.wait_dma2 semaphore(%arg13 : memref<!tpu.dma_semaphore, #tpu.memory_space<semaphore_mem>>) src(%dma_wait3A_109 : memref<128x128xf32, #tpu.memory_space<hbm>>) dst(%arg11 : memref<128x128xf32, #tpu.memory_space<vmem>>)
        %dma_start3A_110 = arith.constant 0 : i32
        %dma_start3A_111 = tpu.memref_slice %arg10[%add3A_103, %dma_start3A_110] : memref<40x128xi32, #tpu.memory_space<vmem>> -> memref<1x128xi32, #tpu.memory_space<vmem>>
        %dma_start3A_112 = tpu.memref_squeeze %dma_start3A_111 : memref<1x128xi32, #tpu.memory_space<vmem>> -> memref<128xi32, #tpu.memory_space<vmem>>
        %dma_start3A_113 = arith.constant 0 : i32
        %dma_start3A_114 = arith.constant 0 : i32
        %dma_start3A_115 = tpu.memref_slice %arg8[%dma_start3A_113, %dma_start3A_114] : memref<10240x128xf32, #tpu.memory_space<vmem_shared>> -> memref<10240x128xf32, #tpu.memory_space<vmem_shared>>
        tpu.enqueue_indirect_dma source(%arg11 : memref<128x128xf32, #tpu.memory_space<vmem>>) target(%dma_start3A_115 : memref<10240x128xf32, #tpu.memory_space<vmem_shared>>) offsets(%dma_start3A_112 : memref<128xi32, #tpu.memory_space<vmem>>) semaphore(%arg15 : memref<!tpu.dma_semaphore, #tpu.memory_space<semaphore_mem>>) {add = true}
        %dma_wait3A_116 = arith.constant 0 : i32
        %dma_wait3A_117 = arith.constant 0 : i32
        %dma_wait3A_118 = tpu.memref_slice %arg3[%dma_wait3A_116, %dma_wait3A_117] : memref<10240x128xf32, #tpu.memory_space<hbm>> -> memref<128x128xf32, #tpu.memory_space<hbm>>
        %dma_wait3A_119 = arith.constant 0 : i32
        %dma_wait3A_120 = arith.constant 0 : i32
        %dma_wait3A_121 = tpu.memref_slice %arg3[%dma_wait3A_119, %dma_wait3A_120] : memref<10240x128xf32, #tpu.memory_space<hbm>> -> memref<128x128xf32, #tpu.memory_space<hbm>>
        tpu.wait_dma2 semaphore(%arg14 : memref<!tpu.dma_semaphore, #tpu.memory_space<semaphore_mem>>) src(%dma_wait3A_121 : memref<128x128xf32, #tpu.memory_space<hbm>>) dst(%arg12 : memref<128x128xf32, #tpu.memory_space<vmem>>)
        %add3A_122 = arith.constant 1 : i32
        %add3A_123 = arith.addi %add3A_103, %add3A_122 : i32
        %dma_start3A_124 = arith.constant 0 : i32
        %dma_start3A_125 = tpu.memref_slice %arg10[%add3A_123, %dma_start3A_124] : memref<40x128xi32, #tpu.memory_space<vmem>> -> memref<1x128xi32, #tpu.memory_space<vmem>>
        %dma_start3A_126 = tpu.memref_squeeze %dma_start3A_125 : memref<1x128xi32, #tpu.memory_space<vmem>> -> memref<128xi32, #tpu.memory_space<vmem>>
        %dma_start3A_127 = arith.constant 0 : i32
        %dma_start3A_128 = arith.constant 0 : i32
        %dma_start3A_129 = tpu.memref_slice %arg8[%dma_start3A_127, %dma_start3A_128] : memref<10240x128xf32, #tpu.memory_space<vmem_shared>> -> memref<10240x128xf32, #tpu.memory_space<vmem_shared>>
        tpu.enqueue_indirect_dma source(%arg12 : memref<128x128xf32, #tpu.memory_space<vmem>>) target(%dma_start3A_129 : memref<10240x128xf32, #tpu.memory_space<vmem_shared>>) offsets(%dma_start3A_126 : memref<128xi32, #tpu.memory_space<vmem>>) semaphore(%arg16 : memref<!tpu.dma_semaphore, #tpu.memory_space<semaphore_mem>>) {add = true}
        %dma_wait3A_130 = arith.constant 0 : i32
        %dma_wait3A_131 = tpu.memref_slice %arg10[%add3A_103, %dma_wait3A_130] : memref<40x128xi32, #tpu.memory_space<vmem>> -> memref<1x128xi32, #tpu.memory_space<vmem>>
        %dma_wait3A_132 = tpu.memref_squeeze %dma_wait3A_131 : memref<1x128xi32, #tpu.memory_space<vmem>> -> memref<128xi32, #tpu.memory_space<vmem>>
        %dma_wait3A_133 = arith.constant 0 : i32
        %dma_wait3A_134 = arith.constant 0 : i32
        %dma_wait3A_135 = tpu.memref_slice %arg8[%dma_wait3A_133, %dma_wait3A_134] : memref<10240x128xf32, #tpu.memory_space<vmem_shared>> -> memref<10240x128xf32, #tpu.memory_space<vmem_shared>>
        tpu.wait_indirect_dma semaphore(%arg15 : memref<!tpu.dma_semaphore, #tpu.memory_space<semaphore_mem>>) src(%arg11 : memref<128x128xf32, #tpu.memory_space<vmem>>) dst(%dma_wait3A_135 : memref<10240x128xf32, #tpu.memory_space<vmem_shared>>)
        %add3A_136 = arith.constant 2 : i32
        %add3A_137 = arith.addi %add3A_103, %add3A_136 : i32
        %dma_start3A_138 = arith.constant 0 : i32
        %dma_start3A_139 = tpu.memref_slice %arg9[%add3A_137, %dma_start3A_138] : memref<40x128xi32, #tpu.memory_space<vmem>> -> memref<1x128xi32, #tpu.memory_space<vmem>>
        %dma_start3A_140 = tpu.memref_squeeze %dma_start3A_139 : memref<1x128xi32, #tpu.memory_space<vmem>> -> memref<128xi32, #tpu.memory_space<vmem>>
        %dma_start3A_141 = arith.constant 0 : i32
        %dma_start3A_142 = arith.constant 0 : i32
        %dma_start3A_143 = tpu.memref_slice %arg3[%dma_start3A_141, %dma_start3A_142] : memref<10240x128xf32, #tpu.memory_space<hbm>> -> memref<10240x128xf32, #tpu.memory_space<hbm>>
        tpu.enqueue_indirect_dma source(%dma_start3A_143 : memref<10240x128xf32, #tpu.memory_space<hbm>>) target(%arg11 : memref<128x128xf32, #tpu.memory_space<vmem>>) offsets(%dma_start3A_140 : memref<128xi32, #tpu.memory_space<vmem>>) semaphore(%arg13 : memref<!tpu.dma_semaphore, #tpu.memory_space<semaphore_mem>>)
        %dma_wait3A_144 = arith.constant 0 : i32
        %dma_wait3A_145 = tpu.memref_slice %arg10[%add3A_123, %dma_wait3A_144] : memref<40x128xi32, #tpu.memory_space<vmem>> -> memref<1x128xi32, #tpu.memory_space<vmem>>
        %dma_wait3A_146 = tpu.memref_squeeze %dma_wait3A_145 : memref<1x128xi32, #tpu.memory_space<vmem>> -> memref<128xi32, #tpu.memory_space<vmem>>
        %dma_wait3A_147 = arith.constant 0 : i32
        %dma_wait3A_148 = arith.constant 0 : i32
        %dma_wait3A_149 = tpu.memref_slice %arg8[%dma_wait3A_147, %dma_wait3A_148] : memref<10240x128xf32, #tpu.memory_space<vmem_shared>> -> memref<10240x128xf32, #tpu.memory_space<vmem_shared>>
        tpu.wait_indirect_dma semaphore(%arg16 : memref<!tpu.dma_semaphore, #tpu.memory_space<semaphore_mem>>) src(%arg12 : memref<128x128xf32, #tpu.memory_space<vmem>>) dst(%dma_wait3A_149 : memref<10240x128xf32, #tpu.memory_space<vmem_shared>>)
        %add3A_150 = arith.constant 3 : i32
        %add3A_151 = arith.addi %add3A_103, %add3A_150 : i32
        %dma_start3A_152 = arith.constant 0 : i32
        %dma_start3A_153 = tpu.memref_slice %arg9[%add3A_151, %dma_start3A_152] : memref<40x128xi32, #tpu.memory_space<vmem>> -> memref<1x128xi32, #tpu.memory_space<vmem>>
        %dma_start3A_154 = tpu.memref_squeeze %dma_start3A_153 : memref<1x128xi32, #tpu.memory_space<vmem>> -> memref<128xi32, #tpu.memory_space<vmem>>
        %dma_start3A_155 = arith.constant 0 : i32
        %dma_start3A_156 = arith.constant 0 : i32
        %dma_start3A_157 = tpu.memref_slice %arg3[%dma_start3A_155, %dma_start3A_156] : memref<10240x128xf32, #tpu.memory_space<hbm>> -> memref<10240x128xf32, #tpu.memory_space<hbm>>
        tpu.enqueue_indirect_dma source(%dma_start3A_157 : memref<10240x128xf32, #tpu.memory_space<hbm>>) target(%arg12 : memref<128x128xf32, #tpu.memory_space<vmem>>) offsets(%dma_start3A_154 : memref<128xi32, #tpu.memory_space<vmem>>) semaphore(%arg14 : memref<!tpu.dma_semaphore, #tpu.memory_space<semaphore_mem>>)
      }
      %scan3A_49 = arith.constant 19 : i32
      %dma_wait3A = arith.constant 0 : i32
      %dma_wait3A_50 = arith.constant 0 : i32
      %dma_wait3A_51 = tpu.memref_slice %arg3[%dma_wait3A, %dma_wait3A_50] : memref<10240x128xf32, #tpu.memory_space<hbm>> -> memref<128x128xf32, #tpu.memory_space<hbm>>
      %dma_wait3A_52 = arith.constant 0 : i32
      %dma_wait3A_53 = arith.constant 0 : i32
      %dma_wait3A_54 = tpu.memref_slice %arg3[%dma_wait3A_52, %dma_wait3A_53] : memref<10240x128xf32, #tpu.memory_space<hbm>> -> memref<128x128xf32, #tpu.memory_space<hbm>>
      tpu.wait_dma2 semaphore(%arg13 : memref<!tpu.dma_semaphore, #tpu.memory_space<semaphore_mem>>) src(%dma_wait3A_54 : memref<128x128xf32, #tpu.memory_space<hbm>>) dst(%arg11 : memref<128x128xf32, #tpu.memory_space<vmem>>)
      %run_scoped3A = arith.constant 38 : i32
      "tpu.region"() ({
        %run_scoped3A_99 = tpu.sem_alloc : memref<!tpu.dma_semaphore, #tpu.memory_space<semaphore_mem>>
        %dma_start3A_100 = arith.constant 0 : i32
        %dma_start3A_101 = tpu.memref_slice %arg10[%run_scoped3A, %dma_start3A_100] : memref<40x128xi32, #tpu.memory_space<vmem>> -> memref<1x128xi32, #tpu.memory_space<vmem>>
        %dma_start3A_102 = tpu.memref_squeeze %dma_start3A_101 : memref<1x128xi32, #tpu.memory_space<vmem>> -> memref<128xi32, #tpu.memory_space<vmem>>
        %dma_start3A_103 = arith.constant 0 : i32
        %dma_start3A_104 = arith.constant 0 : i32
        %dma_start3A_105 = tpu.memref_slice %arg8[%dma_start3A_103, %dma_start3A_104] : memref<10240x128xf32, #tpu.memory_space<vmem_shared>> -> memref<10240x128xf32, #tpu.memory_space<vmem_shared>>
        tpu.enqueue_indirect_dma source(%arg11 : memref<128x128xf32, #tpu.memory_space<vmem>>) target(%dma_start3A_105 : memref<10240x128xf32, #tpu.memory_space<vmem_shared>>) offsets(%dma_start3A_102 : memref<128xi32, #tpu.memory_space<vmem>>) semaphore(%run_scoped3A_99 : memref<!tpu.dma_semaphore, #tpu.memory_space<semaphore_mem>>) {add = true}
        %dma_wait3A_106 = arith.constant 0 : i32
        %dma_wait3A_107 = tpu.memref_slice %arg10[%run_scoped3A, %dma_wait3A_106] : memref<40x128xi32, #tpu.memory_space<vmem>> -> memref<1x128xi32, #tpu.memory_space<vmem>>
        %dma_wait3A_108 = tpu.memref_squeeze %dma_wait3A_107 : memref<1x128xi32, #tpu.memory_space<vmem>> -> memref<128xi32, #tpu.memory_space<vmem>>
        %dma_wait3A_109 = arith.constant 0 : i32
        %dma_wait3A_110 = arith.constant 0 : i32
        %dma_wait3A_111 = tpu.memref_slice %arg8[%dma_wait3A_109, %dma_wait3A_110] : memref<10240x128xf32, #tpu.memory_space<vmem_shared>> -> memref<10240x128xf32, #tpu.memory_space<vmem_shared>>
        tpu.wait_indirect_dma semaphore(%run_scoped3A_99 : memref<!tpu.dma_semaphore, #tpu.memory_space<semaphore_mem>>) src(%arg11 : memref<128x128xf32, #tpu.memory_space<vmem>>) dst(%dma_wait3A_111 : memref<10240x128xf32, #tpu.memory_space<vmem_shared>>)
        tpu.yield
      }) : () -> ()
      %dma_wait3A_55 = arith.constant 0 : i32
      %dma_wait3A_56 = arith.constant 0 : i32
      %dma_wait3A_57 = tpu.memref_slice %arg3[%dma_wait3A_55, %dma_wait3A_56] : memref<10240x128xf32, #tpu.memory_space<hbm>> -> memref<128x128xf32, #tpu.memory_space<hbm>>
      %dma_wait3A_58 = arith.constant 0 : i32
      %dma_wait3A_59 = arith.constant 0 : i32
      %dma_wait3A_60 = tpu.memref_slice %arg3[%dma_wait3A_58, %dma_wait3A_59] : memref<10240x128xf32, #tpu.memory_space<hbm>> -> memref<128x128xf32, #tpu.memory_space<hbm>>
      tpu.wait_dma2 semaphore(%arg14 : memref<!tpu.dma_semaphore, #tpu.memory_space<semaphore_mem>>) src(%dma_wait3A_60 : memref<128x128xf32, #tpu.memory_space<hbm>>) dst(%arg12 : memref<128x128xf32, #tpu.memory_space<vmem>>)
      %run_scoped3A_61 = arith.constant 39 : i32
      "tpu.region"() ({
        %run_scoped3A_99 = tpu.sem_alloc : memref<!tpu.dma_semaphore, #tpu.memory_space<semaphore_mem>>
        %dma_start3A_100 = arith.constant 0 : i32
        %dma_start3A_101 = tpu.memref_slice %arg10[%run_scoped3A_61, %dma_start3A_100] : memref<40x128xi32, #tpu.memory_space<vmem>> -> memref<1x128xi32, #tpu.memory_space<vmem>>
        %dma_start3A_102 = tpu.memref_squeeze %dma_start3A_101 : memref<1x128xi32, #tpu.memory_space<vmem>> -> memref<128xi32, #tpu.memory_space<vmem>>
        %dma_start3A_103 = arith.constant 0 : i32
        %dma_start3A_104 = arith.constant 0 : i32
        %dma_start3A_105 = tpu.memref_slice %arg8[%dma_start3A_103, %dma_start3A_104] : memref<10240x128xf32, #tpu.memory_space<vmem_shared>> -> memref<10240x128xf32, #tpu.memory_space<vmem_shared>>
        tpu.enqueue_indirect_dma source(%arg12 : memref<128x128xf32, #tpu.memory_space<vmem>>) target(%dma_start3A_105 : memref<10240x128xf32, #tpu.memory_space<vmem_shared>>) offsets(%dma_start3A_102 : memref<128xi32, #tpu.memory_space<vmem>>) semaphore(%run_scoped3A_99 : memref<!tpu.dma_semaphore, #tpu.memory_space<semaphore_mem>>) {add = true}
        %dma_wait3A_106 = arith.constant 0 : i32
        %dma_wait3A_107 = tpu.memref_slice %arg10[%run_scoped3A_61, %dma_wait3A_106] : memref<40x128xi32, #tpu.memory_space<vmem>> -> memref<1x128xi32, #tpu.memory_space<vmem>>
        %dma_wait3A_108 = tpu.memref_squeeze %dma_wait3A_107 : memref<1x128xi32, #tpu.memory_space<vmem>> -> memref<128xi32, #tpu.memory_space<vmem>>
        %dma_wait3A_109 = arith.constant 0 : i32
        %dma_wait3A_110 = arith.constant 0 : i32
        %dma_wait3A_111 = tpu.memref_slice %arg8[%dma_wait3A_109, %dma_wait3A_110] : memref<10240x128xf32, #tpu.memory_space<vmem_shared>> -> memref<10240x128xf32, #tpu.memory_space<vmem_shared>>
        tpu.wait_indirect_dma semaphore(%run_scoped3A_99 : memref<!tpu.dma_semaphore, #tpu.memory_space<semaphore_mem>>) src(%arg12 : memref<128x128xf32, #tpu.memory_space<vmem>>) dst(%dma_wait3A_111 : memref<10240x128xf32, #tpu.memory_space<vmem_shared>>)
        tpu.yield
      }) : () -> ()
      %mul3A_62 = arith.constant 80 : i32
      %mul3A_63 = arith.muli %arg1, %mul3A_62 : i32
      %add3A_64 = arith.constant 40 : i32
      %add3A_65 = arith.addi %mul3A_63, %add3A_64 : i32
      "tpu.region"() ({
        %run_scoped3A_99 = tpu.sem_alloc : memref<!tpu.dma_semaphore, #tpu.memory_space<semaphore_mem>>
        %dma_start3A_100 = arith.constant 0 : i32
        %dma_start3A_101 = tpu.memref_slice %arg4[%add3A_65, %dma_start3A_100] : memref<1280x128xi32, #tpu.memory_space<hbm>> -> memref<40x128xi32, #tpu.memory_space<hbm>>
        %dma_start3A_102 = arith.constant 0 : i32
        %dma_start3A_103 = tpu.memref_slice %arg4[%add3A_65, %dma_start3A_102] : memref<1280x128xi32, #tpu.memory_space<hbm>> -> memref<40x128xi32, #tpu.memory_space<hbm>>
        tpu.enqueue_dma source(%dma_start3A_103 : memref<40x128xi32, #tpu.memory_space<hbm>>) target(%arg9 : memref<40x128xi32, #tpu.memory_space<vmem>>) target_semaphore(%run_scoped3A_99 : memref<!tpu.dma_semaphore, #tpu.memory_space<semaphore_mem>>)
        %dma_wait3A_104 = arith.constant 0 : i32
        %dma_wait3A_105 = tpu.memref_slice %arg4[%add3A_65, %dma_wait3A_104] : memref<1280x128xi32, #tpu.memory_space<hbm>> -> memref<40x128xi32, #tpu.memory_space<hbm>>
        %dma_wait3A_106 = arith.constant 0 : i32
        %dma_wait3A_107 = tpu.memref_slice %arg4[%add3A_65, %dma_wait3A_106] : memref<1280x128xi32, #tpu.memory_space<hbm>> -> memref<40x128xi32, #tpu.memory_space<hbm>>
        tpu.wait_dma2 semaphore(%run_scoped3A_99 : memref<!tpu.dma_semaphore, #tpu.memory_space<semaphore_mem>>) src(%dma_wait3A_107 : memref<40x128xi32, #tpu.memory_space<hbm>>) dst(%arg9 : memref<40x128xi32, #tpu.memory_space<vmem>>)
        tpu.yield
      }) : () -> ()
      "tpu.region"() ({
        %run_scoped3A_99 = tpu.sem_alloc : memref<!tpu.dma_semaphore, #tpu.memory_space<semaphore_mem>>
        %dma_start3A_100 = arith.constant 0 : i32
        %dma_start3A_101 = tpu.memref_slice %arg5[%add3A_65, %dma_start3A_100] : memref<1280x128xi32, #tpu.memory_space<hbm>> -> memref<40x128xi32, #tpu.memory_space<hbm>>
        %dma_start3A_102 = arith.constant 0 : i32
        %dma_start3A_103 = tpu.memref_slice %arg5[%add3A_65, %dma_start3A_102] : memref<1280x128xi32, #tpu.memory_space<hbm>> -> memref<40x128xi32, #tpu.memory_space<hbm>>
        tpu.enqueue_dma source(%dma_start3A_103 : memref<40x128xi32, #tpu.memory_space<hbm>>) target(%arg10 : memref<40x128xi32, #tpu.memory_space<vmem>>) target_semaphore(%run_scoped3A_99 : memref<!tpu.dma_semaphore, #tpu.memory_space<semaphore_mem>>)
        %dma_wait3A_104 = arith.constant 0 : i32
        %dma_wait3A_105 = tpu.memref_slice %arg5[%add3A_65, %dma_wait3A_104] : memref<1280x128xi32, #tpu.memory_space<hbm>> -> memref<40x128xi32, #tpu.memory_space<hbm>>
        %dma_wait3A_106 = arith.constant 0 : i32
        %dma_wait3A_107 = tpu.memref_slice %arg5[%add3A_65, %dma_wait3A_106] : memref<1280x128xi32, #tpu.memory_space<hbm>> -> memref<40x128xi32, #tpu.memory_space<hbm>>
        tpu.wait_dma2 semaphore(%run_scoped3A_99 : memref<!tpu.dma_semaphore, #tpu.memory_space<semaphore_mem>>) src(%dma_wait3A_107 : memref<40x128xi32, #tpu.memory_space<hbm>>) dst(%arg10 : memref<40x128xi32, #tpu.memory_space<vmem>>)
        tpu.yield
      }) : () -> ()
      %dma_start3A_66 = arith.constant 0 : i32
      %dma_start3A_67 = arith.constant 0 : i32
      %dma_start3A_68 = tpu.memref_slice %arg9[%dma_start3A_66, %dma_start3A_67] : memref<40x128xi32, #tpu.memory_space<vmem>> -> memref<1x128xi32, #tpu.memory_space<vmem>>
      %dma_start3A_69 = tpu.memref_squeeze %dma_start3A_68 : memref<1x128xi32, #tpu.memory_space<vmem>> -> memref<128xi32, #tpu.memory_space<vmem>>
      %dma_start3A_70 = arith.constant 0 : i32
      %dma_start3A_71 = arith.constant 0 : i32
      %dma_start3A_72 = tpu.memref_slice %arg3[%dma_start3A_70, %dma_start3A_71] : memref<10240x128xf32, #tpu.memory_space<hbm>> -> memref<10240x128xf32, #tpu.memory_space<hbm>>
      tpu.enqueue_indirect_dma source(%dma_start3A_72 : memref<10240x128xf32, #tpu.memory_space<hbm>>) target(%arg11 : memref<128x128xf32, #tpu.memory_space<vmem>>) offsets(%dma_start3A_69 : memref<128xi32, #tpu.memory_space<vmem>>) semaphore(%arg13 : memref<!tpu.dma_semaphore, #tpu.memory_space<semaphore_mem>>)
      %dma_start3A_73 = arith.constant 1 : i32
      %dma_start3A_74 = arith.constant 0 : i32
      %dma_start3A_75 = tpu.memref_slice %arg9[%dma_start3A_73, %dma_start3A_74] : memref<40x128xi32, #tpu.memory_space<vmem>> -> memref<1x128xi32, #tpu.memory_space<vmem>>
      %dma_start3A_76 = tpu.memref_squeeze %dma_start3A_75 : memref<1x128xi32, #tpu.memory_space<vmem>> -> memref<128xi32, #tpu.memory_space<vmem>>
      %dma_start3A_77 = arith.constant 0 : i32
      %dma_start3A_78 = arith.constant 0 : i32
      %dma_start3A_79 = tpu.memref_slice %arg3[%dma_start3A_77, %dma_start3A_78] : memref<10240x128xf32, #tpu.memory_space<hbm>> -> memref<10240x128xf32, #tpu.memory_space<hbm>>
      tpu.enqueue_indirect_dma source(%dma_start3A_79 : memref<10240x128xf32, #tpu.memory_space<hbm>>) target(%arg12 : memref<128x128xf32, #tpu.memory_space<vmem>>) offsets(%dma_start3A_76 : memref<128xi32, #tpu.memory_space<vmem>>) semaphore(%arg14 : memref<!tpu.dma_semaphore, #tpu.memory_space<semaphore_mem>>)
      %scan3A_80 = arith.constant 0 : i32
      %scan3A_81 = arith.constant 19 : i32
      %scan3A_82 = arith.addi %scan3A_80, %scan3A_81 : i32
      %scan3A_83 = arith.constant 1 : i32
      scf.for %scan3A_99 = %scan3A_80 to %scan3A_82 step %scan3A_83  : i32 {
        %mul3A_100 = arith.constant 2 : i32
        %mul3A_101 = arith.muli %scan3A_99, %mul3A_100 : i32
        %add3A_102 = arith.constant 0 : i32
        %add3A_103 = arith.addi %add3A_102, %mul3A_101 : i32
        %dma_wait3A_104 = arith.constant 0 : i32
        %dma_wait3A_105 = arith.constant 0 : i32
        %dma_wait3A_106 = tpu.memref_slice %arg3[%dma_wait3A_104, %dma_wait3A_105] : memref<10240x128xf32, #tpu.memory_space<hbm>> -> memref<128x128xf32, #tpu.memory_space<hbm>>
        %dma_wait3A_107 = arith.constant 0 : i32
        %dma_wait3A_108 = arith.constant 0 : i32
        %dma_wait3A_109 = tpu.memref_slice %arg3[%dma_wait3A_107, %dma_wait3A_108] : memref<10240x128xf32, #tpu.memory_space<hbm>> -> memref<128x128xf32, #tpu.memory_space<hbm>>
        tpu.wait_dma2 semaphore(%arg13 : memref<!tpu.dma_semaphore, #tpu.memory_space<semaphore_mem>>) src(%dma_wait3A_109 : memref<128x128xf32, #tpu.memory_space<hbm>>) dst(%arg11 : memref<128x128xf32, #tpu.memory_space<vmem>>)
        %dma_start3A_110 = arith.constant 0 : i32
        %dma_start3A_111 = tpu.memref_slice %arg10[%add3A_103, %dma_start3A_110] : memref<40x128xi32, #tpu.memory_space<vmem>> -> memref<1x128xi32, #tpu.memory_space<vmem>>
        %dma_start3A_112 = tpu.memref_squeeze %dma_start3A_111 : memref<1x128xi32, #tpu.memory_space<vmem>> -> memref<128xi32, #tpu.memory_space<vmem>>
        %dma_start3A_113 = arith.constant 0 : i32
        %dma_start3A_114 = arith.constant 0 : i32
        %dma_start3A_115 = tpu.memref_slice %arg8[%dma_start3A_113, %dma_start3A_114] : memref<10240x128xf32, #tpu.memory_space<vmem_shared>> -> memref<10240x128xf32, #tpu.memory_space<vmem_shared>>
        tpu.enqueue_indirect_dma source(%arg11 : memref<128x128xf32, #tpu.memory_space<vmem>>) target(%dma_start3A_115 : memref<10240x128xf32, #tpu.memory_space<vmem_shared>>) offsets(%dma_start3A_112 : memref<128xi32, #tpu.memory_space<vmem>>) semaphore(%arg15 : memref<!tpu.dma_semaphore, #tpu.memory_space<semaphore_mem>>) {add = true}
        %dma_wait3A_116 = arith.constant 0 : i32
        %dma_wait3A_117 = arith.constant 0 : i32
        %dma_wait3A_118 = tpu.memref_slice %arg3[%dma_wait3A_116, %dma_wait3A_117] : memref<10240x128xf32, #tpu.memory_space<hbm>> -> memref<128x128xf32, #tpu.memory_space<hbm>>
        %dma_wait3A_119 = arith.constant 0 : i32
        %dma_wait3A_120 = arith.constant 0 : i32
        %dma_wait3A_121 = tpu.memref_slice %arg3[%dma_wait3A_119, %dma_wait3A_120] : memref<10240x128xf32, #tpu.memory_space<hbm>> -> memref<128x128xf32, #tpu.memory_space<hbm>>
        tpu.wait_dma2 semaphore(%arg14 : memref<!tpu.dma_semaphore, #tpu.memory_space<semaphore_mem>>) src(%dma_wait3A_121 : memref<128x128xf32, #tpu.memory_space<hbm>>) dst(%arg12 : memref<128x128xf32, #tpu.memory_space<vmem>>)
        %add3A_122 = arith.constant 1 : i32
        %add3A_123 = arith.addi %add3A_103, %add3A_122 : i32
        %dma_start3A_124 = arith.constant 0 : i32
        %dma_start3A_125 = tpu.memref_slice %arg10[%add3A_123, %dma_start3A_124] : memref<40x128xi32, #tpu.memory_space<vmem>> -> memref<1x128xi32, #tpu.memory_space<vmem>>
        %dma_start3A_126 = tpu.memref_squeeze %dma_start3A_125 : memref<1x128xi32, #tpu.memory_space<vmem>> -> memref<128xi32, #tpu.memory_space<vmem>>
        %dma_start3A_127 = arith.constant 0 : i32
        %dma_start3A_128 = arith.constant 0 : i32
        %dma_start3A_129 = tpu.memref_slice %arg8[%dma_start3A_127, %dma_start3A_128] : memref<10240x128xf32, #tpu.memory_space<vmem_shared>> -> memref<10240x128xf32, #tpu.memory_space<vmem_shared>>
        tpu.enqueue_indirect_dma source(%arg12 : memref<128x128xf32, #tpu.memory_space<vmem>>) target(%dma_start3A_129 : memref<10240x128xf32, #tpu.memory_space<vmem_shared>>) offsets(%dma_start3A_126 : memref<128xi32, #tpu.memory_space<vmem>>) semaphore(%arg16 : memref<!tpu.dma_semaphore, #tpu.memory_space<semaphore_mem>>) {add = true}
        %dma_wait3A_130 = arith.constant 0 : i32
        %dma_wait3A_131 = tpu.memref_slice %arg10[%add3A_103, %dma_wait3A_130] : memref<40x128xi32, #tpu.memory_space<vmem>> -> memref<1x128xi32, #tpu.memory_space<vmem>>
        %dma_wait3A_132 = tpu.memref_squeeze %dma_wait3A_131 : memref<1x128xi32, #tpu.memory_space<vmem>> -> memref<128xi32, #tpu.memory_space<vmem>>
        %dma_wait3A_133 = arith.constant 0 : i32
        %dma_wait3A_134 = arith.constant 0 : i32
        %dma_wait3A_135 = tpu.memref_slice %arg8[%dma_wait3A_133, %dma_wait3A_134] : memref<10240x128xf32, #tpu.memory_space<vmem_shared>> -> memref<10240x128xf32, #tpu.memory_space<vmem_shared>>
        tpu.wait_indirect_dma semaphore(%arg15 : memref<!tpu.dma_semaphore, #tpu.memory_space<semaphore_mem>>) src(%arg11 : memref<128x128xf32, #tpu.memory_space<vmem>>) dst(%dma_wait3A_135 : memref<10240x128xf32, #tpu.memory_space<vmem_shared>>)
        %add3A_136 = arith.constant 2 : i32
        %add3A_137 = arith.addi %add3A_103, %add3A_136 : i32
        %dma_start3A_138 = arith.constant 0 : i32
        %dma_start3A_139 = tpu.memref_slice %arg9[%add3A_137, %dma_start3A_138] : memref<40x128xi32, #tpu.memory_space<vmem>> -> memref<1x128xi32, #tpu.memory_space<vmem>>
        %dma_start3A_140 = tpu.memref_squeeze %dma_start3A_139 : memref<1x128xi32, #tpu.memory_space<vmem>> -> memref<128xi32, #tpu.memory_space<vmem>>
        %dma_start3A_141 = arith.constant 0 : i32
        %dma_start3A_142 = arith.constant 0 : i32
        %dma_start3A_143 = tpu.memref_slice %arg3[%dma_start3A_141, %dma_start3A_142] : memref<10240x128xf32, #tpu.memory_space<hbm>> -> memref<10240x128xf32, #tpu.memory_space<hbm>>
        tpu.enqueue_indirect_dma source(%dma_start3A_143 : memref<10240x128xf32, #tpu.memory_space<hbm>>) target(%arg11 : memref<128x128xf32, #tpu.memory_space<vmem>>) offsets(%dma_start3A_140 : memref<128xi32, #tpu.memory_space<vmem>>) semaphore(%arg13 : memref<!tpu.dma_semaphore, #tpu.memory_space<semaphore_mem>>)
        %dma_wait3A_144 = arith.constant 0 : i32
        %dma_wait3A_145 = tpu.memref_slice %arg10[%add3A_123, %dma_wait3A_144] : memref<40x128xi32, #tpu.memory_space<vmem>> -> memref<1x128xi32, #tpu.memory_space<vmem>>
        %dma_wait3A_146 = tpu.memref_squeeze %dma_wait3A_145 : memref<1x128xi32, #tpu.memory_space<vmem>> -> memref<128xi32, #tpu.memory_space<vmem>>
        %dma_wait3A_147 = arith.constant 0 : i32
        %dma_wait3A_148 = arith.constant 0 : i32
        %dma_wait3A_149 = tpu.memref_slice %arg8[%dma_wait3A_147, %dma_wait3A_148] : memref<10240x128xf32, #tpu.memory_space<vmem_shared>> -> memref<10240x128xf32, #tpu.memory_space<vmem_shared>>
        tpu.wait_indirect_dma semaphore(%arg16 : memref<!tpu.dma_semaphore, #tpu.memory_space<semaphore_mem>>) src(%arg12 : memref<128x128xf32, #tpu.memory_space<vmem>>) dst(%dma_wait3A_149 : memref<10240x128xf32, #tpu.memory_space<vmem_shared>>)
        %add3A_150 = arith.constant 3 : i32
        %add3A_151 = arith.addi %add3A_103, %add3A_150 : i32
        %dma_start3A_152 = arith.constant 0 : i32
        %dma_start3A_153 = tpu.memref_slice %arg9[%add3A_151, %dma_start3A_152] : memref<40x128xi32, #tpu.memory_space<vmem>> -> memref<1x128xi32, #tpu.memory_space<vmem>>
        %dma_start3A_154 = tpu.memref_squeeze %dma_start3A_153 : memref<1x128xi32, #tpu.memory_space<vmem>> -> memref<128xi32, #tpu.memory_space<vmem>>
        %dma_start3A_155 = arith.constant 0 : i32
        %dma_start3A_156 = arith.constant 0 : i32
        %dma_start3A_157 = tpu.memref_slice %arg3[%dma_start3A_155, %dma_start3A_156] : memref<10240x128xf32, #tpu.memory_space<hbm>> -> memref<10240x128xf32, #tpu.memory_space<hbm>>
        tpu.enqueue_indirect_dma source(%dma_start3A_157 : memref<10240x128xf32, #tpu.memory_space<hbm>>) target(%arg12 : memref<128x128xf32, #tpu.memory_space<vmem>>) offsets(%dma_start3A_154 : memref<128xi32, #tpu.memory_space<vmem>>) semaphore(%arg14 : memref<!tpu.dma_semaphore, #tpu.memory_space<semaphore_mem>>)
      }
      %scan3A_84 = arith.constant 19 : i32
      %dma_wait3A_85 = arith.constant 0 : i32
      %dma_wait3A_86 = arith.constant 0 : i32
      %dma_wait3A_87 = tpu.memref_slice %arg3[%dma_wait3A_85, %dma_wait3A_86] : memref<10240x128xf32, #tpu.memory_space<hbm>> -> memref<128x128xf32, #tpu.memory_space<hbm>>
      %dma_wait3A_88 = arith.constant 0 : i32
      %dma_wait3A_89 = arith.constant 0 : i32
      %dma_wait3A_90 = tpu.memref_slice %arg3[%dma_wait3A_88, %dma_wait3A_89] : memref<10240x128xf32, #tpu.memory_space<hbm>> -> memref<128x128xf32, #tpu.memory_space<hbm>>
      tpu.wait_dma2 semaphore(%arg13 : memref<!tpu.dma_semaphore, #tpu.memory_space<semaphore_mem>>) src(%dma_wait3A_90 : memref<128x128xf32, #tpu.memory_space<hbm>>) dst(%arg11 : memref<128x128xf32, #tpu.memory_space<vmem>>)
      %run_scoped3A_91 = arith.constant 38 : i32
      "tpu.region"() ({
        %run_scoped3A_99 = tpu.sem_alloc : memref<!tpu.dma_semaphore, #tpu.memory_space<semaphore_mem>>
        %dma_start3A_100 = arith.constant 0 : i32
        %dma_start3A_101 = tpu.memref_slice %arg10[%run_scoped3A_91, %dma_start3A_100] : memref<40x128xi32, #tpu.memory_space<vmem>> -> memref<1x128xi32, #tpu.memory_space<vmem>>
        %dma_start3A_102 = tpu.memref_squeeze %dma_start3A_101 : memref<1x128xi32, #tpu.memory_space<vmem>> -> memref<128xi32, #tpu.memory_space<vmem>>
        %dma_start3A_103 = arith.constant 0 : i32
        %dma_start3A_104 = arith.constant 0 : i32
        %dma_start3A_105 = tpu.memref_slice %arg8[%dma_start3A_103, %dma_start3A_104] : memref<10240x128xf32, #tpu.memory_space<vmem_shared>> -> memref<10240x128xf32, #tpu.memory_space<vmem_shared>>
        tpu.enqueue_indirect_dma source(%arg11 : memref<128x128xf32, #tpu.memory_space<vmem>>) target(%dma_start3A_105 : memref<10240x128xf32, #tpu.memory_space<vmem_shared>>) offsets(%dma_start3A_102 : memref<128xi32, #tpu.memory_space<vmem>>) semaphore(%run_scoped3A_99 : memref<!tpu.dma_semaphore, #tpu.memory_space<semaphore_mem>>) {add = true}
        %dma_wait3A_106 = arith.constant 0 : i32
        %dma_wait3A_107 = tpu.memref_slice %arg10[%run_scoped3A_91, %dma_wait3A_106] : memref<40x128xi32, #tpu.memory_space<vmem>> -> memref<1x128xi32, #tpu.memory_space<vmem>>
        %dma_wait3A_108 = tpu.memref_squeeze %dma_wait3A_107 : memref<1x128xi32, #tpu.memory_space<vmem>> -> memref<128xi32, #tpu.memory_space<vmem>>
        %dma_wait3A_109 = arith.constant 0 : i32
        %dma_wait3A_110 = arith.constant 0 : i32
        %dma_wait3A_111 = tpu.memref_slice %arg8[%dma_wait3A_109, %dma_wait3A_110] : memref<10240x128xf32, #tpu.memory_space<vmem_shared>> -> memref<10240x128xf32, #tpu.memory_space<vmem_shared>>
        tpu.wait_indirect_dma semaphore(%run_scoped3A_99 : memref<!tpu.dma_semaphore, #tpu.memory_space<semaphore_mem>>) src(%arg11 : memref<128x128xf32, #tpu.memory_space<vmem>>) dst(%dma_wait3A_111 : memref<10240x128xf32, #tpu.memory_space<vmem_shared>>)
        tpu.yield
      }) : () -> ()
      %dma_wait3A_92 = arith.constant 0 : i32
      %dma_wait3A_93 = arith.constant 0 : i32
      %dma_wait3A_94 = tpu.memref_slice %arg3[%dma_wait3A_92, %dma_wait3A_93] : memref<10240x128xf32, #tpu.memory_space<hbm>> -> memref<128x128xf32, #tpu.memory_space<hbm>>
      %dma_wait3A_95 = arith.constant 0 : i32
      %dma_wait3A_96 = arith.constant 0 : i32
      %dma_wait3A_97 = tpu.memref_slice %arg3[%dma_wait3A_95, %dma_wait3A_96] : memref<10240x128xf32, #tpu.memory_space<hbm>> -> memref<128x128xf32, #tpu.memory_space<hbm>>
      tpu.wait_dma2 semaphore(%arg14 : memref<!tpu.dma_semaphore, #tpu.memory_space<semaphore_mem>>) src(%dma_wait3A_97 : memref<128x128xf32, #tpu.memory_space<hbm>>) dst(%arg12 : memref<128x128xf32, #tpu.memory_space<vmem>>)
      %run_scoped3A_98 = arith.constant 39 : i32
      "tpu.region"() ({
        %run_scoped3A_99 = tpu.sem_alloc : memref<!tpu.dma_semaphore, #tpu.memory_space<semaphore_mem>>
        %dma_start3A_100 = arith.constant 0 : i32
        %dma_start3A_101 = tpu.memref_slice %arg10[%run_scoped3A_98, %dma_start3A_100] : memref<40x128xi32, #tpu.memory_space<vmem>> -> memref<1x128xi32, #tpu.memory_space<vmem>>
        %dma_start3A_102 = tpu.memref_squeeze %dma_start3A_101 : memref<1x128xi32, #tpu.memory_space<vmem>> -> memref<128xi32, #tpu.memory_space<vmem>>
        %dma_start3A_103 = arith.constant 0 : i32
        %dma_start3A_104 = arith.constant 0 : i32
        %dma_start3A_105 = tpu.memref_slice %arg8[%dma_start3A_103, %dma_start3A_104] : memref<10240x128xf32, #tpu.memory_space<vmem_shared>> -> memref<10240x128xf32, #tpu.memory_space<vmem_shared>>
        tpu.enqueue_indirect_dma source(%arg12 : memref<128x128xf32, #tpu.memory_space<vmem>>) target(%dma_start3A_105 : memref<10240x128xf32, #tpu.memory_space<vmem_shared>>) offsets(%dma_start3A_102 : memref<128xi32, #tpu.memory_space<vmem>>) semaphore(%run_scoped3A_99 : memref<!tpu.dma_semaphore, #tpu.memory_space<semaphore_mem>>) {add = true}
        %dma_wait3A_106 = arith.constant 0 : i32
        %dma_wait3A_107 = tpu.memref_slice %arg10[%run_scoped3A_98, %dma_wait3A_106] : memref<40x128xi32, #tpu.memory_space<vmem>> -> memref<1x128xi32, #tpu.memory_space<vmem>>
        %dma_wait3A_108 = tpu.memref_squeeze %dma_wait3A_107 : memref<1x128xi32, #tpu.memory_space<vmem>> -> memref<128xi32, #tpu.memory_space<vmem>>
        %dma_wait3A_109 = arith.constant 0 : i32
        %dma_wait3A_110 = arith.constant 0 : i32
        %dma_wait3A_111 = tpu.memref_slice %arg8[%dma_wait3A_109, %dma_wait3A_110] : memref<10240x128xf32, #tpu.memory_space<vmem_shared>> -> memref<10240x128xf32, #tpu.memory_space<vmem_shared>>
        tpu.wait_indirect_dma semaphore(%run_scoped3A_99 : memref<!tpu.dma_semaphore, #tpu.memory_space<semaphore_mem>>) src(%arg12 : memref<128x128xf32, #tpu.memory_space<vmem>>) dst(%dma_wait3A_111 : memref<10240x128xf32, #tpu.memory_space<vmem_shared>>)
        tpu.yield
      }) : () -> ()
    } else {
    }
    %barrier3A_17 = arith.constant 0 : index
    tpu.barrier barrier_id(%barrier3A_17)
    %mul3A = arith.constant 640 : i32
    %mul3A_18 = arith.muli %arg1, %mul3A : i32
    %eq3A_19 = arith.constant 0 : i32
    %eq3A_20 = arith.cmpi eq, %arg0, %eq3A_19 : i32
    %convert_element_type3A_21 = arith.extui %eq3A_20 : i1 to i32
    %cond3A_22 = arith.constant 0 : i32
    %cond3A_23 = arith.cmpi ne, %convert_element_type3A_21, %cond3A_22 : i32
    scf.if %cond3A_23 {
      "tpu.region"() ({
        %run_scoped3A = tpu.sem_alloc : memref<!tpu.dma_semaphore, #tpu.memory_space<semaphore_mem>>
        %dma_start3A = arith.constant 0 : i32
        %dma_start3A_29 = tpu.memref_slice %arg6[%mul3A_18, %dma_start3A] : memref<10240x128xf32, #tpu.memory_space<hbm>> -> memref<640x128xf32, #tpu.memory_space<hbm>>
        %dma_start3A_30 = arith.constant 0 : i32
        %dma_start3A_31 = tpu.memref_slice %arg8[%mul3A_18, %dma_start3A_30] : memref<10240x128xf32, #tpu.memory_space<vmem_shared>> -> memref<640x128xf32, #tpu.memory_space<vmem_shared>>
        tpu.enqueue_dma source(%dma_start3A_31 : memref<640x128xf32, #tpu.memory_space<vmem_shared>>) target(%dma_start3A_29 : memref<640x128xf32, #tpu.memory_space<hbm>>) target_semaphore(%run_scoped3A : memref<!tpu.dma_semaphore, #tpu.memory_space<semaphore_mem>>)
        %dma_wait3A = arith.constant 0 : i32
        %dma_wait3A_32 = tpu.memref_slice %arg6[%mul3A_18, %dma_wait3A] : memref<10240x128xf32, #tpu.memory_space<hbm>> -> memref<640x128xf32, #tpu.memory_space<hbm>>
        %dma_wait3A_33 = arith.constant 0 : i32
        %dma_wait3A_34 = tpu.memref_slice %arg8[%mul3A_18, %dma_wait3A_33] : memref<10240x128xf32, #tpu.memory_space<vmem_shared>> -> memref<640x128xf32, #tpu.memory_space<vmem_shared>>
        tpu.wait_dma2 semaphore(%run_scoped3A : memref<!tpu.dma_semaphore, #tpu.memory_space<semaphore_mem>>) src(%dma_wait3A_34 : memref<640x128xf32, #tpu.memory_space<vmem_shared>>) dst(%dma_wait3A_32 : memref<640x128xf32, #tpu.memory_space<hbm>>)
        tpu.yield
      }) : () -> ()
    } else {
    }
    %eq3A_24 = arith.constant 1 : i32
    %eq3A_25 = arith.cmpi eq, %arg0, %eq3A_24 : i32
    %convert_element_type3A_26 = arith.extui %eq3A_25 : i1 to i32
    %cond3A_27 = arith.constant 0 : i32
    %cond3A_28 = arith.cmpi ne, %convert_element_type3A_26, %cond3A_27 : i32
    scf.if %cond3A_28 {
      "tpu.region"() ({
        %run_scoped3A = tpu.sem_alloc : memref<!tpu.dma_semaphore, #tpu.memory_space<semaphore_mem>>
        %dma_start3A = arith.constant 0 : i32
        %dma_start3A_29 = tpu.memref_slice %arg7[%mul3A_18, %dma_start3A] : memref<10240x128xf32, #tpu.memory_space<hbm>> -> memref<640x128xf32, #tpu.memory_space<hbm>>
        %dma_start3A_30 = arith.constant 0 : i32
        %dma_start3A_31 = tpu.memref_slice %arg8[%mul3A_18, %dma_start3A_30] : memref<10240x128xf32, #tpu.memory_space<vmem_shared>> -> memref<640x128xf32, #tpu.memory_space<vmem_shared>>
        tpu.enqueue_dma source(%dma_start3A_31 : memref<640x128xf32, #tpu.memory_space<vmem_shared>>) target(%dma_start3A_29 : memref<640x128xf32, #tpu.memory_space<hbm>>) target_semaphore(%run_scoped3A : memref<!tpu.dma_semaphore, #tpu.memory_space<semaphore_mem>>)
        %dma_wait3A = arith.constant 0 : i32
        %dma_wait3A_32 = tpu.memref_slice %arg7[%mul3A_18, %dma_wait3A] : memref<10240x128xf32, #tpu.memory_space<hbm>> -> memref<640x128xf32, #tpu.memory_space<hbm>>
        %dma_wait3A_33 = arith.constant 0 : i32
        %dma_wait3A_34 = tpu.memref_slice %arg8[%mul3A_18, %dma_wait3A_33] : memref<10240x128xf32, #tpu.memory_space<vmem_shared>> -> memref<640x128xf32, #tpu.memory_space<vmem_shared>>
        tpu.wait_dma2 semaphore(%run_scoped3A : memref<!tpu.dma_semaphore, #tpu.memory_space<semaphore_mem>>) src(%dma_wait3A_34 : memref<640x128xf32, #tpu.memory_space<vmem_shared>>) dst(%dma_wait3A_32 : memref<640x128xf32, #tpu.memory_space<hbm>>)
        tpu.yield
      }) : () -> ()
    } else {
    }
    return
  }
}

module attributes {stable_mosaic.version = 14 : i64} {
  func.func @body(%arg0: i32, %arg1: memref<1024x256xf32, #tpu.memory_space<vmem>>, %arg2: memref<32x1024xf32, #tpu.memory_space<vmem>>, %arg3: memref<32x1024xf32, #tpu.memory_space<vmem>>, %arg4: memref<1024x128xf32, #tpu.memory_space<vmem>>, %arg5: memref<1024x128xf32, #tpu.memory_space<vmem>>, %arg6: memref<1024x1xf32, #tpu.memory_space<vmem>>, %arg7: memref<1024x1xf32, #tpu.memory_space<vmem>>) attributes {dimension_semantics = [#tpu.dimension_semantics<arbitrary>], iteration_bounds = array<i64: 10>, scalar_prefetch = 0 : i64, scratch_operands = 0 : i64, tpu.core_type = #tpu.core_type<tc>, window_params = [{transform_indices = @transform_0, window_bounds = array<i64: 1024, 256>}, {transform_indices = @transform_1, window_bounds = array<i64: 32, 1024>}, {transform_indices = @transform_2, window_bounds = array<i64: 32, 1024>}, {transform_indices = @transform_3, window_bounds = array<i64: 1024, 128>}, {transform_indices = @transform_4, window_bounds = array<i64: 1024, 128>}, {transform_indices = @transform_5, window_bounds = array<i64: 1024, 1>}, {transform_indices = @transform_6, window_bounds = array<i64: 1024, 1>}]} {
    %get3A = arith.constant 0 : index
    %get3A_0 = arith.constant 0 : index
    %get3A_1 = vector.load %arg2[%get3A, %get3A_0] : memref<32x1024xf32, #tpu.memory_space<vmem>>, vector<32x1024xf32>
    %reduce_sum3A = arith.constant dense<0.000000e+00> : vector<1024xf32>
    %reduce_sum3A_2 = vector.multi_reduction <add>, %get3A_1, %reduce_sum3A [0] : vector<32x1024xf32> to vector<1024xf32>
    %get3A_3 = arith.constant 0 : index
    %get3A_4 = arith.constant 0 : index
    %get3A_5 = vector.load %arg3[%get3A_3, %get3A_4] : memref<32x1024xf32, #tpu.memory_space<vmem>>, vector<32x1024xf32>
    %reduce_sum3A_6 = arith.constant dense<0.000000e+00> : vector<1024xf32>
    %reduce_sum3A_7 = vector.multi_reduction <add>, %get3A_5, %reduce_sum3A_6 [0] : vector<32x1024xf32> to vector<1024xf32>
    %gt3A = arith.constant 0.000000e+00 : f32
    %gt3A_8 = vector.broadcast %gt3A : f32 to vector<1024xf32>
    %gt3A_9 = arith.cmpf ogt, %reduce_sum3A_2, %gt3A_8 : vector<1024xf32>
    %jit3A = arith.constant 1.000000e+00 : f32
    %broadcast_in_dim3A = vector.broadcast %jit3A : f32 to vector<1024xf32>
    %select_n3A = arith.select %gt3A_9, %reduce_sum3A_2, %broadcast_in_dim3A : vector<1024xi1>, vector<1024xf32>
    %pow3A = arith.constant -5.000000e-01 : f32
    %pow3A_10 = vector.broadcast %pow3A : f32 to vector<1024xf32>
    %pow3A_11 = math.powf %select_n3A, %pow3A_10 : vector<1024xf32>
    %gt3A_12 = arith.constant 0.000000e+00 : f32
    %gt3A_13 = vector.broadcast %gt3A_12 : f32 to vector<1024xf32>
    %gt3A_14 = arith.cmpf ogt, %reduce_sum3A_7, %gt3A_13 : vector<1024xf32>
    %jit3A_15 = arith.constant 1.000000e+00 : f32
    %broadcast_in_dim3A_16 = vector.broadcast %jit3A_15 : f32 to vector<1024xf32>
    %select_n3A_17 = arith.select %gt3A_14, %reduce_sum3A_7, %broadcast_in_dim3A_16 : vector<1024xi1>, vector<1024xf32>
    %pow3A_18 = arith.constant -5.000000e-01 : f32
    %pow3A_19 = vector.broadcast %pow3A_18 : f32 to vector<1024xf32>
    %pow3A_20 = math.powf %select_n3A_17, %pow3A_19 : vector<1024xf32>
    %get3A_21 = arith.constant 0 : index
    %get3A_22 = arith.constant 0 : index
    %get3A_23 = vector.load %arg1[%get3A_21, %get3A_22] : memref<1024x256xf32, #tpu.memory_space<vmem>>, vector<1024x256xf32>
    %broadcast_in_dim3A_24 = vector.shape_cast %pow3A_11 : vector<1024xf32> to vector<1024x1xf32>
    %mul3A = vector.broadcast %broadcast_in_dim3A_24 : vector<1024x1xf32> to vector<1024x256xf32>
    %mul3A_25 = arith.mulf %get3A_23, %mul3A : vector<1024x256xf32>
    %slice3A = vector.extract_strided_slice %mul3A_25 {offsets = [0, 0], sizes = [1024, 128], strides = [1, 1]} : vector<1024x256xf32> to vector<1024x128xf32>
    %swap3A = arith.constant 0 : index
    %swap3A_26 = arith.constant 0 : index
    %swap3A_27 = vector.load %arg4[%swap3A, %swap3A_26] : memref<1024x128xf32, #tpu.memory_space<vmem>>, vector<1024x128xf32>
    tpu.vector_store %arg4[%swap3A, %swap3A_26], %slice3A {strides = array<i32>} : memref<1024x128xf32, #tpu.memory_space<vmem>>, vector<1024x128xf32>,
    %slice3A_28 = vector.extract_strided_slice %mul3A_25 {offsets = [0, 128], sizes = [1024, 128], strides = [1, 1]} : vector<1024x256xf32> to vector<1024x128xf32>
    %swap3A_29 = arith.constant 0 : index
    %swap3A_30 = arith.constant 0 : index
    %swap3A_31 = vector.load %arg5[%swap3A_29, %swap3A_30] : memref<1024x128xf32, #tpu.memory_space<vmem>>, vector<1024x128xf32>
    tpu.vector_store %arg5[%swap3A_29, %swap3A_30], %slice3A_28 {strides = array<i32>} : memref<1024x128xf32, #tpu.memory_space<vmem>>, vector<1024x128xf32>,
    %broadcast_in_dim3A_32 = vector.shape_cast %pow3A_11 : vector<1024xf32> to vector<1024x1xf32>
    %swap3A_33 = arith.constant 0 : index
    %swap3A_34 = arith.constant 0 : index
    %swap3A_35 = vector.load %arg6[%swap3A_33, %swap3A_34] : memref<1024x1xf32, #tpu.memory_space<vmem>>, vector<1024x1xf32>
    tpu.vector_store %arg6[%swap3A_33, %swap3A_34], %broadcast_in_dim3A_32 {strides = array<i32>} : memref<1024x1xf32, #tpu.memory_space<vmem>>, vector<1024x1xf32>,
    %broadcast_in_dim3A_36 = vector.shape_cast %pow3A_20 : vector<1024xf32> to vector<1024x1xf32>
    %swap3A_37 = arith.constant 0 : index
    %swap3A_38 = arith.constant 0 : index
    %swap3A_39 = vector.load %arg7[%swap3A_37, %swap3A_38] : memref<1024x1xf32, #tpu.memory_space<vmem>>, vector<1024x1xf32>
    tpu.vector_store %arg7[%swap3A_37, %swap3A_38], %broadcast_in_dim3A_36 {strides = array<i32>} : memref<1024x1xf32, #tpu.memory_space<vmem>>, vector<1024x1xf32>,
    return
  }
  func.func @transform_0(%arg0: i32) -> (i32, i32) {
    %c0_i32 = arith.constant 0 : i32
    %c0_i32_0 = arith.constant 0 : i32
    return %arg0, %c0_i32 : i32, i32
  }
  func.func @transform_1(%arg0: i32) -> (i32, i32) {
    %c0_i32 = arith.constant 0 : i32
    %c0_i32_0 = arith.constant 0 : i32
    return %c0_i32, %arg0 : i32, i32
  }
  func.func @transform_2(%arg0: i32) -> (i32, i32) {
    %c0_i32 = arith.constant 0 : i32
    %c0_i32_0 = arith.constant 0 : i32
    return %c0_i32, %arg0 : i32, i32
  }
  func.func @transform_3(%arg0: i32) -> (i32, i32) {
    %c0_i32 = arith.constant 0 : i32
    %c0_i32_0 = arith.constant 0 : i32
    return %arg0, %c0_i32 : i32, i32
  }
  func.func @transform_4(%arg0: i32) -> (i32, i32) {
    %c0_i32 = arith.constant 0 : i32
    %c0_i32_0 = arith.constant 0 : i32
    return %arg0, %c0_i32 : i32, i32
  }
  func.func @transform_5(%arg0: i32) -> (i32, i32) {
    %c0_i32 = arith.constant 0 : i32
    %c0_i32_0 = arith.constant 0 : i32
    return %arg0, %c0_i32 : i32, i32
  }
  func.func @transform_6(%arg0: i32) -> (i32, i32) {
    %c0_i32 = arith.constant 0 : i32
    %c0_i32_0 = arith.constant 0 : i32
    return %arg0, %c0_i32 : i32, i32
  }
}

module attributes {stable_mosaic.version = 14 : i64} {
  func.func @body(%arg0: i32, %arg1: memref<1024x128xf32, #tpu.memory_space<vmem>>, %arg2: memref<1024x128xf32, #tpu.memory_space<vmem>>, %arg3: memref<1024x1xf32, #tpu.memory_space<vmem>>, %arg4: memref<1024x1xf32, #tpu.memory_space<vmem>>, %arg5: memref<256x256xf32, #tpu.memory_space<vmem>>, %arg6: memref<8x256xf32, #tpu.memory_space<vmem>>, %arg7: memref<1024x128xf32, #tpu.memory_space<vmem>>, %arg8: memref<1024x128xf32, #tpu.memory_space<vmem>>) attributes {dimension_semantics = [#tpu.dimension_semantics<arbitrary>], iteration_bounds = array<i64: 10>, scalar_prefetch = 0 : i64, scratch_operands = 0 : i64, tpu.core_type = #tpu.core_type<tc>, window_params = [{transform_indices = @transform_0, window_bounds = array<i64: 1024, 128>}, {transform_indices = @transform_1, window_bounds = array<i64: 1024, 128>}, {transform_indices = @transform_2, window_bounds = array<i64: 1024, 1>}, {transform_indices = @transform_3, window_bounds = array<i64: 1024, 1>}, {pipeline_mode = #tpu.pipeline_mode<synchronous>, transform_indices = @transform_4, window_bounds = array<i64: 256, 256>}, {pipeline_mode = #tpu.pipeline_mode<synchronous>, transform_indices = @transform_5, window_bounds = array<i64: 8, 256>}, {transform_indices = @transform_6, window_bounds = array<i64: 1024, 128>}, {transform_indices = @transform_7, window_bounds = array<i64: 1024, 128>}]} {
    %get3A = arith.constant 0 : index
    %get3A_0 = arith.constant 0 : index
    %get3A_1 = vector.load %arg4[%get3A, %get3A_0] : memref<1024x1xf32, #tpu.memory_space<vmem>>, vector<1024x1xf32>
    %get3A_2 = arith.constant 0 : index
    %get3A_3 = arith.constant 0 : index
    %get3A_4 = vector.load %arg1[%get3A_2, %get3A_3] : memref<1024x128xf32, #tpu.memory_space<vmem>>, vector<1024x128xf32>
    %mul3A = vector.broadcast %get3A_1 : vector<1024x1xf32> to vector<1024x128xf32>
    %mul3A_5 = arith.mulf %get3A_4, %mul3A : vector<1024x128xf32>
    %get3A_6 = arith.constant 0 : index
    %get3A_7 = arith.constant 0 : index
    %get3A_8 = vector.load %arg2[%get3A_6, %get3A_7] : memref<1024x128xf32, #tpu.memory_space<vmem>>, vector<1024x128xf32>
    %mul3A_9 = vector.broadcast %get3A_1 : vector<1024x1xf32> to vector<1024x128xf32>
    %mul3A_10 = arith.mulf %get3A_8, %mul3A_9 : vector<1024x128xf32>
    %get3A_11 = arith.constant 0 : index
    %get3A_12 = arith.constant 0 : index
    %get3A_13 = vector.load %arg5[%get3A_11, %get3A_12] : memref<256x256xf32, #tpu.memory_space<vmem>>, vector<128x256xf32>
    %dot_general3A = arith.constant dense<0.000000e+00> : vector<1024x256xf32>
    %dot_general3A_14 = tpu.matmul %mul3A_5, %get3A_13, %dot_general3A {dimension_numbers = #tpu.dot_dimension_numbers<[1], [0], [0], [1], [0, 0, 1, 1], [], []>, precision = #tpu.contract_precision<fp32>, transpose_lhs_hint = false} : vector<1024x128xf32>, vector<128x256xf32>, vector<1024x256xf32> -> vector<1024x256xf32>
    %get3A_15 = arith.constant 128 : index
    %get3A_16 = arith.constant 0 : index
    %get3A_17 = vector.load %arg5[%get3A_15, %get3A_16] : memref<256x256xf32, #tpu.memory_space<vmem>>, vector<128x256xf32>
    %dot_general3A_18 = arith.constant dense<0.000000e+00> : vector<1024x256xf32>
    %dot_general3A_19 = tpu.matmul %mul3A_10, %get3A_17, %dot_general3A_18 {dimension_numbers = #tpu.dot_dimension_numbers<[1], [0], [0], [1], [0, 0, 1, 1], [], []>, precision = #tpu.contract_precision<fp32>, transpose_lhs_hint = false} : vector<1024x128xf32>, vector<128x256xf32>, vector<1024x256xf32> -> vector<1024x256xf32>
    %add3A = arith.addf %dot_general3A_14, %dot_general3A_19 : vector<1024x256xf32>
    %get3A_20 = arith.constant 0 : index
    %get3A_21 = arith.constant 0 : index
    %get3A_22 = vector.load %arg6[%get3A_20, %get3A_21] : memref<8x256xf32, #tpu.memory_space<vmem>>, vector<1x256xf32>
    %add3A_23 = vector.broadcast %get3A_22 : vector<1x256xf32> to vector<1024x256xf32>
    %add3A_24 = arith.addf %add3A, %add3A_23 : vector<1024x256xf32>
    %max3A = arith.constant 0.000000e+00 : f32
    %max3A_25 = vector.broadcast %max3A : f32 to vector<1024x256xf32>
    %max3A_26 = arith.maximumf %add3A_24, %max3A_25 : vector<1024x256xf32>
    %get3A_27 = arith.constant 0 : index
    %get3A_28 = arith.constant 0 : index
    %get3A_29 = vector.load %arg3[%get3A_27, %get3A_28] : memref<1024x1xf32, #tpu.memory_space<vmem>>, vector<1024x1xf32>
    %mul3A_30 = vector.broadcast %get3A_29 : vector<1024x1xf32> to vector<1024x256xf32>
    %mul3A_31 = arith.mulf %max3A_26, %mul3A_30 : vector<1024x256xf32>
    %slice3A = vector.extract_strided_slice %mul3A_31 {offsets = [0, 0], sizes = [1024, 128], strides = [1, 1]} : vector<1024x256xf32> to vector<1024x128xf32>
    %swap3A = arith.constant 0 : index
    %swap3A_32 = arith.constant 0 : index
    %swap3A_33 = vector.load %arg7[%swap3A, %swap3A_32] : memref<1024x128xf32, #tpu.memory_space<vmem>>, vector<1024x128xf32>
    tpu.vector_store %arg7[%swap3A, %swap3A_32], %slice3A {strides = array<i32>} : memref<1024x128xf32, #tpu.memory_space<vmem>>, vector<1024x128xf32>,
    %slice3A_34 = vector.extract_strided_slice %mul3A_31 {offsets = [0, 128], sizes = [1024, 128], strides = [1, 1]} : vector<1024x256xf32> to vector<1024x128xf32>
    %swap3A_35 = arith.constant 0 : index
    %swap3A_36 = arith.constant 0 : index
    %swap3A_37 = vector.load %arg8[%swap3A_35, %swap3A_36] : memref<1024x128xf32, #tpu.memory_space<vmem>>, vector<1024x128xf32>
    tpu.vector_store %arg8[%swap3A_35, %swap3A_36], %slice3A_34 {strides = array<i32>} : memref<1024x128xf32, #tpu.memory_space<vmem>>, vector<1024x128xf32>,
    return
  }
  func.func @transform_0(%arg0: i32) -> (i32, i32) {
    %c0_i32 = arith.constant 0 : i32
    %c0_i32_0 = arith.constant 0 : i32
    return %arg0, %c0_i32 : i32, i32
  }
  func.func @transform_1(%arg0: i32) -> (i32, i32) {
    %c0_i32 = arith.constant 0 : i32
    %c0_i32_0 = arith.constant 0 : i32
    return %arg0, %c0_i32 : i32, i32
  }
  func.func @transform_2(%arg0: i32) -> (i32, i32) {
    %c0_i32 = arith.constant 0 : i32
    %c0_i32_0 = arith.constant 0 : i32
    return %arg0, %c0_i32 : i32, i32
  }
  func.func @transform_3(%arg0: i32) -> (i32, i32) {
    %c0_i32 = arith.constant 0 : i32
    %c0_i32_0 = arith.constant 0 : i32
    return %arg0, %c0_i32 : i32, i32
  }
  func.func @transform_4(%arg0: i32) -> (i32, i32) {
    %c0_i32 = arith.constant 0 : i32
    %c0_i32_0 = arith.constant 0 : i32
    %c0_i32_1 = arith.constant 0 : i32
    return %c0_i32, %c0_i32_0 : i32, i32
  }
  func.func @transform_5(%arg0: i32) -> (i32, i32) {
    %c0_i32 = arith.constant 0 : i32
    %c0_i32_0 = arith.constant 0 : i32
    %c0_i32_1 = arith.constant 0 : i32
    return %c0_i32, %c0_i32_0 : i32, i32
  }
  func.func @transform_6(%arg0: i32) -> (i32, i32) {
    %c0_i32 = arith.constant 0 : i32
    %c0_i32_0 = arith.constant 0 : i32
    return %arg0, %c0_i32 : i32, i32
  }
  func.func @transform_7(%arg0: i32) -> (i32, i32) {
    %c0_i32 = arith.constant 0 : i32
    %c0_i32_0 = arith.constant 0 : i32
    return %arg0, %c0_i32 : i32, i32
  }
}

module attributes {stable_mosaic.version = 14 : i64} {
  func.func @body(%arg0: i32, %arg1: memref<1024x128xf32, #tpu.memory_space<vmem>>, %arg2: memref<1024x128xf32, #tpu.memory_space<vmem>>, %arg3: memref<1024x1xf32, #tpu.memory_space<vmem>>, %arg4: memref<256x256xf32, #tpu.memory_space<vmem>>, %arg5: memref<8x256xf32, #tpu.memory_space<vmem>>, %arg6: memref<256x2xf32, #tpu.memory_space<vmem>>, %arg7: memref<8x128xf32, #tpu.memory_space<vmem>>, %arg8: memref<1024x1xf32, #tpu.memory_space<vmem>>, %arg9: memref<1024x1xf32, #tpu.memory_space<vmem>>) attributes {dimension_semantics = [#tpu.dimension_semantics<arbitrary>], iteration_bounds = array<i64: 10>, scalar_prefetch = 0 : i64, scratch_operands = 0 : i64, tpu.core_type = #tpu.core_type<tc>, window_params = [{transform_indices = @transform_0, window_bounds = array<i64: 1024, 128>}, {transform_indices = @transform_1, window_bounds = array<i64: 1024, 128>}, {transform_indices = @transform_2, window_bounds = array<i64: 1024, 1>}, {pipeline_mode = #tpu.pipeline_mode<synchronous>, transform_indices = @transform_3, window_bounds = array<i64: 256, 256>}, {pipeline_mode = #tpu.pipeline_mode<synchronous>, transform_indices = @transform_4, window_bounds = array<i64: 8, 256>}, {pipeline_mode = #tpu.pipeline_mode<synchronous>, transform_indices = @transform_5, window_bounds = array<i64: 256, 2>}, {pipeline_mode = #tpu.pipeline_mode<synchronous>, transform_indices = @transform_6, window_bounds = array<i64: 8, 128>}, {transform_indices = @transform_7, window_bounds = array<i64: 1024, 1>}, {transform_indices = @transform_8, window_bounds = array<i64: 1024, 1>}]} {
    %get3A = arith.constant 0 : index
    %get3A_0 = arith.constant 0 : index
    %get3A_1 = vector.load %arg3[%get3A, %get3A_0] : memref<1024x1xf32, #tpu.memory_space<vmem>>, vector<1024x1xf32>
    %get3A_2 = arith.constant 0 : index
    %get3A_3 = arith.constant 0 : index
    %get3A_4 = vector.load %arg1[%get3A_2, %get3A_3] : memref<1024x128xf32, #tpu.memory_space<vmem>>, vector<1024x128xf32>
    %mul3A = vector.broadcast %get3A_1 : vector<1024x1xf32> to vector<1024x128xf32>
    %mul3A_5 = arith.mulf %get3A_4, %mul3A : vector<1024x128xf32>
    %get3A_6 = arith.constant 0 : index
    %get3A_7 = arith.constant 0 : index
    %get3A_8 = vector.load %arg2[%get3A_6, %get3A_7] : memref<1024x128xf32, #tpu.memory_space<vmem>>, vector<1024x128xf32>
    %mul3A_9 = vector.broadcast %get3A_1 : vector<1024x1xf32> to vector<1024x128xf32>
    %mul3A_10 = arith.mulf %get3A_8, %mul3A_9 : vector<1024x128xf32>
    %get3A_11 = arith.constant 0 : index
    %get3A_12 = arith.constant 0 : index
    %get3A_13 = vector.load %arg4[%get3A_11, %get3A_12] : memref<256x256xf32, #tpu.memory_space<vmem>>, vector<128x256xf32>
    %dot_general3A = arith.constant dense<0.000000e+00> : vector<1024x256xf32>
    %dot_general3A_14 = tpu.matmul %mul3A_5, %get3A_13, %dot_general3A {dimension_numbers = #tpu.dot_dimension_numbers<[1], [0], [0], [1], [0, 0, 1, 1], [], []>, precision = #tpu.contract_precision<fp32>, transpose_lhs_hint = false} : vector<1024x128xf32>, vector<128x256xf32>, vector<1024x256xf32> -> vector<1024x256xf32>
    %get3A_15 = arith.constant 128 : index
    %get3A_16 = arith.constant 0 : index
    %get3A_17 = vector.load %arg4[%get3A_15, %get3A_16] : memref<256x256xf32, #tpu.memory_space<vmem>>, vector<128x256xf32>
    %dot_general3A_18 = arith.constant dense<0.000000e+00> : vector<1024x256xf32>
    %dot_general3A_19 = tpu.matmul %mul3A_10, %get3A_17, %dot_general3A_18 {dimension_numbers = #tpu.dot_dimension_numbers<[1], [0], [0], [1], [0, 0, 1, 1], [], []>, precision = #tpu.contract_precision<fp32>, transpose_lhs_hint = false} : vector<1024x128xf32>, vector<128x256xf32>, vector<1024x256xf32> -> vector<1024x256xf32>
    %add3A = arith.addf %dot_general3A_14, %dot_general3A_19 : vector<1024x256xf32>
    %get3A_20 = arith.constant 0 : index
    %get3A_21 = arith.constant 0 : index
    %get3A_22 = vector.load %arg5[%get3A_20, %get3A_21] : memref<8x256xf32, #tpu.memory_space<vmem>>, vector<1x256xf32>
    %add3A_23 = vector.broadcast %get3A_22 : vector<1x256xf32> to vector<1024x256xf32>
    %add3A_24 = arith.addf %add3A, %add3A_23 : vector<1024x256xf32>
    %max3A = arith.constant 0.000000e+00 : f32
    %max3A_25 = vector.broadcast %max3A : f32 to vector<1024x256xf32>
    %max3A_26 = arith.maximumf %add3A_24, %max3A_25 : vector<1024x256xf32>
    %get3A_27 = arith.constant 0 : index
    %get3A_28 = arith.constant 0 : index
    %get3A_29 = vector.load %arg6[%get3A_27, %get3A_28] : memref<256x2xf32, #tpu.memory_space<vmem>>, vector<256x2xf32>
    %dot_general3A_30 = arith.constant dense<0.000000e+00> : vector<1024x2xf32>
    %dot_general3A_31 = tpu.matmul %max3A_26, %get3A_29, %dot_general3A_30 {dimension_numbers = #tpu.dot_dimension_numbers<[1], [0], [0], [1], [0, 0, 1, 1], [], []>, precision = #tpu.contract_precision<fp32>, transpose_lhs_hint = false} : vector<1024x256xf32>, vector<256x2xf32>, vector<1024x2xf32> -> vector<1024x2xf32>
    %slice3A = vector.extract_strided_slice %dot_general3A_31 {offsets = [0, 0], sizes = [1024, 1], strides = [1, 1]} : vector<1024x2xf32> to vector<1024x1xf32>
    %get3A_32 = arith.constant 0 : index
    %get3A_33 = arith.constant 0 : index
    %get3A_34 = vector.load %arg7[%get3A_32, %get3A_33] : memref<8x128xf32, #tpu.memory_space<vmem>>, vector<1x1xf32>
    %add3A_35 = vector.broadcast %get3A_34 : vector<1x1xf32> to vector<1024x1xf32>
    %add3A_36 = arith.addf %slice3A, %add3A_35 : vector<1024x1xf32>
    %swap3A = arith.constant 0 : index
    %swap3A_37 = arith.constant 0 : index
    %swap3A_38 = vector.load %arg8[%swap3A, %swap3A_37] : memref<1024x1xf32, #tpu.memory_space<vmem>>, vector<1024x1xf32>
    tpu.vector_store %arg8[%swap3A, %swap3A_37], %add3A_36 {strides = array<i32>} : memref<1024x1xf32, #tpu.memory_space<vmem>>, vector<1024x1xf32>,
    %slice3A_39 = vector.extract_strided_slice %dot_general3A_31 {offsets = [0, 1], sizes = [1024, 1], strides = [1, 1]} : vector<1024x2xf32> to vector<1024x1xf32>
    %swap3A_40 = arith.constant 0 : index
    %swap3A_41 = arith.constant 0 : index
    %swap3A_42 = vector.load %arg9[%swap3A_40, %swap3A_41] : memref<1024x1xf32, #tpu.memory_space<vmem>>, vector<1024x1xf32>
    tpu.vector_store %arg9[%swap3A_40, %swap3A_41], %slice3A_39 {strides = array<i32>} : memref<1024x1xf32, #tpu.memory_space<vmem>>, vector<1024x1xf32>,
    return
  }
  func.func @transform_0(%arg0: i32) -> (i32, i32) {
    %c0_i32 = arith.constant 0 : i32
    %c0_i32_0 = arith.constant 0 : i32
    return %arg0, %c0_i32 : i32, i32
  }
  func.func @transform_1(%arg0: i32) -> (i32, i32) {
    %c0_i32 = arith.constant 0 : i32
    %c0_i32_0 = arith.constant 0 : i32
    return %arg0, %c0_i32 : i32, i32
  }
  func.func @transform_2(%arg0: i32) -> (i32, i32) {
    %c0_i32 = arith.constant 0 : i32
    %c0_i32_0 = arith.constant 0 : i32
    return %arg0, %c0_i32 : i32, i32
  }
  func.func @transform_3(%arg0: i32) -> (i32, i32) {
    %c0_i32 = arith.constant 0 : i32
    %c0_i32_0 = arith.constant 0 : i32
    %c0_i32_1 = arith.constant 0 : i32
    return %c0_i32, %c0_i32_0 : i32, i32
  }
  func.func @transform_4(%arg0: i32) -> (i32, i32) {
    %c0_i32 = arith.constant 0 : i32
    %c0_i32_0 = arith.constant 0 : i32
    %c0_i32_1 = arith.constant 0 : i32
    return %c0_i32, %c0_i32_0 : i32, i32
  }
  func.func @transform_5(%arg0: i32) -> (i32, i32) {
    %c0_i32 = arith.constant 0 : i32
    %c0_i32_0 = arith.constant 0 : i32
    %c0_i32_1 = arith.constant 0 : i32
    return %c0_i32, %c0_i32_0 : i32, i32
  }
  func.func @transform_6(%arg0: i32) -> (i32, i32) {
    %c0_i32 = arith.constant 0 : i32
    %c0_i32_0 = arith.constant 0 : i32
    %c0_i32_1 = arith.constant 0 : i32
    return %c0_i32, %c0_i32_0 : i32, i32
  }
  func.func @transform_7(%arg0: i32) -> (i32, i32) {
    %c0_i32 = arith.constant 0 : i32
    %c0_i32_0 = arith.constant 0 : i32
    return %arg0, %c0_i32 : i32, i32
  }
  func.func @transform_8(%arg0: i32) -> (i32, i32) {
    %c0_i32 = arith.constant 0 : i32
    %c0_i32_0 = arith.constant 0 : i32
    return %arg0, %c0_i32 : i32, i32
  }
}

</mosaic_0001>

<sc_bundles>
// kernel: kernel.12.cloned.1.call-start
scs
__scs_entry_jumppad:
0x0: {  	(pc) =	sbr.rel $0x88, $3  }
0x1: {  	(tag) =	ssettag $0x0;
	lr =	simm.s32 $0x1  }
0x2: {  	[smem:$0x3F99] =	sst lr;
	_ =	strace $0xD0000000  }
0x3: {  	_ = 	snop  }
0x4: {  	_ = 	snop  }
0x5: {  	_ = 	snop  }
0x6: {  	_ = 	snop  }
0x7: {  	_ = 	snop  }
__scs_overlays_trampoline_lowered:
0x8: {  	[smem:$0x3FA8] =	sst s0  }
0x9: {  	[smem:$0x3FA9] =	sst s1  }
0xa: {  	[smem:$0x3FAA] =	sst s2  }
0xb: {  	[smem:$0x3FAB] =	sst s3  }
0xc: {  	[smem:$0x3FAC] =	sst s4  }
0xd: {  	[smem:$0x3FAD] =	sst s5  }
0xe: {  	[smem:$0x3FAE] =	sst s6  }
0xf: {  	[smem:$0x3FAF] =	sst s7  }
0x10: {  	[smem:$0x3FB0] =	sst s8  }
0x11: {  	[smem:$0x3FB1] =	sst s9;
	s0 =	simm.s32 @!p0 $0x0  }
0x12: {  	s1 =	sld [smem:$0x3F97];
	s0 =	simm.s32 @p0 $0x1  }
0x13: {  	[smem:$0x3FB2] =	sst s0;
	s0 =	simm.s32 @!p1 $0x0  }
0x14: {  	s2 =	sld [smem:$0x3F96];
	s0 =	simm.s32 @p1 $0x1  }
0x15: {  	[smem:$0x3FB3] =	sst s0;
	s0 =	simm.s32 @!p2 $0x0  }
0x16: {  	s3 =	sld [smem:$0x3FDB];
	s0 =	simm.s32 @p2 $0x1  }
0x17: {  	s4 =	simm.s32 $0x1BF5;
	[smem:$0x3FB5] =	sst s0  }
0x18: {  	s0 =	sld [smem:$0x3F98];
	_ =	swait.ge [sflag:s4], $0x0  }
0x19: {  	s7 =	sld [smem:$0x3F99]  }
0x1a: {  	s8 =	sadd.s32 $0xFFFFE003, lr  }
0x1b: {  	s9 =	sadd.s32 $0xFFFFFEF7, lr;
	s5 =	simm.s32 $0xFFFFFFFF;
	p2 =	slt.u32 s8, $0xFFFFF086  }
0x1c: {  	p1 =	slt.u32 s9, $0xF7A;
	s5 =	simm.s32 @!p2 $0x0  }
0x1d: {  	s5 =	simm.s32 @p1 $0x1;
	p0 =	seq.s32 s7, s2  }
0x1e: {  	s7 =	smul.u32 @!p0 $0xF7A, s2;
	p2 =	seq.s32 @!p0 s5, $0x0  }
0x1f: {  	s9 =	smul.u32 $0xF7A, s1;
	s8 =	simm.s32 @!p0 $0x1BF5;
	p2 =	por !p2, p0  }
0x20: {  	[sflag:s8] =	ssyncset.s32 @!p0 $0xFFFFF086;
	s6 =	sadd.s32 @!p0 s3, s7;
	s7 =	simm.s32 @!p0 $0x108  }
0x21: {  	s3 =	sadd.s32 s3, s9;
	s6 =	sadd.s32 @!p0 $0x88, s6;
	s7 =	simm.s32 @p2 $0x1082  }
0x22: {  	[simem:s7], [sflag:s8] =	dma.local @!p0 [hbm:s6], $0xF7A  }
0x23: {  	s9 =	sor.u32 $0xD0000000, s2;
	s6 =	simm.s32 $0x108;
	_ =	swait.ge @!p0 [sflag:s8], $0x0  }
0x24: {  	s3 =	sadd.s32 $0x88, s3;
	s6 =	simm.s32 @!p1 $0x1082;
	[sflag:s4] =	ssyncset.s32 $0xFFFFF086  }
0x25: {  	[simem:s6], [sflag:s4] =	dma.local [hbm:s3], $0xF7A  }
0x26: {  	[smem:$0x3F99] =	sst s1;
	(tag) =	ssettag s2;
	_ =	strace s9  }
0x27: {  	s1 =	sld [smem:$0x3FA9]  }
0x28: {  	s2 =	sld [smem:$0x3FAA]  }
0x29: {  	s4 =	sld [smem:$0x3FAC]  }
0x2a: {  	p0 =	seq.s32 s5, $0x0;
	s5 =	sld [smem:$0x3FAD]  }
0x2b: {  	s6 =	sld [smem:$0x3FAE]  }
0x2c: {  	s7 =	sld [smem:$0x3FAF]  }
0x2d: {  	s3 =	simm.s32 $0x108;
	s8 =	sld [smem:$0x3FB0]  }
0x2e: {  	s3 =	simm.s32 @!p0 $0x1082;
	s9 =	sld [smem:$0x3FB1]  }
0x2f: {  	lr =	sadd.s32 s0, s3;
	s0 =	sld [smem:$0x3FA8]  }
0x30: {  	s3 =	sld [smem:$0x3FAB]  }
0x31: {  	[smem:$0x3FB4] =	sst s10  }
0x32: {  	s10 =	sld [smem:$0x3FB2];
	_ =	sdelay $0x3  }
0x33: {  	p0 =	seq.s32 s10, $0x1;
	s10 =	sld [smem:$0x3FB4];
	_ =	sdelay $0x3  }
0x34: {  	[smem:$0x3FB4] =	sst s10  }
0x35: {  	s10 =	sld [smem:$0x3FB3];
	_ =	sdelay $0x3  }
0x36: {  	p1 =	seq.s32 s10, $0x1;
	s10 =	sld [smem:$0x3FB4];
	_ =	sdelay $0x3  }
0x37: {  	[smem:$0x3FB4] =	sst s10  }
0x38: {  	s10 =	sld [smem:$0x3FB5]  }
0x39: {  	_ = 	snop;
	(pc) =	sbr.ind lr, $3  }
0x3a: {  	_ = 	snop  }
0x3b: {  	_ = 	snop  }
0x3c: {  	p2 =	seq.s32 s10, $0x1;
	s10 =	sld [smem:$0x3FB4]  }
0x3d: {  	_ =	shalt  }
0x3e: {  	_ =	shalt  }
0x3f: {  	_ =	shalt  }
0x40: {  	_ =	shalt  }
0x41: {  	_ =	shalt  }
0x42: {  	_ =	shalt  }
0x43: {  	_ =	shalt  }
0x44: {  	_ =	shalt  }
0x45: {  	_ =	shalt  }
0x46: {  	_ =	shalt  }
0x47: {  	_ =	shalt  }
0x48: {  	_ =	shalt  }
0x49: {  	_ =	shalt  }
0x4a: {  	_ =	shalt  }
0x4b: {  	_ =	shalt  }
0x4c: {  	_ =	shalt  }
0x4d: {  	_ =	shalt  }
0x4e: {  	_ =	shalt  }
0x4f: {  	_ =	shalt  }
0x50: {  	_ =	shalt  }
0x51: {  	_ =	shalt  }
0x52: {  	_ =	shalt  }
0x53: {  	_ =	shalt  }
0x54: {  	_ =	shalt  }
0x55: {  	_ =	shalt  }
0x56: {  	_ =	shalt  }
0x57: {  	_ =	shalt  }
0x58: {  	_ =	shalt  }
0x59: {  	_ =	shalt  }
0x5a: {  	_ =	shalt  }
0x5b: {  	_ =	shalt  }
0x5c: {  	_ =	shalt  }
0x5d: {  	_ =	shalt  }
0x5e: {  	_ =	shalt  }
0x5f: {  	_ =	shalt  }
0x60: {  	_ =	shalt  }
0x61: {  	_ =	shalt  }
0x62: {  	_ =	shalt  }
0x63: {  	_ =	shalt  }
0x64: {  	_ =	shalt  }
0x65: {  	_ =	shalt  }
0x66: {  	_ =	shalt  }
0x67: {  	_ =	shalt  }
0x68: {  	_ =	shalt  }
0x69: {  	_ =	shalt  }
0x6a: {  	_ =	shalt  }
0x6b: {  	_ =	shalt  }
0x6c: {  	_ =	shalt  }
0x6d: {  	_ =	shalt  }
0x6e: {  	_ =	shalt  }
0x6f: {  	_ =	shalt  }
0x70: {  	_ =	shalt  }
0x71: {  	_ =	shalt  }
0x72: {  	_ =	shalt  }
0x73: {  	_ =	shalt  }
0x74: {  	_ =	shalt  }
0x75: {  	_ =	shalt  }
0x76: {  	_ =	shalt  }
0x77: {  	_ =	shalt  }
0x78: {  	_ =	shalt  }
0x79: {  	_ =	shalt  }
0x7a: {  	_ =	shalt  }
0x7b: {  	_ =	shalt  }
0x7c: {  	_ =	shalt  }
0x7d: {  	_ =	shalt  }
0x7e: {  	_ =	shalt  }
0x7f: {  	_ =	shalt  }
0x80: {  	_ =	shalt  }
0x81: {  	_ =	shalt  }
0x82: {  	_ =	shalt  }
0x83: {  	_ =	shalt  }
0x84: {  	_ =	shalt  }
0x85: {  	_ =	shalt  }
0x86: {  	_ =	shalt  }
0x87: {  	_ =	shalt  }
.Lfunc_end0:
.L_simem_size_0:
called_computation.1_lowered:
.L_overlay_start_0:
0x88: {  	s2 =	sld [smem:$0x3FD9]  }
0x89: {  	s3 =	sld [smem:$0x3FFE];
	_ =	sdelay $0x1  }
0x8a: {  	s1 =	srdreg.scid  }
0x8b: {  	s0 =	sand.u32 $0x1, s1  }
0x8c: {  	s16 =	sshll.u32 s0, $0xA;
	s2 =	sadd.s32 s3, s2  }
0x8d: {  	s2 =	sadd.s32 s2, s16  }
0x8e: {  	[smem:$0x3FC0] =	sst s2  }
0x8f: {  	_ = 	snop  }
0x90: {  	(tm) =	ssettm $0x1  }
0x91: {  	s17 =	sld [smem:$0x3FFB];
	_ =	sdelay $0x3  }
0x92: {  	_ =	strace s17  }
0x93: {  	s2 =	sld [smem:$0x3FFC];
	_ =	sdelay $0x3  }
0x94: {  	_ =	strace s2  }
0x95: {  	s2 =	sld [smem:$0x3FFD];
	_ =	sdelay $0x3  }
0x96: {  	_ =	strace s2  }
0x97: {  	_ =	strace $0x8FFFFFFF  }
0x98: {  	s18 =	sld [smem:$0x3FDB];
	_ =	sdelay $0x1  }
0x99: {  	s19 =	simm.s32 $_scs_section_size  }
0x9a: {  	s4 =	simm.s32 $_size__tile_overlayer_lowered;
	s5 =	simm.s32 $_tile_overlayer_lowered  }
0x9b: {  	s22 =	simm.s32 $0x1BFF;
	s21 =	sshll.u32 s5, $0x1;
	s2 =	sadd.s32 s19, s18  }
0x9c: {  	s6 =	simm.s32 $0x0;
	s20 =	sshll.u32 s4, $0x1;
	s4 =	sadd.s32 s21, s2  }
0x9d: {  	[timem:s6], [sflag:s22] =	dma.local [hbm:s4], s20  }
0x9e: {  	_ =	swait.ge [sflag:s22], s20  }
0x9f: {  	s3 =	ssub.s32 $0x0, s20;
	[sflag:s22] =	ssyncset.done $0x0  }
0xa0: {  	[sflag:s22] =	ssyncadd.s32 s3;
	_ =	sdelay $0x1  }
0xa1: {  	s23 =	simm.s32 $0x1B8B  }
0xa2: {  	_ =	swait.ge [sflag:s23], $0x1  }
0xa3: {  	[sflag:s23] =	ssyncset.done $0x0  }
0xa4: {  	s25 =	simm.s32 $0x1B8E;
	s24 =	sld [smem:$0x3FFE];
	[sflag:s23] =	ssyncadd.s32 $0xFFFFFFFF  }
0xa5: {  	s26 =	simm.s32 $execute0_lowered;
	[smem:$0x3FD2] =	sst s25  }
0xa6: {  	s4 =	sshll.u32 s26, $0x1;
	_ =	strace $0x80000049;
	[dreg:$0x1] =	wrdreg $0xFFFFFFFF  }
0xa7: {  	s28 =	simm.s32 $_size_execute0_lowered;
	s2 =	sadd.s32 s2, s4;
	[dreg:$0x0] =	wrdreg $0x0  }
0xa8: {  	s4 =	sshll.u32 s28, $0x1;
	[dreg:$0x2] =	wrdreg s2  }
0xa9: {  	[dreg:$0x3] =	wrdreg s4  }
0xaa: {  	[dreg:$0x4] =	wrdreg $0xC0  }
0xab: {  	_ =	task [dreg:s6], $0x5FFFF  }
0xac: {  	[dreg:$0x1] =	wrdreg $0xFFFFFFFF  }
0xad: {  	[dreg:$0x0] =	wrdreg $0x60  }
0xae: {  	[dreg:$0x2] =	wrdreg s24  }
0xaf: {  	[dreg:$0x3] =	wrdreg $0x0  }
0xb0: {  	[dreg:$0x4] =	wrdreg $0x9  }
0xb1: {  	_ =	task.clear_ibuf [dreg:s6], $0x5FFFF;
	_ =	strace $0x90000049  }
0xb2: {  	s29 =	simm.s32 $0x9;
	_ =	strace $0x8000004B  }
0xb3: {  	_ =	swait.ge [sflag:s29], $0x1  }
0xb4: {  	[sflag:s29] =	ssyncadd.s32 $0xFFFFFFFF  }
0xb5: {  	_ =	strace $0x9000004B  }
0xb6: {  	_ =	sfence  }
0xb7: {  	s30 =	sld [smem:$0x0];
	_ =	sdelay $0x2  }
0xb8: {  	s31 =	sshll.u32 s1, $0xD;
	s1 =	sshrl.u32 s1, $0x2  }
0xb9: {  	s3 =	sand.u32 $0x4000, s31;
	s1 =	sadd.s32 s1, s30  }
0xba: {  	s0 =	sor.u32 s3, s0;
	s1 =	sshll.u32 s1, $0x11  }
0xbb: {  	s0 =	sor.u32 s1, s0  }
0xbc: {  	s0 =	sadd.s32 $0x8F2B, s0  }
0xbd: {  	[sflag:s0] =	ssyncadd.remote.s32 $0x1  }
0xbe: {  	_ =	sfence.sel $0xFFFF  }
0xbf: {  	[dreg:$0x0] =	wrdreg $0xFFFFFFFF;
	(pc) =	sbr.abs _section_cstart, $3  }
0xc0: {  	[dreg:$0x1] =	wrdreg $0xFFFFFFFF  }
0xc1: {  	_ =	task.clear_ibuf [dreg:s6], $0x2FFFF;
	_ =	strace $0x9FFFFFFF  }
0xc2: {  	(tm) =	ssettm $0x7FFFFFFF  }
0xc3: {  	_ =	shalt  }
tec
execute0_lowered:
.L_overlay_start_1:
0x0: {  	(tag) =	ssettag $0x1  }
0x1: {  	s0 =	rddreg [dreg:$0x0]  }
0x2: {  	s1 =	rddreg [dreg:$0x1];
	s2 =	simm.s32 $0x0  }
0x3: {  	s3 =	srdreg.scid;
	s23 =	stileid.u32;
	s19 =	simm.s32 $0x16800  }
0x4: {  	s20 =	simm.s32 $0x5;
	s21 =	simm.s32 $0x14000;
	s22 =	simm.s32 $0x15400  }
0x5: {  	s28 =	simm.s32 $0x2;
	s29 =	simm.s32 $0x3;
	s30 =	simm.s32 $0x4  }
0x6: {  	s31 =	simm.s32 $0x16700;
	[smem:$0x7FF] =	sst s2;
	s4 =	sadd.s32 $0xD200, s0  }
0x7: {  	s5 =	sadd.s32 $0x35200, s0;
	s7 =	sadd.s32 $0x8200, s0;
	s8 =	smul.u32 $0x50000, s23  }
0x8: {  	s3 =	sand.u32 $0x1, s3;
	s13 =	sadd.s32 $0x3200, s0;
	s6 =	smul.u32 $0x2800, s23  }
0x9: {  	s10 =	sadd.s32 $0xC1200, s0;
	s0 =	sadd.s32 $0xE9200, s0;
	s11 =	smul.u32 $0x500, s23  }
0xa: {  	s23 =	simm.s32 $0x80;
	_ =	strace $0x8000004A;
	[dreg:$0x3] =	wrdreg s10  }
0xb: {  	s9 =	ssub.s32 $0x2, s3;
	[dreg:$0x4] =	wrdreg s0;
	p0 =	sne.s32 s3, $0x0  }
0xc: {  	s24 =	sshrl.u32 s9, $0x1;
	s8 =	sshrl.u32 s8, $0x2;
	s25 =	sshrl.u32 s6, $0x3  }
0xd: {  	s10 =	sadd.s32 s7, s11;
	s11 =	sadd.s32 s13, s11;
	s0 =	ssub.s32 s9, s24  }
.Ltmp0:
0xe: {  	s9 =	sadd.s32 s8, s1;
	s26 =	sadd.s32 $0x280, s25;
	(pc) =	sbr.rel .LBB2_1-.Ltmp0, $4  }
0xf: {  	s24 =	simm.s32 $0x14080;
	s25 =	simm.s32 $0x1A800;
	s12 =	sadd.s32 s7, s26  }
0x10: {  	s13 =	sadd.s32 s13, s26;
	s14 =	smax.u32 s0, $0x1;
	s15 =	sadd.s32 $0x4000, s9  }
0x11: {  	s16 =	sadd.s32 $0x8000, s9;
	s17 =	sadd.s32 $0xC000, s9;
	s18 =	sadd.s32 $0x10000, s9  }
0x12: {  	v0 =	vimm.f32 $0.0e+00;
	s26 =	simm.s32 $0x1;
	s0 =	simm.s32 $0x16780;
	s7 =	simm.s32 $0x0  }
.LBB2_13:
0x13: {  	[tilespmem:s25], [sflag:$0x2] =	stream.indirect.gather [hbm4b:s5+s23], $0x80, s3, s23, $0xb8;
	[tilespmem:$0x1E800] =	vst v63  }
0x14: {  	s3 =	rddreg [dreg:$0x4]  }
.LBB2_14:
0x15: {  	_ =	swait.ge [sflag:s26], $0x4000  }
0x16: {  	[sflag:s26] =	ssyncset.done $0x0  }
0x17: {  	[sflag:s26] =	ssyncadd.s32 $0xFFFFC000  }
0x18: {  	[spmem:s1] =	stream.indirect.scatter.add.f32 [tilespmem:s19], [sflag:$0x5], $0x80, s31, s23, $0xb8;
	[tilespmem:$0x1E800] =	vst v63  }
0x19: {  	_ =	swait.ge [sflag:s20], $0x4000  }
0x1a: {  	[sflag:s20] =	ssyncset.done $0x0  }
0x1b: {  	[sflag:s20] =	ssyncadd.s32 $0xFFFFC000  }
0x1c: {  	_ =	swait.ge [sflag:s28], $0x4000  }
0x1d: {  	[sflag:s28] =	ssyncset.done $0x0  }
0x1e: {  	[sflag:s28] =	ssyncadd.s32 $0xFFFFC000  }
0x1f: {  	[spmem:s1] =	stream.indirect.scatter.add.f32 [tilespmem:s25], [sflag:$0x5], $0x80, s0, s23, $0xb8;
	[tilespmem:$0x1E800] =	vst v63  }
0x20: {  	s2 =	sadd.s32 s3, s6;
	s8 =	stileid.u32;
	_ =	swait.ge [sflag:s20], $0x4000  }
0x21: {  	s7 =	sadd.s32 $0x1, s7;
	s3 =	sshll.u32 s8, $0x6;
	[sflag:s20] =	ssyncset.done $0x0  }
0x22: {  	s8 =	sshrl.u32 s9, $0x3;
	p1 =	sne.s32 s7, s14;
	[sflag:s20] =	ssyncadd.s32 $0xFFFFC000  }
.Ltmp1:
0x23: {  	s3 =	sor.u32 $0x1C05, s3;
	[bflag:$0x0] =	sbarrier.arrive $0xFFFF;
	(pc) =	sbr.rel @!p1 .LBB2_15-.Ltmp1, $4  }
0x24: {  	[hbm:s2], [sflag:s3] =	dma.local [spmem:s8], $0x2800  }
0x25: {  	_ =	swait.ge [sflag:s20], $0x2800  }
0x26: {  	[sflag:s20] =	ssyncset.done $0x0  }
0x27: {  	[sflag:s20] =	ssyncadd.s32 $0xFFFFD800  }
.LBB2_1:
0x28: {  	s8 =	simm.s32 $0x0;
	s3 =	simm.s32 $0x200  }
.LBB2_2:
0x29: {  	p1 =	sne.s32 s3, $0xFE00;
	[tilespmem:s8+$0x16870] =	vst v0  }
0x2a: {  	[tilespmem:s8+$0x16800] =	vst v0  }
0x2b: {  	[tilespmem:s8+$0x16810] =	vst v0  }
.Ltmp2:
0x2c: {  	[tilespmem:s8+$0x16820] =	vst v0;
	(pc) =	sbr.rel @p1 .LBB2_2-.Ltmp2, $4  }
0x2d: {  	[tilespmem:s8+$0x16830] =	vst v0  }
0x2e: {  	[tilespmem:s8+$0x16840] =	vst v0  }
0x2f: {  	[tilespmem:s8+$0x16850] =	vst v0  }
0x30: {  	[tilespmem:s8+$0x16860] =	vst v0;
	s8 =	sshra.s32 s3, $0x2;
	s3 =	sadd.s32 $0x200, s3  }
0x31: {  	[tilespmem:s8+$0x16870] =	vst v0  }
0x32: {  	[tilespmem:s8+$0x16800] =	vst v0  }
0x33: {  	[tilespmem:s8+$0x16810] =	vst v0  }
0x34: {  	[tilespmem:s8+$0x16820] =	vst v0  }
0x35: {  	[tilespmem:s8+$0x16830] =	vst v0  }
0x36: {  	[tilespmem:s8+$0x16840] =	vst v0  }
0x37: {  	[tilespmem:s8+$0x16850] =	vst v0  }
0x38: {  	[tilespmem:s8+$0x16860] =	vst v0  }
0x39: {  	[spmem:s9] =	stream.linear.scatter [tilespmem:s19], [sflag:$0x5], $0x4000, $0x38;
	[tilespmem:$0x1E800] =	vst v63  }
0x3a: {  	_ =	swait.ge [sflag:s20], $0x4000  }
0x3b: {  	[sflag:s20] =	ssyncset.done $0x0  }
0x3c: {  	[sflag:s20] =	ssyncadd.s32 $0xFFFFC000  }
0x3d: {  	[spmem:s15] =	stream.linear.scatter [tilespmem:s19], [sflag:$0x5], $0x4000, $0x38;
	[tilespmem:$0x1E800] =	vst v63  }
0x3e: {  	_ =	swait.ge [sflag:s20], $0x4000  }
0x3f: {  	[sflag:s20] =	ssyncset.done $0x0  }
0x40: {  	[sflag:s20] =	ssyncadd.s32 $0xFFFFC000  }
0x41: {  	[spmem:s16] =	stream.linear.scatter [tilespmem:s19], [sflag:$0x5], $0x4000, $0x38;
	[tilespmem:$0x1E800] =	vst v63  }
0x42: {  	_ =	swait.ge [sflag:s20], $0x4000  }
0x43: {  	[sflag:s20] =	ssyncset.done $0x0  }
0x44: {  	[sflag:s20] =	ssyncadd.s32 $0xFFFFC000  }
0x45: {  	[spmem:s17] =	stream.linear.scatter [tilespmem:s19], [sflag:$0x5], $0x4000, $0x38;
	[tilespmem:$0x1E800] =	vst v63  }
0x46: {  	_ =	swait.ge [sflag:s20], $0x4000  }
0x47: {  	[sflag:s20] =	ssyncset.done $0x0  }
0x48: {  	[sflag:s20] =	ssyncadd.s32 $0xFFFFC000  }
0x49: {  	[spmem:s18] =	stream.linear.scatter [tilespmem:s19], [sflag:$0x5], $0x4000, $0x38;
	[tilespmem:$0x1E800] =	vst v63  }
0x4a: {  	_ =	swait.ge [sflag:s20], $0x4000  }
0x4b: {  	[sflag:s20] =	ssyncset.done $0x0  }
0x4c: {  	[sflag:s20] =	ssyncadd.s32 $0xFFFFC000  }
0x4d: {  	s2 =	simm.s32 $0x0;
	[bflag:$0x0] =	sbarrier.arrive $0xFFFF  }
0x4e: {  	[tilespmem:s21], [sflag:$0x5] =	stream.linear.gather [hbm4b:s10+s2], $0x1400, $0x38;
	[tilespmem:$0x1E800] =	vst v63  }
0x4f: {  	_ =	swait.ge [sflag:s20], $0x1400  }
0x50: {  	[sflag:s20] =	ssyncset.done $0x0  }
.Ltmp3:
0x51: {  	[sflag:s20] =	ssyncadd.s32 $0xFFFFEC00;
	(pc) =	sbr.rel @p0 .LBB2_9-.Ltmp3, $4  }
0x52: {  	[tilespmem:s22], [sflag:$0x5] =	stream.linear.gather [hbm4b:s11+s2], $0x1400, $0x38;
	[tilespmem:$0x1E800] =	vst v63  }
0x53: {  	_ =	swait.ge [sflag:s20], $0x1400  }
0x54: {  	[sflag:s20] =	ssyncset.done $0x0  }
0x55: {  	[sflag:s20] =	ssyncadd.s32 $0xFFFFEC00  }
0x56: {  	[tilespmem:s19], [sflag:$0x1] =	stream.indirect.gather [hbm4b:s4+s23], $0x80, s21, s23, $0xb8;
	[tilespmem:$0x1E800] =	vst v63  }
0x57: {  	_ = 	snop  }
0x58: {  	[tilespmem:s25], [sflag:$0x2] =	stream.indirect.gather [hbm4b:s4+s23], $0x80, s24, s23, $0xb8;
	[tilespmem:$0x1E800] =	vst v63  }
0x59: {  	_ =	swait.ge [sflag:s26], $0x4000  }
0x5a: {  	[sflag:s26] =	ssyncset.done $0x0  }
0x5b: {  	s3 =	simm.s32 $0x15400;
	[sflag:s26] =	ssyncadd.s32 $0xFFFFC000  }
0x5c: {  	[spmem:s1] =	stream.indirect.scatter.add.f32 [tilespmem:s19], [sflag:$0x3], $0x80, s3, s23, $0xb8;
	[tilespmem:$0x1E800] =	vst v63  }
0x5d: {  	_ =	swait.ge [sflag:s28], $0x4000  }
0x5e: {  	[sflag:s28] =	ssyncset.done $0x0  }
0x5f: {  	s2 =	simm.s32 $0x15480;
	[sflag:s28] =	ssyncadd.s32 $0xFFFFC000  }
0x60: {  	[spmem:s1] =	stream.indirect.scatter.add.f32 [tilespmem:s25], [sflag:$0x4], $0x80, s2, s23, $0xb8;
	[tilespmem:$0x1E800] =	vst v63  }
0x61: {  	_ =	swait.ge [sflag:s29], $0x4000  }
0x62: {  	[sflag:s29] =	ssyncset.done $0x0  }
0x63: {  	s8 =	simm.s32 $0x14100;
	[sflag:s29] =	ssyncadd.s32 $0xFFFFC000  }
0x64: {  	[tilespmem:s19], [sflag:$0x1] =	stream.indirect.gather [hbm4b:s4+s23], $0x80, s8, s23, $0xb8;
	[tilespmem:$0x1E800] =	vst v63  }
0x65: {  	_ =	swait.ge [sflag:s30], $0x4000  }
0x66: {  	[sflag:s30] =	ssyncset.done $0x0  }
0x67: {  	s3 =	simm.s32 $0x14180;
	s8 =	simm.s32 $0x400;
	[sflag:s30] =	ssyncadd.s32 $0xFFFFC000  }
.LBB2_5:
0x68: {  	[tilespmem:s25], [sflag:$0x2] =	stream.indirect.gather [hbm4b:s4+s23], $0x80, s3, s23, $0xb8;
	[tilespmem:$0x1E800] =	vst v63  }
0x69: {  	s3 =	smov.u32 s8  }
0x6a: {  	p1 =	sne.s32 s8, $0x4800;
	s8 =	sadd.s32 $0x400, s8;
	_ =	swait.ge [sflag:s26], $0x4000  }
0x6b: {  	s3 =	sshra.s32 s3, $0x2;
	[sflag:s26] =	ssyncset.done $0x0  }
0x6c: {  	s2 =	sadd.s32 $0x15400, s3;
	[sflag:s26] =	ssyncadd.s32 $0xFFFFC000  }
0x6d: {  	[spmem:s1] =	stream.indirect.scatter.add.f32 [tilespmem:s19], [sflag:$0x3], $0x80, s2, s23, $0xb8;
	[tilespmem:$0x1E800] =	vst v63  }
0x6e: {  	_ =	swait.ge [sflag:s28], $0x4000  }
0x6f: {  	[sflag:s28] =	ssyncset.done $0x0  }
0x70: {  	s2 =	sadd.s32 $0x15480, s3;
	[sflag:s28] =	ssyncadd.s32 $0xFFFFC000  }
0x71: {  	[spmem:s1] =	stream.indirect.scatter.add.f32 [tilespmem:s25], [sflag:$0x4], $0x80, s2, s23, $0xb8;
	[tilespmem:$0x1E800] =	vst v63  }
0x72: {  	_ =	swait.ge [sflag:s29], $0x4000  }
0x73: {  	[sflag:s29] =	ssyncset.done $0x0  }
.Ltmp4:
0x74: {  	s2 =	sadd.s32 $0x14100, s3;
	[sflag:s29] =	ssyncadd.s32 $0xFFFFC000;
	(pc) =	sbr.rel @p1 .LBB2_5-.Ltmp4, $4  }
0x75: {  	[tilespmem:s19], [sflag:$0x1] =	stream.indirect.gather [hbm4b:s4+s23], $0x80, s2, s23, $0xb8;
	[tilespmem:$0x1E800] =	vst v63  }
0x76: {  	_ =	swait.ge [sflag:s30], $0x4000  }
0x77: {  	[sflag:s30] =	ssyncset.done $0x0  }
0x78: {  	s3 =	sadd.s32 $0x14180, s3;
	[sflag:s30] =	ssyncadd.s32 $0xFFFFC000  }
0x79: {  	[tilespmem:s25], [sflag:$0x2] =	stream.indirect.gather [hbm4b:s4+s23], $0x80, s3, s23, $0xb8;
	[tilespmem:$0x1E800] =	vst v63  }
0x7a: {  	_ =	swait.ge [sflag:s26], $0x4000  }
0x7b: {  	[sflag:s26] =	ssyncset.done $0x0  }
0x7c: {  	[sflag:s26] =	ssyncadd.s32 $0xFFFFC000  }
0x7d: {  	[spmem:s1] =	stream.indirect.scatter.add.f32 [tilespmem:s19], [sflag:$0x5], $0x80, s31, s23, $0xb8;
	[tilespmem:$0x1E800] =	vst v63  }
0x7e: {  	_ =	swait.ge [sflag:s20], $0x4000  }
0x7f: {  	[sflag:s20] =	ssyncset.done $0x0  }
0x80: {  	[sflag:s20] =	ssyncadd.s32 $0xFFFFC000  }
0x81: {  	_ =	swait.ge [sflag:s28], $0x4000  }
0x82: {  	[sflag:s28] =	ssyncset.done $0x0  }
0x83: {  	[sflag:s28] =	ssyncadd.s32 $0xFFFFC000  }
0x84: {  	[spmem:s1] =	stream.indirect.scatter.add.f32 [tilespmem:s25], [sflag:$0x5], $0x80, s0, s23, $0xb8;
	[tilespmem:$0x1E800] =	vst v63  }
0x85: {  	_ =	swait.ge [sflag:s20], $0x4000  }
0x86: {  	[sflag:s20] =	ssyncset.done $0x0  }
0x87: {  	s2 =	simm.s32 $0x0;
	[sflag:s20] =	ssyncadd.s32 $0xFFFFC000  }
0x88: {  	[tilespmem:s21], [sflag:$0x5] =	stream.linear.gather [hbm4b:s12+s2], $0x1400, $0x38;
	[tilespmem:$0x1E800] =	vst v63  }
0x89: {  	_ =	swait.ge [sflag:s20], $0x1400  }
0x8a: {  	[sflag:s20] =	ssyncset.done $0x0  }
0x8b: {  	[sflag:s20] =	ssyncadd.s32 $0xFFFFEC00  }
0x8c: {  	[tilespmem:s22], [sflag:$0x5] =	stream.linear.gather [hbm4b:s13+s2], $0x1400, $0x38;
	[tilespmem:$0x1E800] =	vst v63  }
0x8d: {  	_ =	swait.ge [sflag:s20], $0x1400  }
0x8e: {  	[sflag:s20] =	ssyncset.done $0x0  }
0x8f: {  	[sflag:s20] =	ssyncadd.s32 $0xFFFFEC00  }
0x90: {  	[tilespmem:s19], [sflag:$0x1] =	stream.indirect.gather [hbm4b:s4+s23], $0x80, s21, s23, $0xb8;
	[tilespmem:$0x1E800] =	vst v63  }
0x91: {  	_ = 	snop  }
0x92: {  	[tilespmem:s25], [sflag:$0x2] =	stream.indirect.gather [hbm4b:s4+s23], $0x80, s24, s23, $0xb8;
	[tilespmem:$0x1E800] =	vst v63  }
0x93: {  	_ =	swait.ge [sflag:s26], $0x4000  }
0x94: {  	[sflag:s26] =	ssyncset.done $0x0  }
0x95: {  	s8 =	simm.s32 $0x15400;
	[sflag:s26] =	ssyncadd.s32 $0xFFFFC000  }
0x96: {  	[spmem:s1] =	stream.indirect.scatter.add.f32 [tilespmem:s19], [sflag:$0x3], $0x80, s8, s23, $0xb8;
	[tilespmem:$0x1E800] =	vst v63  }
0x97: {  	_ =	swait.ge [sflag:s28], $0x4000  }
0x98: {  	[sflag:s28] =	ssyncset.done $0x0  }
0x99: {  	s3 =	simm.s32 $0x15480;
	[sflag:s28] =	ssyncadd.s32 $0xFFFFC000  }
0x9a: {  	[spmem:s1] =	stream.indirect.scatter.add.f32 [tilespmem:s25], [sflag:$0x4], $0x80, s3, s23, $0xb8;
	[tilespmem:$0x1E800] =	vst v63  }
0x9b: {  	_ =	swait.ge [sflag:s29], $0x4000  }
0x9c: {  	[sflag:s29] =	ssyncset.done $0x0  }
0x9d: {  	s8 =	simm.s32 $0x14100;
	[sflag:s29] =	ssyncadd.s32 $0xFFFFC000  }
0x9e: {  	[tilespmem:s19], [sflag:$0x1] =	stream.indirect.gather [hbm4b:s4+s23], $0x80, s8, s23, $0xb8;
	[tilespmem:$0x1E800] =	vst v63  }
0x9f: {  	_ =	swait.ge [sflag:s30], $0x4000  }
0xa0: {  	[sflag:s30] =	ssyncset.done $0x0  }
0xa1: {  	s3 =	simm.s32 $0x14180;
	s8 =	simm.s32 $0x400;
	[sflag:s30] =	ssyncadd.s32 $0xFFFFC000  }
.LBB2_7:
0xa2: {  	[tilespmem:s25], [sflag:$0x2] =	stream.indirect.gather [hbm4b:s4+s23], $0x80, s3, s23, $0xb8;
	[tilespmem:$0x1E800] =	vst v63  }
0xa3: {  	s2 =	smov.u32 s8  }
0xa4: {  	p1 =	seq.s32 s8, $0x4800;
	s8 =	sadd.s32 $0x400, s8;
	_ =	swait.ge [sflag:s26], $0x4000  }
0xa5: {  	s2 =	sshra.s32 s2, $0x2;
	[sflag:s26] =	ssyncset.done $0x0  }
0xa6: {  	s3 =	sadd.s32 $0x15400, s2;
	[sflag:s26] =	ssyncadd.s32 $0xFFFFC000  }
0xa7: {  	[spmem:s1] =	stream.indirect.scatter.add.f32 [tilespmem:s19], [sflag:$0x3], $0x80, s3, s23, $0xb8;
	[tilespmem:$0x1E800] =	vst v63  }
0xa8: {  	_ =	swait.ge [sflag:s28], $0x4000  }
0xa9: {  	[sflag:s28] =	ssyncset.done $0x0  }
0xaa: {  	s3 =	sadd.s32 $0x15480, s2;
	[sflag:s28] =	ssyncadd.s32 $0xFFFFC000  }
0xab: {  	[spmem:s1] =	stream.indirect.scatter.add.f32 [tilespmem:s25], [sflag:$0x4], $0x80, s3, s23, $0xb8;
	[tilespmem:$0x1E800] =	vst v63  }
0xac: {  	_ =	swait.ge [sflag:s29], $0x4000  }
0xad: {  	[sflag:s29] =	ssyncset.done $0x0  }
.Ltmp5:
0xae: {  	s3 =	sadd.s32 $0x14100, s2;
	[sflag:s29] =	ssyncadd.s32 $0xFFFFC000;
	(pc) =	sbr.rel @!p1 .LBB2_7-.Ltmp5, $4  }
0xaf: {  	[tilespmem:s19], [sflag:$0x1] =	stream.indirect.gather [hbm4b:s4+s23], $0x80, s3, s23, $0xb8;
	[tilespmem:$0x1E800] =	vst v63  }
0xb0: {  	_ =	swait.ge [sflag:s30], $0x4000  }
0xb1: {  	[sflag:s30] =	ssyncset.done $0x0  }
0xb2: {  	s3 =	sadd.s32 $0x14180, s2;
	[sflag:s30] =	ssyncadd.s32 $0xFFFFC000  }
.Ltmp6:
0xb3: {  	(pc) =	sbr.rel .LBB2_14-.Ltmp6, $3  }
0xb4: {  	_ =	sdelay $0x1  }
0xb5: {  	[tilespmem:s25], [sflag:$0x2] =	stream.indirect.gather [hbm4b:s4+s23], $0x80, s3, s23, $0xb8;
	[tilespmem:$0x1E800] =	vst v63  }
0xb6: {  	s3 =	rddreg [dreg:$0x3]  }
.LBB2_9:
0xb7: {  	[tilespmem:s19], [sflag:$0x1] =	stream.indirect.gather [hbm4b:s5+s23], $0x80, s21, s23, $0xb8;
	[tilespmem:$0x1E800] =	vst v63  }
0xb8: {  	_ = 	snop  }
0xb9: {  	[tilespmem:s25], [sflag:$0x2] =	stream.indirect.gather [hbm4b:s5+s23], $0x80, s24, s23, $0xb8;
	[tilespmem:$0x1E800] =	vst v63  }
0xba: {  	_ =	swait.ge [sflag:s26], $0x4000  }
0xbb: {  	[sflag:s26] =	ssyncset.done $0x0  }
0xbc: {  	s2 =	simm.s32 $0x15400;
	[sflag:s26] =	ssyncadd.s32 $0xFFFFC000  }
0xbd: {  	[spmem:s1] =	stream.indirect.scatter.add.f32 [tilespmem:s19], [sflag:$0x3], $0x80, s2, s23, $0xb8;
	[tilespmem:$0x1E800] =	vst v63  }
0xbe: {  	_ =	swait.ge [sflag:s28], $0x4000  }
0xbf: {  	[sflag:s28] =	ssyncset.done $0x0  }
0xc0: {  	s3 =	simm.s32 $0x15480;
	[sflag:s28] =	ssyncadd.s32 $0xFFFFC000  }
0xc1: {  	[spmem:s1] =	stream.indirect.scatter.add.f32 [tilespmem:s25], [sflag:$0x4], $0x80, s3, s23, $0xb8;
	[tilespmem:$0x1E800] =	vst v63  }
0xc2: {  	_ =	swait.ge [sflag:s29], $0x4000  }
0xc3: {  	[sflag:s29] =	ssyncset.done $0x0  }
0xc4: {  	s8 =	simm.s32 $0x14100;
	[sflag:s29] =	ssyncadd.s32 $0xFFFFC000  }
0xc5: {  	[tilespmem:s19], [sflag:$0x1] =	stream.indirect.gather [hbm4b:s5+s23], $0x80, s8, s23, $0xb8;
	[tilespmem:$0x1E800] =	vst v63  }
0xc6: {  	_ =	swait.ge [sflag:s30], $0x4000  }
0xc7: {  	[sflag:s30] =	ssyncset.done $0x0  }
0xc8: {  	s3 =	simm.s32 $0x14180;
	s8 =	simm.s32 $0x400;
	[sflag:s30] =	ssyncadd.s32 $0xFFFFC000  }
.LBB2_10:
0xc9: {  	[tilespmem:s25], [sflag:$0x2] =	stream.indirect.gather [hbm4b:s5+s23], $0x80, s3, s23, $0xb8;
	[tilespmem:$0x1E800] =	vst v63  }
0xca: {  	s2 =	smov.u32 s8  }
0xcb: {  	p1 =	sne.s32 s8, $0x4800;
	s8 =	sadd.s32 $0x400, s8;
	_ =	swait.ge [sflag:s26], $0x4000  }
0xcc: {  	s2 =	sshra.s32 s2, $0x2;
	[sflag:s26] =	ssyncset.done $0x0  }
0xcd: {  	s3 =	sadd.s32 $0x15400, s2;
	[sflag:s26] =	ssyncadd.s32 $0xFFFFC000  }
0xce: {  	[spmem:s1] =	stream.indirect.scatter.add.f32 [tilespmem:s19], [sflag:$0x3], $0x80, s3, s23, $0xb8;
	[tilespmem:$0x1E800] =	vst v63  }
0xcf: {  	_ =	swait.ge [sflag:s28], $0x4000  }
0xd0: {  	[sflag:s28] =	ssyncset.done $0x0  }
0xd1: {  	s3 =	sadd.s32 $0x15480, s2;
	[sflag:s28] =	ssyncadd.s32 $0xFFFFC000  }
0xd2: {  	[spmem:s1] =	stream.indirect.scatter.add.f32 [tilespmem:s25], [sflag:$0x4], $0x80, s3, s23, $0xb8;
	[tilespmem:$0x1E800] =	vst v63  }
0xd3: {  	_ =	swait.ge [sflag:s29], $0x4000  }
0xd4: {  	[sflag:s29] =	ssyncset.done $0x0  }
.Ltmp7:
0xd5: {  	s3 =	sadd.s32 $0x14100, s2;
	[sflag:s29] =	ssyncadd.s32 $0xFFFFC000;
	(pc) =	sbr.rel @p1 .LBB2_10-.Ltmp7, $4  }
0xd6: {  	[tilespmem:s19], [sflag:$0x1] =	stream.indirect.gather [hbm4b:s5+s23], $0x80, s3, s23, $0xb8;
	[tilespmem:$0x1E800] =	vst v63  }
0xd7: {  	_ =	swait.ge [sflag:s30], $0x4000  }
0xd8: {  	[sflag:s30] =	ssyncset.done $0x0  }
0xd9: {  	s3 =	sadd.s32 $0x14180, s2;
	[sflag:s30] =	ssyncadd.s32 $0xFFFFC000  }
0xda: {  	[tilespmem:s25], [sflag:$0x2] =	stream.indirect.gather [hbm4b:s5+s23], $0x80, s3, s23, $0xb8;
	[tilespmem:$0x1E800] =	vst v63  }
0xdb: {  	_ =	swait.ge [sflag:s26], $0x4000  }
0xdc: {  	[sflag:s26] =	ssyncset.done $0x0  }
0xdd: {  	[sflag:s26] =	ssyncadd.s32 $0xFFFFC000  }
0xde: {  	[spmem:s1] =	stream.indirect.scatter.add.f32 [tilespmem:s19], [sflag:$0x5], $0x80, s31, s23, $0xb8;
	[tilespmem:$0x1E800] =	vst v63  }
0xdf: {  	_ =	swait.ge [sflag:s20], $0x4000  }
0xe0: {  	[sflag:s20] =	ssyncset.done $0x0  }
0xe1: {  	[sflag:s20] =	ssyncadd.s32 $0xFFFFC000  }
0xe2: {  	_ =	swait.ge [sflag:s28], $0x4000  }
0xe3: {  	[sflag:s28] =	ssyncset.done $0x0  }
0xe4: {  	[sflag:s28] =	ssyncadd.s32 $0xFFFFC000  }
0xe5: {  	[spmem:s1] =	stream.indirect.scatter.add.f32 [tilespmem:s25], [sflag:$0x5], $0x80, s0, s23, $0xb8;
	[tilespmem:$0x1E800] =	vst v63  }
0xe6: {  	_ =	swait.ge [sflag:s20], $0x4000  }
0xe7: {  	[sflag:s20] =	ssyncset.done $0x0  }
0xe8: {  	s2 =	simm.s32 $0x0;
	[sflag:s20] =	ssyncadd.s32 $0xFFFFC000  }
0xe9: {  	[tilespmem:s21], [sflag:$0x5] =	stream.linear.gather [hbm4b:s12+s2], $0x1400, $0x38;
	[tilespmem:$0x1E800] =	vst v63  }
0xea: {  	_ =	swait.ge [sflag:s20], $0x1400  }
0xeb: {  	[sflag:s20] =	ssyncset.done $0x0  }
0xec: {  	[sflag:s20] =	ssyncadd.s32 $0xFFFFEC00  }
0xed: {  	[tilespmem:s22], [sflag:$0x5] =	stream.linear.gather [hbm4b:s13+s2], $0x1400, $0x38;
	[tilespmem:$0x1E800] =	vst v63  }
0xee: {  	_ =	swait.ge [sflag:s20], $0x1400  }
0xef: {  	[sflag:s20] =	ssyncset.done $0x0  }
0xf0: {  	[sflag:s20] =	ssyncadd.s32 $0xFFFFEC00  }
0xf1: {  	[tilespmem:s19], [sflag:$0x1] =	stream.indirect.gather [hbm4b:s5+s23], $0x80, s21, s23, $0xb8;
	[tilespmem:$0x1E800] =	vst v63  }
0xf2: {  	_ = 	snop  }
0xf3: {  	[tilespmem:s25], [sflag:$0x2] =	stream.indirect.gather [hbm4b:s5+s23], $0x80, s24, s23, $0xb8;
	[tilespmem:$0x1E800] =	vst v63  }
0xf4: {  	_ =	swait.ge [sflag:s26], $0x4000  }
0xf5: {  	[sflag:s26] =	ssyncset.done $0x0  }
0xf6: {  	s8 =	simm.s32 $0x15400;
	[sflag:s26] =	ssyncadd.s32 $0xFFFFC000  }
0xf7: {  	[spmem:s1] =	stream.indirect.scatter.add.f32 [tilespmem:s19], [sflag:$0x3], $0x80, s8, s23, $0xb8;
	[tilespmem:$0x1E800] =	vst v63  }
0xf8: {  	_ =	swait.ge [sflag:s28], $0x4000  }
0xf9: {  	[sflag:s28] =	ssyncset.done $0x0  }
0xfa: {  	s3 =	simm.s32 $0x15480;
	[sflag:s28] =	ssyncadd.s32 $0xFFFFC000  }
0xfb: {  	[spmem:s1] =	stream.indirect.scatter.add.f32 [tilespmem:s25], [sflag:$0x4], $0x80, s3, s23, $0xb8;
	[tilespmem:$0x1E800] =	vst v63  }
0xfc: {  	_ =	swait.ge [sflag:s29], $0x4000  }
0xfd: {  	[sflag:s29] =	ssyncset.done $0x0  }
0xfe: {  	s8 =	simm.s32 $0x14100;
	[sflag:s29] =	ssyncadd.s32 $0xFFFFC000  }
0xff: {  	[tilespmem:s19], [sflag:$0x1] =	stream.indirect.gather [hbm4b:s5+s23], $0x80, s8, s23, $0xb8;
	[tilespmem:$0x1E800] =	vst v63  }
0x100: {  	_ =	swait.ge [sflag:s30], $0x4000  }
0x101: {  	[sflag:s30] =	ssyncset.done $0x0  }
0x102: {  	s3 =	simm.s32 $0x14180;
	s8 =	simm.s32 $0x400;
	[sflag:s30] =	ssyncadd.s32 $0xFFFFC000  }
.LBB2_12:
0x103: {  	[tilespmem:s25], [sflag:$0x2] =	stream.indirect.gather [hbm4b:s5+s23], $0x80, s3, s23, $0xb8;
	[tilespmem:$0x1E800] =	vst v63  }
0x104: {  	s2 =	smov.u32 s8  }
0x105: {  	p1 =	sne.s32 s8, $0x4800;
	s8 =	sadd.s32 $0x400, s8;
	_ =	swait.ge [sflag:s26], $0x4000  }
0x106: {  	s2 =	sshra.s32 s2, $0x2;
	[sflag:s26] =	ssyncset.done $0x0  }
0x107: {  	s3 =	sadd.s32 $0x15400, s2;
	[sflag:s26] =	ssyncadd.s32 $0xFFFFC000  }
0x108: {  	[spmem:s1] =	stream.indirect.scatter.add.f32 [tilespmem:s19], [sflag:$0x3], $0x80, s3, s23, $0xb8;
	[tilespmem:$0x1E800] =	vst v63  }
0x109: {  	_ =	swait.ge [sflag:s28], $0x4000  }
0x10a: {  	[sflag:s28] =	ssyncset.done $0x0  }
0x10b: {  	s3 =	sadd.s32 $0x15480, s2;
	[sflag:s28] =	ssyncadd.s32 $0xFFFFC000  }
0x10c: {  	[spmem:s1] =	stream.indirect.scatter.add.f32 [tilespmem:s25], [sflag:$0x4], $0x80, s3, s23, $0xb8;
	[tilespmem:$0x1E800] =	vst v63  }
0x10d: {  	_ =	swait.ge [sflag:s29], $0x4000  }
0x10e: {  	[sflag:s29] =	ssyncset.done $0x0  }
.Ltmp8:
0x10f: {  	s3 =	sadd.s32 $0x14100, s2;
	[sflag:s29] =	ssyncadd.s32 $0xFFFFC000;
	(pc) =	sbr.rel @p1 .LBB2_12-.Ltmp8, $4  }
0x110: {  	[tilespmem:s19], [sflag:$0x1] =	stream.indirect.gather [hbm4b:s5+s23], $0x80, s3, s23, $0xb8;
	[tilespmem:$0x1E800] =	vst v63  }
0x111: {  	_ =	swait.ge [sflag:s30], $0x4000  }
0x112: {  	[sflag:s30] =	ssyncset.done $0x0  }
0x113: {  	s3 =	sadd.s32 $0x14180, s2;
	[sflag:s30] =	ssyncadd.s32 $0xFFFFC000  }
.Ltmp9:
0x114: {  	_ = 	snop;
	(pc) =	sbr.rel .LBB2_13-.Ltmp9, $1  }
0x115: {  	_ =	sdelay $0x3  }
.LBB2_15:
0x116: {  	_ =	sfence.sel $0x180000  }
0x117: {  	[bflag:$0x0] =	sbarrier.arrive $0xFFFF  }
0x118: {  	_ =	strace $0x9000004A  }
0x119: {  	s0 =	stileid.u32;
	[bflag:$0x2] =	sbarrier.arrive $0xFFFF  }
0x11a: {  	p0 =	sne.s32 s0, $0x0;
	s0 =	rddreg [dreg:$0x2]  }
0x11b: {  	s0 =	sadd.s32 @!p0 $0x100000, s0  }
0x11c: {  	[sflag:s0] =	ssyncadd.tile.s32 @!p0 $0x1;
	_ =	shalt  }
.Lfunc_end2:
_tile_overlayer_lowered:
.L_overlay_start_2:
0x11d: {  	(tag) =	ssettag $0x2  }
0x11e: {  	s0 =	rddreg [dreg:$0x0];
	s2 =	stileid.u32  }
0x11f: {  	s1 =	rddreg [dreg:$0x1];
	p0 =	sne.s32 s2, $0x0  }
0x120: {  	s3 =	rddreg [dreg:$0x2];
	[bflag:$0x3] =	sbarrier.arrive $0xFFFF;
	s2 =	simm.s32 @!p0 $0x1C05  }
0x121: {  	[timem:s3], [sflag:s2] =	dma.local @!p0 [hbm:s0], s1  }
0x122: {  	s0 =	simm.s32 @!p0 $0x5  }
0x123: {  	_ =	swait.ge @!p0 [sflag:s0], s1  }
0x124: {  	s1 =	ssub.s32 @!p0 $0x0, s1;
	[sflag:s0] =	ssyncset.done @!p0 $0x0  }
0x125: {  	[sflag:s0] =	ssyncadd.s32 @!p0 s1  }
0x126: {  	[bflag:$0x3] =	sbarrier.arrive $0xFFFF  }
0x127: {  	_ =	shalt  }

// kernel: kernel.15.cloned.1.call-start
scs
__scs_entry_jumppad:
0x0: {  	(pc) =	sbr.rel $0x88, $3  }
0x1: {  	(tag) =	ssettag $0x0;
	lr =	simm.s32 $0x1  }
0x2: {  	[smem:$0x3F99] =	sst lr;
	_ =	strace $0xD0000000  }
0x3: {  	_ = 	snop  }
0x4: {  	_ = 	snop  }
0x5: {  	_ = 	snop  }
0x6: {  	_ = 	snop  }
0x7: {  	_ = 	snop  }
__scs_overlays_trampoline_lowered:
0x8: {  	[smem:$0x3FA8] =	sst s0  }
0x9: {  	[smem:$0x3FA9] =	sst s1  }
0xa: {  	[smem:$0x3FAA] =	sst s2  }
0xb: {  	[smem:$0x3FAB] =	sst s3  }
0xc: {  	[smem:$0x3FAC] =	sst s4  }
0xd: {  	[smem:$0x3FAD] =	sst s5  }
0xe: {  	[smem:$0x3FAE] =	sst s6  }
0xf: {  	[smem:$0x3FAF] =	sst s7  }
0x10: {  	[smem:$0x3FB0] =	sst s8  }
0x11: {  	[smem:$0x3FB1] =	sst s9;
	s0 =	simm.s32 @!p0 $0x0  }
0x12: {  	s1 =	sld [smem:$0x3F97];
	s0 =	simm.s32 @p0 $0x1  }
0x13: {  	[smem:$0x3FB2] =	sst s0;
	s0 =	simm.s32 @!p1 $0x0  }
0x14: {  	s2 =	sld [smem:$0x3F96];
	s0 =	simm.s32 @p1 $0x1  }
0x15: {  	[smem:$0x3FB3] =	sst s0;
	s0 =	simm.s32 @!p2 $0x0  }
0x16: {  	s3 =	sld [smem:$0x3FDB];
	s0 =	simm.s32 @p2 $0x1  }
0x17: {  	s4 =	simm.s32 $0x1BF5;
	[smem:$0x3FB5] =	sst s0  }
0x18: {  	s0 =	sld [smem:$0x3F98];
	_ =	swait.ge [sflag:s4], $0x0  }
0x19: {  	s7 =	sld [smem:$0x3F99]  }
0x1a: {  	s8 =	sadd.s32 $0xFFFFE003, lr  }
0x1b: {  	s9 =	sadd.s32 $0xFFFFFEF7, lr;
	s5 =	simm.s32 $0xFFFFFFFF;
	p2 =	slt.u32 s8, $0xFFFFF086  }
0x1c: {  	p1 =	slt.u32 s9, $0xF7A;
	s5 =	simm.s32 @!p2 $0x0  }
0x1d: {  	s5 =	simm.s32 @p1 $0x1;
	p0 =	seq.s32 s7, s2  }
0x1e: {  	s7 =	smul.u32 @!p0 $0xF7A, s2;
	p2 =	seq.s32 @!p0 s5, $0x0  }
0x1f: {  	s9 =	smul.u32 $0xF7A, s1;
	s8 =	simm.s32 @!p0 $0x1BF5;
	p2 =	por !p2, p0  }
0x20: {  	[sflag:s8] =	ssyncset.s32 @!p0 $0xFFFFF086;
	s6 =	sadd.s32 @!p0 s3, s7;
	s7 =	simm.s32 @!p0 $0x108  }
0x21: {  	s3 =	sadd.s32 s3, s9;
	s6 =	sadd.s32 @!p0 $0x88, s6;
	s7 =	simm.s32 @p2 $0x1082  }
0x22: {  	[simem:s7], [sflag:s8] =	dma.local @!p0 [hbm:s6], $0xF7A  }
0x23: {  	s9 =	sor.u32 $0xD0000000, s2;
	s6 =	simm.s32 $0x108;
	_ =	swait.ge @!p0 [sflag:s8], $0x0  }
0x24: {  	s3 =	sadd.s32 $0x88, s3;
	s6 =	simm.s32 @!p1 $0x1082;
	[sflag:s4] =	ssyncset.s32 $0xFFFFF086  }
0x25: {  	[simem:s6], [sflag:s4] =	dma.local [hbm:s3], $0xF7A  }
0x26: {  	[smem:$0x3F99] =	sst s1;
	(tag) =	ssettag s2;
	_ =	strace s9  }
0x27: {  	s1 =	sld [smem:$0x3FA9]  }
0x28: {  	s2 =	sld [smem:$0x3FAA]  }
0x29: {  	s4 =	sld [smem:$0x3FAC]  }
0x2a: {  	p0 =	seq.s32 s5, $0x0;
	s5 =	sld [smem:$0x3FAD]  }
0x2b: {  	s6 =	sld [smem:$0x3FAE]  }
0x2c: {  	s7 =	sld [smem:$0x3FAF]  }
0x2d: {  	s3 =	simm.s32 $0x108;
	s8 =	sld [smem:$0x3FB0]  }
0x2e: {  	s3 =	simm.s32 @!p0 $0x1082;
	s9 =	sld [smem:$0x3FB1]  }
0x2f: {  	lr =	sadd.s32 s0, s3;
	s0 =	sld [smem:$0x3FA8]  }
0x30: {  	s3 =	sld [smem:$0x3FAB]  }
0x31: {  	[smem:$0x3FB4] =	sst s10  }
0x32: {  	s10 =	sld [smem:$0x3FB2];
	_ =	sdelay $0x3  }
0x33: {  	p0 =	seq.s32 s10, $0x1;
	s10 =	sld [smem:$0x3FB4];
	_ =	sdelay $0x3  }
0x34: {  	[smem:$0x3FB4] =	sst s10  }
0x35: {  	s10 =	sld [smem:$0x3FB3];
	_ =	sdelay $0x3  }
0x36: {  	p1 =	seq.s32 s10, $0x1;
	s10 =	sld [smem:$0x3FB4];
	_ =	sdelay $0x3  }
0x37: {  	[smem:$0x3FB4] =	sst s10  }
0x38: {  	s10 =	sld [smem:$0x3FB5]  }
0x39: {  	_ = 	snop;
	(pc) =	sbr.ind lr, $3  }
0x3a: {  	_ = 	snop  }
0x3b: {  	_ = 	snop  }
0x3c: {  	p2 =	seq.s32 s10, $0x1;
	s10 =	sld [smem:$0x3FB4]  }
0x3d: {  	_ =	shalt  }
0x3e: {  	_ =	shalt  }
0x3f: {  	_ =	shalt  }
0x40: {  	_ =	shalt  }
0x41: {  	_ =	shalt  }
0x42: {  	_ =	shalt  }
0x43: {  	_ =	shalt  }
0x44: {  	_ =	shalt  }
0x45: {  	_ =	shalt  }
0x46: {  	_ =	shalt  }
0x47: {  	_ =	shalt  }
0x48: {  	_ =	shalt  }
0x49: {  	_ =	shalt  }
0x4a: {  	_ =	shalt  }
0x4b: {  	_ =	shalt  }
0x4c: {  	_ =	shalt  }
0x4d: {  	_ =	shalt  }
0x4e: {  	_ =	shalt  }
0x4f: {  	_ =	shalt  }
0x50: {  	_ =	shalt  }
0x51: {  	_ =	shalt  }
0x52: {  	_ =	shalt  }
0x53: {  	_ =	shalt  }
0x54: {  	_ =	shalt  }
0x55: {  	_ =	shalt  }
0x56: {  	_ =	shalt  }
0x57: {  	_ =	shalt  }
0x58: {  	_ =	shalt  }
0x59: {  	_ =	shalt  }
0x5a: {  	_ =	shalt  }
0x5b: {  	_ =	shalt  }
0x5c: {  	_ =	shalt  }
0x5d: {  	_ =	shalt  }
0x5e: {  	_ =	shalt  }
0x5f: {  	_ =	shalt  }
0x60: {  	_ =	shalt  }
0x61: {  	_ =	shalt  }
0x62: {  	_ =	shalt  }
0x63: {  	_ =	shalt  }
0x64: {  	_ =	shalt  }
0x65: {  	_ =	shalt  }
0x66: {  	_ =	shalt  }
0x67: {  	_ =	shalt  }
0x68: {  	_ =	shalt  }
0x69: {  	_ =	shalt  }
0x6a: {  	_ =	shalt  }
0x6b: {  	_ =	shalt  }
0x6c: {  	_ =	shalt  }
0x6d: {  	_ =	shalt  }
0x6e: {  	_ =	shalt  }
0x6f: {  	_ =	shalt  }
0x70: {  	_ =	shalt  }
0x71: {  	_ =	shalt  }
0x72: {  	_ =	shalt  }
0x73: {  	_ =	shalt  }
0x74: {  	_ =	shalt  }
0x75: {  	_ =	shalt  }
0x76: {  	_ =	shalt  }
0x77: {  	_ =	shalt  }
0x78: {  	_ =	shalt  }
0x79: {  	_ =	shalt  }
0x7a: {  	_ =	shalt  }
0x7b: {  	_ =	shalt  }
0x7c: {  	_ =	shalt  }
0x7d: {  	_ =	shalt  }
0x7e: {  	_ =	shalt  }
0x7f: {  	_ =	shalt  }
0x80: {  	_ =	shalt  }
0x81: {  	_ =	shalt  }
0x82: {  	_ =	shalt  }
0x83: {  	_ =	shalt  }
0x84: {  	_ =	shalt  }
0x85: {  	_ =	shalt  }
0x86: {  	_ =	shalt  }
0x87: {  	_ =	shalt  }
.Lfunc_end0:
.L_simem_size_0:
called_computation.2_lowered:
.L_overlay_start_0:
0x88: {  	s2 =	sld [smem:$0x3FD9]  }
0x89: {  	s3 =	sld [smem:$0x3FFE];
	_ =	sdelay $0x1  }
0x8a: {  	s1 =	srdreg.scid  }
0x8b: {  	s0 =	sand.u32 $0x1, s1  }
0x8c: {  	s16 =	sshll.u32 s0, $0xA;
	s2 =	sadd.s32 s3, s2  }
0x8d: {  	s2 =	sadd.s32 s2, s16  }
0x8e: {  	[smem:$0x3FC0] =	sst s2  }
0x8f: {  	_ = 	snop  }
0x90: {  	(tm) =	ssettm $0x1  }
0x91: {  	s17 =	sld [smem:$0x3FFB];
	_ =	sdelay $0x3  }
0x92: {  	_ =	strace s17  }
0x93: {  	s2 =	sld [smem:$0x3FFC];
	_ =	sdelay $0x3  }
0x94: {  	_ =	strace s2  }
0x95: {  	s2 =	sld [smem:$0x3FFD];
	_ =	sdelay $0x3  }
0x96: {  	_ =	strace s2  }
0x97: {  	_ =	strace $0x8FFFFFFF  }
0x98: {  	s18 =	sld [smem:$0x3FDB];
	_ =	sdelay $0x1  }
0x99: {  	s19 =	simm.s32 $_scs_section_size  }
0x9a: {  	s4 =	simm.s32 $_size__tile_overlayer_lowered;
	s5 =	simm.s32 $_tile_overlayer_lowered  }
0x9b: {  	s22 =	simm.s32 $0x1BFF;
	s21 =	sshll.u32 s5, $0x1;
	s2 =	sadd.s32 s19, s18  }
0x9c: {  	s6 =	simm.s32 $0x0;
	s20 =	sshll.u32 s4, $0x1;
	s4 =	sadd.s32 s21, s2  }
0x9d: {  	[timem:s6], [sflag:s22] =	dma.local [hbm:s4], s20  }
0x9e: {  	_ =	swait.ge [sflag:s22], s20  }
0x9f: {  	s3 =	ssub.s32 $0x0, s20;
	[sflag:s22] =	ssyncset.done $0x0  }
0xa0: {  	[sflag:s22] =	ssyncadd.s32 s3;
	_ =	sdelay $0x1  }
0xa1: {  	s23 =	simm.s32 $0x1B8B  }
0xa2: {  	_ =	swait.ge [sflag:s23], $0x1  }
0xa3: {  	[sflag:s23] =	ssyncset.done $0x0  }
0xa4: {  	s25 =	simm.s32 $0x1B8E;
	s24 =	sld [smem:$0x3FFE];
	[sflag:s23] =	ssyncadd.s32 $0xFFFFFFFF  }
0xa5: {  	s26 =	simm.s32 $execute0_lowered;
	[smem:$0x3FD2] =	sst s25  }
0xa6: {  	s4 =	sshll.u32 s26, $0x1;
	_ =	strace $0x8000004C;
	[dreg:$0x1] =	wrdreg $0xFFFFFFFF  }
0xa7: {  	s28 =	simm.s32 $_size_execute0_lowered;
	s2 =	sadd.s32 s2, s4;
	[dreg:$0x0] =	wrdreg $0x0  }
0xa8: {  	s4 =	sshll.u32 s28, $0x1;
	[dreg:$0x2] =	wrdreg s2  }
0xa9: {  	[dreg:$0x3] =	wrdreg s4  }
0xaa: {  	[dreg:$0x4] =	wrdreg $0xC0  }
0xab: {  	_ =	task [dreg:s6], $0x5FFFF  }
0xac: {  	[dreg:$0x1] =	wrdreg $0xFFFFFFFF  }
0xad: {  	[dreg:$0x0] =	wrdreg $0x60  }
0xae: {  	[dreg:$0x2] =	wrdreg s24  }
0xaf: {  	[dreg:$0x3] =	wrdreg $0x0  }
0xb0: {  	[dreg:$0x4] =	wrdreg $0x9  }
0xb1: {  	_ =	task.clear_ibuf [dreg:s6], $0x5FFFF;
	_ =	strace $0x9000004C  }
0xb2: {  	s29 =	simm.s32 $0x9;
	_ =	strace $0x8000004E  }
0xb3: {  	_ =	swait.ge [sflag:s29], $0x1  }
0xb4: {  	[sflag:s29] =	ssyncadd.s32 $0xFFFFFFFF  }
0xb5: {  	_ =	strace $0x9000004E  }
0xb6: {  	_ =	sfence  }
0xb7: {  	s30 =	sld [smem:$0x0];
	_ =	sdelay $0x2  }
0xb8: {  	s31 =	sshll.u32 s1, $0xD;
	s1 =	sshrl.u32 s1, $0x2  }
0xb9: {  	s3 =	sand.u32 $0x4000, s31;
	s1 =	sadd.s32 s1, s30  }
0xba: {  	s0 =	sor.u32 s3, s0;
	s1 =	sshll.u32 s1, $0x11  }
0xbb: {  	s0 =	sor.u32 s1, s0  }
0xbc: {  	s0 =	sadd.s32 $0x8F2B, s0  }
0xbd: {  	[sflag:s0] =	ssyncadd.remote.s32 $0x1  }
0xbe: {  	_ =	sfence.sel $0xFFFF  }
0xbf: {  	[dreg:$0x0] =	wrdreg $0xFFFFFFFF;
	(pc) =	sbr.abs _section_cstart, $3  }
0xc0: {  	[dreg:$0x1] =	wrdreg $0xFFFFFFFF  }
0xc1: {  	_ =	task.clear_ibuf [dreg:s6], $0x2FFFF;
	_ =	strace $0x9FFFFFFF  }
0xc2: {  	(tm) =	ssettm $0x7FFFFFFF  }
0xc3: {  	_ =	shalt  }
tec
execute0_lowered:
.L_overlay_start_1:
0x0: {  	(tag) =	ssettag $0x1  }
0x1: {  	s0 =	rddreg [dreg:$0x0]  }
0x2: {  	s1 =	rddreg [dreg:$0x1];
	s2 =	simm.s32 $0x0  }
0x3: {  	s3 =	srdreg.scid;
	s23 =	stileid.u32;
	s19 =	simm.s32 $0x16800  }
0x4: {  	s20 =	simm.s32 $0x5;
	s21 =	simm.s32 $0x14000;
	s22 =	simm.s32 $0x15400  }
0x5: {  	s28 =	simm.s32 $0x2;
	s29 =	simm.s32 $0x3;
	s30 =	simm.s32 $0x4  }
0x6: {  	s31 =	simm.s32 $0x16700;
	[smem:$0x7FF] =	sst s2;
	s4 =	sadd.s32 $0xD200, s0  }
0x7: {  	s5 =	sadd.s32 $0x35200, s0;
	s7 =	sadd.s32 $0x8200, s0;
	s8 =	smul.u32 $0x50000, s23  }
0x8: {  	s3 =	sand.u32 $0x1, s3;
	s13 =	sadd.s32 $0x3200, s0;
	s6 =	smul.u32 $0x2800, s23  }
0x9: {  	s10 =	sadd.s32 $0x99200, s0;
	s0 =	sadd.s32 $0xC1200, s0;
	s11 =	smul.u32 $0x500, s23  }
0xa: {  	s23 =	simm.s32 $0x80;
	_ =	strace $0x8000004D;
	[dreg:$0x3] =	wrdreg s10  }
0xb: {  	s9 =	ssub.s32 $0x2, s3;
	[dreg:$0x4] =	wrdreg s0;
	p0 =	sne.s32 s3, $0x0  }
0xc: {  	s24 =	sshrl.u32 s9, $0x1;
	s8 =	sshrl.u32 s8, $0x2;
	s25 =	sshrl.u32 s6, $0x3  }
0xd: {  	s10 =	sadd.s32 s7, s11;
	s11 =	sadd.s32 s13, s11;
	s0 =	ssub.s32 s9, s24  }
.Ltmp0:
0xe: {  	s9 =	sadd.s32 s8, s1;
	s26 =	sadd.s32 $0x280, s25;
	(pc) =	sbr.rel .LBB2_1-.Ltmp0, $4  }
0xf: {  	s24 =	simm.s32 $0x14080;
	s25 =	simm.s32 $0x1A800;
	s12 =	sadd.s32 s7, s26  }
0x10: {  	s13 =	sadd.s32 s13, s26;
	s14 =	smax.u32 s0, $0x1;
	s15 =	sadd.s32 $0x4000, s9  }
0x11: {  	s16 =	sadd.s32 $0x8000, s9;
	s17 =	sadd.s32 $0xC000, s9;
	s18 =	sadd.s32 $0x10000, s9  }
0x12: {  	v0 =	vimm.f32 $0.0e+00;
	s26 =	simm.s32 $0x1;
	s0 =	simm.s32 $0x16780;
	s7 =	simm.s32 $0x0  }
.LBB2_13:
0x13: {  	[tilespmem:s25], [sflag:$0x2] =	stream.indirect.gather [hbm4b:s5+s23], $0x80, s3, s23, $0xb8;
	[tilespmem:$0x1E800] =	vst v63  }
0x14: {  	s3 =	rddreg [dreg:$0x4]  }
.LBB2_14:
0x15: {  	_ =	swait.ge [sflag:s26], $0x4000  }
0x16: {  	[sflag:s26] =	ssyncset.done $0x0  }
0x17: {  	[sflag:s26] =	ssyncadd.s32 $0xFFFFC000  }
0x18: {  	[spmem:s1] =	stream.indirect.scatter.add.f32 [tilespmem:s19], [sflag:$0x5], $0x80, s31, s23, $0xb8;
	[tilespmem:$0x1E800] =	vst v63  }
0x19: {  	_ =	swait.ge [sflag:s20], $0x4000  }
0x1a: {  	[sflag:s20] =	ssyncset.done $0x0  }
0x1b: {  	[sflag:s20] =	ssyncadd.s32 $0xFFFFC000  }
0x1c: {  	_ =	swait.ge [sflag:s28], $0x4000  }
0x1d: {  	[sflag:s28] =	ssyncset.done $0x0  }
0x1e: {  	[sflag:s28] =	ssyncadd.s32 $0xFFFFC000  }
0x1f: {  	[spmem:s1] =	stream.indirect.scatter.add.f32 [tilespmem:s25], [sflag:$0x5], $0x80, s0, s23, $0xb8;
	[tilespmem:$0x1E800] =	vst v63  }
0x20: {  	s2 =	sadd.s32 s3, s6;
	s8 =	stileid.u32;
	_ =	swait.ge [sflag:s20], $0x4000  }
0x21: {  	s7 =	sadd.s32 $0x1, s7;
	s3 =	sshll.u32 s8, $0x6;
	[sflag:s20] =	ssyncset.done $0x0  }
0x22: {  	s8 =	sshrl.u32 s9, $0x3;
	p1 =	sne.s32 s7, s14;
	[sflag:s20] =	ssyncadd.s32 $0xFFFFC000  }
.Ltmp1:
0x23: {  	s3 =	sor.u32 $0x1C05, s3;
	[bflag:$0x0] =	sbarrier.arrive $0xFFFF;
	(pc) =	sbr.rel @!p1 .LBB2_15-.Ltmp1, $4  }
0x24: {  	[hbm:s2], [sflag:s3] =	dma.local [spmem:s8], $0x2800  }
0x25: {  	_ =	swait.ge [sflag:s20], $0x2800  }
0x26: {  	[sflag:s20] =	ssyncset.done $0x0  }
0x27: {  	[sflag:s20] =	ssyncadd.s32 $0xFFFFD800  }
.LBB2_1:
0x28: {  	s8 =	simm.s32 $0x0;
	s3 =	simm.s32 $0x200  }
.LBB2_2:
0x29: {  	p1 =	sne.s32 s3, $0xFE00;
	[tilespmem:s8+$0x16870] =	vst v0  }
0x2a: {  	[tilespmem:s8+$0x16800] =	vst v0  }
0x2b: {  	[tilespmem:s8+$0x16810] =	vst v0  }
.Ltmp2:
0x2c: {  	[tilespmem:s8+$0x16820] =	vst v0;
	(pc) =	sbr.rel @p1 .LBB2_2-.Ltmp2, $4  }
0x2d: {  	[tilespmem:s8+$0x16830] =	vst v0  }
0x2e: {  	[tilespmem:s8+$0x16840] =	vst v0  }
0x2f: {  	[tilespmem:s8+$0x16850] =	vst v0  }
0x30: {  	[tilespmem:s8+$0x16860] =	vst v0;
	s8 =	sshra.s32 s3, $0x2;
	s3 =	sadd.s32 $0x200, s3  }
0x31: {  	[tilespmem:s8+$0x16870] =	vst v0  }
0x32: {  	[tilespmem:s8+$0x16800] =	vst v0  }
0x33: {  	[tilespmem:s8+$0x16810] =	vst v0  }
0x34: {  	[tilespmem:s8+$0x16820] =	vst v0  }
0x35: {  	[tilespmem:s8+$0x16830] =	vst v0  }
0x36: {  	[tilespmem:s8+$0x16840] =	vst v0  }
0x37: {  	[tilespmem:s8+$0x16850] =	vst v0  }
0x38: {  	[tilespmem:s8+$0x16860] =	vst v0  }
0x39: {  	[spmem:s9] =	stream.linear.scatter [tilespmem:s19], [sflag:$0x5], $0x4000, $0x38;
	[tilespmem:$0x1E800] =	vst v63  }
0x3a: {  	_ =	swait.ge [sflag:s20], $0x4000  }
0x3b: {  	[sflag:s20] =	ssyncset.done $0x0  }
0x3c: {  	[sflag:s20] =	ssyncadd.s32 $0xFFFFC000  }
0x3d: {  	[spmem:s15] =	stream.linear.scatter [tilespmem:s19], [sflag:$0x5], $0x4000, $0x38;
	[tilespmem:$0x1E800] =	vst v63  }
0x3e: {  	_ =	swait.ge [sflag:s20], $0x4000  }
0x3f: {  	[sflag:s20] =	ssyncset.done $0x0  }
0x40: {  	[sflag:s20] =	ssyncadd.s32 $0xFFFFC000  }
0x41: {  	[spmem:s16] =	stream.linear.scatter [tilespmem:s19], [sflag:$0x5], $0x4000, $0x38;
	[tilespmem:$0x1E800] =	vst v63  }
0x42: {  	_ =	swait.ge [sflag:s20], $0x4000  }
0x43: {  	[sflag:s20] =	ssyncset.done $0x0  }
0x44: {  	[sflag:s20] =	ssyncadd.s32 $0xFFFFC000  }
0x45: {  	[spmem:s17] =	stream.linear.scatter [tilespmem:s19], [sflag:$0x5], $0x4000, $0x38;
	[tilespmem:$0x1E800] =	vst v63  }
0x46: {  	_ =	swait.ge [sflag:s20], $0x4000  }
0x47: {  	[sflag:s20] =	ssyncset.done $0x0  }
0x48: {  	[sflag:s20] =	ssyncadd.s32 $0xFFFFC000  }
0x49: {  	[spmem:s18] =	stream.linear.scatter [tilespmem:s19], [sflag:$0x5], $0x4000, $0x38;
	[tilespmem:$0x1E800] =	vst v63  }
0x4a: {  	_ =	swait.ge [sflag:s20], $0x4000  }
0x4b: {  	[sflag:s20] =	ssyncset.done $0x0  }
0x4c: {  	[sflag:s20] =	ssyncadd.s32 $0xFFFFC000  }
0x4d: {  	s2 =	simm.s32 $0x0;
	[bflag:$0x0] =	sbarrier.arrive $0xFFFF  }
0x4e: {  	[tilespmem:s21], [sflag:$0x5] =	stream.linear.gather [hbm4b:s10+s2], $0x1400, $0x38;
	[tilespmem:$0x1E800] =	vst v63  }
0x4f: {  	_ =	swait.ge [sflag:s20], $0x1400  }
0x50: {  	[sflag:s20] =	ssyncset.done $0x0  }
.Ltmp3:
0x51: {  	[sflag:s20] =	ssyncadd.s32 $0xFFFFEC00;
	(pc) =	sbr.rel @p0 .LBB2_9-.Ltmp3, $4  }
0x52: {  	[tilespmem:s22], [sflag:$0x5] =	stream.linear.gather [hbm4b:s11+s2], $0x1400, $0x38;
	[tilespmem:$0x1E800] =	vst v63  }
0x53: {  	_ =	swait.ge [sflag:s20], $0x1400  }
0x54: {  	[sflag:s20] =	ssyncset.done $0x0  }
0x55: {  	[sflag:s20] =	ssyncadd.s32 $0xFFFFEC00  }
0x56: {  	[tilespmem:s19], [sflag:$0x1] =	stream.indirect.gather [hbm4b:s4+s23], $0x80, s21, s23, $0xb8;
	[tilespmem:$0x1E800] =	vst v63  }
0x57: {  	_ = 	snop  }
0x58: {  	[tilespmem:s25], [sflag:$0x2] =	stream.indirect.gather [hbm4b:s4+s23], $0x80, s24, s23, $0xb8;
	[tilespmem:$0x1E800] =	vst v63  }
0x59: {  	_ =	swait.ge [sflag:s26], $0x4000  }
0x5a: {  	[sflag:s26] =	ssyncset.done $0x0  }
0x5b: {  	s3 =	simm.s32 $0x15400;
	[sflag:s26] =	ssyncadd.s32 $0xFFFFC000  }
0x5c: {  	[spmem:s1] =	stream.indirect.scatter.add.f32 [tilespmem:s19], [sflag:$0x3], $0x80, s3, s23, $0xb8;
	[tilespmem:$0x1E800] =	vst v63  }
0x5d: {  	_ =	swait.ge [sflag:s28], $0x4000  }
0x5e: {  	[sflag:s28] =	ssyncset.done $0x0  }
0x5f: {  	s2 =	simm.s32 $0x15480;
	[sflag:s28] =	ssyncadd.s32 $0xFFFFC000  }
0x60: {  	[spmem:s1] =	stream.indirect.scatter.add.f32 [tilespmem:s25], [sflag:$0x4], $0x80, s2, s23, $0xb8;
	[tilespmem:$0x1E800] =	vst v63  }
0x61: {  	_ =	swait.ge [sflag:s29], $0x4000  }
0x62: {  	[sflag:s29] =	ssyncset.done $0x0  }
0x63: {  	s8 =	simm.s32 $0x14100;
	[sflag:s29] =	ssyncadd.s32 $0xFFFFC000  }
0x64: {  	[tilespmem:s19], [sflag:$0x1] =	stream.indirect.gather [hbm4b:s4+s23], $0x80, s8, s23, $0xb8;
	[tilespmem:$0x1E800] =	vst v63  }
0x65: {  	_ =	swait.ge [sflag:s30], $0x4000  }
0x66: {  	[sflag:s30] =	ssyncset.done $0x0  }
0x67: {  	s3 =	simm.s32 $0x14180;
	s8 =	simm.s32 $0x400;
	[sflag:s30] =	ssyncadd.s32 $0xFFFFC000  }
.LBB2_5:
0x68: {  	[tilespmem:s25], [sflag:$0x2] =	stream.indirect.gather [hbm4b:s4+s23], $0x80, s3, s23, $0xb8;
	[tilespmem:$0x1E800] =	vst v63  }
0x69: {  	s3 =	smov.u32 s8  }
0x6a: {  	p1 =	sne.s32 s8, $0x4800;
	s8 =	sadd.s32 $0x400, s8;
	_ =	swait.ge [sflag:s26], $0x4000  }
0x6b: {  	s3 =	sshra.s32 s3, $0x2;
	[sflag:s26] =	ssyncset.done $0x0  }
0x6c: {  	s2 =	sadd.s32 $0x15400, s3;
	[sflag:s26] =	ssyncadd.s32 $0xFFFFC000  }
0x6d: {  	[spmem:s1] =	stream.indirect.scatter.add.f32 [tilespmem:s19], [sflag:$0x3], $0x80, s2, s23, $0xb8;
	[tilespmem:$0x1E800] =	vst v63  }
0x6e: {  	_ =	swait.ge [sflag:s28], $0x4000  }
0x6f: {  	[sflag:s28] =	ssyncset.done $0x0  }
0x70: {  	s2 =	sadd.s32 $0x15480, s3;
	[sflag:s28] =	ssyncadd.s32 $0xFFFFC000  }
0x71: {  	[spmem:s1] =	stream.indirect.scatter.add.f32 [tilespmem:s25], [sflag:$0x4], $0x80, s2, s23, $0xb8;
	[tilespmem:$0x1E800] =	vst v63  }
0x72: {  	_ =	swait.ge [sflag:s29], $0x4000  }
0x73: {  	[sflag:s29] =	ssyncset.done $0x0  }
.Ltmp4:
0x74: {  	s2 =	sadd.s32 $0x14100, s3;
	[sflag:s29] =	ssyncadd.s32 $0xFFFFC000;
	(pc) =	sbr.rel @p1 .LBB2_5-.Ltmp4, $4  }
0x75: {  	[tilespmem:s19], [sflag:$0x1] =	stream.indirect.gather [hbm4b:s4+s23], $0x80, s2, s23, $0xb8;
	[tilespmem:$0x1E800] =	vst v63  }
0x76: {  	_ =	swait.ge [sflag:s30], $0x4000  }
0x77: {  	[sflag:s30] =	ssyncset.done $0x0  }
0x78: {  	s3 =	sadd.s32 $0x14180, s3;
	[sflag:s30] =	ssyncadd.s32 $0xFFFFC000  }
0x79: {  	[tilespmem:s25], [sflag:$0x2] =	stream.indirect.gather [hbm4b:s4+s23], $0x80, s3, s23, $0xb8;
	[tilespmem:$0x1E800] =	vst v63  }
0x7a: {  	_ =	swait.ge [sflag:s26], $0x4000  }
0x7b: {  	[sflag:s26] =	ssyncset.done $0x0  }
0x7c: {  	[sflag:s26] =	ssyncadd.s32 $0xFFFFC000  }
0x7d: {  	[spmem:s1] =	stream.indirect.scatter.add.f32 [tilespmem:s19], [sflag:$0x5], $0x80, s31, s23, $0xb8;
	[tilespmem:$0x1E800] =	vst v63  }
0x7e: {  	_ =	swait.ge [sflag:s20], $0x4000  }
0x7f: {  	[sflag:s20] =	ssyncset.done $0x0  }
0x80: {  	[sflag:s20] =	ssyncadd.s32 $0xFFFFC000  }
0x81: {  	_ =	swait.ge [sflag:s28], $0x4000  }
0x82: {  	[sflag:s28] =	ssyncset.done $0x0  }
0x83: {  	[sflag:s28] =	ssyncadd.s32 $0xFFFFC000  }
0x84: {  	[spmem:s1] =	stream.indirect.scatter.add.f32 [tilespmem:s25], [sflag:$0x5], $0x80, s0, s23, $0xb8;
	[tilespmem:$0x1E800] =	vst v63  }
0x85: {  	_ =	swait.ge [sflag:s20], $0x4000  }
0x86: {  	[sflag:s20] =	ssyncset.done $0x0  }
0x87: {  	s2 =	simm.s32 $0x0;
	[sflag:s20] =	ssyncadd.s32 $0xFFFFC000  }
0x88: {  	[tilespmem:s21], [sflag:$0x5] =	stream.linear.gather [hbm4b:s12+s2], $0x1400, $0x38;
	[tilespmem:$0x1E800] =	vst v63  }
0x89: {  	_ =	swait.ge [sflag:s20], $0x1400  }
0x8a: {  	[sflag:s20] =	ssyncset.done $0x0  }
0x8b: {  	[sflag:s20] =	ssyncadd.s32 $0xFFFFEC00  }
0x8c: {  	[tilespmem:s22], [sflag:$0x5] =	stream.linear.gather [hbm4b:s13+s2], $0x1400, $0x38;
	[tilespmem:$0x1E800] =	vst v63  }
0x8d: {  	_ =	swait.ge [sflag:s20], $0x1400  }
0x8e: {  	[sflag:s20] =	ssyncset.done $0x0  }
0x8f: {  	[sflag:s20] =	ssyncadd.s32 $0xFFFFEC00  }
0x90: {  	[tilespmem:s19], [sflag:$0x1] =	stream.indirect.gather [hbm4b:s4+s23], $0x80, s21, s23, $0xb8;
	[tilespmem:$0x1E800] =	vst v63  }
0x91: {  	_ = 	snop  }
0x92: {  	[tilespmem:s25], [sflag:$0x2] =	stream.indirect.gather [hbm4b:s4+s23], $0x80, s24, s23, $0xb8;
	[tilespmem:$0x1E800] =	vst v63  }
0x93: {  	_ =	swait.ge [sflag:s26], $0x4000  }
0x94: {  	[sflag:s26] =	ssyncset.done $0x0  }
0x95: {  	s8 =	simm.s32 $0x15400;
	[sflag:s26] =	ssyncadd.s32 $0xFFFFC000  }
0x96: {  	[spmem:s1] =	stream.indirect.scatter.add.f32 [tilespmem:s19], [sflag:$0x3], $0x80, s8, s23, $0xb8;
	[tilespmem:$0x1E800] =	vst v63  }
0x97: {  	_ =	swait.ge [sflag:s28], $0x4000  }
0x98: {  	[sflag:s28] =	ssyncset.done $0x0  }
0x99: {  	s3 =	simm.s32 $0x15480;
	[sflag:s28] =	ssyncadd.s32 $0xFFFFC000  }
0x9a: {  	[spmem:s1] =	stream.indirect.scatter.add.f32 [tilespmem:s25], [sflag:$0x4], $0x80, s3, s23, $0xb8;
	[tilespmem:$0x1E800] =	vst v63  }
0x9b: {  	_ =	swait.ge [sflag:s29], $0x4000  }
0x9c: {  	[sflag:s29] =	ssyncset.done $0x0  }
0x9d: {  	s8 =	simm.s32 $0x14100;
	[sflag:s29] =	ssyncadd.s32 $0xFFFFC000  }
0x9e: {  	[tilespmem:s19], [sflag:$0x1] =	stream.indirect.gather [hbm4b:s4+s23], $0x80, s8, s23, $0xb8;
	[tilespmem:$0x1E800] =	vst v63  }
0x9f: {  	_ =	swait.ge [sflag:s30], $0x4000  }
0xa0: {  	[sflag:s30] =	ssyncset.done $0x0  }
0xa1: {  	s3 =	simm.s32 $0x14180;
	s8 =	simm.s32 $0x400;
	[sflag:s30] =	ssyncadd.s32 $0xFFFFC000  }
.LBB2_7:
0xa2: {  	[tilespmem:s25], [sflag:$0x2] =	stream.indirect.gather [hbm4b:s4+s23], $0x80, s3, s23, $0xb8;
	[tilespmem:$0x1E800] =	vst v63  }
0xa3: {  	s2 =	smov.u32 s8  }
0xa4: {  	p1 =	seq.s32 s8, $0x4800;
	s8 =	sadd.s32 $0x400, s8;
	_ =	swait.ge [sflag:s26], $0x4000  }
0xa5: {  	s2 =	sshra.s32 s2, $0x2;
	[sflag:s26] =	ssyncset.done $0x0  }
0xa6: {  	s3 =	sadd.s32 $0x15400, s2;
	[sflag:s26] =	ssyncadd.s32 $0xFFFFC000  }
0xa7: {  	[spmem:s1] =	stream.indirect.scatter.add.f32 [tilespmem:s19], [sflag:$0x3], $0x80, s3, s23, $0xb8;
	[tilespmem:$0x1E800] =	vst v63  }
0xa8: {  	_ =	swait.ge [sflag:s28], $0x4000  }
0xa9: {  	[sflag:s28] =	ssyncset.done $0x0  }
0xaa: {  	s3 =	sadd.s32 $0x15480, s2;
	[sflag:s28] =	ssyncadd.s32 $0xFFFFC000  }
0xab: {  	[spmem:s1] =	stream.indirect.scatter.add.f32 [tilespmem:s25], [sflag:$0x4], $0x80, s3, s23, $0xb8;
	[tilespmem:$0x1E800] =	vst v63  }
0xac: {  	_ =	swait.ge [sflag:s29], $0x4000  }
0xad: {  	[sflag:s29] =	ssyncset.done $0x0  }
.Ltmp5:
0xae: {  	s3 =	sadd.s32 $0x14100, s2;
	[sflag:s29] =	ssyncadd.s32 $0xFFFFC000;
	(pc) =	sbr.rel @!p1 .LBB2_7-.Ltmp5, $4  }
0xaf: {  	[tilespmem:s19], [sflag:$0x1] =	stream.indirect.gather [hbm4b:s4+s23], $0x80, s3, s23, $0xb8;
	[tilespmem:$0x1E800] =	vst v63  }
0xb0: {  	_ =	swait.ge [sflag:s30], $0x4000  }
0xb1: {  	[sflag:s30] =	ssyncset.done $0x0  }
0xb2: {  	s3 =	sadd.s32 $0x14180, s2;
	[sflag:s30] =	ssyncadd.s32 $0xFFFFC000  }
.Ltmp6:
0xb3: {  	(pc) =	sbr.rel .LBB2_14-.Ltmp6, $3  }
0xb4: {  	_ =	sdelay $0x1  }
0xb5: {  	[tilespmem:s25], [sflag:$0x2] =	stream.indirect.gather [hbm4b:s4+s23], $0x80, s3, s23, $0xb8;
	[tilespmem:$0x1E800] =	vst v63  }
0xb6: {  	s3 =	rddreg [dreg:$0x3]  }
.LBB2_9:
0xb7: {  	[tilespmem:s19], [sflag:$0x1] =	stream.indirect.gather [hbm4b:s5+s23], $0x80, s21, s23, $0xb8;
	[tilespmem:$0x1E800] =	vst v63  }
0xb8: {  	_ = 	snop  }
0xb9: {  	[tilespmem:s25], [sflag:$0x2] =	stream.indirect.gather [hbm4b:s5+s23], $0x80, s24, s23, $0xb8;
	[tilespmem:$0x1E800] =	vst v63  }
0xba: {  	_ =	swait.ge [sflag:s26], $0x4000  }
0xbb: {  	[sflag:s26] =	ssyncset.done $0x0  }
0xbc: {  	s2 =	simm.s32 $0x15400;
	[sflag:s26] =	ssyncadd.s32 $0xFFFFC000  }
0xbd: {  	[spmem:s1] =	stream.indirect.scatter.add.f32 [tilespmem:s19], [sflag:$0x3], $0x80, s2, s23, $0xb8;
	[tilespmem:$0x1E800] =	vst v63  }
0xbe: {  	_ =	swait.ge [sflag:s28], $0x4000  }
0xbf: {  	[sflag:s28] =	ssyncset.done $0x0  }
0xc0: {  	s3 =	simm.s32 $0x15480;
	[sflag:s28] =	ssyncadd.s32 $0xFFFFC000  }
0xc1: {  	[spmem:s1] =	stream.indirect.scatter.add.f32 [tilespmem:s25], [sflag:$0x4], $0x80, s3, s23, $0xb8;
	[tilespmem:$0x1E800] =	vst v63  }
0xc2: {  	_ =	swait.ge [sflag:s29], $0x4000  }
0xc3: {  	[sflag:s29] =	ssyncset.done $0x0  }
0xc4: {  	s8 =	simm.s32 $0x14100;
	[sflag:s29] =	ssyncadd.s32 $0xFFFFC000  }
0xc5: {  	[tilespmem:s19], [sflag:$0x1] =	stream.indirect.gather [hbm4b:s5+s23], $0x80, s8, s23, $0xb8;
	[tilespmem:$0x1E800] =	vst v63  }
0xc6: {  	_ =	swait.ge [sflag:s30], $0x4000  }
0xc7: {  	[sflag:s30] =	ssyncset.done $0x0  }
0xc8: {  	s3 =	simm.s32 $0x14180;
	s8 =	simm.s32 $0x400;
	[sflag:s30] =	ssyncadd.s32 $0xFFFFC000  }
.LBB2_10:
0xc9: {  	[tilespmem:s25], [sflag:$0x2] =	stream.indirect.gather [hbm4b:s5+s23], $0x80, s3, s23, $0xb8;
	[tilespmem:$0x1E800] =	vst v63  }
0xca: {  	s2 =	smov.u32 s8  }
0xcb: {  	p1 =	sne.s32 s8, $0x4800;
	s8 =	sadd.s32 $0x400, s8;
	_ =	swait.ge [sflag:s26], $0x4000  }
0xcc: {  	s2 =	sshra.s32 s2, $0x2;
	[sflag:s26] =	ssyncset.done $0x0  }
0xcd: {  	s3 =	sadd.s32 $0x15400, s2;
	[sflag:s26] =	ssyncadd.s32 $0xFFFFC000  }
0xce: {  	[spmem:s1] =	stream.indirect.scatter.add.f32 [tilespmem:s19], [sflag:$0x3], $0x80, s3, s23, $0xb8;
	[tilespmem:$0x1E800] =	vst v63  }
0xcf: {  	_ =	swait.ge [sflag:s28], $0x4000  }
0xd0: {  	[sflag:s28] =	ssyncset.done $0x0  }
0xd1: {  	s3 =	sadd.s32 $0x15480, s2;
	[sflag:s28] =	ssyncadd.s32 $0xFFFFC000  }
0xd2: {  	[spmem:s1] =	stream.indirect.scatter.add.f32 [tilespmem:s25], [sflag:$0x4], $0x80, s3, s23, $0xb8;
	[tilespmem:$0x1E800] =	vst v63  }
0xd3: {  	_ =	swait.ge [sflag:s29], $0x4000  }
0xd4: {  	[sflag:s29] =	ssyncset.done $0x0  }
.Ltmp7:
0xd5: {  	s3 =	sadd.s32 $0x14100, s2;
	[sflag:s29] =	ssyncadd.s32 $0xFFFFC000;
	(pc) =	sbr.rel @p1 .LBB2_10-.Ltmp7, $4  }
0xd6: {  	[tilespmem:s19], [sflag:$0x1] =	stream.indirect.gather [hbm4b:s5+s23], $0x80, s3, s23, $0xb8;
	[tilespmem:$0x1E800] =	vst v63  }
0xd7: {  	_ =	swait.ge [sflag:s30], $0x4000  }
0xd8: {  	[sflag:s30] =	ssyncset.done $0x0  }
0xd9: {  	s3 =	sadd.s32 $0x14180, s2;
	[sflag:s30] =	ssyncadd.s32 $0xFFFFC000  }
0xda: {  	[tilespmem:s25], [sflag:$0x2] =	stream.indirect.gather [hbm4b:s5+s23], $0x80, s3, s23, $0xb8;
	[tilespmem:$0x1E800] =	vst v63  }
0xdb: {  	_ =	swait.ge [sflag:s26], $0x4000  }
0xdc: {  	[sflag:s26] =	ssyncset.done $0x0  }
0xdd: {  	[sflag:s26] =	ssyncadd.s32 $0xFFFFC000  }
0xde: {  	[spmem:s1] =	stream.indirect.scatter.add.f32 [tilespmem:s19], [sflag:$0x5], $0x80, s31, s23, $0xb8;
	[tilespmem:$0x1E800] =	vst v63  }
0xdf: {  	_ =	swait.ge [sflag:s20], $0x4000  }
0xe0: {  	[sflag:s20] =	ssyncset.done $0x0  }
0xe1: {  	[sflag:s20] =	ssyncadd.s32 $0xFFFFC000  }
0xe2: {  	_ =	swait.ge [sflag:s28], $0x4000  }
0xe3: {  	[sflag:s28] =	ssyncset.done $0x0  }
0xe4: {  	[sflag:s28] =	ssyncadd.s32 $0xFFFFC000  }
0xe5: {  	[spmem:s1] =	stream.indirect.scatter.add.f32 [tilespmem:s25], [sflag:$0x5], $0x80, s0, s23, $0xb8;
	[tilespmem:$0x1E800] =	vst v63  }
0xe6: {  	_ =	swait.ge [sflag:s20], $0x4000  }
0xe7: {  	[sflag:s20] =	ssyncset.done $0x0  }
0xe8: {  	s2 =	simm.s32 $0x0;
	[sflag:s20] =	ssyncadd.s32 $0xFFFFC000  }
0xe9: {  	[tilespmem:s21], [sflag:$0x5] =	stream.linear.gather [hbm4b:s12+s2], $0x1400, $0x38;
	[tilespmem:$0x1E800] =	vst v63  }
0xea: {  	_ =	swait.ge [sflag:s20], $0x1400  }
0xeb: {  	[sflag:s20] =	ssyncset.done $0x0  }
0xec: {  	[sflag:s20] =	ssyncadd.s32 $0xFFFFEC00  }
0xed: {  	[tilespmem:s22], [sflag:$0x5] =	stream.linear.gather [hbm4b:s13+s2], $0x1400, $0x38;
	[tilespmem:$0x1E800] =	vst v63  }
0xee: {  	_ =	swait.ge [sflag:s20], $0x1400  }
0xef: {  	[sflag:s20] =	ssyncset.done $0x0  }
0xf0: {  	[sflag:s20] =	ssyncadd.s32 $0xFFFFEC00  }
0xf1: {  	[tilespmem:s19], [sflag:$0x1] =	stream.indirect.gather [hbm4b:s5+s23], $0x80, s21, s23, $0xb8;
	[tilespmem:$0x1E800] =	vst v63  }
0xf2: {  	_ = 	snop  }
0xf3: {  	[tilespmem:s25], [sflag:$0x2] =	stream.indirect.gather [hbm4b:s5+s23], $0x80, s24, s23, $0xb8;
	[tilespmem:$0x1E800] =	vst v63  }
0xf4: {  	_ =	swait.ge [sflag:s26], $0x4000  }
0xf5: {  	[sflag:s26] =	ssyncset.done $0x0  }
0xf6: {  	s8 =	simm.s32 $0x15400;
	[sflag:s26] =	ssyncadd.s32 $0xFFFFC000  }
0xf7: {  	[spmem:s1] =	stream.indirect.scatter.add.f32 [tilespmem:s19], [sflag:$0x3], $0x80, s8, s23, $0xb8;
	[tilespmem:$0x1E800] =	vst v63  }
0xf8: {  	_ =	swait.ge [sflag:s28], $0x4000  }
0xf9: {  	[sflag:s28] =	ssyncset.done $0x0  }
0xfa: {  	s3 =	simm.s32 $0x15480;
	[sflag:s28] =	ssyncadd.s32 $0xFFFFC000  }
0xfb: {  	[spmem:s1] =	stream.indirect.scatter.add.f32 [tilespmem:s25], [sflag:$0x4], $0x80, s3, s23, $0xb8;
	[tilespmem:$0x1E800] =	vst v63  }
0xfc: {  	_ =	swait.ge [sflag:s29], $0x4000  }
0xfd: {  	[sflag:s29] =	ssyncset.done $0x0  }
0xfe: {  	s8 =	simm.s32 $0x14100;
	[sflag:s29] =	ssyncadd.s32 $0xFFFFC000  }
0xff: {  	[tilespmem:s19], [sflag:$0x1] =	stream.indirect.gather [hbm4b:s5+s23], $0x80, s8, s23, $0xb8;
	[tilespmem:$0x1E800] =	vst v63  }
0x100: {  	_ =	swait.ge [sflag:s30], $0x4000  }
0x101: {  	[sflag:s30] =	ssyncset.done $0x0  }
0x102: {  	s3 =	simm.s32 $0x14180;
	s8 =	simm.s32 $0x400;
	[sflag:s30] =	ssyncadd.s32 $0xFFFFC000  }
.LBB2_12:
0x103: {  	[tilespmem:s25], [sflag:$0x2] =	stream.indirect.gather [hbm4b:s5+s23], $0x80, s3, s23, $0xb8;
	[tilespmem:$0x1E800] =	vst v63  }
0x104: {  	s2 =	smov.u32 s8  }
0x105: {  	p1 =	sne.s32 s8, $0x4800;
	s8 =	sadd.s32 $0x400, s8;
	_ =	swait.ge [sflag:s26], $0x4000  }
0x106: {  	s2 =	sshra.s32 s2, $0x2;
	[sflag:s26] =	ssyncset.done $0x0  }
0x107: {  	s3 =	sadd.s32 $0x15400, s2;
	[sflag:s26] =	ssyncadd.s32 $0xFFFFC000  }
0x108: {  	[spmem:s1] =	stream.indirect.scatter.add.f32 [tilespmem:s19], [sflag:$0x3], $0x80, s3, s23, $0xb8;
	[tilespmem:$0x1E800] =	vst v63  }
0x109: {  	_ =	swait.ge [sflag:s28], $0x4000  }
0x10a: {  	[sflag:s28] =	ssyncset.done $0x0  }
0x10b: {  	s3 =	sadd.s32 $0x15480, s2;
	[sflag:s28] =	ssyncadd.s32 $0xFFFFC000  }
0x10c: {  	[spmem:s1] =	stream.indirect.scatter.add.f32 [tilespmem:s25], [sflag:$0x4], $0x80, s3, s23, $0xb8;
	[tilespmem:$0x1E800] =	vst v63  }
0x10d: {  	_ =	swait.ge [sflag:s29], $0x4000  }
0x10e: {  	[sflag:s29] =	ssyncset.done $0x0  }
.Ltmp8:
0x10f: {  	s3 =	sadd.s32 $0x14100, s2;
	[sflag:s29] =	ssyncadd.s32 $0xFFFFC000;
	(pc) =	sbr.rel @p1 .LBB2_12-.Ltmp8, $4  }
0x110: {  	[tilespmem:s19], [sflag:$0x1] =	stream.indirect.gather [hbm4b:s5+s23], $0x80, s3, s23, $0xb8;
	[tilespmem:$0x1E800] =	vst v63  }
0x111: {  	_ =	swait.ge [sflag:s30], $0x4000  }
0x112: {  	[sflag:s30] =	ssyncset.done $0x0  }
0x113: {  	s3 =	sadd.s32 $0x14180, s2;
	[sflag:s30] =	ssyncadd.s32 $0xFFFFC000  }
.Ltmp9:
0x114: {  	_ = 	snop;
	(pc) =	sbr.rel .LBB2_13-.Ltmp9, $1  }
0x115: {  	_ =	sdelay $0x3  }
.LBB2_15:
0x116: {  	_ =	sfence.sel $0x180000  }
0x117: {  	[bflag:$0x0] =	sbarrier.arrive $0xFFFF  }
0x118: {  	_ =	strace $0x9000004D  }
0x119: {  	s0 =	stileid.u32;
	[bflag:$0x2] =	sbarrier.arrive $0xFFFF  }
0x11a: {  	p0 =	sne.s32 s0, $0x0;
	s0 =	rddreg [dreg:$0x2]  }
0x11b: {  	s0 =	sadd.s32 @!p0 $0x100000, s0  }
0x11c: {  	[sflag:s0] =	ssyncadd.tile.s32 @!p0 $0x1;
	_ =	shalt  }
.Lfunc_end2:
_tile_overlayer_lowered:
.L_overlay_start_2:
0x11d: {  	(tag) =	ssettag $0x2  }
0x11e: {  	s0 =	rddreg [dreg:$0x0];
	s2 =	stileid.u32  }
0x11f: {  	s1 =	rddreg [dreg:$0x1];
	p0 =	sne.s32 s2, $0x0  }
0x120: {  	s3 =	rddreg [dreg:$0x2];
	[bflag:$0x3] =	sbarrier.arrive $0xFFFF;
	s2 =	simm.s32 @!p0 $0x1C05  }
0x121: {  	[timem:s3], [sflag:s2] =	dma.local @!p0 [hbm:s0], s1  }
0x122: {  	s0 =	simm.s32 @!p0 $0x5  }
0x123: {  	_ =	swait.ge @!p0 [sflag:s0], s1  }
0x124: {  	s1 =	ssub.s32 @!p0 $0x0, s1;
	[sflag:s0] =	ssyncset.done @!p0 $0x0  }
0x125: {  	[sflag:s0] =	ssyncadd.s32 @!p0 s1  }
0x126: {  	[bflag:$0x3] =	sbarrier.arrive $0xFFFF  }
0x127: {  	_ =	shalt  }

// kernel: kernel.18.cloned.1.call-start
scs
__scs_entry_jumppad:
0x0: {  	(pc) =	sbr.rel $0x88, $3  }
0x1: {  	(tag) =	ssettag $0x0;
	lr =	simm.s32 $0x1  }
0x2: {  	[smem:$0x3F99] =	sst lr;
	_ =	strace $0xD0000000  }
0x3: {  	_ = 	snop  }
0x4: {  	_ = 	snop  }
0x5: {  	_ = 	snop  }
0x6: {  	_ = 	snop  }
0x7: {  	_ = 	snop  }
__scs_overlays_trampoline_lowered:
0x8: {  	[smem:$0x3FA8] =	sst s0  }
0x9: {  	[smem:$0x3FA9] =	sst s1  }
0xa: {  	[smem:$0x3FAA] =	sst s2  }
0xb: {  	[smem:$0x3FAB] =	sst s3  }
0xc: {  	[smem:$0x3FAC] =	sst s4  }
0xd: {  	[smem:$0x3FAD] =	sst s5  }
0xe: {  	[smem:$0x3FAE] =	sst s6  }
0xf: {  	[smem:$0x3FAF] =	sst s7  }
0x10: {  	[smem:$0x3FB0] =	sst s8  }
0x11: {  	[smem:$0x3FB1] =	sst s9;
	s0 =	simm.s32 @!p0 $0x0  }
0x12: {  	s1 =	sld [smem:$0x3F97];
	s0 =	simm.s32 @p0 $0x1  }
0x13: {  	[smem:$0x3FB2] =	sst s0;
	s0 =	simm.s32 @!p1 $0x0  }
0x14: {  	s2 =	sld [smem:$0x3F96];
	s0 =	simm.s32 @p1 $0x1  }
0x15: {  	[smem:$0x3FB3] =	sst s0;
	s0 =	simm.s32 @!p2 $0x0  }
0x16: {  	s3 =	sld [smem:$0x3FDB];
	s0 =	simm.s32 @p2 $0x1  }
0x17: {  	s4 =	simm.s32 $0x1BF5;
	[smem:$0x3FB5] =	sst s0  }
0x18: {  	s0 =	sld [smem:$0x3F98];
	_ =	swait.ge [sflag:s4], $0x0  }
0x19: {  	s7 =	sld [smem:$0x3F99]  }
0x1a: {  	s8 =	sadd.s32 $0xFFFFE003, lr  }
0x1b: {  	s9 =	sadd.s32 $0xFFFFFEF7, lr;
	s5 =	simm.s32 $0xFFFFFFFF;
	p2 =	slt.u32 s8, $0xFFFFF086  }
0x1c: {  	p1 =	slt.u32 s9, $0xF7A;
	s5 =	simm.s32 @!p2 $0x0  }
0x1d: {  	s5 =	simm.s32 @p1 $0x1;
	p0 =	seq.s32 s7, s2  }
0x1e: {  	s7 =	smul.u32 @!p0 $0xF7A, s2;
	p2 =	seq.s32 @!p0 s5, $0x0  }
0x1f: {  	s9 =	smul.u32 $0xF7A, s1;
	s8 =	simm.s32 @!p0 $0x1BF5;
	p2 =	por !p2, p0  }
0x20: {  	[sflag:s8] =	ssyncset.s32 @!p0 $0xFFFFF086;
	s6 =	sadd.s32 @!p0 s3, s7;
	s7 =	simm.s32 @!p0 $0x108  }
0x21: {  	s3 =	sadd.s32 s3, s9;
	s6 =	sadd.s32 @!p0 $0x88, s6;
	s7 =	simm.s32 @p2 $0x1082  }
0x22: {  	[simem:s7], [sflag:s8] =	dma.local @!p0 [hbm:s6], $0xF7A  }
0x23: {  	s9 =	sor.u32 $0xD0000000, s2;
	s6 =	simm.s32 $0x108;
	_ =	swait.ge @!p0 [sflag:s8], $0x0  }
0x24: {  	s3 =	sadd.s32 $0x88, s3;
	s6 =	simm.s32 @!p1 $0x1082;
	[sflag:s4] =	ssyncset.s32 $0xFFFFF086  }
0x25: {  	[simem:s6], [sflag:s4] =	dma.local [hbm:s3], $0xF7A  }
0x26: {  	[smem:$0x3F99] =	sst s1;
	(tag) =	ssettag s2;
	_ =	strace s9  }
0x27: {  	s1 =	sld [smem:$0x3FA9]  }
0x28: {  	s2 =	sld [smem:$0x3FAA]  }
0x29: {  	s4 =	sld [smem:$0x3FAC]  }
0x2a: {  	p0 =	seq.s32 s5, $0x0;
	s5 =	sld [smem:$0x3FAD]  }
0x2b: {  	s6 =	sld [smem:$0x3FAE]  }
0x2c: {  	s7 =	sld [smem:$0x3FAF]  }
0x2d: {  	s3 =	simm.s32 $0x108;
	s8 =	sld [smem:$0x3FB0]  }
0x2e: {  	s3 =	simm.s32 @!p0 $0x1082;
	s9 =	sld [smem:$0x3FB1]  }
0x2f: {  	lr =	sadd.s32 s0, s3;
	s0 =	sld [smem:$0x3FA8]  }
0x30: {  	s3 =	sld [smem:$0x3FAB]  }
0x31: {  	[smem:$0x3FB4] =	sst s10  }
0x32: {  	s10 =	sld [smem:$0x3FB2];
	_ =	sdelay $0x3  }
0x33: {  	p0 =	seq.s32 s10, $0x1;
	s10 =	sld [smem:$0x3FB4];
	_ =	sdelay $0x3  }
0x34: {  	[smem:$0x3FB4] =	sst s10  }
0x35: {  	s10 =	sld [smem:$0x3FB3];
	_ =	sdelay $0x3  }
0x36: {  	p1 =	seq.s32 s10, $0x1;
	s10 =	sld [smem:$0x3FB4];
	_ =	sdelay $0x3  }
0x37: {  	[smem:$0x3FB4] =	sst s10  }
0x38: {  	s10 =	sld [smem:$0x3FB5]  }
0x39: {  	_ = 	snop;
	(pc) =	sbr.ind lr, $3  }
0x3a: {  	_ = 	snop  }
0x3b: {  	_ = 	snop  }
0x3c: {  	p2 =	seq.s32 s10, $0x1;
	s10 =	sld [smem:$0x3FB4]  }
0x3d: {  	_ =	shalt  }
0x3e: {  	_ =	shalt  }
0x3f: {  	_ =	shalt  }
0x40: {  	_ =	shalt  }
0x41: {  	_ =	shalt  }
0x42: {  	_ =	shalt  }
0x43: {  	_ =	shalt  }
0x44: {  	_ =	shalt  }
0x45: {  	_ =	shalt  }
0x46: {  	_ =	shalt  }
0x47: {  	_ =	shalt  }
0x48: {  	_ =	shalt  }
0x49: {  	_ =	shalt  }
0x4a: {  	_ =	shalt  }
0x4b: {  	_ =	shalt  }
0x4c: {  	_ =	shalt  }
0x4d: {  	_ =	shalt  }
0x4e: {  	_ =	shalt  }
0x4f: {  	_ =	shalt  }
0x50: {  	_ =	shalt  }
0x51: {  	_ =	shalt  }
0x52: {  	_ =	shalt  }
0x53: {  	_ =	shalt  }
0x54: {  	_ =	shalt  }
0x55: {  	_ =	shalt  }
0x56: {  	_ =	shalt  }
0x57: {  	_ =	shalt  }
0x58: {  	_ =	shalt  }
0x59: {  	_ =	shalt  }
0x5a: {  	_ =	shalt  }
0x5b: {  	_ =	shalt  }
0x5c: {  	_ =	shalt  }
0x5d: {  	_ =	shalt  }
0x5e: {  	_ =	shalt  }
0x5f: {  	_ =	shalt  }
0x60: {  	_ =	shalt  }
0x61: {  	_ =	shalt  }
0x62: {  	_ =	shalt  }
0x63: {  	_ =	shalt  }
0x64: {  	_ =	shalt  }
0x65: {  	_ =	shalt  }
0x66: {  	_ =	shalt  }
0x67: {  	_ =	shalt  }
0x68: {  	_ =	shalt  }
0x69: {  	_ =	shalt  }
0x6a: {  	_ =	shalt  }
0x6b: {  	_ =	shalt  }
0x6c: {  	_ =	shalt  }
0x6d: {  	_ =	shalt  }
0x6e: {  	_ =	shalt  }
0x6f: {  	_ =	shalt  }
0x70: {  	_ =	shalt  }
0x71: {  	_ =	shalt  }
0x72: {  	_ =	shalt  }
0x73: {  	_ =	shalt  }
0x74: {  	_ =	shalt  }
0x75: {  	_ =	shalt  }
0x76: {  	_ =	shalt  }
0x77: {  	_ =	shalt  }
0x78: {  	_ =	shalt  }
0x79: {  	_ =	shalt  }
0x7a: {  	_ =	shalt  }
0x7b: {  	_ =	shalt  }
0x7c: {  	_ =	shalt  }
0x7d: {  	_ =	shalt  }
0x7e: {  	_ =	shalt  }
0x7f: {  	_ =	shalt  }
0x80: {  	_ =	shalt  }
0x81: {  	_ =	shalt  }
0x82: {  	_ =	shalt  }
0x83: {  	_ =	shalt  }
0x84: {  	_ =	shalt  }
0x85: {  	_ =	shalt  }
0x86: {  	_ =	shalt  }
0x87: {  	_ =	shalt  }
.Lfunc_end0:
.L_simem_size_0:
called_computation.3_lowered:
.L_overlay_start_0:
0x88: {  	s2 =	sld [smem:$0x3FD9]  }
0x89: {  	s3 =	sld [smem:$0x3FFE];
	_ =	sdelay $0x1  }
0x8a: {  	s1 =	srdreg.scid  }
0x8b: {  	s0 =	sand.u32 $0x1, s1  }
0x8c: {  	s17 =	sshll.u32 s0, $0xA;
	s2 =	sadd.s32 s3, s2  }
0x8d: {  	s2 =	sadd.s32 s2, s17  }
0x8e: {  	[smem:$0x3FC0] =	sst s2  }
0x8f: {  	_ = 	snop  }
0x90: {  	s2 =	sld [smem:$0x3FD0];
	(tm) =	ssettm $0x1  }
0x91: {  	s18 =	sld [smem:$0x3FFB];
	_ =	sdelay $0x3  }
0x92: {  	_ =	strace s18  }
0x93: {  	s3 =	sld [smem:$0x3FFC];
	_ =	sdelay $0x3  }
0x94: {  	_ =	strace s3  }
0x95: {  	s3 =	sld [smem:$0x3FFD];
	_ =	sdelay $0x3  }
0x96: {  	_ =	strace s3  }
0x97: {  	_ =	strace $0x8FFFFFFF  }
0x98: {  	s19 =	sld [smem:$0x3FDB];
	_ =	sdelay $0x1  }
0x99: {  	s4 =	simm.s32 $_scs_section_size  }
0x9a: {  	s5 =	simm.s32 $_size__tile_overlayer_lowered;
	s6 =	simm.s32 $_tile_overlayer_lowered  }
0x9b: {  	s22 =	simm.s32 $0x1BFF;
	s21 =	sshll.u32 s6, $0x1;
	s3 =	sadd.s32 s4, s19  }
0x9c: {  	s7 =	simm.s32 $0x0;
	s20 =	sshll.u32 s5, $0x1;
	s5 =	sadd.s32 s21, s3  }
0x9d: {  	[timem:s7], [sflag:s22] =	dma.local [hbm:s5], s20  }
0x9e: {  	_ =	swait.ge [sflag:s22], s20  }
0x9f: {  	s4 =	ssub.s32 $0x0, s20;
	[sflag:s22] =	ssyncset.done $0x0  }
0xa0: {  	[sflag:s22] =	ssyncadd.s32 s4;
	_ =	sdelay $0x1  }
0xa1: {  	s23 =	simm.s32 $0x1B8B  }
0xa2: {  	_ =	swait.ge [sflag:s23], $0x1  }
0xa3: {  	[sflag:s23] =	ssyncset.done $0x0  }
0xa4: {  	s25 =	simm.s32 $0x1B8E;
	s24 =	sld [smem:$0x3FFE];
	[sflag:s23] =	ssyncadd.s32 $0xFFFFFFFF  }
0xa5: {  	s26 =	simm.s32 $execute0_lowered;
	[smem:$0x3FD2] =	sst s25  }
0xa6: {  	s5 =	sshll.u32 s26, $0x1;
	_ =	strace $0x8000004F;
	[dreg:$0x1] =	wrdreg $0xFFFFFFFF  }
0xa7: {  	s28 =	simm.s32 $_size_execute0_lowered;
	s3 =	sadd.s32 s3, s5;
	[dreg:$0x0] =	wrdreg $0x0  }
0xa8: {  	s5 =	sshll.u32 s28, $0x1;
	[dreg:$0x2] =	wrdreg s3  }
0xa9: {  	[dreg:$0x3] =	wrdreg s5  }
0xaa: {  	[dreg:$0x4] =	wrdreg $0xC0  }
0xab: {  	_ =	task [dreg:s7], $0x5FFFF  }
0xac: {  	[dreg:$0x1] =	wrdreg $0xFFFFFFFF  }
0xad: {  	[dreg:$0x0] =	wrdreg $0x60  }
0xae: {  	[dreg:$0x2] =	wrdreg s2  }
0xaf: {  	[dreg:$0x3] =	wrdreg s24  }
0xb0: {  	[dreg:$0x4] =	wrdreg $0x9  }
0xb1: {  	_ =	task.clear_ibuf [dreg:s7], $0x5FFFF;
	_ =	strace $0x9000004F  }
0xb2: {  	s29 =	simm.s32 $0x9;
	_ =	strace $0x80000051  }
0xb3: {  	_ =	swait.ge [sflag:s29], $0x1  }
0xb4: {  	[sflag:s29] =	ssyncadd.s32 $0xFFFFFFFF  }
0xb5: {  	_ =	strace $0x90000051  }
0xb6: {  	_ =	sfence  }
0xb7: {  	s30 =	sld [smem:$0x0];
	_ =	sdelay $0x2  }
0xb8: {  	s31 =	sshll.u32 s1, $0xD;
	s1 =	sshrl.u32 s1, $0x2  }
0xb9: {  	s3 =	sand.u32 $0x4000, s31;
	s1 =	sadd.s32 s1, s30  }
0xba: {  	s0 =	sor.u32 s3, s0;
	s1 =	sshll.u32 s1, $0x11  }
0xbb: {  	s0 =	sor.u32 s1, s0  }
0xbc: {  	s0 =	sadd.s32 $0x8F2B, s0  }
0xbd: {  	[sflag:s0] =	ssyncadd.remote.s32 $0x1  }
0xbe: {  	_ =	sfence.sel $0xFFFF  }
0xbf: {  	[dreg:$0x0] =	wrdreg $0xFFFFFFFF;
	(pc) =	sbr.abs _section_cstart, $3  }
0xc0: {  	[dreg:$0x1] =	wrdreg $0xFFFFFFFF  }
0xc1: {  	_ =	task.clear_ibuf [dreg:s7], $0x2FFFF;
	_ =	strace $0x9FFFFFFF  }
0xc2: {  	(tm) =	ssettm $0x7FFFFFFF  }
0xc3: {  	_ =	shalt  }
tec
execute0_lowered:
.L_overlay_start_1:
0x0: {  	(tag) =	ssettag $0x1  }
0x1: {  	s1 =	srdreg.scid  }
0x2: {  	s0 =	stileid.u32;
	s2 =	rddreg [dreg:$0x0]  }
0x3: {  	s5 =	rddreg [dreg:$0x1];
	s3 =	simm.s32 $0x0;
	s10 =	simm.s32 $0x2800  }
0x4: {  	s11 =	simm.s32 $0x5000;
	s4 =	sand.u32 $0x1, s1;
	s30 =	sshll.u32 s0, $0x1  }
0x5: {  	s12 =	simm.s32 $0x6400;
	s13 =	simm.s32 $0x7800;
	s6 =	sor.u32 s4, s30  }
0x6: {  	s14 =	simm.s32 $0x0;
	[smem:$0x7FF] =	sst s3;
	s6 =	smul.u32 $0x280, s6  }
0x7: {  	s1 =	rddreg [dreg:$0x2];
	s7 =	ssub.s32 $0x2, s4;
	_ =	strace $0x80000050  }
0x8: {  	s4 =	sadd.s32 $0xD200, s5;
	s31 =	sshrl.u32 s7, $0x1;
	s8 =	sadd.s32 s6, s5  }
0x9: {  	s9 =	ssub.s32 s7, s31;
	s5 =	sadd.s32 $0x8200, s8;
	s6 =	sadd.s32 $0x3200, s8  }
0xa: {  	s7 =	sadd.s32 $0xD800, s8;
	s8 =	smax.u32 s9, $0x1;
	s9 =	simm.s32 $0x1  }
.LBB2_1:
0xb: {  	[tilespmem:s3], [sflag:$0x1] =	stream.linear.gather [hbm4b:s2+s3], $0x2800, $0x38;
	[tilespmem:$0x8C00] =	vst v63  }
0xc: {  	_ =	swait.ge [sflag:s9], $0x2800  }
0xd: {  	[sflag:s9] =	ssyncset.done $0x0  }
0xe: {  	[sflag:s9] =	ssyncadd.s32 $0xFFFFD800  }
0xf: {  	[tilespmem:s10], [sflag:$0x1] =	stream.linear.gather [hbm4b:s4+s3], $0x2800, $0x38;
	[tilespmem:$0x8C00] =	vst v63  }
0x10: {  	_ =	swait.ge [sflag:s9], $0x2800  }
0x11: {  	[sflag:s9] =	ssyncset.done $0x0  }
0x12: {  	[sflag:s9] =	ssyncadd.s32 $0xFFFFD800  }
0x13: {  	[tilespmem:s11], [sflag:$0x1] =	stream.linear.gather [hbm4b:s5+s3], $0x1400, $0x38;
	[tilespmem:$0x8C00] =	vst v63  }
0x14: {  	_ =	swait.ge [sflag:s9], $0x1400  }
0x15: {  	[sflag:s9] =	ssyncset.done $0x0  }
0x16: {  	[sflag:s9] =	ssyncadd.s32 $0xFFFFEC00  }
0x17: {  	[tilespmem:s12], [sflag:$0x1] =	stream.linear.gather [hbm4b:s6+s3], $0x1400, $0x38;
	[tilespmem:$0x8C00] =	vst v63  }
0x18: {  	_ =	swait.ge [sflag:s9], $0x1400  }
0x19: {  	[sflag:s9] =	ssyncset.done $0x0  }
0x1a: {  	s15 =	simm.s32 $0x0;
	[sflag:s9] =	ssyncadd.s32 $0xFFFFEC00  }
.LBB2_2:
0x1b: {  	s16 =	sshra.s32 s15, $0x2  }
0x1c: {  	v0 =	vld [tilespmem:s16+$0x5000]  }
0x1d: {  	v1 =	vld [tilespmem:s16+$0x6400];
	_ =	sdelay $0x6  }
0x1e: {  	v0 =	vld.idx.msk [tilespmem:v0+s3+$0x0], $0xffff  }
0x1f: {  	v1 =	vld.idx.msk [tilespmem:v1+s10+$0x0], $0xffff;
	_ =	sdelay $0x4  }
0x20: {  	v0 =	vadd.f32 v1, v0;
	_ =	sdelay $0x1  }
0x21: {  	v0 =	vsub.f32 $0.0e+00, v0;
	_ =	sdelay $0x1  }
0x22: {  	v0 =	vmul.f32 $1.442695020e+00, v0;
	_ =	sdelay $0x1  }
0x23: {  	(erf) = vpow2.f32 v0;
	_ =	sdelay $0x8  }
0x24: {  	v0 =	vpop (erf)  }
0x25: {  	v0 =	vadd.f32 $1.000000000e+00, v0;
	_ =	sdelay $0x1  }
0x26: {  	(erf) = vrcp.f32 v0;
	_ =	sdelay $0x6  }
0x27: {  	v44 =	vld [tilespmem:s16+$0x5010]  }
0x28: {  	v45 =	vld [tilespmem:s16+$0x6410]  }
0x29: {  	v2 =	vpop (erf)  }
0x2a: {  	v2 =	vmul.f32 $2.000000000e+01, v2;
	_ =	sdelay $0x1  }
0x2b: {  	v2 =	vadd.f32 $-1.000000000e+00, v2;
	_ =	sdelay $0x1  }
0x2c: {  	[tilespmem:s16+$0x7800] =	vst v2  }
0x2d: {  	v0 =	vld.idx.msk [tilespmem:v44+s3+$0x0], $0xffff  }
0x2e: {  	v1 =	vld.idx.msk [tilespmem:v45+s10+$0x0], $0xffff;
	_ =	sdelay $0x4  }
0x2f: {  	v0 =	vadd.f32 v1, v0;
	_ =	sdelay $0x1  }
0x30: {  	v0 =	vsub.f32 $0.0e+00, v0;
	_ =	sdelay $0x1  }
0x31: {  	v0 =	vmul.f32 $1.442695020e+00, v0;
	_ =	sdelay $0x1  }
0x32: {  	(erf) = vpow2.f32 v0;
	_ =	sdelay $0x8  }
0x33: {  	v0 =	vpop (erf)  }
0x34: {  	v0 =	vadd.f32 $1.000000000e+00, v0;
	_ =	sdelay $0x1  }
0x35: {  	(erf) = vrcp.f32 v0;
	_ =	sdelay $0x6  }
0x36: {  	v46 =	vld [tilespmem:s16+$0x5020]  }
0x37: {  	v47 =	vld [tilespmem:s16+$0x6420]  }
0x38: {  	v48 =	vpop (erf)  }
0x39: {  	v2 =	vmul.f32 $2.000000000e+01, v48;
	_ =	sdelay $0x1  }
0x3a: {  	v2 =	vadd.f32 $-1.000000000e+00, v2;
	_ =	sdelay $0x1  }
0x3b: {  	[tilespmem:s16+$0x7810] =	vst v2  }
0x3c: {  	v0 =	vld.idx.msk [tilespmem:v46+s3+$0x0], $0xffff  }
0x3d: {  	v1 =	vld.idx.msk [tilespmem:v47+s10+$0x0], $0xffff;
	_ =	sdelay $0x4  }
0x3e: {  	v0 =	vadd.f32 v1, v0;
	_ =	sdelay $0x1  }
0x3f: {  	v0 =	vsub.f32 $0.0e+00, v0;
	_ =	sdelay $0x1  }
0x40: {  	v0 =	vmul.f32 $1.442695020e+00, v0;
	_ =	sdelay $0x1  }
0x41: {  	(erf) = vpow2.f32 v0;
	_ =	sdelay $0x8  }
0x42: {  	v0 =	vpop (erf)  }
0x43: {  	v0 =	vadd.f32 $1.000000000e+00, v0;
	_ =	sdelay $0x1  }
0x44: {  	(erf) = vrcp.f32 v0;
	_ =	sdelay $0x6  }
0x45: {  	v49 =	vld [tilespmem:s16+$0x5030]  }
0x46: {  	v50 =	vld [tilespmem:s16+$0x6430]  }
0x47: {  	v51 =	vpop (erf)  }
0x48: {  	v2 =	vmul.f32 $2.000000000e+01, v51;
	_ =	sdelay $0x1  }
0x49: {  	v2 =	vadd.f32 $-1.000000000e+00, v2;
	_ =	sdelay $0x1  }
0x4a: {  	[tilespmem:s16+$0x7820] =	vst v2  }
0x4b: {  	v0 =	vld.idx.msk [tilespmem:v49+s3+$0x0], $0xffff  }
0x4c: {  	v1 =	vld.idx.msk [tilespmem:v50+s10+$0x0], $0xffff;
	_ =	sdelay $0x4  }
0x4d: {  	v0 =	vadd.f32 v1, v0;
	_ =	sdelay $0x1  }
0x4e: {  	v0 =	vsub.f32 $0.0e+00, v0;
	_ =	sdelay $0x1  }
0x4f: {  	v0 =	vmul.f32 $1.442695020e+00, v0;
	_ =	sdelay $0x1  }
0x50: {  	(erf) = vpow2.f32 v0;
	_ =	sdelay $0x8  }
0x51: {  	v0 =	vpop (erf)  }
0x52: {  	v0 =	vadd.f32 $1.000000000e+00, v0;
	_ =	sdelay $0x1  }
0x53: {  	(erf) = vrcp.f32 v0;
	_ =	sdelay $0x6  }
0x54: {  	v52 =	vld [tilespmem:s16+$0x5040]  }
0x55: {  	v53 =	vld [tilespmem:s16+$0x6440]  }
0x56: {  	v54 =	vpop (erf)  }
0x57: {  	v2 =	vmul.f32 $2.000000000e+01, v54;
	_ =	sdelay $0x1  }
0x58: {  	v2 =	vadd.f32 $-1.000000000e+00, v2;
	_ =	sdelay $0x1  }
0x59: {  	[tilespmem:s16+$0x7830] =	vst v2  }
0x5a: {  	v0 =	vld.idx.msk [tilespmem:v52+s3+$0x0], $0xffff  }
0x5b: {  	v1 =	vld.idx.msk [tilespmem:v53+s10+$0x0], $0xffff;
	_ =	sdelay $0x4  }
0x5c: {  	v0 =	vadd.f32 v1, v0;
	_ =	sdelay $0x1  }
0x5d: {  	v0 =	vsub.f32 $0.0e+00, v0;
	_ =	sdelay $0x1  }
0x5e: {  	v0 =	vmul.f32 $1.442695020e+00, v0;
	_ =	sdelay $0x1  }
0x5f: {  	(erf) = vpow2.f32 v0;
	_ =	sdelay $0x8  }
0x60: {  	v0 =	vpop (erf)  }
0x61: {  	v0 =	vadd.f32 $1.000000000e+00, v0;
	_ =	sdelay $0x1  }
0x62: {  	(erf) = vrcp.f32 v0;
	_ =	sdelay $0x6  }
0x63: {  	v55 =	vld [tilespmem:s16+$0x5050]  }
0x64: {  	v56 =	vld [tilespmem:s16+$0x6450]  }
0x65: {  	v57 =	vpop (erf)  }
0x66: {  	v2 =	vmul.f32 $2.000000000e+01, v57;
	_ =	sdelay $0x1  }
0x67: {  	v2 =	vadd.f32 $-1.000000000e+00, v2;
	_ =	sdelay $0x1  }
0x68: {  	[tilespmem:s16+$0x7840] =	vst v2  }
0x69: {  	v0 =	vld.idx.msk [tilespmem:v55+s3+$0x0], $0xffff  }
0x6a: {  	v1 =	vld.idx.msk [tilespmem:v56+s10+$0x0], $0xffff;
	_ =	sdelay $0x4  }
0x6b: {  	v0 =	vadd.f32 v1, v0;
	_ =	sdelay $0x1  }
0x6c: {  	v0 =	vsub.f32 $0.0e+00, v0;
	_ =	sdelay $0x1  }
0x6d: {  	v0 =	vmul.f32 $1.442695020e+00, v0;
	_ =	sdelay $0x1  }
0x6e: {  	(erf) = vpow2.f32 v0;
	_ =	sdelay $0x8  }
0x6f: {  	v0 =	vpop (erf)  }
0x70: {  	v0 =	vadd.f32 $1.000000000e+00, v0;
	_ =	sdelay $0x1  }
0x71: {  	(erf) = vrcp.f32 v0;
	_ =	sdelay $0x6  }
0x72: {  	v58 =	vld [tilespmem:s16+$0x5060]  }
0x73: {  	v59 =	vld [tilespmem:s16+$0x6460]  }
0x74: {  	v60 =	vpop (erf)  }
0x75: {  	v2 =	vmul.f32 $2.000000000e+01, v60;
	_ =	sdelay $0x1  }
0x76: {  	v2 =	vadd.f32 $-1.000000000e+00, v2;
	_ =	sdelay $0x1  }
0x77: {  	[tilespmem:s16+$0x7850] =	vst v2  }
0x78: {  	v0 =	vld.idx.msk [tilespmem:v58+s3+$0x0], $0xffff  }
0x79: {  	v1 =	vld.idx.msk [tilespmem:v59+s10+$0x0], $0xffff;
	_ =	sdelay $0x4  }
0x7a: {  	v0 =	vadd.f32 v1, v0;
	_ =	sdelay $0x1  }
0x7b: {  	v0 =	vsub.f32 $0.0e+00, v0;
	_ =	sdelay $0x1  }
0x7c: {  	v0 =	vmul.f32 $1.442695020e+00, v0;
	_ =	sdelay $0x1  }
0x7d: {  	(erf) = vpow2.f32 v0;
	_ =	sdelay $0x8  }
0x7e: {  	v0 =	vpop (erf)  }
0x7f: {  	v0 =	vadd.f32 $1.000000000e+00, v0;
	_ =	sdelay $0x1  }
0x80: {  	(erf) = vrcp.f32 v0;
	_ =	sdelay $0x6  }
0x81: {  	v61 =	vld [tilespmem:s16+$0x5070]  }
0x82: {  	v62 =	vld [tilespmem:s16+$0x6470]  }
0x83: {  	v63 =	vpop (erf)  }
0x84: {  	v2 =	vmul.f32 $2.000000000e+01, v63;
	_ =	sdelay $0x1  }
0x85: {  	v2 =	vadd.f32 $-1.000000000e+00, v2;
	_ =	sdelay $0x1  }
0x86: {  	[tilespmem:s16+$0x7860] =	vst v2  }
0x87: {  	v0 =	vld.idx.msk [tilespmem:v61+s3+$0x0], $0xffff  }
0x88: {  	v1 =	vld.idx.msk [tilespmem:v62+s10+$0x0], $0xffff;
	_ =	sdelay $0x4  }
0x89: {  	v0 =	vadd.f32 v1, v0;
	_ =	sdelay $0x1  }
0x8a: {  	v0 =	vsub.f32 $0.0e+00, v0;
	_ =	sdelay $0x1  }
0x8b: {  	v0 =	vmul.f32 $1.442695020e+00, v0;
	_ =	sdelay $0x1  }
0x8c: {  	(erf) = vpow2.f32 v0;
	_ =	sdelay $0x8  }
0x8d: {  	v0 =	vpop (erf)  }
0x8e: {  	v0 =	vadd.f32 $1.000000000e+00, v0;
	_ =	sdelay $0x1  }
0x8f: {  	(erf) = vrcp.f32 v0;
	_ =	sdelay $0x8  }
0x90: {  	p0 =	sne.s32 s15, $0x4E00;
	v0 =	vpop (erf)  }
.Ltmp0:
0x91: {  	v0 =	vmul.f32 $2.000000000e+01, v0;
	(pc) =	sbr.rel @p0 .LBB2_2-.Ltmp0, $3  }
0x92: {  	_ = 	snop  }
0x93: {  	v0 =	vadd.f32 $-1.000000000e+00, v0;
	_ =	sdelay $0x1  }
0x94: {  	s15 =	sadd.s32 $0x200, s15;
	[tilespmem:s16+$0x7870] =	vst v0  }
0x95: {  	s14 =	sadd.s32 $0x1, s14  }
0x96: {  	p0 =	sne.s32 s14, s8  }
.Ltmp1:
0x97: {  	_ = 	snop;
	(pc) =	sbr.rel @p0 .LBB2_1-.Ltmp1, $4  }
0x98: {  	[hbm4b:s7+s3] =	stream.linear.scatter [tilespmem:s13], [sflag:$0x1], $0x1400, $0x38;
	[tilespmem:$0x8C00] =	vst v63  }
0x99: {  	_ =	swait.ge [sflag:s9], $0x1400  }
0x9a: {  	[sflag:s9] =	ssyncset.done $0x0  }
0x9b: {  	[sflag:s9] =	ssyncadd.s32 $0xFFFFEC00  }
0x9c: {  	_ =	sfence.sel $0x180000  }
0x9d: {  	[bflag:$0x0] =	sbarrier.arrive $0xFFFF  }
0x9e: {  	p0 =	sne.s32 s0, $0x0;
	_ =	strace $0x90000050  }
0x9f: {  	s0 =	sadd.s32 @!p0 $0x100000, s1;
	[bflag:$0x2] =	sbarrier.arrive $0xFFFF  }
0xa0: {  	[sflag:s0] =	ssyncadd.tile.s32 @!p0 $0x1;
	_ =	shalt  }
.Lfunc_end2:
_tile_overlayer_lowered:
.L_overlay_start_2:
0xa1: {  	(tag) =	ssettag $0x2  }
0xa2: {  	s0 =	rddreg [dreg:$0x0];
	s2 =	stileid.u32  }
0xa3: {  	s1 =	rddreg [dreg:$0x1];
	p0 =	sne.s32 s2, $0x0  }
0xa4: {  	s3 =	rddreg [dreg:$0x2];
	[bflag:$0x3] =	sbarrier.arrive $0xFFFF;
	s2 =	simm.s32 @!p0 $0x1C01  }
0xa5: {  	[timem:s3], [sflag:s2] =	dma.local @!p0 [hbm:s0], s1  }
0xa6: {  	s0 =	simm.s32 @!p0 $0x1  }
0xa7: {  	_ =	swait.ge @!p0 [sflag:s0], s1  }
0xa8: {  	s1 =	ssub.s32 @!p0 $0x0, s1;
	[sflag:s0] =	ssyncset.done @!p0 $0x0  }
0xa9: {  	[sflag:s0] =	ssyncadd.s32 @!p0 s1  }
0xaa: {  	[bflag:$0x3] =	sbarrier.arrive $0xFFFF  }
0xab: {  	_ =	shalt  }

// kernel: kernel.9.cloned.1.call-start
scs
__scs_entry_jumppad:
0x0: {  	(pc) =	sbr.rel $0x88, $3  }
0x1: {  	(tag) =	ssettag $0x0;
	lr =	simm.s32 $0x1  }
0x2: {  	[smem:$0x3F99] =	sst lr;
	_ =	strace $0xD0000000  }
0x3: {  	_ = 	snop  }
0x4: {  	_ = 	snop  }
0x5: {  	_ = 	snop  }
0x6: {  	_ = 	snop  }
0x7: {  	_ = 	snop  }
__scs_overlays_trampoline_lowered:
0x8: {  	[smem:$0x3FA8] =	sst s0  }
0x9: {  	[smem:$0x3FA9] =	sst s1  }
0xa: {  	[smem:$0x3FAA] =	sst s2  }
0xb: {  	[smem:$0x3FAB] =	sst s3  }
0xc: {  	[smem:$0x3FAC] =	sst s4  }
0xd: {  	[smem:$0x3FAD] =	sst s5  }
0xe: {  	[smem:$0x3FAE] =	sst s6  }
0xf: {  	[smem:$0x3FAF] =	sst s7  }
0x10: {  	[smem:$0x3FB0] =	sst s8  }
0x11: {  	[smem:$0x3FB1] =	sst s9;
	s0 =	simm.s32 @!p0 $0x0  }
0x12: {  	s1 =	sld [smem:$0x3F97];
	s0 =	simm.s32 @p0 $0x1  }
0x13: {  	[smem:$0x3FB2] =	sst s0;
	s0 =	simm.s32 @!p1 $0x0  }
0x14: {  	s2 =	sld [smem:$0x3F96];
	s0 =	simm.s32 @p1 $0x1  }
0x15: {  	[smem:$0x3FB3] =	sst s0;
	s0 =	simm.s32 @!p2 $0x0  }
0x16: {  	s3 =	sld [smem:$0x3FDB];
	s0 =	simm.s32 @p2 $0x1  }
0x17: {  	s4 =	simm.s32 $0x1BF5;
	[smem:$0x3FB5] =	sst s0  }
0x18: {  	s0 =	sld [smem:$0x3F98];
	_ =	swait.ge [sflag:s4], $0x0  }
0x19: {  	s7 =	sld [smem:$0x3F99]  }
0x1a: {  	s8 =	sadd.s32 $0xFFFFE003, lr  }
0x1b: {  	s9 =	sadd.s32 $0xFFFFFEF7, lr;
	s5 =	simm.s32 $0xFFFFFFFF;
	p2 =	slt.u32 s8, $0xFFFFF086  }
0x1c: {  	p1 =	slt.u32 s9, $0xF7A;
	s5 =	simm.s32 @!p2 $0x0  }
0x1d: {  	s5 =	simm.s32 @p1 $0x1;
	p0 =	seq.s32 s7, s2  }
0x1e: {  	s7 =	smul.u32 @!p0 $0xF7A, s2;
	p2 =	seq.s32 @!p0 s5, $0x0  }
0x1f: {  	s9 =	smul.u32 $0xF7A, s1;
	s8 =	simm.s32 @!p0 $0x1BF5;
	p2 =	por !p2, p0  }
0x20: {  	[sflag:s8] =	ssyncset.s32 @!p0 $0xFFFFF086;
	s6 =	sadd.s32 @!p0 s3, s7;
	s7 =	simm.s32 @!p0 $0x108  }
0x21: {  	s3 =	sadd.s32 s3, s9;
	s6 =	sadd.s32 @!p0 $0x88, s6;
	s7 =	simm.s32 @p2 $0x1082  }
0x22: {  	[simem:s7], [sflag:s8] =	dma.local @!p0 [hbm:s6], $0xF7A  }
0x23: {  	s9 =	sor.u32 $0xD0000000, s2;
	s6 =	simm.s32 $0x108;
	_ =	swait.ge @!p0 [sflag:s8], $0x0  }
0x24: {  	s3 =	sadd.s32 $0x88, s3;
	s6 =	simm.s32 @!p1 $0x1082;
	[sflag:s4] =	ssyncset.s32 $0xFFFFF086  }
0x25: {  	[simem:s6], [sflag:s4] =	dma.local [hbm:s3], $0xF7A  }
0x26: {  	[smem:$0x3F99] =	sst s1;
	(tag) =	ssettag s2;
	_ =	strace s9  }
0x27: {  	s1 =	sld [smem:$0x3FA9]  }
0x28: {  	s2 =	sld [smem:$0x3FAA]  }
0x29: {  	s4 =	sld [smem:$0x3FAC]  }
0x2a: {  	p0 =	seq.s32 s5, $0x0;
	s5 =	sld [smem:$0x3FAD]  }
0x2b: {  	s6 =	sld [smem:$0x3FAE]  }
0x2c: {  	s7 =	sld [smem:$0x3FAF]  }
0x2d: {  	s3 =	simm.s32 $0x108;
	s8 =	sld [smem:$0x3FB0]  }
0x2e: {  	s3 =	simm.s32 @!p0 $0x1082;
	s9 =	sld [smem:$0x3FB1]  }
0x2f: {  	lr =	sadd.s32 s0, s3;
	s0 =	sld [smem:$0x3FA8]  }
0x30: {  	s3 =	sld [smem:$0x3FAB]  }
0x31: {  	[smem:$0x3FB4] =	sst s10  }
0x32: {  	s10 =	sld [smem:$0x3FB2];
	_ =	sdelay $0x3  }
0x33: {  	p0 =	seq.s32 s10, $0x1;
	s10 =	sld [smem:$0x3FB4];
	_ =	sdelay $0x3  }
0x34: {  	[smem:$0x3FB4] =	sst s10  }
0x35: {  	s10 =	sld [smem:$0x3FB3];
	_ =	sdelay $0x3  }
0x36: {  	p1 =	seq.s32 s10, $0x1;
	s10 =	sld [smem:$0x3FB4];
	_ =	sdelay $0x3  }
0x37: {  	[smem:$0x3FB4] =	sst s10  }
0x38: {  	s10 =	sld [smem:$0x3FB5]  }
0x39: {  	_ = 	snop;
	(pc) =	sbr.ind lr, $3  }
0x3a: {  	_ = 	snop  }
0x3b: {  	_ = 	snop  }
0x3c: {  	p2 =	seq.s32 s10, $0x1;
	s10 =	sld [smem:$0x3FB4]  }
0x3d: {  	_ =	shalt  }
0x3e: {  	_ =	shalt  }
0x3f: {  	_ =	shalt  }
0x40: {  	_ =	shalt  }
0x41: {  	_ =	shalt  }
0x42: {  	_ =	shalt  }
0x43: {  	_ =	shalt  }
0x44: {  	_ =	shalt  }
0x45: {  	_ =	shalt  }
0x46: {  	_ =	shalt  }
0x47: {  	_ =	shalt  }
0x48: {  	_ =	shalt  }
0x49: {  	_ =	shalt  }
0x4a: {  	_ =	shalt  }
0x4b: {  	_ =	shalt  }
0x4c: {  	_ =	shalt  }
0x4d: {  	_ =	shalt  }
0x4e: {  	_ =	shalt  }
0x4f: {  	_ =	shalt  }
0x50: {  	_ =	shalt  }
0x51: {  	_ =	shalt  }
0x52: {  	_ =	shalt  }
0x53: {  	_ =	shalt  }
0x54: {  	_ =	shalt  }
0x55: {  	_ =	shalt  }
0x56: {  	_ =	shalt  }
0x57: {  	_ =	shalt  }
0x58: {  	_ =	shalt  }
0x59: {  	_ =	shalt  }
0x5a: {  	_ =	shalt  }
0x5b: {  	_ =	shalt  }
0x5c: {  	_ =	shalt  }
0x5d: {  	_ =	shalt  }
0x5e: {  	_ =	shalt  }
0x5f: {  	_ =	shalt  }
0x60: {  	_ =	shalt  }
0x61: {  	_ =	shalt  }
0x62: {  	_ =	shalt  }
0x63: {  	_ =	shalt  }
0x64: {  	_ =	shalt  }
0x65: {  	_ =	shalt  }
0x66: {  	_ =	shalt  }
0x67: {  	_ =	shalt  }
0x68: {  	_ =	shalt  }
0x69: {  	_ =	shalt  }
0x6a: {  	_ =	shalt  }
0x6b: {  	_ =	shalt  }
0x6c: {  	_ =	shalt  }
0x6d: {  	_ =	shalt  }
0x6e: {  	_ =	shalt  }
0x6f: {  	_ =	shalt  }
0x70: {  	_ =	shalt  }
0x71: {  	_ =	shalt  }
0x72: {  	_ =	shalt  }
0x73: {  	_ =	shalt  }
0x74: {  	_ =	shalt  }
0x75: {  	_ =	shalt  }
0x76: {  	_ =	shalt  }
0x77: {  	_ =	shalt  }
0x78: {  	_ =	shalt  }
0x79: {  	_ =	shalt  }
0x7a: {  	_ =	shalt  }
0x7b: {  	_ =	shalt  }
0x7c: {  	_ =	shalt  }
0x7d: {  	_ =	shalt  }
0x7e: {  	_ =	shalt  }
0x7f: {  	_ =	shalt  }
0x80: {  	_ =	shalt  }
0x81: {  	_ =	shalt  }
0x82: {  	_ =	shalt  }
0x83: {  	_ =	shalt  }
0x84: {  	_ =	shalt  }
0x85: {  	_ =	shalt  }
0x86: {  	_ =	shalt  }
0x87: {  	_ =	shalt  }
.Lfunc_end0:
.L_simem_size_0:
called_computation_lowered:
.L_overlay_start_0:
0x88: {  	s2 =	sld [smem:$0x3FD9]  }
0x89: {  	s3 =	sld [smem:$0x3FFE];
	_ =	sdelay $0x1  }
0x8a: {  	s1 =	srdreg.scid  }
0x8b: {  	s0 =	sand.u32 $0x1, s1  }
0x8c: {  	s16 =	sshll.u32 s0, $0xA;
	s2 =	sadd.s32 s3, s2  }
0x8d: {  	s2 =	sadd.s32 s2, s16  }
0x8e: {  	[smem:$0x3FC0] =	sst s2  }
0x8f: {  	_ = 	snop  }
0x90: {  	(tm) =	ssettm $0x1  }
0x91: {  	s17 =	sld [smem:$0x3FFB];
	_ =	sdelay $0x3  }
0x92: {  	_ =	strace s17  }
0x93: {  	s2 =	sld [smem:$0x3FFC];
	_ =	sdelay $0x3  }
0x94: {  	_ =	strace s2  }
0x95: {  	s2 =	sld [smem:$0x3FFD];
	_ =	sdelay $0x3  }
0x96: {  	_ =	strace s2  }
0x97: {  	_ =	strace $0x8FFFFFFF  }
0x98: {  	s18 =	sld [smem:$0x3FDB];
	_ =	sdelay $0x1  }
0x99: {  	s19 =	simm.s32 $_scs_section_size  }
0x9a: {  	s4 =	simm.s32 $_size__tile_overlayer_lowered;
	s5 =	simm.s32 $_tile_overlayer_lowered  }
0x9b: {  	s22 =	simm.s32 $0x1BFF;
	s21 =	sshll.u32 s5, $0x1;
	s2 =	sadd.s32 s19, s18  }
0x9c: {  	s6 =	simm.s32 $0x0;
	s20 =	sshll.u32 s4, $0x1;
	s4 =	sadd.s32 s21, s2  }
0x9d: {  	[timem:s6], [sflag:s22] =	dma.local [hbm:s4], s20  }
0x9e: {  	_ =	swait.ge [sflag:s22], s20  }
0x9f: {  	s3 =	ssub.s32 $0x0, s20;
	[sflag:s22] =	ssyncset.done $0x0  }
0xa0: {  	[sflag:s22] =	ssyncadd.s32 s3;
	_ =	sdelay $0x1  }
0xa1: {  	s23 =	simm.s32 $0x1B8B  }
0xa2: {  	_ =	swait.ge [sflag:s23], $0x1  }
0xa3: {  	[sflag:s23] =	ssyncset.done $0x0  }
0xa4: {  	s25 =	simm.s32 $0x1B8E;
	s24 =	sld [smem:$0x3FFE];
	[sflag:s23] =	ssyncadd.s32 $0xFFFFFFFF  }
0xa5: {  	s26 =	simm.s32 $execute0_lowered;
	[smem:$0x3FD2] =	sst s25  }
0xa6: {  	s4 =	sshll.u32 s26, $0x1;
	_ =	strace $0x80000046;
	[dreg:$0x1] =	wrdreg $0xFFFFFFFF  }
0xa7: {  	s28 =	simm.s32 $_size_execute0_lowered;
	s2 =	sadd.s32 s2, s4;
	[dreg:$0x0] =	wrdreg $0x0  }
0xa8: {  	s4 =	sshll.u32 s28, $0x1;
	[dreg:$0x2] =	wrdreg s2  }
0xa9: {  	[dreg:$0x3] =	wrdreg s4  }
0xaa: {  	[dreg:$0x4] =	wrdreg $0xC0  }
0xab: {  	_ =	task [dreg:s6], $0x5FFFF  }
0xac: {  	[dreg:$0x1] =	wrdreg $0xFFFFFFFF  }
0xad: {  	[dreg:$0x0] =	wrdreg $0x60  }
0xae: {  	[dreg:$0x2] =	wrdreg s24  }
0xaf: {  	[dreg:$0x3] =	wrdreg $0x9  }
0xb0: {  	_ =	task.clear_ibuf [dreg:s6], $0x4FFFF;
	_ =	strace $0x90000046  }
0xb1: {  	s29 =	simm.s32 $0x9;
	_ =	strace $0x80000048  }
0xb2: {  	_ =	swait.ge [sflag:s29], $0x1  }
0xb3: {  	[sflag:s29] =	ssyncadd.s32 $0xFFFFFFFF  }
0xb4: {  	_ =	strace $0x90000048  }
0xb5: {  	_ =	sfence  }
0xb6: {  	s30 =	sld [smem:$0x0];
	_ =	sdelay $0x2  }
0xb7: {  	s31 =	sshll.u32 s1, $0xD;
	s1 =	sshrl.u32 s1, $0x2  }
0xb8: {  	s3 =	sand.u32 $0x4000, s31;
	s1 =	sadd.s32 s1, s30  }
0xb9: {  	s0 =	sor.u32 s3, s0;
	s1 =	sshll.u32 s1, $0x11  }
0xba: {  	s0 =	sor.u32 s1, s0  }
0xbb: {  	s0 =	sadd.s32 $0x8F2B, s0  }
0xbc: {  	[sflag:s0] =	ssyncadd.remote.s32 $0x1  }
0xbd: {  	_ =	sfence.sel $0xFFFF  }
0xbe: {  	[dreg:$0x0] =	wrdreg $0xFFFFFFFF;
	(pc) =	sbr.abs _section_cstart, $3  }
0xbf: {  	[dreg:$0x1] =	wrdreg $0xFFFFFFFF  }
0xc0: {  	_ =	task.clear_ibuf [dreg:s6], $0x2FFFF;
	_ =	strace $0x9FFFFFFF  }
0xc1: {  	(tm) =	ssettm $0x7FFFFFFF  }
tec
execute0_lowered:
.L_overlay_start_1:
0x0: {  	(tag) =	ssettag $0x1  }
0x1: {  	s1 =	srdreg.scid  }
0x2: {  	s0 =	stileid.u32;
	s3 =	rddreg [dreg:$0x0];
	s8 =	simm.s32 $0x5000  }
0x3: {  	s9 =	simm.s32 $0x1;
	s10 =	simm.s32 $0x6400;
	s11 =	simm.s32 $0x2800  }
0x4: {  	s12 =	simm.s32 $0x80;
	s13 =	simm.s32 $0x400;
	s14 =	simm.s32 $0x0  }
0x5: {  	s4 =	sand.u32 $0x1, s1;
	s2 =	sshll.u32 s0, $0x1;
	s1 =	rddreg [dreg:$0x1]  }
0x6: {  	s6 =	sshrl.u32 s0, $0x2;
	s5 =	sor.u32 s4, s2;
	s2 =	simm.s32 $0x0  }
0x7: {  	s6 =	smul.u32 $0x14000, s6;
	s4 =	ssub.s32 $0x2, s4;
	s7 =	sshll.u32 s5, $0x7  }
0x8: {  	[smem:$0x7FF] =	sst s2;
	s5 =	smul.u32 $0x280, s5;
	s7 =	sand.u32 $0x380, s7  }
0x9: {  	s31 =	sshrl.u32 s4, $0x1;
	_ =	strace $0x80000047;
	s6 =	sor.u32 s6, s7  }
0xa: {  	s5 =	sadd.s32 s5, s3;
	s7 =	ssub.s32 s4, s31;
	s6 =	sshrl.u32 s6, $0x3  }
0xb: {  	s4 =	sadd.s32 $0x3200, s5;
	s7 =	smax.u32 s7, $0x1;
	s6 =	sadd.s32 s6, s3  }
0xc: {  	v0 =	vimm.f32 $0.0e+00;
	v1 =	vimm.f32 $1.000000000e+00;
	s3 =	sadd.s32 $0x8200, s5;
	s5 =	sadd.s32 $0xD200, s6;
	s6 =	sadd.s32 $0x17200, s6  }
.LBB2_1:
0xd: {  	s15 =	simm.s32 $0x40;
	s16 =	simm.s32 $0x0  }
.LBB2_2:
0xe: {  	p0 =	sne.s32 s15, $0x9FC0;
	[tilespmem:s16+$0x0] =	vst v0;
	s17 =	smov.u32 s15;
	s15 =	sadd.s32 $0x40, s15  }
.Ltmp0:
0xf: {  	[tilespmem:s16+$0x2800] =	vst v0;
	(pc) =	sbr.rel @p0 .LBB2_2-.Ltmp0, $2  }
0x10: {  	_ =	sdelay $0x2  }
0x11: {  	s16 =	sshra.s32 s17, $0x2  }
0x12: {  	[tilespmem:s16+$0x0] =	vst v0  }
0x13: {  	[tilespmem:s16+$0x2800] =	vst v0;
	s15 =	simm.s32 $0x0  }
0x14: {  	[tilespmem:s8], [sflag:$0x1] =	stream.linear.gather [hbm4b:s3+s15], $0x1400, $0x38;
	[tilespmem:$0x7800] =	vst v63  }
0x15: {  	_ =	swait.ge [sflag:s9], $0x1400  }
0x16: {  	[sflag:s9] =	ssyncset.done $0x0  }
0x17: {  	[sflag:s9] =	ssyncadd.s32 $0xFFFFEC00  }
0x18: {  	[tilespmem:s10], [sflag:$0x1] =	stream.linear.gather [hbm4b:s4+s15], $0x1400, $0x38;
	[tilespmem:$0x7800] =	vst v63  }
0x19: {  	_ =	swait.ge [sflag:s9], $0x1400  }
0x1a: {  	[sflag:s9] =	ssyncset.done $0x0  }
0x1b: {  	[sflag:s9] =	ssyncadd.s32 $0xFFFFEC00  }
.LBB2_4:
0x1c: {  	s16 =	sshra.s32 s15, $0x2  }
0x1d: {  	v2 =	vld [tilespmem:s16+$0x5000];
	_ =	sdelay $0x7  }
0x1e: {  	[tilespmem:v2+s2+$0x0] =	vst.idx.add.f32.msk $0xffff, v1  }
0x1f: {  	v2 =	vld [tilespmem:s16+$0x6400];
	_ =	sdelay $0x7  }
0x20: {  	[tilespmem:v2+s11+$0x0] =	vst.idx.add.f32.msk $0xffff, v1  }
0x21: {  	v2 =	vld [tilespmem:s16+$0x5010];
	_ =	sdelay $0x7  }
0x22: {  	[tilespmem:v2+s2+$0x0] =	vst.idx.add.f32.msk $0xffff, v1  }
0x23: {  	v2 =	vld [tilespmem:s16+$0x6410];
	_ =	sdelay $0x7  }
0x24: {  	[tilespmem:v2+s11+$0x0] =	vst.idx.add.f32.msk $0xffff, v1  }
0x25: {  	v2 =	vld [tilespmem:s16+$0x5020];
	_ =	sdelay $0x7  }
0x26: {  	[tilespmem:v2+s2+$0x0] =	vst.idx.add.f32.msk $0xffff, v1  }
0x27: {  	v2 =	vld [tilespmem:s16+$0x6420];
	_ =	sdelay $0x7  }
0x28: {  	[tilespmem:v2+s11+$0x0] =	vst.idx.add.f32.msk $0xffff, v1  }
0x29: {  	v2 =	vld [tilespmem:s16+$0x5030];
	_ =	sdelay $0x7  }
0x2a: {  	[tilespmem:v2+s2+$0x0] =	vst.idx.add.f32.msk $0xffff, v1  }
0x2b: {  	v2 =	vld [tilespmem:s16+$0x6430];
	_ =	sdelay $0x7  }
0x2c: {  	[tilespmem:v2+s11+$0x0] =	vst.idx.add.f32.msk $0xffff, v1  }
0x2d: {  	v2 =	vld [tilespmem:s16+$0x5040];
	_ =	sdelay $0x7  }
0x2e: {  	[tilespmem:v2+s2+$0x0] =	vst.idx.add.f32.msk $0xffff, v1  }
0x2f: {  	v2 =	vld [tilespmem:s16+$0x6440];
	_ =	sdelay $0x7  }
0x30: {  	[tilespmem:v2+s11+$0x0] =	vst.idx.add.f32.msk $0xffff, v1  }
0x31: {  	v2 =	vld [tilespmem:s16+$0x5050];
	_ =	sdelay $0x7  }
0x32: {  	[tilespmem:v2+s2+$0x0] =	vst.idx.add.f32.msk $0xffff, v1  }
0x33: {  	v2 =	vld [tilespmem:s16+$0x6450];
	_ =	sdelay $0x7  }
0x34: {  	[tilespmem:v2+s11+$0x0] =	vst.idx.add.f32.msk $0xffff, v1  }
0x35: {  	v2 =	vld [tilespmem:s16+$0x5060];
	_ =	sdelay $0x7  }
0x36: {  	[tilespmem:v2+s2+$0x0] =	vst.idx.add.f32.msk $0xffff, v1  }
0x37: {  	v2 =	vld [tilespmem:s16+$0x6460];
	_ =	sdelay $0x7  }
0x38: {  	[tilespmem:v2+s11+$0x0] =	vst.idx.add.f32.msk $0xffff, v1  }
0x39: {  	v2 =	vld [tilespmem:s16+$0x5070];
	_ =	sdelay $0x7  }
0x3a: {  	[tilespmem:v2+s2+$0x0] =	vst.idx.add.f32.msk $0xffff, v1  }
0x3b: {  	v2 =	vld [tilespmem:s16+$0x6470];
	_ =	sdelay $0x2  }
0x3c: {  	p0 =	sne.s32 s15, $0x4E00  }
.Ltmp1:
0x3d: {  	_ = 	snop;
	(pc) =	sbr.rel @p0 .LBB2_4-.Ltmp1, $2  }
0x3e: {  	_ =	sdelay $0x2  }
0x3f: {  	s15 =	sadd.s32 $0x200, s15;
	[tilespmem:v2+s11+$0x0] =	vst.idx.add.f32.msk $0xffff, v1  }
0x40: {  	[hbm4b:s5+s12] =	stream.strided.scatter [tilespmem:s2], [sflag:$0x1], $0x2800, s13, s12, $0x38;
	[tilespmem:$0x7800] =	vst v63  }
0x41: {  	s14 =	sadd.s32 $0x1, s14;
	_ =	swait.ge [sflag:s9], $0x2800  }
0x42: {  	p0 =	sne.s32 s14, s7;
	[sflag:s9] =	ssyncset.done $0x0  }
.Ltmp2:
0x43: {  	[sflag:s9] =	ssyncadd.s32 $0xFFFFD800;
	(pc) =	sbr.rel @p0 .LBB2_1-.Ltmp2, $4  }
0x44: {  	[hbm4b:s6+s12] =	stream.strided.scatter [tilespmem:s11], [sflag:$0x1], $0x2800, s13, s12, $0x38;
	[tilespmem:$0x7800] =	vst v63  }
0x45: {  	_ =	swait.ge [sflag:s9], $0x2800  }
0x46: {  	[sflag:s9] =	ssyncset.done $0x0  }
0x47: {  	[sflag:s9] =	ssyncadd.s32 $0xFFFFD800  }
0x48: {  	_ =	sfence.sel $0x180000  }
0x49: {  	[bflag:$0x0] =	sbarrier.arrive $0xFFFF  }
0x4a: {  	p0 =	sne.s32 s0, $0x0;
	_ =	strace $0x90000047  }
0x4b: {  	s0 =	sadd.s32 @!p0 $0x100000, s1;
	[bflag:$0x2] =	sbarrier.arrive $0xFFFF  }
0x4c: {  	[sflag:s0] =	ssyncadd.tile.s32 @!p0 $0x1;
	_ =	shalt  }
.Lfunc_end2:
_tile_overlayer_lowered:
.L_overlay_start_2:
0x4d: {  	(tag) =	ssettag $0x2  }
0x4e: {  	s0 =	rddreg [dreg:$0x0];
	s2 =	stileid.u32  }
0x4f: {  	s1 =	rddreg [dreg:$0x1];
	p0 =	sne.s32 s2, $0x0  }
0x50: {  	s3 =	rddreg [dreg:$0x2];
	[bflag:$0x3] =	sbarrier.arrive $0xFFFF;
	s2 =	simm.s32 @!p0 $0x1C01  }
0x51: {  	[timem:s3], [sflag:s2] =	dma.local @!p0 [hbm:s0], s1  }
0x52: {  	s0 =	simm.s32 @!p0 $0x1  }
0x53: {  	_ =	swait.ge @!p0 [sflag:s0], s1  }
0x54: {  	s1 =	ssub.s32 @!p0 $0x0, s1;
	[sflag:s0] =	ssyncset.done @!p0 $0x0  }
0x55: {  	[sflag:s0] =	ssyncadd.s32 @!p0 s1  }
0x56: {  	[bflag:$0x3] =	sbarrier.arrive $0xFFFF  }
0x57: {  	_ =	shalt  }

</sc_bundles>
